<compile_context>
chip_gen: v7x
topology: tpu7x:2x2x1
jax: 0.10.2.dev20260603
libtpu: 0.0.44.dev20260713+nightly
codegen_flags: <defaults>
</compile_context>

<pallas_src>
import functools

import jax
import jax.numpy as jnp
from jax import lax
from jax.experimental import pallas as pl
from jax.experimental.pallas import tpu as pltpu
from jax.experimental.pallas import tpu_sc as plsc

N = 10000
E = 320000
IN = 128
H = 256
LH = 256
OUT = 128


def _mm_scale_body(a_ref, w_ref, dinv_ref, o_ref):
    acc = jnp.dot(a_ref[...], w_ref[...], preferred_element_type=jnp.float32)
    o_ref[...] = acc * dinv_ref[...]


def _mm_scale(a, w, dinv, blk=2000):
    n, kin = a.shape
    kout = w.shape[1]
    grid = n // blk
    return pl.pallas_call(
        _mm_scale_body,
        grid=(grid,),
        in_specs=[
            pl.BlockSpec((blk, kin), lambda i: (i, 0)),
            pl.BlockSpec((kin, kout), lambda i: (0, 0)),
            pl.BlockSpec((blk, 1), lambda i: (i, 0)),
        ],
        out_specs=pl.BlockSpec((blk, kout), lambda i: (i, 0)),
        out_shape=jax.ShapeDtypeStruct((n, kout), jnp.float32),
    )(a, w, dinv)


def _cmb_mm_body(scale_out, aggA_ref, aggB_ref, xs_ref, dinv_ref, b_ref,
                 w_ref, b2_ref, o_ref):
    h = (aggA_ref[...] + aggB_ref[...] + xs_ref[...]) * dinv_ref[...] + b_ref[...]
    h = jnp.maximum(h, 0.0)
    acc = jnp.dot(h, w_ref[...], preferred_element_type=jnp.float32)
    if scale_out:
        o_ref[...] = acc * dinv_ref[...]
    else:
        o_ref[...] = acc + b2_ref[...]


def _cmb_mm(aggA, aggB, xs, dinv, b, w, b2, scale_out, blk=1000):
    n, kin = xs.shape
    kout = w.shape[1]
    grid = n // blk
    return pl.pallas_call(
        functools.partial(_cmb_mm_body, scale_out),
        grid=(grid,),
        in_specs=[
            pl.BlockSpec((blk, kin), lambda i: (i, 0)),
            pl.BlockSpec((blk, kin), lambda i: (i, 0)),
            pl.BlockSpec((blk, kin), lambda i: (i, 0)),
            pl.BlockSpec((blk, 1), lambda i: (i, 0)),
            pl.BlockSpec((1, kin), lambda i: (0, 0)),
            pl.BlockSpec((kin, kout), lambda i: (0, 0)),
            pl.BlockSpec((1, kout), lambda i: (0, 0)),
        ],
        out_specs=pl.BlockSpec((blk, kout), lambda i: (i, 0)),
        out_shape=jax.ShapeDtypeStruct((n, kout), jnp.float32),
    )(aggA, aggB, xs, dinv, b, w, b2)


def _lstm_body(tb, xi_ref, h0_ref, c0_ref, whh_ref, bhh_ref, wfc_ref, bfc_ref,
               logp_ref, hT_ref, cT_ref, h_s, c_s, hs_s):
    @pl.when(pl.program_id(0) == 0)
    def _init():
        h_s[...] = jnp.broadcast_to(h0_ref[...], (8, LH))
        c_s[...] = jnp.broadcast_to(c0_ref[...], (8, LH))

    def step(t, carry):
        h, c = carry
        g = xi_ref[pl.ds(t, 1), :] + jnp.dot(
            h.astype(jnp.bfloat16), whh_ref[...],
            preferred_element_type=jnp.float32) + bhh_ref[...]
        i = jax.nn.sigmoid(g[:, 0:LH])
        f = jax.nn.sigmoid(g[:, LH:2 * LH])
        gg = jnp.tanh(g[:, 2 * LH:3 * LH])
        o = jax.nn.sigmoid(g[:, 3 * LH:4 * LH])
        c = f * c + i * gg
        h = o * jnp.tanh(c)
        hs_s[pl.ds(t, 1), :] = h[0:1]
        return (h, c)

    h, c = lax.fori_loop(0, tb, step, (h_s[...], c_s[...]), unroll=8)
    h_s[...] = h
    c_s[...] = c
    out = jnp.dot(hs_s[...], wfc_ref[...], preferred_element_type=jnp.float32) \
        + bfc_ref[...]
    m = jnp.max(out, axis=-1, keepdims=True)
    lse = jnp.log(jnp.sum(jnp.exp(out - m), axis=-1, keepdims=True))
    logp_ref[...] = out - m - lse
    hT_ref[...] = h[0:1]
    cT_ref[...] = c[0:1]


def _lstm_head(xi, h0, c0, whh_t, bhh, wfc, bfc, tb=400):
    n = xi.shape[0]
    grid = n // tb
    return pl.pallas_call(
        functools.partial(_lstm_body, tb),
        grid=(grid,),
        in_specs=[
            pl.BlockSpec((tb, 4 * LH), lambda i: (i, 0)),
            pl.BlockSpec((1, LH), lambda i: (0, 0)),
            pl.BlockSpec((1, LH), lambda i: (0, 0)),
            pl.BlockSpec((LH, 4 * LH), lambda i: (0, 0)),
            pl.BlockSpec((1, 4 * LH), lambda i: (0, 0)),
            pl.BlockSpec((LH, OUT), lambda i: (0, 0)),
            pl.BlockSpec((1, OUT), lambda i: (0, 0)),
        ],
        out_specs=[
            pl.BlockSpec((tb, OUT), lambda i: (i, 0)),
            pl.BlockSpec((1, LH), lambda i: (0, 0)),
            pl.BlockSpec((1, LH), lambda i: (0, 0)),
        ],
        out_shape=[
            jax.ShapeDtypeStruct((n, OUT), jnp.float32),
            jax.ShapeDtypeStruct((1, LH), jnp.float32),
            jax.ShapeDtypeStruct((1, LH), jnp.float32),
        ],
        scratch_shapes=[
            pltpu.VMEM((8, LH), jnp.float32),
            pltpu.VMEM((8, LH), jnp.float32),
            pltpu.VMEM((tb, LH), jnp.float32),
        ],
    )(xi, h0, c0, whh_t, bhh, wfc, bfc)


def _dinv_body(d_ref, o_ref):
    o_ref[...] = lax.rsqrt(d_ref[0] + d_ref[1] + 1.0)


def _dinv(degp, blk=2000):
    n = degp.shape[1]
    return pl.pallas_call(
        _dinv_body,
        grid=(n // blk,),
        in_specs=[pl.BlockSpec((2, blk, 1), lambda i: (0, i, 0))],
        out_specs=pl.BlockSpec((blk, 1), lambda i: (i, 0)),
        out_shape=jax.ShapeDtypeStruct((n, 1), jnp.float32),
    )(degp)


_NC = 2
_NS = 16
_NW = _NC * _NS
_EPW = E // _NW
_K = 125
_CH = _EPW // _K
_PW = 128
_NPH = H // _PW
_NP0 = 5120
_NP1 = 4992
_R0 = _NP0 // _NS
_R1 = _NP1 // _NS

_sc_mesh = plsc.VectorSubcoreMesh(core_axis_name="c", subcore_axis_name="s")


def _deg_sc(d0_r, d1_r, zeros_agg, ones_rows):
    @functools.partial(
        pl.kernel,
        out_type=[jax.ShapeDtypeStruct((_NW, r, _PW), jnp.float32)
                  for r in (_R0, _R1)],
        mesh=_sc_mesh,
        scratch_types=[
            pltpu.VMEM((_CH, _K), jnp.int32),
            pltpu.VMEM((_CH, _K), jnp.int32),
            pltpu.VMEM((_K, _PW), jnp.float32),
            pltpu.VMEM_SHARED((_NP0 + 8, _PW), jnp.float32),
        ],
    )
    def k(d0_hbm, d1_hbm, z_hbm, ones_hbm, out0_hbm, out1_hbm,
          didx0, didx1, ones_v, acc):
        c = lax.axis_index("c")
        s = lax.axis_index("s")
        w = c * _NS + s
        pltpu.sync_copy(d0_hbm.at[w], didx0)
        pltpu.sync_copy(d1_hbm.at[w], didx1)
        pltpu.sync_copy(ones_hbm, ones_v)
        for didx, rpt, out in ((didx0, _R0, out0_hbm), (didx1, _R1, out1_hbm)):
            pltpu.sync_copy(z_hbm.at[pl.ds(0, rpt)],
                            acc.at[pl.ds(s * rpt, rpt)])
            plsc.subcore_barrier()

            def body(j, carry):
                pltpu.sync_copy(ones_v, acc.at[didx.at[j]], add=True)
                return carry

            lax.fori_loop(0, _CH, body, 0)
            plsc.subcore_barrier()
            pltpu.sync_copy(acc.at[pl.ds(s * rpt, rpt)], out.at[w])
            plsc.subcore_barrier()

    return k(d0_r, d1_r, zeros_agg, ones_rows)


def _agg_sc(src_r, d0_r, d1_r, xs_parts, zeros_agg, which=None):
    rpts = (_R0, _R1) if which is None else ((_R0, _R1)[which],)

    @functools.partial(
        pl.kernel,
        out_type=[jax.ShapeDtypeStruct((_NW, r, _PW), jnp.float32)
                  for _ in range(_NPH) for r in rpts],
        mesh=_sc_mesh,
        scratch_types=[
            pltpu.VMEM((_CH, _K), jnp.int32),
            pltpu.VMEM((_CH, _K), jnp.int32),
            pltpu.VMEM((_CH, _K), jnp.int32),
            pltpu.VMEM((_K, _PW), jnp.float32),
            pltpu.VMEM((_K, _PW), jnp.float32),
            pltpu.VMEM_SHARED((_NP0 + 8, _PW), jnp.float32),
            pltpu.SemaphoreType.DMA,
            pltpu.SemaphoreType.DMA,
            pltpu.SemaphoreType.DMA,
            pltpu.SemaphoreType.DMA,
        ],
    )
    def k(src_hbm, d0_hbm, d1_hbm, *rest):
        tabs = rest[:_NPH]
        z_hbm = rest[_NPH]
        n_out = _NPH * len(rpts)
        outs = rest[_NPH + 1:_NPH + 1 + n_out]
        (sidx, didx0, didx1, buf_a, buf_b, acc,
         sem_a, sem_b, ssem_a, ssem_b) = rest[_NPH + 1 + n_out:]
        c = lax.axis_index("c")
        s = lax.axis_index("s")
        w = c * _NS + s
        pltpu.sync_copy(src_hbm.at[w], sidx)
        if which in (None, 0):
            pltpu.sync_copy(d0_hbm.at[w], didx0)
        if which in (None, 1):
            pltpu.sync_copy(d1_hbm.at[w], didx1)
        node_passes = ((didx0, _R0), (didx1, _R1))
        if which is not None:
            node_passes = (node_passes[which],)
        oi = 0
        for tab in tabs:
            for didx, rpt in node_passes:
                out = outs[oi]
                oi += 1
                pltpu.sync_copy(z_hbm.at[pl.ds(0, rpt)],
                                acc.at[pl.ds(s * rpt, rpt)])
                plsc.subcore_barrier()
                pltpu.async_copy(tab.at[sidx.at[0]], buf_a, sem_a)

                def body(jj, carry):
                    for b, buf, sem, ssem, obuf, osem, ossem in (
                            (0, buf_a, sem_a, ssem_a, buf_b, sem_b, ssem_b),
                            (1, buf_b, sem_b, ssem_b, buf_a, sem_a, ssem_a)):
                        j = 2 * jj + b
                        pltpu.make_async_copy(
                            tab.at[sidx.at[j]], buf, sem).wait()
                        pltpu.async_copy(buf, acc.at[didx.at[j]], ssem,
                                         add=True)

                        @pl.when(j >= 1)
                        def _wprev():
                            pltpu.make_async_copy(
                                obuf, acc.at[didx.at[j - 1]], ossem).wait()

                        @pl.when(j + 1 < _CH)
                        def _next():
                            pltpu.async_copy(
                                tab.at[sidx.at[j + 1]], obuf, osem)
                    return carry

                lax.fori_loop(0, _CH // 2, body, 0)
                pltpu.make_async_copy(buf_b, acc.at[didx.at[_CH - 1]],
                                      ssem_b).wait()
                plsc.subcore_barrier()
                pltpu.sync_copy(acc.at[pl.ds(s * rpt, rpt)], out.at[w])
                plsc.subcore_barrier()

    return k(src_r, d0_r, d1_r, *xs_parts, zeros_agg)


def _deg_partials(d0_r, d1_r, zeros_agg, ones_rows):
    o0, o1 = _deg_sc(d0_r, d1_r, zeros_agg, ones_rows)
    p0 = o0.reshape(_NC, _NP0, _PW)
    p1 = o1.reshape(_NC, _NP1, _PW)
    return jnp.concatenate([p0, p1], axis=1)[:, :N, :1]


def _clamp_body(d_ref, o0_ref, o1_ref):
    d = d_ref[...]
    o0_ref[...] = jnp.where(d < _NP0, d, _NP0)
    o1_ref[...] = jnp.where(d >= _NP0, d - _NP0, _NP1)


def _clamp_idx(dst):
    d = dst.reshape(E // 128, 128)
    o0, o1 = pl.pallas_call(
        _clamp_body,
        out_shape=[jax.ShapeDtypeStruct((E // 128, 128), jnp.int32)] * 2,
    )(d)
    return o0.reshape(_NW, _CH, _K), o1.reshape(_NW, _CH, _K)


def _agg_partials(xs, src_r, d0_r, d1_r, zeros_agg):
    parts = [xs[:, p * _PW:(p + 1) * _PW] for p in range(_NPH)]
    outs = _agg_sc(src_r, d0_r, d1_r, parts, zeros_agg)
    halves = []
    for h in range(_NPH):
        p0 = outs[2 * h].reshape(_NC, _NP0, _PW)
        p1 = outs[2 * h + 1].reshape(_NC, _NP1, _PW)
        halves.append(jnp.concatenate([p0, p1], axis=1)[:, :N])
    aggA = jnp.concatenate([hv[0] for hv in halves], axis=1)
    aggB = jnp.concatenate([hv[1] for hv in halves], axis=1)
    return aggA, aggB


def kernel(x, edge_index, h0, c0, W1, b1, W2, b2, W_ih, W_hh, b_ih, b_hh,
           W_fc, b_fc):
    src_r = edge_index[0].reshape(_NW, _CH, _K)
    ones_rows = jnp.ones((_K, _PW), jnp.float32)
    zeros_agg = jnp.zeros((_R0, _PW), jnp.float32)

    d0_r, d1_r = _clamp_idx(edge_index[1])
    degp = _deg_partials(d0_r, d1_r, zeros_agg, ones_rows)
    dinv = _dinv(degp)

    xs1 = _mm_scale(x, W1, dinv)
    a1A, a1B = _agg_partials(xs1, src_r, d0_r, d1_r, zeros_agg)
    xs2 = _cmb_mm(a1A, a1B, xs1, dinv, b1[None, :], W2, b1[None, :],
                  scale_out=True)
    parts2 = [xs2[:, p * _PW:(p + 1) * _PW] for p in range(_NPH)]
    op0 = _agg_sc(src_r, d0_r, d1_r, parts2, zeros_agg, which=0)
    op1 = _agg_sc(src_r, d0_r, d1_r, parts2, zeros_agg, which=1)
    aA0 = jnp.concatenate(
        [o.reshape(_NC, _NP0, _PW)[0] for o in op0], axis=1)
    aB0 = jnp.concatenate(
        [o.reshape(_NC, _NP0, _PW)[1] for o in op0], axis=1)
    aA1 = jnp.concatenate(
        [o.reshape(_NC, _NP1, _PW)[0][:N - _NP0] for o in op1], axis=1)
    aB1 = jnp.concatenate(
        [o.reshape(_NC, _NP1, _PW)[1][:N - _NP0] for o in op1], axis=1)

    whh_bf = W_hh.T.astype(jnp.bfloat16)
    xi_a = _cmb_mm(aA0, aB0, xs2[:_NP0], dinv[:_NP0], b2[None, :], W_ih.T,
                   b_ih[None, :], scale_out=False, blk=640)
    xi_b = _cmb_mm(aA1, aB1, xs2[_NP0:], dinv[_NP0:], b2[None, :], W_ih.T,
                   b_ih[None, :], scale_out=False, blk=976)
    logp_a, hT1, cT1 = _lstm_head(xi_a, h0[0], c0[0], whh_bf, b_hh[None, :],
                                  W_fc, b_fc[None, :], tb=320)
    logp_b, hT, cT = _lstm_head(xi_b, hT1, cT1, whh_bf, b_hh[None, :],
                                W_fc, b_fc[None, :], tb=488)
    logp = jnp.concatenate([logp_a, logp_b], axis=0)
    return logp[None, :, :], hT[None, :, :], cT[None, :, :]

# --- scband reference (transcript-rebuilt; emitter-appended) ---
"""Pipeline reference for scband-actor-network-64321430225482 (READ-ONLY COPY).

The authoritative reference and input builder live on the scoring server;
editing this copy changes nothing except your own understanding.
"""

import jax, jax.numpy as jnp
import numpy as np
from jax import lax

N = 10000
E = 320000
IN = 128
H = 256
LH = 256
OUT = 128


def setup_inputs(seed: int = 0) -> dict:
    key = jax.random.key(seed)
    ks = jax.random.split(key, 16)
    x = jax.random.normal(ks[0], (N, IN), dtype=jnp.float32)
    edge_index = jax.random.randint(ks[1], (2, E), 0, N)
    h0 = jax.random.normal(ks[2], (1, 1, LH), dtype=jnp.float32)
    c0 = jax.random.normal(ks[3], (1, 1, LH), dtype=jnp.float32)
    # GCN layer 1: in_channels -> hidden_channels
    W1 = jax.random.normal(ks[4], (IN, H), dtype=jnp.float32) / np.float32(np.sqrt(IN))
    b1 = jnp.zeros((H,), dtype=jnp.float32)
    # GCN layer 2: hidden -> hidden
    W2 = jax.random.normal(ks[5], (H, H), dtype=jnp.float32) / np.float32(np.sqrt(H))
    b2 = jnp.zeros((H,), dtype=jnp.float32)
    # LSTM (single layer, batch_first), gate order i,f,g,o like PyTorch
    W_ih = jax.random.normal(ks[6], (4 * LH, H), dtype=jnp.float32) / np.float32(np.sqrt(H))
    W_hh = jax.random.normal(ks[7], (4 * LH, LH), dtype=jnp.float32) / np.float32(np.sqrt(LH))
    b_ih = jnp.zeros((4 * LH,), dtype=jnp.float32)
    b_hh = jnp.zeros((4 * LH,), dtype=jnp.float32)
    # Final linear: lstm_hidden -> out_size
    W_fc = jax.random.normal(ks[8], (LH, OUT), dtype=jnp.float32) / np.float32(np.sqrt(LH))
    b_fc = jnp.zeros((OUT,), dtype=jnp.float32)
    return {
        "x": x, "edge_index": edge_index, "h0": h0, "c0": c0,
        "W1": W1, "b1": b1, "W2": W2, "b2": b2,
        "W_ih": W_ih, "W_hh": W_hh, "b_ih": b_ih, "b_hh": b_hh,
        "W_fc": W_fc, "b_fc": b_fc,
    }


def _gcn_conv(x, src, dst, W, b, n):
    # x @ W, then symmetric-normalized aggregation with added self-loops (PyG GCNConv)
    xw = x @ W
    loop = jnp.arange(n, dtype=src.dtype)
    s = jnp.concatenate([src, loop])
    d = jnp.concatenate([dst, loop])
    deg = jax.ops.segment_sum(jnp.ones_like(d, dtype=jnp.float32), d, num_segments=n)
    dinv = jnp.where(deg > 0, jax.lax.rsqrt(jnp.maximum(deg, 1e-12)), 0.0)
    norm = dinv[s] * dinv[d]
    out = jax.ops.segment_sum(norm[:, None] * xw[s], d, num_segments=n)
    return out + b


def _lstm(seq, h0, c0, W_ih, W_hh, b_ih, b_hh):
    # seq: [T, H_in]; single layer, batch=1 (vectors)
    xi = seq @ W_ih.T + b_ih  # [T, 4*LH]

    def step(carry, xt):
        h, c = carry
        g = xt + h @ W_hh.T + b_hh
        i, f, gg, o = jnp.split(g, 4)
        i = jax.nn.sigmoid(i)
        f = jax.nn.sigmoid(f)
        gg = jnp.tanh(gg)
        o = jax.nn.sigmoid(o)
        c = f * c + i * gg
        h = o * jnp.tanh(c)
        return (h, c), h

    (hT, cT), hs = lax.scan(step, (h0, c0), xi)
    return hs, hT, cT


def reference(x, edge_index, h0, c0, W1, b1, W2, b2, W_ih, W_hh, b_ih, b_hh, W_fc, b_fc):
    src = edge_index[0]
    dst = edge_index[1]
    h = _gcn_conv(x, src, dst, W1, b1, N)
    h = jax.nn.relu(h)
    h = _gcn_conv(h, src, dst, W2, b2, N)
    h = jax.nn.relu(h)
    # unsqueeze(0): [1, N, H]; LSTM over the node sequence, batch=1
    hs, hT, cT = _lstm(h, h0[0, 0], c0[0, 0], W_ih, W_hh, b_ih, b_hh)
    out = hs @ W_fc + b_fc  # [N, OUT]
    logp = jax.nn.log_softmax(out, axis=-1)
    return logp[None, :, :], hT[None, None, :], cT[None, None, :]

if __name__ == "__main__":
    import jax
    _d = setup_inputs()
    print(jax.jit(kernel)(*tuple(_d.values())))

</pallas_src>

<mosaic_0001>
#map = affine_map<(d0, d1) -> (0, 0, 0)>
#map1 = affine_map<(d0, d1) -> (0, 0)>
module attributes {stable_mosaic.version = 14 : i64} {
  func.func @k(%arg0: i32, %arg1: i32, %arg2: memref<32x80x125xi32, #tpu.memory_space<hbm>>, %arg3: memref<32x80x125xi32, #tpu.memory_space<hbm>>, %arg4: memref<32x80x125xi32, #tpu.memory_space<hbm>>, %arg5: memref<10000x128xf32, #tpu.memory_space<hbm>>, %arg6: memref<10000x128xf32, #tpu.memory_space<hbm>>, %arg7: memref<320x128xf32, #tpu.memory_space<hbm>>, %arg8: memref<32x320x128xf32, #tpu.memory_space<hbm>>, %arg9: memref<32x320x128xf32, #tpu.memory_space<hbm>>, %arg10: memref<80x125xi32, #tpu.memory_space<vmem>>, %arg11: memref<80x125xi32, #tpu.memory_space<vmem>>, %arg12: memref<80x125xi32, #tpu.memory_space<vmem>>, %arg13: memref<125x128xf32, #tpu.memory_space<vmem>>, %arg14: memref<125x128xf32, #tpu.memory_space<vmem>>, %arg15: memref<5128x128xf32, #tpu.memory_space<vmem_shared>>, %arg16: memref<!tpu.dma_semaphore, #tpu.memory_space<semaphore_mem>>, %arg17: memref<!tpu.dma_semaphore, #tpu.memory_space<semaphore_mem>>, %arg18: memref<!tpu.dma_semaphore, #tpu.memory_space<semaphore_mem>>, %arg19: memref<!tpu.dma_semaphore, #tpu.memory_space<semaphore_mem>>) attributes {dimension_semantics = [#tpu.dimension_semantics<core_parallel>, #tpu.dimension_semantics<subcore_parallel>], iteration_bounds = array<i64: 2, 16>, scalar_prefetch = 0 : i64, scratch_operands = 10 : i64, tpu.core_type = #tpu.core_type<sc_vector_subcore>, window_params = [{transform_indices = #map}, {transform_indices = #map}, {transform_indices = #map}, {transform_indices = #map1}, {transform_indices = #map1}, {transform_indices = #map1}, {transform_indices = #map}, {transform_indices = #map}]} {
    %mul3A = arith.constant 16 : i32
    %mul3A_0 = arith.muli %arg0, %mul3A : i32
    %add3A = arith.addi %mul3A_0, %arg1 : i32
    "tpu.region"() ({
      %run_scoped3A = tpu.sem_alloc : memref<!tpu.dma_semaphore, #tpu.memory_space<semaphore_mem>>
      %dma_start3A_51 = arith.constant 0 : i32
      %dma_start3A_52 = arith.constant 0 : i32
      %dma_start3A_53 = tpu.memref_slice %arg2[%add3A, %dma_start3A_51, %dma_start3A_52] : memref<32x80x125xi32, #tpu.memory_space<hbm>> -> memref<1x80x125xi32, #tpu.memory_space<hbm>>
      %dma_start3A_54 = tpu.memref_squeeze %dma_start3A_53 : memref<1x80x125xi32, #tpu.memory_space<hbm>> -> memref<80x125xi32, #tpu.memory_space<hbm>>
      %dma_start3A_55 = arith.constant 0 : i32
      %dma_start3A_56 = arith.constant 0 : i32
      %dma_start3A_57 = tpu.memref_slice %arg2[%add3A, %dma_start3A_55, %dma_start3A_56] : memref<32x80x125xi32, #tpu.memory_space<hbm>> -> memref<1x80x125xi32, #tpu.memory_space<hbm>>
      %dma_start3A_58 = tpu.memref_squeeze %dma_start3A_57 : memref<1x80x125xi32, #tpu.memory_space<hbm>> -> memref<80x125xi32, #tpu.memory_space<hbm>>
      tpu.enqueue_dma source(%dma_start3A_58 : memref<80x125xi32, #tpu.memory_space<hbm>>) target(%arg10 : memref<80x125xi32, #tpu.memory_space<vmem>>) target_semaphore(%run_scoped3A : memref<!tpu.dma_semaphore, #tpu.memory_space<semaphore_mem>>)
      %dma_wait3A_59 = arith.constant 0 : i32
      %dma_wait3A_60 = arith.constant 0 : i32
      %dma_wait3A_61 = tpu.memref_slice %arg2[%add3A, %dma_wait3A_59, %dma_wait3A_60] : memref<32x80x125xi32, #tpu.memory_space<hbm>> -> memref<1x80x125xi32, #tpu.memory_space<hbm>>
      %dma_wait3A_62 = tpu.memref_squeeze %dma_wait3A_61 : memref<1x80x125xi32, #tpu.memory_space<hbm>> -> memref<80x125xi32, #tpu.memory_space<hbm>>
      %dma_wait3A_63 = arith.constant 0 : i32
      %dma_wait3A_64 = arith.constant 0 : i32
      %dma_wait3A_65 = tpu.memref_slice %arg2[%add3A, %dma_wait3A_63, %dma_wait3A_64] : memref<32x80x125xi32, #tpu.memory_space<hbm>> -> memref<1x80x125xi32, #tpu.memory_space<hbm>>
      %dma_wait3A_66 = tpu.memref_squeeze %dma_wait3A_65 : memref<1x80x125xi32, #tpu.memory_space<hbm>> -> memref<80x125xi32, #tpu.memory_space<hbm>>
      tpu.wait_dma2 semaphore(%run_scoped3A : memref<!tpu.dma_semaphore, #tpu.memory_space<semaphore_mem>>) src(%dma_wait3A_66 : memref<80x125xi32, #tpu.memory_space<hbm>>) dst(%arg10 : memref<80x125xi32, #tpu.memory_space<vmem>>)
      tpu.yield
    }) : () -> ()
    "tpu.region"() ({
      %run_scoped3A = tpu.sem_alloc : memref<!tpu.dma_semaphore, #tpu.memory_space<semaphore_mem>>
      %dma_start3A_51 = arith.constant 0 : i32
      %dma_start3A_52 = arith.constant 0 : i32
      %dma_start3A_53 = tpu.memref_slice %arg3[%add3A, %dma_start3A_51, %dma_start3A_52] : memref<32x80x125xi32, #tpu.memory_space<hbm>> -> memref<1x80x125xi32, #tpu.memory_space<hbm>>
      %dma_start3A_54 = tpu.memref_squeeze %dma_start3A_53 : memref<1x80x125xi32, #tpu.memory_space<hbm>> -> memref<80x125xi32, #tpu.memory_space<hbm>>
      %dma_start3A_55 = arith.constant 0 : i32
      %dma_start3A_56 = arith.constant 0 : i32
      %dma_start3A_57 = tpu.memref_slice %arg3[%add3A, %dma_start3A_55, %dma_start3A_56] : memref<32x80x125xi32, #tpu.memory_space<hbm>> -> memref<1x80x125xi32, #tpu.memory_space<hbm>>
      %dma_start3A_58 = tpu.memref_squeeze %dma_start3A_57 : memref<1x80x125xi32, #tpu.memory_space<hbm>> -> memref<80x125xi32, #tpu.memory_space<hbm>>
      tpu.enqueue_dma source(%dma_start3A_58 : memref<80x125xi32, #tpu.memory_space<hbm>>) target(%arg11 : memref<80x125xi32, #tpu.memory_space<vmem>>) target_semaphore(%run_scoped3A : memref<!tpu.dma_semaphore, #tpu.memory_space<semaphore_mem>>)
      %dma_wait3A_59 = arith.constant 0 : i32
      %dma_wait3A_60 = arith.constant 0 : i32
      %dma_wait3A_61 = tpu.memref_slice %arg3[%add3A, %dma_wait3A_59, %dma_wait3A_60] : memref<32x80x125xi32, #tpu.memory_space<hbm>> -> memref<1x80x125xi32, #tpu.memory_space<hbm>>
      %dma_wait3A_62 = tpu.memref_squeeze %dma_wait3A_61 : memref<1x80x125xi32, #tpu.memory_space<hbm>> -> memref<80x125xi32, #tpu.memory_space<hbm>>
      %dma_wait3A_63 = arith.constant 0 : i32
      %dma_wait3A_64 = arith.constant 0 : i32
      %dma_wait3A_65 = tpu.memref_slice %arg3[%add3A, %dma_wait3A_63, %dma_wait3A_64] : memref<32x80x125xi32, #tpu.memory_space<hbm>> -> memref<1x80x125xi32, #tpu.memory_space<hbm>>
      %dma_wait3A_66 = tpu.memref_squeeze %dma_wait3A_65 : memref<1x80x125xi32, #tpu.memory_space<hbm>> -> memref<80x125xi32, #tpu.memory_space<hbm>>
      tpu.wait_dma2 semaphore(%run_scoped3A : memref<!tpu.dma_semaphore, #tpu.memory_space<semaphore_mem>>) src(%dma_wait3A_66 : memref<80x125xi32, #tpu.memory_space<hbm>>) dst(%arg11 : memref<80x125xi32, #tpu.memory_space<vmem>>)
      tpu.yield
    }) : () -> ()
    %mul3A_1 = arith.constant 320 : i32
    %mul3A_2 = arith.muli %arg1, %mul3A_1 : i32
    "tpu.region"() ({
      %run_scoped3A = tpu.sem_alloc : memref<!tpu.dma_semaphore, #tpu.memory_space<semaphore_mem>>
      %dma_start3A_51 = arith.constant 0 : i32
      %dma_start3A_52 = tpu.memref_slice %arg15[%mul3A_2, %dma_start3A_51] : memref<5128x128xf32, #tpu.memory_space<vmem_shared>> -> memref<320x128xf32, #tpu.memory_space<vmem_shared>>
      %dma_start3A_53 = arith.constant 0 : i32
      %dma_start3A_54 = arith.constant 0 : i32
      %dma_start3A_55 = tpu.memref_slice %arg7[%dma_start3A_53, %dma_start3A_54] : memref<320x128xf32, #tpu.memory_space<hbm>> -> memref<320x128xf32, #tpu.memory_space<hbm>>
      tpu.enqueue_dma source(%dma_start3A_55 : memref<320x128xf32, #tpu.memory_space<hbm>>) target(%dma_start3A_52 : memref<320x128xf32, #tpu.memory_space<vmem_shared>>) target_semaphore(%run_scoped3A : memref<!tpu.dma_semaphore, #tpu.memory_space<semaphore_mem>>)
      %dma_wait3A_56 = arith.constant 0 : i32
      %dma_wait3A_57 = tpu.memref_slice %arg15[%mul3A_2, %dma_wait3A_56] : memref<5128x128xf32, #tpu.memory_space<vmem_shared>> -> memref<320x128xf32, #tpu.memory_space<vmem_shared>>
      %dma_wait3A_58 = arith.constant 0 : i32
      %dma_wait3A_59 = arith.constant 0 : i32
      %dma_wait3A_60 = tpu.memref_slice %arg7[%dma_wait3A_58, %dma_wait3A_59] : memref<320x128xf32, #tpu.memory_space<hbm>> -> memref<320x128xf32, #tpu.memory_space<hbm>>
      tpu.wait_dma2 semaphore(%run_scoped3A : memref<!tpu.dma_semaphore, #tpu.memory_space<semaphore_mem>>) src(%dma_wait3A_60 : memref<320x128xf32, #tpu.memory_space<hbm>>) dst(%dma_wait3A_57 : memref<320x128xf32, #tpu.memory_space<vmem_shared>>)
      tpu.yield
    }) : () -> ()
    %barrier3A = arith.constant 0 : index
    tpu.barrier barrier_id(%barrier3A)
    %dma_start3A = arith.constant 0 : i32
    %dma_start3A_3 = arith.constant 0 : i32
    %dma_start3A_4 = tpu.memref_slice %arg10[%dma_start3A, %dma_start3A_3] : memref<80x125xi32, #tpu.memory_space<vmem>> -> memref<1x125xi32, #tpu.memory_space<vmem>>
    %dma_start3A_5 = tpu.memref_squeeze %dma_start3A_4 : memref<1x125xi32, #tpu.memory_space<vmem>> -> memref<125xi32, #tpu.memory_space<vmem>>
    %dma_start3A_6 = arith.constant 0 : i32
    %dma_start3A_7 = arith.constant 0 : i32
    %dma_start3A_8 = tpu.memref_slice %arg5[%dma_start3A_6, %dma_start3A_7] : memref<10000x128xf32, #tpu.memory_space<hbm>> -> memref<10000x128xf32, #tpu.memory_space<hbm>>
    tpu.enqueue_indirect_dma source(%dma_start3A_8 : memref<10000x128xf32, #tpu.memory_space<hbm>>) target(%arg13 : memref<125x128xf32, #tpu.memory_space<vmem>>) offsets(%dma_start3A_5 : memref<125xi32, #tpu.memory_space<vmem>>) semaphore(%arg16 : memref<!tpu.dma_semaphore, #tpu.memory_space<semaphore_mem>>)
    %scan3A = arith.constant 0 : i32
    %scan3A_9 = arith.constant 0 : i32
    %scan3A_10 = arith.constant 40 : i32
    %scan3A_11 = arith.addi %scan3A_9, %scan3A_10 : i32
    %scan3A_12 = arith.constant 1 : i32
    scf.for %scan3A_51 = %scan3A_9 to %scan3A_11 step %scan3A_12  : i32 {
      %mul3A_52 = arith.constant 2 : i32
      %mul3A_53 = arith.muli %mul3A_52, %scan3A_51 : i32
      %add3A_54 = arith.constant 0 : i32
      %add3A_55 = arith.addi %mul3A_53, %add3A_54 : i32
      %dma_wait3A_56 = arith.constant 0 : i32
      %dma_wait3A_57 = tpu.memref_slice %arg10[%add3A_55, %dma_wait3A_56] : memref<80x125xi32, #tpu.memory_space<vmem>> -> memref<1x125xi32, #tpu.memory_space<vmem>>
      %dma_wait3A_58 = tpu.memref_squeeze %dma_wait3A_57 : memref<1x125xi32, #tpu.memory_space<vmem>> -> memref<125xi32, #tpu.memory_space<vmem>>
      %dma_wait3A_59 = arith.constant 0 : i32
      %dma_wait3A_60 = arith.constant 0 : i32
      %dma_wait3A_61 = tpu.memref_slice %arg5[%dma_wait3A_59, %dma_wait3A_60] : memref<10000x128xf32, #tpu.memory_space<hbm>> -> memref<10000x128xf32, #tpu.memory_space<hbm>>
      tpu.wait_indirect_dma semaphore(%arg16 : memref<!tpu.dma_semaphore, #tpu.memory_space<semaphore_mem>>) src(%dma_wait3A_61 : memref<10000x128xf32, #tpu.memory_space<hbm>>) dst(%arg13 : memref<125x128xf32, #tpu.memory_space<vmem>>)
      %dma_start3A_62 = arith.constant 0 : i32
      %dma_start3A_63 = tpu.memref_slice %arg11[%add3A_55, %dma_start3A_62] : memref<80x125xi32, #tpu.memory_space<vmem>> -> memref<1x125xi32, #tpu.memory_space<vmem>>
      %dma_start3A_64 = tpu.memref_squeeze %dma_start3A_63 : memref<1x125xi32, #tpu.memory_space<vmem>> -> memref<125xi32, #tpu.memory_space<vmem>>
      %dma_start3A_65 = arith.constant 0 : i32
      %dma_start3A_66 = arith.constant 0 : i32
      %dma_start3A_67 = tpu.memref_slice %arg15[%dma_start3A_65, %dma_start3A_66] : memref<5128x128xf32, #tpu.memory_space<vmem_shared>> -> memref<5128x128xf32, #tpu.memory_space<vmem_shared>>
      tpu.enqueue_indirect_dma source(%arg13 : memref<125x128xf32, #tpu.memory_space<vmem>>) target(%dma_start3A_67 : memref<5128x128xf32, #tpu.memory_space<vmem_shared>>) offsets(%dma_start3A_64 : memref<125xi32, #tpu.memory_space<vmem>>) semaphore(%arg18 : memref<!tpu.dma_semaphore, #tpu.memory_space<semaphore_mem>>) {add = true}
      %ge3A = arith.constant 1 : i32
      %ge3A_68 = arith.cmpi sge, %add3A_55, %ge3A : i32
      %convert_element_type3A = arith.extui %ge3A_68 : i1 to i32
      %cond3A = arith.constant 0 : i32
      %cond3A_69 = arith.cmpi ne, %convert_element_type3A, %cond3A : i32
      scf.if %cond3A_69 {
        %sub3A = arith.constant 1 : i32
        %sub3A_104 = arith.subi %add3A_55, %sub3A : i32
        %dma_wait3A_105 = arith.constant 0 : i32
        %dma_wait3A_106 = tpu.memref_slice %arg11[%sub3A_104, %dma_wait3A_105] : memref<80x125xi32, #tpu.memory_space<vmem>> -> memref<1x125xi32, #tpu.memory_space<vmem>>
        %dma_wait3A_107 = tpu.memref_squeeze %dma_wait3A_106 : memref<1x125xi32, #tpu.memory_space<vmem>> -> memref<125xi32, #tpu.memory_space<vmem>>
        %dma_wait3A_108 = arith.constant 0 : i32
        %dma_wait3A_109 = arith.constant 0 : i32
        %dma_wait3A_110 = tpu.memref_slice %arg15[%dma_wait3A_108, %dma_wait3A_109] : memref<5128x128xf32, #tpu.memory_space<vmem_shared>> -> memref<5128x128xf32, #tpu.memory_space<vmem_shared>>
        tpu.wait_indirect_dma semaphore(%arg19 : memref<!tpu.dma_semaphore, #tpu.memory_space<semaphore_mem>>) src(%arg14 : memref<125x128xf32, #tpu.memory_space<vmem>>) dst(%dma_wait3A_110 : memref<5128x128xf32, #tpu.memory_space<vmem_shared>>)
      } else {
      }
      %add3A_70 = arith.constant 1 : i32
      %add3A_71 = arith.addi %add3A_55, %add3A_70 : i32
      %lt3A = arith.constant 80 : i32
      %lt3A_72 = arith.cmpi slt, %add3A_71, %lt3A : i32
      %convert_element_type3A_73 = arith.extui %lt3A_72 : i1 to i32
      %cond3A_74 = arith.constant 0 : i32
      %cond3A_75 = arith.cmpi ne, %convert_element_type3A_73, %cond3A_74 : i32
      scf.if %cond3A_75 {
        %add3A_104 = arith.constant 1 : i32
        %add3A_105 = arith.addi %add3A_55, %add3A_104 : i32
        %dma_start3A_106 = arith.constant 0 : i32
        %dma_start3A_107 = tpu.memref_slice %arg10[%add3A_105, %dma_start3A_106] : memref<80x125xi32, #tpu.memory_space<vmem>> -> memref<1x125xi32, #tpu.memory_space<vmem>>
        %dma_start3A_108 = tpu.memref_squeeze %dma_start3A_107 : memref<1x125xi32, #tpu.memory_space<vmem>> -> memref<125xi32, #tpu.memory_space<vmem>>
        %dma_start3A_109 = arith.constant 0 : i32
        %dma_start3A_110 = arith.constant 0 : i32
        %dma_start3A_111 = tpu.memref_slice %arg5[%dma_start3A_109, %dma_start3A_110] : memref<10000x128xf32, #tpu.memory_space<hbm>> -> memref<10000x128xf32, #tpu.memory_space<hbm>>
        tpu.enqueue_indirect_dma source(%dma_start3A_111 : memref<10000x128xf32, #tpu.memory_space<hbm>>) target(%arg14 : memref<125x128xf32, #tpu.memory_space<vmem>>) offsets(%dma_start3A_108 : memref<125xi32, #tpu.memory_space<vmem>>) semaphore(%arg17 : memref<!tpu.dma_semaphore, #tpu.memory_space<semaphore_mem>>)
      } else {
      }
      %mul3A_76 = arith.constant 2 : i32
      %mul3A_77 = arith.muli %mul3A_76, %scan3A_51 : i32
      %add3A_78 = arith.constant 1 : i32
      %add3A_79 = arith.addi %mul3A_77, %add3A_78 : i32
      %dma_wait3A_80 = arith.constant 0 : i32
      %dma_wait3A_81 = tpu.memref_slice %arg10[%add3A_79, %dma_wait3A_80] : memref<80x125xi32, #tpu.memory_space<vmem>> -> memref<1x125xi32, #tpu.memory_space<vmem>>
      %dma_wait3A_82 = tpu.memref_squeeze %dma_wait3A_81 : memref<1x125xi32, #tpu.memory_space<vmem>> -> memref<125xi32, #tpu.memory_space<vmem>>
      %dma_wait3A_83 = arith.constant 0 : i32
      %dma_wait3A_84 = arith.constant 0 : i32
      %dma_wait3A_85 = tpu.memref_slice %arg5[%dma_wait3A_83, %dma_wait3A_84] : memref<10000x128xf32, #tpu.memory_space<hbm>> -> memref<10000x128xf32, #tpu.memory_space<hbm>>
      tpu.wait_indirect_dma semaphore(%arg17 : memref<!tpu.dma_semaphore, #tpu.memory_space<semaphore_mem>>) src(%dma_wait3A_85 : memref<10000x128xf32, #tpu.memory_space<hbm>>) dst(%arg14 : memref<125x128xf32, #tpu.memory_space<vmem>>)
      %dma_start3A_86 = arith.constant 0 : i32
      %dma_start3A_87 = tpu.memref_slice %arg11[%add3A_79, %dma_start3A_86] : memref<80x125xi32, #tpu.memory_space<vmem>> -> memref<1x125xi32, #tpu.memory_space<vmem>>
      %dma_start3A_88 = tpu.memref_squeeze %dma_start3A_87 : memref<1x125xi32, #tpu.memory_space<vmem>> -> memref<125xi32, #tpu.memory_space<vmem>>
      %dma_start3A_89 = arith.constant 0 : i32
      %dma_start3A_90 = arith.constant 0 : i32
      %dma_start3A_91 = tpu.memref_slice %arg15[%dma_start3A_89, %dma_start3A_90] : memref<5128x128xf32, #tpu.memory_space<vmem_shared>> -> memref<5128x128xf32, #tpu.memory_space<vmem_shared>>
      tpu.enqueue_indirect_dma source(%arg14 : memref<125x128xf32, #tpu.memory_space<vmem>>) target(%dma_start3A_91 : memref<5128x128xf32, #tpu.memory_space<vmem_shared>>) offsets(%dma_start3A_88 : memref<125xi32, #tpu.memory_space<vmem>>) semaphore(%arg19 : memref<!tpu.dma_semaphore, #tpu.memory_space<semaphore_mem>>) {add = true}
      %ge3A_92 = arith.constant 1 : i32
      %ge3A_93 = arith.cmpi sge, %add3A_79, %ge3A_92 : i32
      %convert_element_type3A_94 = arith.extui %ge3A_93 : i1 to i32
      %cond3A_95 = arith.constant 0 : i32
      %cond3A_96 = arith.cmpi ne, %convert_element_type3A_94, %cond3A_95 : i32
      scf.if %cond3A_96 {
        %sub3A = arith.constant 1 : i32
        %sub3A_104 = arith.subi %add3A_79, %sub3A : i32
        %dma_wait3A_105 = arith.constant 0 : i32
        %dma_wait3A_106 = tpu.memref_slice %arg11[%sub3A_104, %dma_wait3A_105] : memref<80x125xi32, #tpu.memory_space<vmem>> -> memref<1x125xi32, #tpu.memory_space<vmem>>
        %dma_wait3A_107 = tpu.memref_squeeze %dma_wait3A_106 : memref<1x125xi32, #tpu.memory_space<vmem>> -> memref<125xi32, #tpu.memory_space<vmem>>
        %dma_wait3A_108 = arith.constant 0 : i32
        %dma_wait3A_109 = arith.constant 0 : i32
        %dma_wait3A_110 = tpu.memref_slice %arg15[%dma_wait3A_108, %dma_wait3A_109] : memref<5128x128xf32, #tpu.memory_space<vmem_shared>> -> memref<5128x128xf32, #tpu.memory_space<vmem_shared>>
        tpu.wait_indirect_dma semaphore(%arg18 : memref<!tpu.dma_semaphore, #tpu.memory_space<semaphore_mem>>) src(%arg13 : memref<125x128xf32, #tpu.memory_space<vmem>>) dst(%dma_wait3A_110 : memref<5128x128xf32, #tpu.memory_space<vmem_shared>>)
      } else {
      }
      %add3A_97 = arith.constant 1 : i32
      %add3A_98 = arith.addi %add3A_79, %add3A_97 : i32
      %lt3A_99 = arith.constant 80 : i32
      %lt3A_100 = arith.cmpi slt, %add3A_98, %lt3A_99 : i32
      %convert_element_type3A_101 = arith.extui %lt3A_100 : i1 to i32
      %cond3A_102 = arith.constant 0 : i32
      %cond3A_103 = arith.cmpi ne, %convert_element_type3A_101, %cond3A_102 : i32
      scf.if %cond3A_103 {
        %add3A_104 = arith.constant 1 : i32
        %add3A_105 = arith.addi %add3A_79, %add3A_104 : i32
        %dma_start3A_106 = arith.constant 0 : i32
        %dma_start3A_107 = tpu.memref_slice %arg10[%add3A_105, %dma_start3A_106] : memref<80x125xi32, #tpu.memory_space<vmem>> -> memref<1x125xi32, #tpu.memory_space<vmem>>
        %dma_start3A_108 = tpu.memref_squeeze %dma_start3A_107 : memref<1x125xi32, #tpu.memory_space<vmem>> -> memref<125xi32, #tpu.memory_space<vmem>>
        %dma_start3A_109 = arith.constant 0 : i32
        %dma_start3A_110 = arith.constant 0 : i32
        %dma_start3A_111 = tpu.memref_slice %arg5[%dma_start3A_109, %dma_start3A_110] : memref<10000x128xf32, #tpu.memory_space<hbm>> -> memref<10000x128xf32, #tpu.memory_space<hbm>>
        tpu.enqueue_indirect_dma source(%dma_start3A_111 : memref<10000x128xf32, #tpu.memory_space<hbm>>) target(%arg13 : memref<125x128xf32, #tpu.memory_space<vmem>>) offsets(%dma_start3A_108 : memref<125xi32, #tpu.memory_space<vmem>>) semaphore(%arg16 : memref<!tpu.dma_semaphore, #tpu.memory_space<semaphore_mem>>)
      } else {
      }
    }
    %scan3A_13 = arith.constant 40 : i32
    %dma_wait3A = arith.constant 79 : i32
    %dma_wait3A_14 = arith.constant 0 : i32
    %dma_wait3A_15 = tpu.memref_slice %arg11[%dma_wait3A, %dma_wait3A_14] : memref<80x125xi32, #tpu.memory_space<vmem>> -> memref<1x125xi32, #tpu.memory_space<vmem>>
    %dma_wait3A_16 = tpu.memref_squeeze %dma_wait3A_15 : memref<1x125xi32, #tpu.memory_space<vmem>> -> memref<125xi32, #tpu.memory_space<vmem>>
    %dma_wait3A_17 = arith.constant 0 : i32
    %dma_wait3A_18 = arith.constant 0 : i32
    %dma_wait3A_19 = tpu.memref_slice %arg15[%dma_wait3A_17, %dma_wait3A_18] : memref<5128x128xf32, #tpu.memory_space<vmem_shared>> -> memref<5128x128xf32, #tpu.memory_space<vmem_shared>>
    tpu.wait_indirect_dma semaphore(%arg19 : memref<!tpu.dma_semaphore, #tpu.memory_space<semaphore_mem>>) src(%arg14 : memref<125x128xf32, #tpu.memory_space<vmem>>) dst(%dma_wait3A_19 : memref<5128x128xf32, #tpu.memory_space<vmem_shared>>)
    %barrier3A_20 = arith.constant 0 : index
    tpu.barrier barrier_id(%barrier3A_20)
    %mul3A_21 = arith.constant 320 : i32
    %mul3A_22 = arith.muli %arg1, %mul3A_21 : i32
    "tpu.region"() ({
      %run_scoped3A = tpu.sem_alloc : memref<!tpu.dma_semaphore, #tpu.memory_space<semaphore_mem>>
      %dma_start3A_51 = arith.constant 0 : i32
      %dma_start3A_52 = arith.constant 0 : i32
      %dma_start3A_53 = tpu.memref_slice %arg8[%add3A, %dma_start3A_51, %dma_start3A_52] : memref<32x320x128xf32, #tpu.memory_space<hbm>> -> memref<1x320x128xf32, #tpu.memory_space<hbm>>
      %dma_start3A_54 = tpu.memref_squeeze %dma_start3A_53 : memref<1x320x128xf32, #tpu.memory_space<hbm>> -> memref<320x128xf32, #tpu.memory_space<hbm>>
      %dma_start3A_55 = arith.constant 0 : i32
      %dma_start3A_56 = tpu.memref_slice %arg15[%mul3A_22, %dma_start3A_55] : memref<5128x128xf32, #tpu.memory_space<vmem_shared>> -> memref<320x128xf32, #tpu.memory_space<vmem_shared>>
      tpu.enqueue_dma source(%dma_start3A_56 : memref<320x128xf32, #tpu.memory_space<vmem_shared>>) target(%dma_start3A_54 : memref<320x128xf32, #tpu.memory_space<hbm>>) target_semaphore(%run_scoped3A : memref<!tpu.dma_semaphore, #tpu.memory_space<semaphore_mem>>)
      %dma_wait3A_57 = arith.constant 0 : i32
      %dma_wait3A_58 = arith.constant 0 : i32
      %dma_wait3A_59 = tpu.memref_slice %arg8[%add3A, %dma_wait3A_57, %dma_wait3A_58] : memref<32x320x128xf32, #tpu.memory_space<hbm>> -> memref<1x320x128xf32, #tpu.memory_space<hbm>>
      %dma_wait3A_60 = tpu.memref_squeeze %dma_wait3A_59 : memref<1x320x128xf32, #tpu.memory_space<hbm>> -> memref<320x128xf32, #tpu.memory_space<hbm>>
      %dma_wait3A_61 = arith.constant 0 : i32
      %dma_wait3A_62 = tpu.memref_slice %arg15[%mul3A_22, %dma_wait3A_61] : memref<5128x128xf32, #tpu.memory_space<vmem_shared>> -> memref<320x128xf32, #tpu.memory_space<vmem_shared>>
      tpu.wait_dma2 semaphore(%run_scoped3A : memref<!tpu.dma_semaphore, #tpu.memory_space<semaphore_mem>>) src(%dma_wait3A_62 : memref<320x128xf32, #tpu.memory_space<vmem_shared>>) dst(%dma_wait3A_60 : memref<320x128xf32, #tpu.memory_space<hbm>>)
      tpu.yield
    }) : () -> ()
    %barrier3A_23 = arith.constant 0 : index
    tpu.barrier barrier_id(%barrier3A_23)
    %mul3A_24 = arith.constant 320 : i32
    %mul3A_25 = arith.muli %arg1, %mul3A_24 : i32
    "tpu.region"() ({
      %run_scoped3A = tpu.sem_alloc : memref<!tpu.dma_semaphore, #tpu.memory_space<semaphore_mem>>
      %dma_start3A_51 = arith.constant 0 : i32
      %dma_start3A_52 = tpu.memref_slice %arg15[%mul3A_25, %dma_start3A_51] : memref<5128x128xf32, #tpu.memory_space<vmem_shared>> -> memref<320x128xf32, #tpu.memory_space<vmem_shared>>
      %dma_start3A_53 = arith.constant 0 : i32
      %dma_start3A_54 = arith.constant 0 : i32
      %dma_start3A_55 = tpu.memref_slice %arg7[%dma_start3A_53, %dma_start3A_54] : memref<320x128xf32, #tpu.memory_space<hbm>> -> memref<320x128xf32, #tpu.memory_space<hbm>>
      tpu.enqueue_dma source(%dma_start3A_55 : memref<320x128xf32, #tpu.memory_space<hbm>>) target(%dma_start3A_52 : memref<320x128xf32, #tpu.memory_space<vmem_shared>>) target_semaphore(%run_scoped3A : memref<!tpu.dma_semaphore, #tpu.memory_space<semaphore_mem>>)
      %dma_wait3A_56 = arith.constant 0 : i32
      %dma_wait3A_57 = tpu.memref_slice %arg15[%mul3A_25, %dma_wait3A_56] : memref<5128x128xf32, #tpu.memory_space<vmem_shared>> -> memref<320x128xf32, #tpu.memory_space<vmem_shared>>
      %dma_wait3A_58 = arith.constant 0 : i32
      %dma_wait3A_59 = arith.constant 0 : i32
      %dma_wait3A_60 = tpu.memref_slice %arg7[%dma_wait3A_58, %dma_wait3A_59] : memref<320x128xf32, #tpu.memory_space<hbm>> -> memref<320x128xf32, #tpu.memory_space<hbm>>
      tpu.wait_dma2 semaphore(%run_scoped3A : memref<!tpu.dma_semaphore, #tpu.memory_space<semaphore_mem>>) src(%dma_wait3A_60 : memref<320x128xf32, #tpu.memory_space<hbm>>) dst(%dma_wait3A_57 : memref<320x128xf32, #tpu.memory_space<vmem_shared>>)
      tpu.yield
    }) : () -> ()
    %barrier3A_26 = arith.constant 0 : index
    tpu.barrier barrier_id(%barrier3A_26)
    %dma_start3A_27 = arith.constant 0 : i32
    %dma_start3A_28 = arith.constant 0 : i32
    %dma_start3A_29 = tpu.memref_slice %arg10[%dma_start3A_27, %dma_start3A_28] : memref<80x125xi32, #tpu.memory_space<vmem>> -> memref<1x125xi32, #tpu.memory_space<vmem>>
    %dma_start3A_30 = tpu.memref_squeeze %dma_start3A_29 : memref<1x125xi32, #tpu.memory_space<vmem>> -> memref<125xi32, #tpu.memory_space<vmem>>
    %dma_start3A_31 = arith.constant 0 : i32
    %dma_start3A_32 = arith.constant 0 : i32
    %dma_start3A_33 = tpu.memref_slice %arg6[%dma_start3A_31, %dma_start3A_32] : memref<10000x128xf32, #tpu.memory_space<hbm>> -> memref<10000x128xf32, #tpu.memory_space<hbm>>
    tpu.enqueue_indirect_dma source(%dma_start3A_33 : memref<10000x128xf32, #tpu.memory_space<hbm>>) target(%arg13 : memref<125x128xf32, #tpu.memory_space<vmem>>) offsets(%dma_start3A_30 : memref<125xi32, #tpu.memory_space<vmem>>) semaphore(%arg16 : memref<!tpu.dma_semaphore, #tpu.memory_space<semaphore_mem>>)
    %scan3A_34 = arith.constant 0 : i32
    %scan3A_35 = arith.constant 0 : i32
    %scan3A_36 = arith.constant 40 : i32
    %scan3A_37 = arith.addi %scan3A_35, %scan3A_36 : i32
    %scan3A_38 = arith.constant 1 : i32
    scf.for %scan3A_51 = %scan3A_35 to %scan3A_37 step %scan3A_38  : i32 {
      %mul3A_52 = arith.constant 2 : i32
      %mul3A_53 = arith.muli %mul3A_52, %scan3A_51 : i32
      %add3A_54 = arith.constant 0 : i32
      %add3A_55 = arith.addi %mul3A_53, %add3A_54 : i32
      %dma_wait3A_56 = arith.constant 0 : i32
      %dma_wait3A_57 = tpu.memref_slice %arg10[%add3A_55, %dma_wait3A_56] : memref<80x125xi32, #tpu.memory_space<vmem>> -> memref<1x125xi32, #tpu.memory_space<vmem>>
      %dma_wait3A_58 = tpu.memref_squeeze %dma_wait3A_57 : memref<1x125xi32, #tpu.memory_space<vmem>> -> memref<125xi32, #tpu.memory_space<vmem>>
      %dma_wait3A_59 = arith.constant 0 : i32
      %dma_wait3A_60 = arith.constant 0 : i32
      %dma_wait3A_61 = tpu.memref_slice %arg6[%dma_wait3A_59, %dma_wait3A_60] : memref<10000x128xf32, #tpu.memory_space<hbm>> -> memref<10000x128xf32, #tpu.memory_space<hbm>>
      tpu.wait_indirect_dma semaphore(%arg16 : memref<!tpu.dma_semaphore, #tpu.memory_space<semaphore_mem>>) src(%dma_wait3A_61 : memref<10000x128xf32, #tpu.memory_space<hbm>>) dst(%arg13 : memref<125x128xf32, #tpu.memory_space<vmem>>)
      %dma_start3A_62 = arith.constant 0 : i32
      %dma_start3A_63 = tpu.memref_slice %arg11[%add3A_55, %dma_start3A_62] : memref<80x125xi32, #tpu.memory_space<vmem>> -> memref<1x125xi32, #tpu.memory_space<vmem>>
      %dma_start3A_64 = tpu.memref_squeeze %dma_start3A_63 : memref<1x125xi32, #tpu.memory_space<vmem>> -> memref<125xi32, #tpu.memory_space<vmem>>
      %dma_start3A_65 = arith.constant 0 : i32
      %dma_start3A_66 = arith.constant 0 : i32
      %dma_start3A_67 = tpu.memref_slice %arg15[%dma_start3A_65, %dma_start3A_66] : memref<5128x128xf32, #tpu.memory_space<vmem_shared>> -> memref<5128x128xf32, #tpu.memory_space<vmem_shared>>
      tpu.enqueue_indirect_dma source(%arg13 : memref<125x128xf32, #tpu.memory_space<vmem>>) target(%dma_start3A_67 : memref<5128x128xf32, #tpu.memory_space<vmem_shared>>) offsets(%dma_start3A_64 : memref<125xi32, #tpu.memory_space<vmem>>) semaphore(%arg18 : memref<!tpu.dma_semaphore, #tpu.memory_space<semaphore_mem>>) {add = true}
      %ge3A = arith.constant 1 : i32
      %ge3A_68 = arith.cmpi sge, %add3A_55, %ge3A : i32
      %convert_element_type3A = arith.extui %ge3A_68 : i1 to i32
      %cond3A = arith.constant 0 : i32
      %cond3A_69 = arith.cmpi ne, %convert_element_type3A, %cond3A : i32
      scf.if %cond3A_69 {
        %sub3A = arith.constant 1 : i32
        %sub3A_104 = arith.subi %add3A_55, %sub3A : i32
        %dma_wait3A_105 = arith.constant 0 : i32
        %dma_wait3A_106 = tpu.memref_slice %arg11[%sub3A_104, %dma_wait3A_105] : memref<80x125xi32, #tpu.memory_space<vmem>> -> memref<1x125xi32, #tpu.memory_space<vmem>>
        %dma_wait3A_107 = tpu.memref_squeeze %dma_wait3A_106 : memref<1x125xi32, #tpu.memory_space<vmem>> -> memref<125xi32, #tpu.memory_space<vmem>>
        %dma_wait3A_108 = arith.constant 0 : i32
        %dma_wait3A_109 = arith.constant 0 : i32
        %dma_wait3A_110 = tpu.memref_slice %arg15[%dma_wait3A_108, %dma_wait3A_109] : memref<5128x128xf32, #tpu.memory_space<vmem_shared>> -> memref<5128x128xf32, #tpu.memory_space<vmem_shared>>
        tpu.wait_indirect_dma semaphore(%arg19 : memref<!tpu.dma_semaphore, #tpu.memory_space<semaphore_mem>>) src(%arg14 : memref<125x128xf32, #tpu.memory_space<vmem>>) dst(%dma_wait3A_110 : memref<5128x128xf32, #tpu.memory_space<vmem_shared>>)
      } else {
      }
      %add3A_70 = arith.constant 1 : i32
      %add3A_71 = arith.addi %add3A_55, %add3A_70 : i32
      %lt3A = arith.constant 80 : i32
      %lt3A_72 = arith.cmpi slt, %add3A_71, %lt3A : i32
      %convert_element_type3A_73 = arith.extui %lt3A_72 : i1 to i32
      %cond3A_74 = arith.constant 0 : i32
      %cond3A_75 = arith.cmpi ne, %convert_element_type3A_73, %cond3A_74 : i32
      scf.if %cond3A_75 {
        %add3A_104 = arith.constant 1 : i32
        %add3A_105 = arith.addi %add3A_55, %add3A_104 : i32
        %dma_start3A_106 = arith.constant 0 : i32
        %dma_start3A_107 = tpu.memref_slice %arg10[%add3A_105, %dma_start3A_106] : memref<80x125xi32, #tpu.memory_space<vmem>> -> memref<1x125xi32, #tpu.memory_space<vmem>>
        %dma_start3A_108 = tpu.memref_squeeze %dma_start3A_107 : memref<1x125xi32, #tpu.memory_space<vmem>> -> memref<125xi32, #tpu.memory_space<vmem>>
        %dma_start3A_109 = arith.constant 0 : i32
        %dma_start3A_110 = arith.constant 0 : i32
        %dma_start3A_111 = tpu.memref_slice %arg6[%dma_start3A_109, %dma_start3A_110] : memref<10000x128xf32, #tpu.memory_space<hbm>> -> memref<10000x128xf32, #tpu.memory_space<hbm>>
        tpu.enqueue_indirect_dma source(%dma_start3A_111 : memref<10000x128xf32, #tpu.memory_space<hbm>>) target(%arg14 : memref<125x128xf32, #tpu.memory_space<vmem>>) offsets(%dma_start3A_108 : memref<125xi32, #tpu.memory_space<vmem>>) semaphore(%arg17 : memref<!tpu.dma_semaphore, #tpu.memory_space<semaphore_mem>>)
      } else {
      }
      %mul3A_76 = arith.constant 2 : i32
      %mul3A_77 = arith.muli %mul3A_76, %scan3A_51 : i32
      %add3A_78 = arith.constant 1 : i32
      %add3A_79 = arith.addi %mul3A_77, %add3A_78 : i32
      %dma_wait3A_80 = arith.constant 0 : i32
      %dma_wait3A_81 = tpu.memref_slice %arg10[%add3A_79, %dma_wait3A_80] : memref<80x125xi32, #tpu.memory_space<vmem>> -> memref<1x125xi32, #tpu.memory_space<vmem>>
      %dma_wait3A_82 = tpu.memref_squeeze %dma_wait3A_81 : memref<1x125xi32, #tpu.memory_space<vmem>> -> memref<125xi32, #tpu.memory_space<vmem>>
      %dma_wait3A_83 = arith.constant 0 : i32
      %dma_wait3A_84 = arith.constant 0 : i32
      %dma_wait3A_85 = tpu.memref_slice %arg6[%dma_wait3A_83, %dma_wait3A_84] : memref<10000x128xf32, #tpu.memory_space<hbm>> -> memref<10000x128xf32, #tpu.memory_space<hbm>>
      tpu.wait_indirect_dma semaphore(%arg17 : memref<!tpu.dma_semaphore, #tpu.memory_space<semaphore_mem>>) src(%dma_wait3A_85 : memref<10000x128xf32, #tpu.memory_space<hbm>>) dst(%arg14 : memref<125x128xf32, #tpu.memory_space<vmem>>)
      %dma_start3A_86 = arith.constant 0 : i32
      %dma_start3A_87 = tpu.memref_slice %arg11[%add3A_79, %dma_start3A_86] : memref<80x125xi32, #tpu.memory_space<vmem>> -> memref<1x125xi32, #tpu.memory_space<vmem>>
      %dma_start3A_88 = tpu.memref_squeeze %dma_start3A_87 : memref<1x125xi32, #tpu.memory_space<vmem>> -> memref<125xi32, #tpu.memory_space<vmem>>
      %dma_start3A_89 = arith.constant 0 : i32
      %dma_start3A_90 = arith.constant 0 : i32
      %dma_start3A_91 = tpu.memref_slice %arg15[%dma_start3A_89, %dma_start3A_90] : memref<5128x128xf32, #tpu.memory_space<vmem_shared>> -> memref<5128x128xf32, #tpu.memory_space<vmem_shared>>
      tpu.enqueue_indirect_dma source(%arg14 : memref<125x128xf32, #tpu.memory_space<vmem>>) target(%dma_start3A_91 : memref<5128x128xf32, #tpu.memory_space<vmem_shared>>) offsets(%dma_start3A_88 : memref<125xi32, #tpu.memory_space<vmem>>) semaphore(%arg19 : memref<!tpu.dma_semaphore, #tpu.memory_space<semaphore_mem>>) {add = true}
      %ge3A_92 = arith.constant 1 : i32
      %ge3A_93 = arith.cmpi sge, %add3A_79, %ge3A_92 : i32
      %convert_element_type3A_94 = arith.extui %ge3A_93 : i1 to i32
      %cond3A_95 = arith.constant 0 : i32
      %cond3A_96 = arith.cmpi ne, %convert_element_type3A_94, %cond3A_95 : i32
      scf.if %cond3A_96 {
        %sub3A = arith.constant 1 : i32
        %sub3A_104 = arith.subi %add3A_79, %sub3A : i32
        %dma_wait3A_105 = arith.constant 0 : i32
        %dma_wait3A_106 = tpu.memref_slice %arg11[%sub3A_104, %dma_wait3A_105] : memref<80x125xi32, #tpu.memory_space<vmem>> -> memref<1x125xi32, #tpu.memory_space<vmem>>
        %dma_wait3A_107 = tpu.memref_squeeze %dma_wait3A_106 : memref<1x125xi32, #tpu.memory_space<vmem>> -> memref<125xi32, #tpu.memory_space<vmem>>
        %dma_wait3A_108 = arith.constant 0 : i32
        %dma_wait3A_109 = arith.constant 0 : i32
        %dma_wait3A_110 = tpu.memref_slice %arg15[%dma_wait3A_108, %dma_wait3A_109] : memref<5128x128xf32, #tpu.memory_space<vmem_shared>> -> memref<5128x128xf32, #tpu.memory_space<vmem_shared>>
        tpu.wait_indirect_dma semaphore(%arg18 : memref<!tpu.dma_semaphore, #tpu.memory_space<semaphore_mem>>) src(%arg13 : memref<125x128xf32, #tpu.memory_space<vmem>>) dst(%dma_wait3A_110 : memref<5128x128xf32, #tpu.memory_space<vmem_shared>>)
      } else {
      }
      %add3A_97 = arith.constant 1 : i32
      %add3A_98 = arith.addi %add3A_79, %add3A_97 : i32
      %lt3A_99 = arith.constant 80 : i32
      %lt3A_100 = arith.cmpi slt, %add3A_98, %lt3A_99 : i32
      %convert_element_type3A_101 = arith.extui %lt3A_100 : i1 to i32
      %cond3A_102 = arith.constant 0 : i32
      %cond3A_103 = arith.cmpi ne, %convert_element_type3A_101, %cond3A_102 : i32
      scf.if %cond3A_103 {
        %add3A_104 = arith.constant 1 : i32
        %add3A_105 = arith.addi %add3A_79, %add3A_104 : i32
        %dma_start3A_106 = arith.constant 0 : i32
        %dma_start3A_107 = tpu.memref_slice %arg10[%add3A_105, %dma_start3A_106] : memref<80x125xi32, #tpu.memory_space<vmem>> -> memref<1x125xi32, #tpu.memory_space<vmem>>
        %dma_start3A_108 = tpu.memref_squeeze %dma_start3A_107 : memref<1x125xi32, #tpu.memory_space<vmem>> -> memref<125xi32, #tpu.memory_space<vmem>>
        %dma_start3A_109 = arith.constant 0 : i32
        %dma_start3A_110 = arith.constant 0 : i32
        %dma_start3A_111 = tpu.memref_slice %arg6[%dma_start3A_109, %dma_start3A_110] : memref<10000x128xf32, #tpu.memory_space<hbm>> -> memref<10000x128xf32, #tpu.memory_space<hbm>>
        tpu.enqueue_indirect_dma source(%dma_start3A_111 : memref<10000x128xf32, #tpu.memory_space<hbm>>) target(%arg13 : memref<125x128xf32, #tpu.memory_space<vmem>>) offsets(%dma_start3A_108 : memref<125xi32, #tpu.memory_space<vmem>>) semaphore(%arg16 : memref<!tpu.dma_semaphore, #tpu.memory_space<semaphore_mem>>)
      } else {
      }
    }
    %scan3A_39 = arith.constant 40 : i32
    %dma_wait3A_40 = arith.constant 79 : i32
    %dma_wait3A_41 = arith.constant 0 : i32
    %dma_wait3A_42 = tpu.memref_slice %arg11[%dma_wait3A_40, %dma_wait3A_41] : memref<80x125xi32, #tpu.memory_space<vmem>> -> memref<1x125xi32, #tpu.memory_space<vmem>>
    %dma_wait3A_43 = tpu.memref_squeeze %dma_wait3A_42 : memref<1x125xi32, #tpu.memory_space<vmem>> -> memref<125xi32, #tpu.memory_space<vmem>>
    %dma_wait3A_44 = arith.constant 0 : i32
    %dma_wait3A_45 = arith.constant 0 : i32
    %dma_wait3A_46 = tpu.memref_slice %arg15[%dma_wait3A_44, %dma_wait3A_45] : memref<5128x128xf32, #tpu.memory_space<vmem_shared>> -> memref<5128x128xf32, #tpu.memory_space<vmem_shared>>
    tpu.wait_indirect_dma semaphore(%arg19 : memref<!tpu.dma_semaphore, #tpu.memory_space<semaphore_mem>>) src(%arg14 : memref<125x128xf32, #tpu.memory_space<vmem>>) dst(%dma_wait3A_46 : memref<5128x128xf32, #tpu.memory_space<vmem_shared>>)
    %barrier3A_47 = arith.constant 0 : index
    tpu.barrier barrier_id(%barrier3A_47)
    %mul3A_48 = arith.constant 320 : i32
    %mul3A_49 = arith.muli %arg1, %mul3A_48 : i32
    "tpu.region"() ({
      %run_scoped3A = tpu.sem_alloc : memref<!tpu.dma_semaphore, #tpu.memory_space<semaphore_mem>>
      %dma_start3A_51 = arith.constant 0 : i32
      %dma_start3A_52 = arith.constant 0 : i32
      %dma_start3A_53 = tpu.memref_slice %arg9[%add3A, %dma_start3A_51, %dma_start3A_52] : memref<32x320x128xf32, #tpu.memory_space<hbm>> -> memref<1x320x128xf32, #tpu.memory_space<hbm>>
      %dma_start3A_54 = tpu.memref_squeeze %dma_start3A_53 : memref<1x320x128xf32, #tpu.memory_space<hbm>> -> memref<320x128xf32, #tpu.memory_space<hbm>>
      %dma_start3A_55 = arith.constant 0 : i32
      %dma_start3A_56 = tpu.memref_slice %arg15[%mul3A_49, %dma_start3A_55] : memref<5128x128xf32, #tpu.memory_space<vmem_shared>> -> memref<320x128xf32, #tpu.memory_space<vmem_shared>>
      tpu.enqueue_dma source(%dma_start3A_56 : memref<320x128xf32, #tpu.memory_space<vmem_shared>>) target(%dma_start3A_54 : memref<320x128xf32, #tpu.memory_space<hbm>>) target_semaphore(%run_scoped3A : memref<!tpu.dma_semaphore, #tpu.memory_space<semaphore_mem>>)
      %dma_wait3A_57 = arith.constant 0 : i32
      %dma_wait3A_58 = arith.constant 0 : i32
      %dma_wait3A_59 = tpu.memref_slice %arg9[%add3A, %dma_wait3A_57, %dma_wait3A_58] : memref<32x320x128xf32, #tpu.memory_space<hbm>> -> memref<1x320x128xf32, #tpu.memory_space<hbm>>
      %dma_wait3A_60 = tpu.memref_squeeze %dma_wait3A_59 : memref<1x320x128xf32, #tpu.memory_space<hbm>> -> memref<320x128xf32, #tpu.memory_space<hbm>>
      %dma_wait3A_61 = arith.constant 0 : i32
      %dma_wait3A_62 = tpu.memref_slice %arg15[%mul3A_49, %dma_wait3A_61] : memref<5128x128xf32, #tpu.memory_space<vmem_shared>> -> memref<320x128xf32, #tpu.memory_space<vmem_shared>>
      tpu.wait_dma2 semaphore(%run_scoped3A : memref<!tpu.dma_semaphore, #tpu.memory_space<semaphore_mem>>) src(%dma_wait3A_62 : memref<320x128xf32, #tpu.memory_space<vmem_shared>>) dst(%dma_wait3A_60 : memref<320x128xf32, #tpu.memory_space<hbm>>)
      tpu.yield
    }) : () -> ()
    %barrier3A_50 = arith.constant 0 : index
    tpu.barrier barrier_id(%barrier3A_50)
    return
  }
}

#map = affine_map<(d0, d1) -> (0, 0, 0)>
#map1 = affine_map<(d0, d1) -> (0, 0)>
module attributes {stable_mosaic.version = 14 : i64} {
  func.func @k(%arg0: i32, %arg1: i32, %arg2: memref<32x80x125xi32, #tpu.memory_space<hbm>>, %arg3: memref<32x80x125xi32, #tpu.memory_space<hbm>>, %arg4: memref<32x80x125xi32, #tpu.memory_space<hbm>>, %arg5: memref<10000x128xf32, #tpu.memory_space<hbm>>, %arg6: memref<10000x128xf32, #tpu.memory_space<hbm>>, %arg7: memref<320x128xf32, #tpu.memory_space<hbm>>, %arg8: memref<32x312x128xf32, #tpu.memory_space<hbm>>, %arg9: memref<32x312x128xf32, #tpu.memory_space<hbm>>, %arg10: memref<80x125xi32, #tpu.memory_space<vmem>>, %arg11: memref<80x125xi32, #tpu.memory_space<vmem>>, %arg12: memref<80x125xi32, #tpu.memory_space<vmem>>, %arg13: memref<125x128xf32, #tpu.memory_space<vmem>>, %arg14: memref<125x128xf32, #tpu.memory_space<vmem>>, %arg15: memref<5128x128xf32, #tpu.memory_space<vmem_shared>>, %arg16: memref<!tpu.dma_semaphore, #tpu.memory_space<semaphore_mem>>, %arg17: memref<!tpu.dma_semaphore, #tpu.memory_space<semaphore_mem>>, %arg18: memref<!tpu.dma_semaphore, #tpu.memory_space<semaphore_mem>>, %arg19: memref<!tpu.dma_semaphore, #tpu.memory_space<semaphore_mem>>) attributes {dimension_semantics = [#tpu.dimension_semantics<core_parallel>, #tpu.dimension_semantics<subcore_parallel>], iteration_bounds = array<i64: 2, 16>, scalar_prefetch = 0 : i64, scratch_operands = 10 : i64, tpu.core_type = #tpu.core_type<sc_vector_subcore>, window_params = [{transform_indices = #map}, {transform_indices = #map}, {transform_indices = #map}, {transform_indices = #map1}, {transform_indices = #map1}, {transform_indices = #map1}, {transform_indices = #map}, {transform_indices = #map}]} {
    %mul3A = arith.constant 16 : i32
    %mul3A_0 = arith.muli %arg0, %mul3A : i32
    %add3A = arith.addi %mul3A_0, %arg1 : i32
    "tpu.region"() ({
      %run_scoped3A = tpu.sem_alloc : memref<!tpu.dma_semaphore, #tpu.memory_space<semaphore_mem>>
      %dma_start3A_51 = arith.constant 0 : i32
      %dma_start3A_52 = arith.constant 0 : i32
      %dma_start3A_53 = tpu.memref_slice %arg2[%add3A, %dma_start3A_51, %dma_start3A_52] : memref<32x80x125xi32, #tpu.memory_space<hbm>> -> memref<1x80x125xi32, #tpu.memory_space<hbm>>
      %dma_start3A_54 = tpu.memref_squeeze %dma_start3A_53 : memref<1x80x125xi32, #tpu.memory_space<hbm>> -> memref<80x125xi32, #tpu.memory_space<hbm>>
      %dma_start3A_55 = arith.constant 0 : i32
      %dma_start3A_56 = arith.constant 0 : i32
      %dma_start3A_57 = tpu.memref_slice %arg2[%add3A, %dma_start3A_55, %dma_start3A_56] : memref<32x80x125xi32, #tpu.memory_space<hbm>> -> memref<1x80x125xi32, #tpu.memory_space<hbm>>
      %dma_start3A_58 = tpu.memref_squeeze %dma_start3A_57 : memref<1x80x125xi32, #tpu.memory_space<hbm>> -> memref<80x125xi32, #tpu.memory_space<hbm>>
      tpu.enqueue_dma source(%dma_start3A_58 : memref<80x125xi32, #tpu.memory_space<hbm>>) target(%arg10 : memref<80x125xi32, #tpu.memory_space<vmem>>) target_semaphore(%run_scoped3A : memref<!tpu.dma_semaphore, #tpu.memory_space<semaphore_mem>>)
      %dma_wait3A_59 = arith.constant 0 : i32
      %dma_wait3A_60 = arith.constant 0 : i32
      %dma_wait3A_61 = tpu.memref_slice %arg2[%add3A, %dma_wait3A_59, %dma_wait3A_60] : memref<32x80x125xi32, #tpu.memory_space<hbm>> -> memref<1x80x125xi32, #tpu.memory_space<hbm>>
      %dma_wait3A_62 = tpu.memref_squeeze %dma_wait3A_61 : memref<1x80x125xi32, #tpu.memory_space<hbm>> -> memref<80x125xi32, #tpu.memory_space<hbm>>
      %dma_wait3A_63 = arith.constant 0 : i32
      %dma_wait3A_64 = arith.constant 0 : i32
      %dma_wait3A_65 = tpu.memref_slice %arg2[%add3A, %dma_wait3A_63, %dma_wait3A_64] : memref<32x80x125xi32, #tpu.memory_space<hbm>> -> memref<1x80x125xi32, #tpu.memory_space<hbm>>
      %dma_wait3A_66 = tpu.memref_squeeze %dma_wait3A_65 : memref<1x80x125xi32, #tpu.memory_space<hbm>> -> memref<80x125xi32, #tpu.memory_space<hbm>>
      tpu.wait_dma2 semaphore(%run_scoped3A : memref<!tpu.dma_semaphore, #tpu.memory_space<semaphore_mem>>) src(%dma_wait3A_66 : memref<80x125xi32, #tpu.memory_space<hbm>>) dst(%arg10 : memref<80x125xi32, #tpu.memory_space<vmem>>)
      tpu.yield
    }) : () -> ()
    "tpu.region"() ({
      %run_scoped3A = tpu.sem_alloc : memref<!tpu.dma_semaphore, #tpu.memory_space<semaphore_mem>>
      %dma_start3A_51 = arith.constant 0 : i32
      %dma_start3A_52 = arith.constant 0 : i32
      %dma_start3A_53 = tpu.memref_slice %arg4[%add3A, %dma_start3A_51, %dma_start3A_52] : memref<32x80x125xi32, #tpu.memory_space<hbm>> -> memref<1x80x125xi32, #tpu.memory_space<hbm>>
      %dma_start3A_54 = tpu.memref_squeeze %dma_start3A_53 : memref<1x80x125xi32, #tpu.memory_space<hbm>> -> memref<80x125xi32, #tpu.memory_space<hbm>>
      %dma_start3A_55 = arith.constant 0 : i32
      %dma_start3A_56 = arith.constant 0 : i32
      %dma_start3A_57 = tpu.memref_slice %arg4[%add3A, %dma_start3A_55, %dma_start3A_56] : memref<32x80x125xi32, #tpu.memory_space<hbm>> -> memref<1x80x125xi32, #tpu.memory_space<hbm>>
      %dma_start3A_58 = tpu.memref_squeeze %dma_start3A_57 : memref<1x80x125xi32, #tpu.memory_space<hbm>> -> memref<80x125xi32, #tpu.memory_space<hbm>>
      tpu.enqueue_dma source(%dma_start3A_58 : memref<80x125xi32, #tpu.memory_space<hbm>>) target(%arg12 : memref<80x125xi32, #tpu.memory_space<vmem>>) target_semaphore(%run_scoped3A : memref<!tpu.dma_semaphore, #tpu.memory_space<semaphore_mem>>)
      %dma_wait3A_59 = arith.constant 0 : i32
      %dma_wait3A_60 = arith.constant 0 : i32
      %dma_wait3A_61 = tpu.memref_slice %arg4[%add3A, %dma_wait3A_59, %dma_wait3A_60] : memref<32x80x125xi32, #tpu.memory_space<hbm>> -> memref<1x80x125xi32, #tpu.memory_space<hbm>>
      %dma_wait3A_62 = tpu.memref_squeeze %dma_wait3A_61 : memref<1x80x125xi32, #tpu.memory_space<hbm>> -> memref<80x125xi32, #tpu.memory_space<hbm>>
      %dma_wait3A_63 = arith.constant 0 : i32
      %dma_wait3A_64 = arith.constant 0 : i32
      %dma_wait3A_65 = tpu.memref_slice %arg4[%add3A, %dma_wait3A_63, %dma_wait3A_64] : memref<32x80x125xi32, #tpu.memory_space<hbm>> -> memref<1x80x125xi32, #tpu.memory_space<hbm>>
      %dma_wait3A_66 = tpu.memref_squeeze %dma_wait3A_65 : memref<1x80x125xi32, #tpu.memory_space<hbm>> -> memref<80x125xi32, #tpu.memory_space<hbm>>
      tpu.wait_dma2 semaphore(%run_scoped3A : memref<!tpu.dma_semaphore, #tpu.memory_space<semaphore_mem>>) src(%dma_wait3A_66 : memref<80x125xi32, #tpu.memory_space<hbm>>) dst(%arg12 : memref<80x125xi32, #tpu.memory_space<vmem>>)
      tpu.yield
    }) : () -> ()
    %mul3A_1 = arith.constant 312 : i32
    %mul3A_2 = arith.muli %arg1, %mul3A_1 : i32
    "tpu.region"() ({
      %run_scoped3A = tpu.sem_alloc : memref<!tpu.dma_semaphore, #tpu.memory_space<semaphore_mem>>
      %dma_start3A_51 = arith.constant 0 : i32
      %dma_start3A_52 = tpu.memref_slice %arg15[%mul3A_2, %dma_start3A_51] : memref<5128x128xf32, #tpu.memory_space<vmem_shared>> -> memref<312x128xf32, #tpu.memory_space<vmem_shared>>
      %dma_start3A_53 = arith.constant 0 : i32
      %dma_start3A_54 = arith.constant 0 : i32
      %dma_start3A_55 = tpu.memref_slice %arg7[%dma_start3A_53, %dma_start3A_54] : memref<320x128xf32, #tpu.memory_space<hbm>> -> memref<312x128xf32, #tpu.memory_space<hbm>>
      tpu.enqueue_dma source(%dma_start3A_55 : memref<312x128xf32, #tpu.memory_space<hbm>>) target(%dma_start3A_52 : memref<312x128xf32, #tpu.memory_space<vmem_shared>>) target_semaphore(%run_scoped3A : memref<!tpu.dma_semaphore, #tpu.memory_space<semaphore_mem>>)
      %dma_wait3A_56 = arith.constant 0 : i32
      %dma_wait3A_57 = tpu.memref_slice %arg15[%mul3A_2, %dma_wait3A_56] : memref<5128x128xf32, #tpu.memory_space<vmem_shared>> -> memref<312x128xf32, #tpu.memory_space<vmem_shared>>
      %dma_wait3A_58 = arith.constant 0 : i32
      %dma_wait3A_59 = arith.constant 0 : i32
      %dma_wait3A_60 = tpu.memref_slice %arg7[%dma_wait3A_58, %dma_wait3A_59] : memref<320x128xf32, #tpu.memory_space<hbm>> -> memref<312x128xf32, #tpu.memory_space<hbm>>
      tpu.wait_dma2 semaphore(%run_scoped3A : memref<!tpu.dma_semaphore, #tpu.memory_space<semaphore_mem>>) src(%dma_wait3A_60 : memref<312x128xf32, #tpu.memory_space<hbm>>) dst(%dma_wait3A_57 : memref<312x128xf32, #tpu.memory_space<vmem_shared>>)
      tpu.yield
    }) : () -> ()
    %barrier3A = arith.constant 0 : index
    tpu.barrier barrier_id(%barrier3A)
    %dma_start3A = arith.constant 0 : i32
    %dma_start3A_3 = arith.constant 0 : i32
    %dma_start3A_4 = tpu.memref_slice %arg10[%dma_start3A, %dma_start3A_3] : memref<80x125xi32, #tpu.memory_space<vmem>> -> memref<1x125xi32, #tpu.memory_space<vmem>>
    %dma_start3A_5 = tpu.memref_squeeze %dma_start3A_4 : memref<1x125xi32, #tpu.memory_space<vmem>> -> memref<125xi32, #tpu.memory_space<vmem>>
    %dma_start3A_6 = arith.constant 0 : i32
    %dma_start3A_7 = arith.constant 0 : i32
    %dma_start3A_8 = tpu.memref_slice %arg5[%dma_start3A_6, %dma_start3A_7] : memref<10000x128xf32, #tpu.memory_space<hbm>> -> memref<10000x128xf32, #tpu.memory_space<hbm>>
    tpu.enqueue_indirect_dma source(%dma_start3A_8 : memref<10000x128xf32, #tpu.memory_space<hbm>>) target(%arg13 : memref<125x128xf32, #tpu.memory_space<vmem>>) offsets(%dma_start3A_5 : memref<125xi32, #tpu.memory_space<vmem>>) semaphore(%arg16 : memref<!tpu.dma_semaphore, #tpu.memory_space<semaphore_mem>>)
    %scan3A = arith.constant 0 : i32
    %scan3A_9 = arith.constant 0 : i32
    %scan3A_10 = arith.constant 40 : i32
    %scan3A_11 = arith.addi %scan3A_9, %scan3A_10 : i32
    %scan3A_12 = arith.constant 1 : i32
    scf.for %scan3A_51 = %scan3A_9 to %scan3A_11 step %scan3A_12  : i32 {
      %mul3A_52 = arith.constant 2 : i32
      %mul3A_53 = arith.muli %mul3A_52, %scan3A_51 : i32
      %add3A_54 = arith.constant 0 : i32
      %add3A_55 = arith.addi %mul3A_53, %add3A_54 : i32
      %dma_wait3A_56 = arith.constant 0 : i32
      %dma_wait3A_57 = tpu.memref_slice %arg10[%add3A_55, %dma_wait3A_56] : memref<80x125xi32, #tpu.memory_space<vmem>> -> memref<1x125xi32, #tpu.memory_space<vmem>>
      %dma_wait3A_58 = tpu.memref_squeeze %dma_wait3A_57 : memref<1x125xi32, #tpu.memory_space<vmem>> -> memref<125xi32, #tpu.memory_space<vmem>>
      %dma_wait3A_59 = arith.constant 0 : i32
      %dma_wait3A_60 = arith.constant 0 : i32
      %dma_wait3A_61 = tpu.memref_slice %arg5[%dma_wait3A_59, %dma_wait3A_60] : memref<10000x128xf32, #tpu.memory_space<hbm>> -> memref<10000x128xf32, #tpu.memory_space<hbm>>
      tpu.wait_indirect_dma semaphore(%arg16 : memref<!tpu.dma_semaphore, #tpu.memory_space<semaphore_mem>>) src(%dma_wait3A_61 : memref<10000x128xf32, #tpu.memory_space<hbm>>) dst(%arg13 : memref<125x128xf32, #tpu.memory_space<vmem>>)
      %dma_start3A_62 = arith.constant 0 : i32
      %dma_start3A_63 = tpu.memref_slice %arg12[%add3A_55, %dma_start3A_62] : memref<80x125xi32, #tpu.memory_space<vmem>> -> memref<1x125xi32, #tpu.memory_space<vmem>>
      %dma_start3A_64 = tpu.memref_squeeze %dma_start3A_63 : memref<1x125xi32, #tpu.memory_space<vmem>> -> memref<125xi32, #tpu.memory_space<vmem>>
      %dma_start3A_65 = arith.constant 0 : i32
      %dma_start3A_66 = arith.constant 0 : i32
      %dma_start3A_67 = tpu.memref_slice %arg15[%dma_start3A_65, %dma_start3A_66] : memref<5128x128xf32, #tpu.memory_space<vmem_shared>> -> memref<5128x128xf32, #tpu.memory_space<vmem_shared>>
      tpu.enqueue_indirect_dma source(%arg13 : memref<125x128xf32, #tpu.memory_space<vmem>>) target(%dma_start3A_67 : memref<5128x128xf32, #tpu.memory_space<vmem_shared>>) offsets(%dma_start3A_64 : memref<125xi32, #tpu.memory_space<vmem>>) semaphore(%arg18 : memref<!tpu.dma_semaphore, #tpu.memory_space<semaphore_mem>>) {add = true}
      %ge3A = arith.constant 1 : i32
      %ge3A_68 = arith.cmpi sge, %add3A_55, %ge3A : i32
      %convert_element_type3A = arith.extui %ge3A_68 : i1 to i32
      %cond3A = arith.constant 0 : i32
      %cond3A_69 = arith.cmpi ne, %convert_element_type3A, %cond3A : i32
      scf.if %cond3A_69 {
        %sub3A = arith.constant 1 : i32
        %sub3A_104 = arith.subi %add3A_55, %sub3A : i32
        %dma_wait3A_105 = arith.constant 0 : i32
        %dma_wait3A_106 = tpu.memref_slice %arg12[%sub3A_104, %dma_wait3A_105] : memref<80x125xi32, #tpu.memory_space<vmem>> -> memref<1x125xi32, #tpu.memory_space<vmem>>
        %dma_wait3A_107 = tpu.memref_squeeze %dma_wait3A_106 : memref<1x125xi32, #tpu.memory_space<vmem>> -> memref<125xi32, #tpu.memory_space<vmem>>
        %dma_wait3A_108 = arith.constant 0 : i32
        %dma_wait3A_109 = arith.constant 0 : i32
        %dma_wait3A_110 = tpu.memref_slice %arg15[%dma_wait3A_108, %dma_wait3A_109] : memref<5128x128xf32, #tpu.memory_space<vmem_shared>> -> memref<5128x128xf32, #tpu.memory_space<vmem_shared>>
        tpu.wait_indirect_dma semaphore(%arg19 : memref<!tpu.dma_semaphore, #tpu.memory_space<semaphore_mem>>) src(%arg14 : memref<125x128xf32, #tpu.memory_space<vmem>>) dst(%dma_wait3A_110 : memref<5128x128xf32, #tpu.memory_space<vmem_shared>>)
      } else {
      }
      %add3A_70 = arith.constant 1 : i32
      %add3A_71 = arith.addi %add3A_55, %add3A_70 : i32
      %lt3A = arith.constant 80 : i32
      %lt3A_72 = arith.cmpi slt, %add3A_71, %lt3A : i32
      %convert_element_type3A_73 = arith.extui %lt3A_72 : i1 to i32
      %cond3A_74 = arith.constant 0 : i32
      %cond3A_75 = arith.cmpi ne, %convert_element_type3A_73, %cond3A_74 : i32
      scf.if %cond3A_75 {
        %add3A_104 = arith.constant 1 : i32
        %add3A_105 = arith.addi %add3A_55, %add3A_104 : i32
        %dma_start3A_106 = arith.constant 0 : i32
        %dma_start3A_107 = tpu.memref_slice %arg10[%add3A_105, %dma_start3A_106] : memref<80x125xi32, #tpu.memory_space<vmem>> -> memref<1x125xi32, #tpu.memory_space<vmem>>
        %dma_start3A_108 = tpu.memref_squeeze %dma_start3A_107 : memref<1x125xi32, #tpu.memory_space<vmem>> -> memref<125xi32, #tpu.memory_space<vmem>>
        %dma_start3A_109 = arith.constant 0 : i32
        %dma_start3A_110 = arith.constant 0 : i32
        %dma_start3A_111 = tpu.memref_slice %arg5[%dma_start3A_109, %dma_start3A_110] : memref<10000x128xf32, #tpu.memory_space<hbm>> -> memref<10000x128xf32, #tpu.memory_space<hbm>>
        tpu.enqueue_indirect_dma source(%dma_start3A_111 : memref<10000x128xf32, #tpu.memory_space<hbm>>) target(%arg14 : memref<125x128xf32, #tpu.memory_space<vmem>>) offsets(%dma_start3A_108 : memref<125xi32, #tpu.memory_space<vmem>>) semaphore(%arg17 : memref<!tpu.dma_semaphore, #tpu.memory_space<semaphore_mem>>)
      } else {
      }
      %mul3A_76 = arith.constant 2 : i32
      %mul3A_77 = arith.muli %mul3A_76, %scan3A_51 : i32
      %add3A_78 = arith.constant 1 : i32
      %add3A_79 = arith.addi %mul3A_77, %add3A_78 : i32
      %dma_wait3A_80 = arith.constant 0 : i32
      %dma_wait3A_81 = tpu.memref_slice %arg10[%add3A_79, %dma_wait3A_80] : memref<80x125xi32, #tpu.memory_space<vmem>> -> memref<1x125xi32, #tpu.memory_space<vmem>>
      %dma_wait3A_82 = tpu.memref_squeeze %dma_wait3A_81 : memref<1x125xi32, #tpu.memory_space<vmem>> -> memref<125xi32, #tpu.memory_space<vmem>>
      %dma_wait3A_83 = arith.constant 0 : i32
      %dma_wait3A_84 = arith.constant 0 : i32
      %dma_wait3A_85 = tpu.memref_slice %arg5[%dma_wait3A_83, %dma_wait3A_84] : memref<10000x128xf32, #tpu.memory_space<hbm>> -> memref<10000x128xf32, #tpu.memory_space<hbm>>
      tpu.wait_indirect_dma semaphore(%arg17 : memref<!tpu.dma_semaphore, #tpu.memory_space<semaphore_mem>>) src(%dma_wait3A_85 : memref<10000x128xf32, #tpu.memory_space<hbm>>) dst(%arg14 : memref<125x128xf32, #tpu.memory_space<vmem>>)
      %dma_start3A_86 = arith.constant 0 : i32
      %dma_start3A_87 = tpu.memref_slice %arg12[%add3A_79, %dma_start3A_86] : memref<80x125xi32, #tpu.memory_space<vmem>> -> memref<1x125xi32, #tpu.memory_space<vmem>>
      %dma_start3A_88 = tpu.memref_squeeze %dma_start3A_87 : memref<1x125xi32, #tpu.memory_space<vmem>> -> memref<125xi32, #tpu.memory_space<vmem>>
      %dma_start3A_89 = arith.constant 0 : i32
      %dma_start3A_90 = arith.constant 0 : i32
      %dma_start3A_91 = tpu.memref_slice %arg15[%dma_start3A_89, %dma_start3A_90] : memref<5128x128xf32, #tpu.memory_space<vmem_shared>> -> memref<5128x128xf32, #tpu.memory_space<vmem_shared>>
      tpu.enqueue_indirect_dma source(%arg14 : memref<125x128xf32, #tpu.memory_space<vmem>>) target(%dma_start3A_91 : memref<5128x128xf32, #tpu.memory_space<vmem_shared>>) offsets(%dma_start3A_88 : memref<125xi32, #tpu.memory_space<vmem>>) semaphore(%arg19 : memref<!tpu.dma_semaphore, #tpu.memory_space<semaphore_mem>>) {add = true}
      %ge3A_92 = arith.constant 1 : i32
      %ge3A_93 = arith.cmpi sge, %add3A_79, %ge3A_92 : i32
      %convert_element_type3A_94 = arith.extui %ge3A_93 : i1 to i32
      %cond3A_95 = arith.constant 0 : i32
      %cond3A_96 = arith.cmpi ne, %convert_element_type3A_94, %cond3A_95 : i32
      scf.if %cond3A_96 {
        %sub3A = arith.constant 1 : i32
        %sub3A_104 = arith.subi %add3A_79, %sub3A : i32
        %dma_wait3A_105 = arith.constant 0 : i32
        %dma_wait3A_106 = tpu.memref_slice %arg12[%sub3A_104, %dma_wait3A_105] : memref<80x125xi32, #tpu.memory_space<vmem>> -> memref<1x125xi32, #tpu.memory_space<vmem>>
        %dma_wait3A_107 = tpu.memref_squeeze %dma_wait3A_106 : memref<1x125xi32, #tpu.memory_space<vmem>> -> memref<125xi32, #tpu.memory_space<vmem>>
        %dma_wait3A_108 = arith.constant 0 : i32
        %dma_wait3A_109 = arith.constant 0 : i32
        %dma_wait3A_110 = tpu.memref_slice %arg15[%dma_wait3A_108, %dma_wait3A_109] : memref<5128x128xf32, #tpu.memory_space<vmem_shared>> -> memref<5128x128xf32, #tpu.memory_space<vmem_shared>>
        tpu.wait_indirect_dma semaphore(%arg18 : memref<!tpu.dma_semaphore, #tpu.memory_space<semaphore_mem>>) src(%arg13 : memref<125x128xf32, #tpu.memory_space<vmem>>) dst(%dma_wait3A_110 : memref<5128x128xf32, #tpu.memory_space<vmem_shared>>)
      } else {
      }
      %add3A_97 = arith.constant 1 : i32
      %add3A_98 = arith.addi %add3A_79, %add3A_97 : i32
      %lt3A_99 = arith.constant 80 : i32
      %lt3A_100 = arith.cmpi slt, %add3A_98, %lt3A_99 : i32
      %convert_element_type3A_101 = arith.extui %lt3A_100 : i1 to i32
      %cond3A_102 = arith.constant 0 : i32
      %cond3A_103 = arith.cmpi ne, %convert_element_type3A_101, %cond3A_102 : i32
      scf.if %cond3A_103 {
        %add3A_104 = arith.constant 1 : i32
        %add3A_105 = arith.addi %add3A_79, %add3A_104 : i32
        %dma_start3A_106 = arith.constant 0 : i32
        %dma_start3A_107 = tpu.memref_slice %arg10[%add3A_105, %dma_start3A_106] : memref<80x125xi32, #tpu.memory_space<vmem>> -> memref<1x125xi32, #tpu.memory_space<vmem>>
        %dma_start3A_108 = tpu.memref_squeeze %dma_start3A_107 : memref<1x125xi32, #tpu.memory_space<vmem>> -> memref<125xi32, #tpu.memory_space<vmem>>
        %dma_start3A_109 = arith.constant 0 : i32
        %dma_start3A_110 = arith.constant 0 : i32
        %dma_start3A_111 = tpu.memref_slice %arg5[%dma_start3A_109, %dma_start3A_110] : memref<10000x128xf32, #tpu.memory_space<hbm>> -> memref<10000x128xf32, #tpu.memory_space<hbm>>
        tpu.enqueue_indirect_dma source(%dma_start3A_111 : memref<10000x128xf32, #tpu.memory_space<hbm>>) target(%arg13 : memref<125x128xf32, #tpu.memory_space<vmem>>) offsets(%dma_start3A_108 : memref<125xi32, #tpu.memory_space<vmem>>) semaphore(%arg16 : memref<!tpu.dma_semaphore, #tpu.memory_space<semaphore_mem>>)
      } else {
      }
    }
    %scan3A_13 = arith.constant 40 : i32
    %dma_wait3A = arith.constant 79 : i32
    %dma_wait3A_14 = arith.constant 0 : i32
    %dma_wait3A_15 = tpu.memref_slice %arg12[%dma_wait3A, %dma_wait3A_14] : memref<80x125xi32, #tpu.memory_space<vmem>> -> memref<1x125xi32, #tpu.memory_space<vmem>>
    %dma_wait3A_16 = tpu.memref_squeeze %dma_wait3A_15 : memref<1x125xi32, #tpu.memory_space<vmem>> -> memref<125xi32, #tpu.memory_space<vmem>>
    %dma_wait3A_17 = arith.constant 0 : i32
    %dma_wait3A_18 = arith.constant 0 : i32
    %dma_wait3A_19 = tpu.memref_slice %arg15[%dma_wait3A_17, %dma_wait3A_18] : memref<5128x128xf32, #tpu.memory_space<vmem_shared>> -> memref<5128x128xf32, #tpu.memory_space<vmem_shared>>
    tpu.wait_indirect_dma semaphore(%arg19 : memref<!tpu.dma_semaphore, #tpu.memory_space<semaphore_mem>>) src(%arg14 : memref<125x128xf32, #tpu.memory_space<vmem>>) dst(%dma_wait3A_19 : memref<5128x128xf32, #tpu.memory_space<vmem_shared>>)
    %barrier3A_20 = arith.constant 0 : index
    tpu.barrier barrier_id(%barrier3A_20)
    %mul3A_21 = arith.constant 312 : i32
    %mul3A_22 = arith.muli %arg1, %mul3A_21 : i32
    "tpu.region"() ({
      %run_scoped3A = tpu.sem_alloc : memref<!tpu.dma_semaphore, #tpu.memory_space<semaphore_mem>>
      %dma_start3A_51 = arith.constant 0 : i32
      %dma_start3A_52 = arith.constant 0 : i32
      %dma_start3A_53 = tpu.memref_slice %arg8[%add3A, %dma_start3A_51, %dma_start3A_52] : memref<32x312x128xf32, #tpu.memory_space<hbm>> -> memref<1x312x128xf32, #tpu.memory_space<hbm>>
      %dma_start3A_54 = tpu.memref_squeeze %dma_start3A_53 : memref<1x312x128xf32, #tpu.memory_space<hbm>> -> memref<312x128xf32, #tpu.memory_space<hbm>>
      %dma_start3A_55 = arith.constant 0 : i32
      %dma_start3A_56 = tpu.memref_slice %arg15[%mul3A_22, %dma_start3A_55] : memref<5128x128xf32, #tpu.memory_space<vmem_shared>> -> memref<312x128xf32, #tpu.memory_space<vmem_shared>>
      tpu.enqueue_dma source(%dma_start3A_56 : memref<312x128xf32, #tpu.memory_space<vmem_shared>>) target(%dma_start3A_54 : memref<312x128xf32, #tpu.memory_space<hbm>>) target_semaphore(%run_scoped3A : memref<!tpu.dma_semaphore, #tpu.memory_space<semaphore_mem>>)
      %dma_wait3A_57 = arith.constant 0 : i32
      %dma_wait3A_58 = arith.constant 0 : i32
      %dma_wait3A_59 = tpu.memref_slice %arg8[%add3A, %dma_wait3A_57, %dma_wait3A_58] : memref<32x312x128xf32, #tpu.memory_space<hbm>> -> memref<1x312x128xf32, #tpu.memory_space<hbm>>
      %dma_wait3A_60 = tpu.memref_squeeze %dma_wait3A_59 : memref<1x312x128xf32, #tpu.memory_space<hbm>> -> memref<312x128xf32, #tpu.memory_space<hbm>>
      %dma_wait3A_61 = arith.constant 0 : i32
      %dma_wait3A_62 = tpu.memref_slice %arg15[%mul3A_22, %dma_wait3A_61] : memref<5128x128xf32, #tpu.memory_space<vmem_shared>> -> memref<312x128xf32, #tpu.memory_space<vmem_shared>>
      tpu.wait_dma2 semaphore(%run_scoped3A : memref<!tpu.dma_semaphore, #tpu.memory_space<semaphore_mem>>) src(%dma_wait3A_62 : memref<312x128xf32, #tpu.memory_space<vmem_shared>>) dst(%dma_wait3A_60 : memref<312x128xf32, #tpu.memory_space<hbm>>)
      tpu.yield
    }) : () -> ()
    %barrier3A_23 = arith.constant 0 : index
    tpu.barrier barrier_id(%barrier3A_23)
    %mul3A_24 = arith.constant 312 : i32
    %mul3A_25 = arith.muli %arg1, %mul3A_24 : i32
    "tpu.region"() ({
      %run_scoped3A = tpu.sem_alloc : memref<!tpu.dma_semaphore, #tpu.memory_space<semaphore_mem>>
      %dma_start3A_51 = arith.constant 0 : i32
      %dma_start3A_52 = tpu.memref_slice %arg15[%mul3A_25, %dma_start3A_51] : memref<5128x128xf32, #tpu.memory_space<vmem_shared>> -> memref<312x128xf32, #tpu.memory_space<vmem_shared>>
      %dma_start3A_53 = arith.constant 0 : i32
      %dma_start3A_54 = arith.constant 0 : i32
      %dma_start3A_55 = tpu.memref_slice %arg7[%dma_start3A_53, %dma_start3A_54] : memref<320x128xf32, #tpu.memory_space<hbm>> -> memref<312x128xf32, #tpu.memory_space<hbm>>
      tpu.enqueue_dma source(%dma_start3A_55 : memref<312x128xf32, #tpu.memory_space<hbm>>) target(%dma_start3A_52 : memref<312x128xf32, #tpu.memory_space<vmem_shared>>) target_semaphore(%run_scoped3A : memref<!tpu.dma_semaphore, #tpu.memory_space<semaphore_mem>>)
      %dma_wait3A_56 = arith.constant 0 : i32
      %dma_wait3A_57 = tpu.memref_slice %arg15[%mul3A_25, %dma_wait3A_56] : memref<5128x128xf32, #tpu.memory_space<vmem_shared>> -> memref<312x128xf32, #tpu.memory_space<vmem_shared>>
      %dma_wait3A_58 = arith.constant 0 : i32
      %dma_wait3A_59 = arith.constant 0 : i32
      %dma_wait3A_60 = tpu.memref_slice %arg7[%dma_wait3A_58, %dma_wait3A_59] : memref<320x128xf32, #tpu.memory_space<hbm>> -> memref<312x128xf32, #tpu.memory_space<hbm>>
      tpu.wait_dma2 semaphore(%run_scoped3A : memref<!tpu.dma_semaphore, #tpu.memory_space<semaphore_mem>>) src(%dma_wait3A_60 : memref<312x128xf32, #tpu.memory_space<hbm>>) dst(%dma_wait3A_57 : memref<312x128xf32, #tpu.memory_space<vmem_shared>>)
      tpu.yield
    }) : () -> ()
    %barrier3A_26 = arith.constant 0 : index
    tpu.barrier barrier_id(%barrier3A_26)
    %dma_start3A_27 = arith.constant 0 : i32
    %dma_start3A_28 = arith.constant 0 : i32
    %dma_start3A_29 = tpu.memref_slice %arg10[%dma_start3A_27, %dma_start3A_28] : memref<80x125xi32, #tpu.memory_space<vmem>> -> memref<1x125xi32, #tpu.memory_space<vmem>>
    %dma_start3A_30 = tpu.memref_squeeze %dma_start3A_29 : memref<1x125xi32, #tpu.memory_space<vmem>> -> memref<125xi32, #tpu.memory_space<vmem>>
    %dma_start3A_31 = arith.constant 0 : i32
    %dma_start3A_32 = arith.constant 0 : i32
    %dma_start3A_33 = tpu.memref_slice %arg6[%dma_start3A_31, %dma_start3A_32] : memref<10000x128xf32, #tpu.memory_space<hbm>> -> memref<10000x128xf32, #tpu.memory_space<hbm>>
    tpu.enqueue_indirect_dma source(%dma_start3A_33 : memref<10000x128xf32, #tpu.memory_space<hbm>>) target(%arg13 : memref<125x128xf32, #tpu.memory_space<vmem>>) offsets(%dma_start3A_30 : memref<125xi32, #tpu.memory_space<vmem>>) semaphore(%arg16 : memref<!tpu.dma_semaphore, #tpu.memory_space<semaphore_mem>>)
    %scan3A_34 = arith.constant 0 : i32
    %scan3A_35 = arith.constant 0 : i32
    %scan3A_36 = arith.constant 40 : i32
    %scan3A_37 = arith.addi %scan3A_35, %scan3A_36 : i32
    %scan3A_38 = arith.constant 1 : i32
    scf.for %scan3A_51 = %scan3A_35 to %scan3A_37 step %scan3A_38  : i32 {
      %mul3A_52 = arith.constant 2 : i32
      %mul3A_53 = arith.muli %mul3A_52, %scan3A_51 : i32
      %add3A_54 = arith.constant 0 : i32
      %add3A_55 = arith.addi %mul3A_53, %add3A_54 : i32
      %dma_wait3A_56 = arith.constant 0 : i32
      %dma_wait3A_57 = tpu.memref_slice %arg10[%add3A_55, %dma_wait3A_56] : memref<80x125xi32, #tpu.memory_space<vmem>> -> memref<1x125xi32, #tpu.memory_space<vmem>>
      %dma_wait3A_58 = tpu.memref_squeeze %dma_wait3A_57 : memref<1x125xi32, #tpu.memory_space<vmem>> -> memref<125xi32, #tpu.memory_space<vmem>>
      %dma_wait3A_59 = arith.constant 0 : i32
      %dma_wait3A_60 = arith.constant 0 : i32
      %dma_wait3A_61 = tpu.memref_slice %arg6[%dma_wait3A_59, %dma_wait3A_60] : memref<10000x128xf32, #tpu.memory_space<hbm>> -> memref<10000x128xf32, #tpu.memory_space<hbm>>
      tpu.wait_indirect_dma semaphore(%arg16 : memref<!tpu.dma_semaphore, #tpu.memory_space<semaphore_mem>>) src(%dma_wait3A_61 : memref<10000x128xf32, #tpu.memory_space<hbm>>) dst(%arg13 : memref<125x128xf32, #tpu.memory_space<vmem>>)
      %dma_start3A_62 = arith.constant 0 : i32
      %dma_start3A_63 = tpu.memref_slice %arg12[%add3A_55, %dma_start3A_62] : memref<80x125xi32, #tpu.memory_space<vmem>> -> memref<1x125xi32, #tpu.memory_space<vmem>>
      %dma_start3A_64 = tpu.memref_squeeze %dma_start3A_63 : memref<1x125xi32, #tpu.memory_space<vmem>> -> memref<125xi32, #tpu.memory_space<vmem>>
      %dma_start3A_65 = arith.constant 0 : i32
      %dma_start3A_66 = arith.constant 0 : i32
      %dma_start3A_67 = tpu.memref_slice %arg15[%dma_start3A_65, %dma_start3A_66] : memref<5128x128xf32, #tpu.memory_space<vmem_shared>> -> memref<5128x128xf32, #tpu.memory_space<vmem_shared>>
      tpu.enqueue_indirect_dma source(%arg13 : memref<125x128xf32, #tpu.memory_space<vmem>>) target(%dma_start3A_67 : memref<5128x128xf32, #tpu.memory_space<vmem_shared>>) offsets(%dma_start3A_64 : memref<125xi32, #tpu.memory_space<vmem>>) semaphore(%arg18 : memref<!tpu.dma_semaphore, #tpu.memory_space<semaphore_mem>>) {add = true}
      %ge3A = arith.constant 1 : i32
      %ge3A_68 = arith.cmpi sge, %add3A_55, %ge3A : i32
      %convert_element_type3A = arith.extui %ge3A_68 : i1 to i32
      %cond3A = arith.constant 0 : i32
      %cond3A_69 = arith.cmpi ne, %convert_element_type3A, %cond3A : i32
      scf.if %cond3A_69 {
        %sub3A = arith.constant 1 : i32
        %sub3A_104 = arith.subi %add3A_55, %sub3A : i32
        %dma_wait3A_105 = arith.constant 0 : i32
        %dma_wait3A_106 = tpu.memref_slice %arg12[%sub3A_104, %dma_wait3A_105] : memref<80x125xi32, #tpu.memory_space<vmem>> -> memref<1x125xi32, #tpu.memory_space<vmem>>
        %dma_wait3A_107 = tpu.memref_squeeze %dma_wait3A_106 : memref<1x125xi32, #tpu.memory_space<vmem>> -> memref<125xi32, #tpu.memory_space<vmem>>
        %dma_wait3A_108 = arith.constant 0 : i32
        %dma_wait3A_109 = arith.constant 0 : i32
        %dma_wait3A_110 = tpu.memref_slice %arg15[%dma_wait3A_108, %dma_wait3A_109] : memref<5128x128xf32, #tpu.memory_space<vmem_shared>> -> memref<5128x128xf32, #tpu.memory_space<vmem_shared>>
        tpu.wait_indirect_dma semaphore(%arg19 : memref<!tpu.dma_semaphore, #tpu.memory_space<semaphore_mem>>) src(%arg14 : memref<125x128xf32, #tpu.memory_space<vmem>>) dst(%dma_wait3A_110 : memref<5128x128xf32, #tpu.memory_space<vmem_shared>>)
      } else {
      }
      %add3A_70 = arith.constant 1 : i32
      %add3A_71 = arith.addi %add3A_55, %add3A_70 : i32
      %lt3A = arith.constant 80 : i32
      %lt3A_72 = arith.cmpi slt, %add3A_71, %lt3A : i32
      %convert_element_type3A_73 = arith.extui %lt3A_72 : i1 to i32
      %cond3A_74 = arith.constant 0 : i32
      %cond3A_75 = arith.cmpi ne, %convert_element_type3A_73, %cond3A_74 : i32
      scf.if %cond3A_75 {
        %add3A_104 = arith.constant 1 : i32
        %add3A_105 = arith.addi %add3A_55, %add3A_104 : i32
        %dma_start3A_106 = arith.constant 0 : i32
        %dma_start3A_107 = tpu.memref_slice %arg10[%add3A_105, %dma_start3A_106] : memref<80x125xi32, #tpu.memory_space<vmem>> -> memref<1x125xi32, #tpu.memory_space<vmem>>
        %dma_start3A_108 = tpu.memref_squeeze %dma_start3A_107 : memref<1x125xi32, #tpu.memory_space<vmem>> -> memref<125xi32, #tpu.memory_space<vmem>>
        %dma_start3A_109 = arith.constant 0 : i32
        %dma_start3A_110 = arith.constant 0 : i32
        %dma_start3A_111 = tpu.memref_slice %arg6[%dma_start3A_109, %dma_start3A_110] : memref<10000x128xf32, #tpu.memory_space<hbm>> -> memref<10000x128xf32, #tpu.memory_space<hbm>>
        tpu.enqueue_indirect_dma source(%dma_start3A_111 : memref<10000x128xf32, #tpu.memory_space<hbm>>) target(%arg14 : memref<125x128xf32, #tpu.memory_space<vmem>>) offsets(%dma_start3A_108 : memref<125xi32, #tpu.memory_space<vmem>>) semaphore(%arg17 : memref<!tpu.dma_semaphore, #tpu.memory_space<semaphore_mem>>)
      } else {
      }
      %mul3A_76 = arith.constant 2 : i32
      %mul3A_77 = arith.muli %mul3A_76, %scan3A_51 : i32
      %add3A_78 = arith.constant 1 : i32
      %add3A_79 = arith.addi %mul3A_77, %add3A_78 : i32
      %dma_wait3A_80 = arith.constant 0 : i32
      %dma_wait3A_81 = tpu.memref_slice %arg10[%add3A_79, %dma_wait3A_80] : memref<80x125xi32, #tpu.memory_space<vmem>> -> memref<1x125xi32, #tpu.memory_space<vmem>>
      %dma_wait3A_82 = tpu.memref_squeeze %dma_wait3A_81 : memref<1x125xi32, #tpu.memory_space<vmem>> -> memref<125xi32, #tpu.memory_space<vmem>>
      %dma_wait3A_83 = arith.constant 0 : i32
      %dma_wait3A_84 = arith.constant 0 : i32
      %dma_wait3A_85 = tpu.memref_slice %arg6[%dma_wait3A_83, %dma_wait3A_84] : memref<10000x128xf32, #tpu.memory_space<hbm>> -> memref<10000x128xf32, #tpu.memory_space<hbm>>
      tpu.wait_indirect_dma semaphore(%arg17 : memref<!tpu.dma_semaphore, #tpu.memory_space<semaphore_mem>>) src(%dma_wait3A_85 : memref<10000x128xf32, #tpu.memory_space<hbm>>) dst(%arg14 : memref<125x128xf32, #tpu.memory_space<vmem>>)
      %dma_start3A_86 = arith.constant 0 : i32
      %dma_start3A_87 = tpu.memref_slice %arg12[%add3A_79, %dma_start3A_86] : memref<80x125xi32, #tpu.memory_space<vmem>> -> memref<1x125xi32, #tpu.memory_space<vmem>>
      %dma_start3A_88 = tpu.memref_squeeze %dma_start3A_87 : memref<1x125xi32, #tpu.memory_space<vmem>> -> memref<125xi32, #tpu.memory_space<vmem>>
      %dma_start3A_89 = arith.constant 0 : i32
      %dma_start3A_90 = arith.constant 0 : i32
      %dma_start3A_91 = tpu.memref_slice %arg15[%dma_start3A_89, %dma_start3A_90] : memref<5128x128xf32, #tpu.memory_space<vmem_shared>> -> memref<5128x128xf32, #tpu.memory_space<vmem_shared>>
      tpu.enqueue_indirect_dma source(%arg14 : memref<125x128xf32, #tpu.memory_space<vmem>>) target(%dma_start3A_91 : memref<5128x128xf32, #tpu.memory_space<vmem_shared>>) offsets(%dma_start3A_88 : memref<125xi32, #tpu.memory_space<vmem>>) semaphore(%arg19 : memref<!tpu.dma_semaphore, #tpu.memory_space<semaphore_mem>>) {add = true}
      %ge3A_92 = arith.constant 1 : i32
      %ge3A_93 = arith.cmpi sge, %add3A_79, %ge3A_92 : i32
      %convert_element_type3A_94 = arith.extui %ge3A_93 : i1 to i32
      %cond3A_95 = arith.constant 0 : i32
      %cond3A_96 = arith.cmpi ne, %convert_element_type3A_94, %cond3A_95 : i32
      scf.if %cond3A_96 {
        %sub3A = arith.constant 1 : i32
        %sub3A_104 = arith.subi %add3A_79, %sub3A : i32
        %dma_wait3A_105 = arith.constant 0 : i32
        %dma_wait3A_106 = tpu.memref_slice %arg12[%sub3A_104, %dma_wait3A_105] : memref<80x125xi32, #tpu.memory_space<vmem>> -> memref<1x125xi32, #tpu.memory_space<vmem>>
        %dma_wait3A_107 = tpu.memref_squeeze %dma_wait3A_106 : memref<1x125xi32, #tpu.memory_space<vmem>> -> memref<125xi32, #tpu.memory_space<vmem>>
        %dma_wait3A_108 = arith.constant 0 : i32
        %dma_wait3A_109 = arith.constant 0 : i32
        %dma_wait3A_110 = tpu.memref_slice %arg15[%dma_wait3A_108, %dma_wait3A_109] : memref<5128x128xf32, #tpu.memory_space<vmem_shared>> -> memref<5128x128xf32, #tpu.memory_space<vmem_shared>>
        tpu.wait_indirect_dma semaphore(%arg18 : memref<!tpu.dma_semaphore, #tpu.memory_space<semaphore_mem>>) src(%arg13 : memref<125x128xf32, #tpu.memory_space<vmem>>) dst(%dma_wait3A_110 : memref<5128x128xf32, #tpu.memory_space<vmem_shared>>)
      } else {
      }
      %add3A_97 = arith.constant 1 : i32
      %add3A_98 = arith.addi %add3A_79, %add3A_97 : i32
      %lt3A_99 = arith.constant 80 : i32
      %lt3A_100 = arith.cmpi slt, %add3A_98, %lt3A_99 : i32
      %convert_element_type3A_101 = arith.extui %lt3A_100 : i1 to i32
      %cond3A_102 = arith.constant 0 : i32
      %cond3A_103 = arith.cmpi ne, %convert_element_type3A_101, %cond3A_102 : i32
      scf.if %cond3A_103 {
        %add3A_104 = arith.constant 1 : i32
        %add3A_105 = arith.addi %add3A_79, %add3A_104 : i32
        %dma_start3A_106 = arith.constant 0 : i32
        %dma_start3A_107 = tpu.memref_slice %arg10[%add3A_105, %dma_start3A_106] : memref<80x125xi32, #tpu.memory_space<vmem>> -> memref<1x125xi32, #tpu.memory_space<vmem>>
        %dma_start3A_108 = tpu.memref_squeeze %dma_start3A_107 : memref<1x125xi32, #tpu.memory_space<vmem>> -> memref<125xi32, #tpu.memory_space<vmem>>
        %dma_start3A_109 = arith.constant 0 : i32
        %dma_start3A_110 = arith.constant 0 : i32
        %dma_start3A_111 = tpu.memref_slice %arg6[%dma_start3A_109, %dma_start3A_110] : memref<10000x128xf32, #tpu.memory_space<hbm>> -> memref<10000x128xf32, #tpu.memory_space<hbm>>
        tpu.enqueue_indirect_dma source(%dma_start3A_111 : memref<10000x128xf32, #tpu.memory_space<hbm>>) target(%arg13 : memref<125x128xf32, #tpu.memory_space<vmem>>) offsets(%dma_start3A_108 : memref<125xi32, #tpu.memory_space<vmem>>) semaphore(%arg16 : memref<!tpu.dma_semaphore, #tpu.memory_space<semaphore_mem>>)
      } else {
      }
    }
    %scan3A_39 = arith.constant 40 : i32
    %dma_wait3A_40 = arith.constant 79 : i32
    %dma_wait3A_41 = arith.constant 0 : i32
    %dma_wait3A_42 = tpu.memref_slice %arg12[%dma_wait3A_40, %dma_wait3A_41] : memref<80x125xi32, #tpu.memory_space<vmem>> -> memref<1x125xi32, #tpu.memory_space<vmem>>
    %dma_wait3A_43 = tpu.memref_squeeze %dma_wait3A_42 : memref<1x125xi32, #tpu.memory_space<vmem>> -> memref<125xi32, #tpu.memory_space<vmem>>
    %dma_wait3A_44 = arith.constant 0 : i32
    %dma_wait3A_45 = arith.constant 0 : i32
    %dma_wait3A_46 = tpu.memref_slice %arg15[%dma_wait3A_44, %dma_wait3A_45] : memref<5128x128xf32, #tpu.memory_space<vmem_shared>> -> memref<5128x128xf32, #tpu.memory_space<vmem_shared>>
    tpu.wait_indirect_dma semaphore(%arg19 : memref<!tpu.dma_semaphore, #tpu.memory_space<semaphore_mem>>) src(%arg14 : memref<125x128xf32, #tpu.memory_space<vmem>>) dst(%dma_wait3A_46 : memref<5128x128xf32, #tpu.memory_space<vmem_shared>>)
    %barrier3A_47 = arith.constant 0 : index
    tpu.barrier barrier_id(%barrier3A_47)
    %mul3A_48 = arith.constant 312 : i32
    %mul3A_49 = arith.muli %arg1, %mul3A_48 : i32
    "tpu.region"() ({
      %run_scoped3A = tpu.sem_alloc : memref<!tpu.dma_semaphore, #tpu.memory_space<semaphore_mem>>
      %dma_start3A_51 = arith.constant 0 : i32
      %dma_start3A_52 = arith.constant 0 : i32
      %dma_start3A_53 = tpu.memref_slice %arg9[%add3A, %dma_start3A_51, %dma_start3A_52] : memref<32x312x128xf32, #tpu.memory_space<hbm>> -> memref<1x312x128xf32, #tpu.memory_space<hbm>>
      %dma_start3A_54 = tpu.memref_squeeze %dma_start3A_53 : memref<1x312x128xf32, #tpu.memory_space<hbm>> -> memref<312x128xf32, #tpu.memory_space<hbm>>
      %dma_start3A_55 = arith.constant 0 : i32
      %dma_start3A_56 = tpu.memref_slice %arg15[%mul3A_49, %dma_start3A_55] : memref<5128x128xf32, #tpu.memory_space<vmem_shared>> -> memref<312x128xf32, #tpu.memory_space<vmem_shared>>
      tpu.enqueue_dma source(%dma_start3A_56 : memref<312x128xf32, #tpu.memory_space<vmem_shared>>) target(%dma_start3A_54 : memref<312x128xf32, #tpu.memory_space<hbm>>) target_semaphore(%run_scoped3A : memref<!tpu.dma_semaphore, #tpu.memory_space<semaphore_mem>>)
      %dma_wait3A_57 = arith.constant 0 : i32
      %dma_wait3A_58 = arith.constant 0 : i32
      %dma_wait3A_59 = tpu.memref_slice %arg9[%add3A, %dma_wait3A_57, %dma_wait3A_58] : memref<32x312x128xf32, #tpu.memory_space<hbm>> -> memref<1x312x128xf32, #tpu.memory_space<hbm>>
      %dma_wait3A_60 = tpu.memref_squeeze %dma_wait3A_59 : memref<1x312x128xf32, #tpu.memory_space<hbm>> -> memref<312x128xf32, #tpu.memory_space<hbm>>
      %dma_wait3A_61 = arith.constant 0 : i32
      %dma_wait3A_62 = tpu.memref_slice %arg15[%mul3A_49, %dma_wait3A_61] : memref<5128x128xf32, #tpu.memory_space<vmem_shared>> -> memref<312x128xf32, #tpu.memory_space<vmem_shared>>
      tpu.wait_dma2 semaphore(%run_scoped3A : memref<!tpu.dma_semaphore, #tpu.memory_space<semaphore_mem>>) src(%dma_wait3A_62 : memref<312x128xf32, #tpu.memory_space<vmem_shared>>) dst(%dma_wait3A_60 : memref<312x128xf32, #tpu.memory_space<hbm>>)
      tpu.yield
    }) : () -> ()
    %barrier3A_50 = arith.constant 0 : index
    tpu.barrier barrier_id(%barrier3A_50)
    return
  }
}

#map = affine_map<(d0, d1) -> (0, 0, 0)>
#map1 = affine_map<(d0, d1) -> (0, 0)>
module attributes {stable_mosaic.version = 14 : i64} {
  func.func @k(%arg0: i32, %arg1: i32, %arg2: memref<32x80x125xi32, #tpu.memory_space<hbm>>, %arg3: memref<32x80x125xi32, #tpu.memory_space<hbm>>, %arg4: memref<320x128xf32, #tpu.memory_space<hbm>>, %arg5: memref<125x128xf32, #tpu.memory_space<hbm>>, %arg6: memref<32x320x128xf32, #tpu.memory_space<hbm>>, %arg7: memref<32x312x128xf32, #tpu.memory_space<hbm>>, %arg8: memref<80x125xi32, #tpu.memory_space<vmem>>, %arg9: memref<80x125xi32, #tpu.memory_space<vmem>>, %arg10: memref<125x128xf32, #tpu.memory_space<vmem>>, %arg11: memref<5128x128xf32, #tpu.memory_space<vmem_shared>>) attributes {dimension_semantics = [#tpu.dimension_semantics<core_parallel>, #tpu.dimension_semantics<subcore_parallel>], iteration_bounds = array<i64: 2, 16>, scalar_prefetch = 0 : i64, scratch_operands = 4 : i64, tpu.core_type = #tpu.core_type<sc_vector_subcore>, window_params = [{transform_indices = #map}, {transform_indices = #map}, {transform_indices = #map1}, {transform_indices = #map1}, {transform_indices = #map}, {transform_indices = #map}]} {
    %mul3A = arith.constant 16 : i32
    %mul3A_0 = arith.muli %arg0, %mul3A : i32
    %add3A = arith.addi %mul3A_0, %arg1 : i32
    "tpu.region"() ({
      %run_scoped3A = tpu.sem_alloc : memref<!tpu.dma_semaphore, #tpu.memory_space<semaphore_mem>>
      %dma_start3A = arith.constant 0 : i32
      %dma_start3A_25 = arith.constant 0 : i32
      %dma_start3A_26 = tpu.memref_slice %arg2[%add3A, %dma_start3A, %dma_start3A_25] : memref<32x80x125xi32, #tpu.memory_space<hbm>> -> memref<1x80x125xi32, #tpu.memory_space<hbm>>
      %dma_start3A_27 = tpu.memref_squeeze %dma_start3A_26 : memref<1x80x125xi32, #tpu.memory_space<hbm>> -> memref<80x125xi32, #tpu.memory_space<hbm>>
      %dma_start3A_28 = arith.constant 0 : i32
      %dma_start3A_29 = arith.constant 0 : i32
      %dma_start3A_30 = tpu.memref_slice %arg2[%add3A, %dma_start3A_28, %dma_start3A_29] : memref<32x80x125xi32, #tpu.memory_space<hbm>> -> memref<1x80x125xi32, #tpu.memory_space<hbm>>
      %dma_start3A_31 = tpu.memref_squeeze %dma_start3A_30 : memref<1x80x125xi32, #tpu.memory_space<hbm>> -> memref<80x125xi32, #tpu.memory_space<hbm>>
      tpu.enqueue_dma source(%dma_start3A_31 : memref<80x125xi32, #tpu.memory_space<hbm>>) target(%arg8 : memref<80x125xi32, #tpu.memory_space<vmem>>) target_semaphore(%run_scoped3A : memref<!tpu.dma_semaphore, #tpu.memory_space<semaphore_mem>>)
      %dma_wait3A = arith.constant 0 : i32
      %dma_wait3A_32 = arith.constant 0 : i32
      %dma_wait3A_33 = tpu.memref_slice %arg2[%add3A, %dma_wait3A, %dma_wait3A_32] : memref<32x80x125xi32, #tpu.memory_space<hbm>> -> memref<1x80x125xi32, #tpu.memory_space<hbm>>
      %dma_wait3A_34 = tpu.memref_squeeze %dma_wait3A_33 : memref<1x80x125xi32, #tpu.memory_space<hbm>> -> memref<80x125xi32, #tpu.memory_space<hbm>>
      %dma_wait3A_35 = arith.constant 0 : i32
      %dma_wait3A_36 = arith.constant 0 : i32
      %dma_wait3A_37 = tpu.memref_slice %arg2[%add3A, %dma_wait3A_35, %dma_wait3A_36] : memref<32x80x125xi32, #tpu.memory_space<hbm>> -> memref<1x80x125xi32, #tpu.memory_space<hbm>>
      %dma_wait3A_38 = tpu.memref_squeeze %dma_wait3A_37 : memref<1x80x125xi32, #tpu.memory_space<hbm>> -> memref<80x125xi32, #tpu.memory_space<hbm>>
      tpu.wait_dma2 semaphore(%run_scoped3A : memref<!tpu.dma_semaphore, #tpu.memory_space<semaphore_mem>>) src(%dma_wait3A_38 : memref<80x125xi32, #tpu.memory_space<hbm>>) dst(%arg8 : memref<80x125xi32, #tpu.memory_space<vmem>>)
      tpu.yield
    }) : () -> ()
    "tpu.region"() ({
      %run_scoped3A = tpu.sem_alloc : memref<!tpu.dma_semaphore, #tpu.memory_space<semaphore_mem>>
      %dma_start3A = arith.constant 0 : i32
      %dma_start3A_25 = arith.constant 0 : i32
      %dma_start3A_26 = tpu.memref_slice %arg3[%add3A, %dma_start3A, %dma_start3A_25] : memref<32x80x125xi32, #tpu.memory_space<hbm>> -> memref<1x80x125xi32, #tpu.memory_space<hbm>>
      %dma_start3A_27 = tpu.memref_squeeze %dma_start3A_26 : memref<1x80x125xi32, #tpu.memory_space<hbm>> -> memref<80x125xi32, #tpu.memory_space<hbm>>
      %dma_start3A_28 = arith.constant 0 : i32
      %dma_start3A_29 = arith.constant 0 : i32
      %dma_start3A_30 = tpu.memref_slice %arg3[%add3A, %dma_start3A_28, %dma_start3A_29] : memref<32x80x125xi32, #tpu.memory_space<hbm>> -> memref<1x80x125xi32, #tpu.memory_space<hbm>>
      %dma_start3A_31 = tpu.memref_squeeze %dma_start3A_30 : memref<1x80x125xi32, #tpu.memory_space<hbm>> -> memref<80x125xi32, #tpu.memory_space<hbm>>
      tpu.enqueue_dma source(%dma_start3A_31 : memref<80x125xi32, #tpu.memory_space<hbm>>) target(%arg9 : memref<80x125xi32, #tpu.memory_space<vmem>>) target_semaphore(%run_scoped3A : memref<!tpu.dma_semaphore, #tpu.memory_space<semaphore_mem>>)
      %dma_wait3A = arith.constant 0 : i32
      %dma_wait3A_32 = arith.constant 0 : i32
      %dma_wait3A_33 = tpu.memref_slice %arg3[%add3A, %dma_wait3A, %dma_wait3A_32] : memref<32x80x125xi32, #tpu.memory_space<hbm>> -> memref<1x80x125xi32, #tpu.memory_space<hbm>>
      %dma_wait3A_34 = tpu.memref_squeeze %dma_wait3A_33 : memref<1x80x125xi32, #tpu.memory_space<hbm>> -> memref<80x125xi32, #tpu.memory_space<hbm>>
      %dma_wait3A_35 = arith.constant 0 : i32
      %dma_wait3A_36 = arith.constant 0 : i32
      %dma_wait3A_37 = tpu.memref_slice %arg3[%add3A, %dma_wait3A_35, %dma_wait3A_36] : memref<32x80x125xi32, #tpu.memory_space<hbm>> -> memref<1x80x125xi32, #tpu.memory_space<hbm>>
      %dma_wait3A_38 = tpu.memref_squeeze %dma_wait3A_37 : memref<1x80x125xi32, #tpu.memory_space<hbm>> -> memref<80x125xi32, #tpu.memory_space<hbm>>
      tpu.wait_dma2 semaphore(%run_scoped3A : memref<!tpu.dma_semaphore, #tpu.memory_space<semaphore_mem>>) src(%dma_wait3A_38 : memref<80x125xi32, #tpu.memory_space<hbm>>) dst(%arg9 : memref<80x125xi32, #tpu.memory_space<vmem>>)
      tpu.yield
    }) : () -> ()
    "tpu.region"() ({
      %run_scoped3A = tpu.sem_alloc : memref<!tpu.dma_semaphore, #tpu.memory_space<semaphore_mem>>
      tpu.enqueue_dma source(%arg5 : memref<125x128xf32, #tpu.memory_space<hbm>>) target(%arg10 : memref<125x128xf32, #tpu.memory_space<vmem>>) target_semaphore(%run_scoped3A : memref<!tpu.dma_semaphore, #tpu.memory_space<semaphore_mem>>)
      tpu.wait_dma2 semaphore(%run_scoped3A : memref<!tpu.dma_semaphore, #tpu.memory_space<semaphore_mem>>) src(%arg5 : memref<125x128xf32, #tpu.memory_space<hbm>>) dst(%arg10 : memref<125x128xf32, #tpu.memory_space<vmem>>)
      tpu.yield
    }) : () -> ()
    %mul3A_1 = arith.constant 320 : i32
    %mul3A_2 = arith.muli %arg1, %mul3A_1 : i32
    "tpu.region"() ({
      %run_scoped3A = tpu.sem_alloc : memref<!tpu.dma_semaphore, #tpu.memory_space<semaphore_mem>>
      %dma_start3A = arith.constant 0 : i32
      %dma_start3A_25 = tpu.memref_slice %arg11[%mul3A_2, %dma_start3A] : memref<5128x128xf32, #tpu.memory_space<vmem_shared>> -> memref<320x128xf32, #tpu.memory_space<vmem_shared>>
      %dma_start3A_26 = arith.constant 0 : i32
      %dma_start3A_27 = arith.constant 0 : i32
      %dma_start3A_28 = tpu.memref_slice %arg4[%dma_start3A_26, %dma_start3A_27] : memref<320x128xf32, #tpu.memory_space<hbm>> -> memref<320x128xf32, #tpu.memory_space<hbm>>
      tpu.enqueue_dma source(%dma_start3A_28 : memref<320x128xf32, #tpu.memory_space<hbm>>) target(%dma_start3A_25 : memref<320x128xf32, #tpu.memory_space<vmem_shared>>) target_semaphore(%run_scoped3A : memref<!tpu.dma_semaphore, #tpu.memory_space<semaphore_mem>>)
      %dma_wait3A = arith.constant 0 : i32
      %dma_wait3A_29 = tpu.memref_slice %arg11[%mul3A_2, %dma_wait3A] : memref<5128x128xf32, #tpu.memory_space<vmem_shared>> -> memref<320x128xf32, #tpu.memory_space<vmem_shared>>
      %dma_wait3A_30 = arith.constant 0 : i32
      %dma_wait3A_31 = arith.constant 0 : i32
      %dma_wait3A_32 = tpu.memref_slice %arg4[%dma_wait3A_30, %dma_wait3A_31] : memref<320x128xf32, #tpu.memory_space<hbm>> -> memref<320x128xf32, #tpu.memory_space<hbm>>
      tpu.wait_dma2 semaphore(%run_scoped3A : memref<!tpu.dma_semaphore, #tpu.memory_space<semaphore_mem>>) src(%dma_wait3A_32 : memref<320x128xf32, #tpu.memory_space<hbm>>) dst(%dma_wait3A_29 : memref<320x128xf32, #tpu.memory_space<vmem_shared>>)
      tpu.yield
    }) : () -> ()
    %barrier3A = arith.constant 0 : index
    tpu.barrier barrier_id(%barrier3A)
    %scan3A = arith.constant 0 : i32
    %scan3A_3 = arith.constant 0 : i32
    %scan3A_4 = arith.constant 80 : i32
    %scan3A_5 = arith.addi %scan3A_3, %scan3A_4 : i32
    %scan3A_6 = arith.constant 1 : i32
    scf.for %scan3A_25 = %scan3A_3 to %scan3A_5 step %scan3A_6  : i32 {
      "tpu.region"() ({
        %run_scoped3A = tpu.sem_alloc : memref<!tpu.dma_semaphore, #tpu.memory_space<semaphore_mem>>
        %dma_start3A = arith.constant 0 : i32
        %dma_start3A_26 = tpu.memref_slice %arg8[%scan3A_25, %dma_start3A] : memref<80x125xi32, #tpu.memory_space<vmem>> -> memref<1x125xi32, #tpu.memory_space<vmem>>
        %dma_start3A_27 = tpu.memref_squeeze %dma_start3A_26 : memref<1x125xi32, #tpu.memory_space<vmem>> -> memref<125xi32, #tpu.memory_space<vmem>>
        %dma_start3A_28 = arith.constant 0 : i32
        %dma_start3A_29 = arith.constant 0 : i32
        %dma_start3A_30 = tpu.memref_slice %arg11[%dma_start3A_28, %dma_start3A_29] : memref<5128x128xf32, #tpu.memory_space<vmem_shared>> -> memref<5128x128xf32, #tpu.memory_space<vmem_shared>>
        tpu.enqueue_indirect_dma source(%arg10 : memref<125x128xf32, #tpu.memory_space<vmem>>) target(%dma_start3A_30 : memref<5128x128xf32, #tpu.memory_space<vmem_shared>>) offsets(%dma_start3A_27 : memref<125xi32, #tpu.memory_space<vmem>>) semaphore(%run_scoped3A : memref<!tpu.dma_semaphore, #tpu.memory_space<semaphore_mem>>) {add = true}
        %dma_wait3A = arith.constant 0 : i32
        %dma_wait3A_31 = tpu.memref_slice %arg8[%scan3A_25, %dma_wait3A] : memref<80x125xi32, #tpu.memory_space<vmem>> -> memref<1x125xi32, #tpu.memory_space<vmem>>
        %dma_wait3A_32 = tpu.memref_squeeze %dma_wait3A_31 : memref<1x125xi32, #tpu.memory_space<vmem>> -> memref<125xi32, #tpu.memory_space<vmem>>
        %dma_wait3A_33 = arith.constant 0 : i32
        %dma_wait3A_34 = arith.constant 0 : i32
        %dma_wait3A_35 = tpu.memref_slice %arg11[%dma_wait3A_33, %dma_wait3A_34] : memref<5128x128xf32, #tpu.memory_space<vmem_shared>> -> memref<5128x128xf32, #tpu.memory_space<vmem_shared>>
        tpu.wait_indirect_dma semaphore(%run_scoped3A : memref<!tpu.dma_semaphore, #tpu.memory_space<semaphore_mem>>) src(%arg10 : memref<125x128xf32, #tpu.memory_space<vmem>>) dst(%dma_wait3A_35 : memref<5128x128xf32, #tpu.memory_space<vmem_shared>>)
        tpu.yield
      }) : () -> ()
    }
    %scan3A_7 = arith.constant 80 : i32
    %barrier3A_8 = arith.constant 0 : index
    tpu.barrier barrier_id(%barrier3A_8)
    %mul3A_9 = arith.constant 320 : i32
    %mul3A_10 = arith.muli %arg1, %mul3A_9 : i32
    "tpu.region"() ({
      %run_scoped3A = tpu.sem_alloc : memref<!tpu.dma_semaphore, #tpu.memory_space<semaphore_mem>>
      %dma_start3A = arith.constant 0 : i32
      %dma_start3A_25 = arith.constant 0 : i32
      %dma_start3A_26 = tpu.memref_slice %arg6[%add3A, %dma_start3A, %dma_start3A_25] : memref<32x320x128xf32, #tpu.memory_space<hbm>> -> memref<1x320x128xf32, #tpu.memory_space<hbm>>
      %dma_start3A_27 = tpu.memref_squeeze %dma_start3A_26 : memref<1x320x128xf32, #tpu.memory_space<hbm>> -> memref<320x128xf32, #tpu.memory_space<hbm>>
      %dma_start3A_28 = arith.constant 0 : i32
      %dma_start3A_29 = tpu.memref_slice %arg11[%mul3A_10, %dma_start3A_28] : memref<5128x128xf32, #tpu.memory_space<vmem_shared>> -> memref<320x128xf32, #tpu.memory_space<vmem_shared>>
      tpu.enqueue_dma source(%dma_start3A_29 : memref<320x128xf32, #tpu.memory_space<vmem_shared>>) target(%dma_start3A_27 : memref<320x128xf32, #tpu.memory_space<hbm>>) target_semaphore(%run_scoped3A : memref<!tpu.dma_semaphore, #tpu.memory_space<semaphore_mem>>)
      %dma_wait3A = arith.constant 0 : i32
      %dma_wait3A_30 = arith.constant 0 : i32
      %dma_wait3A_31 = tpu.memref_slice %arg6[%add3A, %dma_wait3A, %dma_wait3A_30] : memref<32x320x128xf32, #tpu.memory_space<hbm>> -> memref<1x320x128xf32, #tpu.memory_space<hbm>>
      %dma_wait3A_32 = tpu.memref_squeeze %dma_wait3A_31 : memref<1x320x128xf32, #tpu.memory_space<hbm>> -> memref<320x128xf32, #tpu.memory_space<hbm>>
      %dma_wait3A_33 = arith.constant 0 : i32
      %dma_wait3A_34 = tpu.memref_slice %arg11[%mul3A_10, %dma_wait3A_33] : memref<5128x128xf32, #tpu.memory_space<vmem_shared>> -> memref<320x128xf32, #tpu.memory_space<vmem_shared>>
      tpu.wait_dma2 semaphore(%run_scoped3A : memref<!tpu.dma_semaphore, #tpu.memory_space<semaphore_mem>>) src(%dma_wait3A_34 : memref<320x128xf32, #tpu.memory_space<vmem_shared>>) dst(%dma_wait3A_32 : memref<320x128xf32, #tpu.memory_space<hbm>>)
      tpu.yield
    }) : () -> ()
    %barrier3A_11 = arith.constant 0 : index
    tpu.barrier barrier_id(%barrier3A_11)
    %mul3A_12 = arith.constant 312 : i32
    %mul3A_13 = arith.muli %arg1, %mul3A_12 : i32
    "tpu.region"() ({
      %run_scoped3A = tpu.sem_alloc : memref<!tpu.dma_semaphore, #tpu.memory_space<semaphore_mem>>
      %dma_start3A = arith.constant 0 : i32
      %dma_start3A_25 = tpu.memref_slice %arg11[%mul3A_13, %dma_start3A] : memref<5128x128xf32, #tpu.memory_space<vmem_shared>> -> memref<312x128xf32, #tpu.memory_space<vmem_shared>>
      %dma_start3A_26 = arith.constant 0 : i32
      %dma_start3A_27 = arith.constant 0 : i32
      %dma_start3A_28 = tpu.memref_slice %arg4[%dma_start3A_26, %dma_start3A_27] : memref<320x128xf32, #tpu.memory_space<hbm>> -> memref<312x128xf32, #tpu.memory_space<hbm>>
      tpu.enqueue_dma source(%dma_start3A_28 : memref<312x128xf32, #tpu.memory_space<hbm>>) target(%dma_start3A_25 : memref<312x128xf32, #tpu.memory_space<vmem_shared>>) target_semaphore(%run_scoped3A : memref<!tpu.dma_semaphore, #tpu.memory_space<semaphore_mem>>)
      %dma_wait3A = arith.constant 0 : i32
      %dma_wait3A_29 = tpu.memref_slice %arg11[%mul3A_13, %dma_wait3A] : memref<5128x128xf32, #tpu.memory_space<vmem_shared>> -> memref<312x128xf32, #tpu.memory_space<vmem_shared>>
      %dma_wait3A_30 = arith.constant 0 : i32
      %dma_wait3A_31 = arith.constant 0 : i32
      %dma_wait3A_32 = tpu.memref_slice %arg4[%dma_wait3A_30, %dma_wait3A_31] : memref<320x128xf32, #tpu.memory_space<hbm>> -> memref<312x128xf32, #tpu.memory_space<hbm>>
      tpu.wait_dma2 semaphore(%run_scoped3A : memref<!tpu.dma_semaphore, #tpu.memory_space<semaphore_mem>>) src(%dma_wait3A_32 : memref<312x128xf32, #tpu.memory_space<hbm>>) dst(%dma_wait3A_29 : memref<312x128xf32, #tpu.memory_space<vmem_shared>>)
      tpu.yield
    }) : () -> ()
    %barrier3A_14 = arith.constant 0 : index
    tpu.barrier barrier_id(%barrier3A_14)
    %scan3A_15 = arith.constant 0 : i32
    %scan3A_16 = arith.constant 0 : i32
    %scan3A_17 = arith.constant 80 : i32
    %scan3A_18 = arith.addi %scan3A_16, %scan3A_17 : i32
    %scan3A_19 = arith.constant 1 : i32
    scf.for %scan3A_25 = %scan3A_16 to %scan3A_18 step %scan3A_19  : i32 {
      "tpu.region"() ({
        %run_scoped3A = tpu.sem_alloc : memref<!tpu.dma_semaphore, #tpu.memory_space<semaphore_mem>>
        %dma_start3A = arith.constant 0 : i32
        %dma_start3A_26 = tpu.memref_slice %arg9[%scan3A_25, %dma_start3A] : memref<80x125xi32, #tpu.memory_space<vmem>> -> memref<1x125xi32, #tpu.memory_space<vmem>>
        %dma_start3A_27 = tpu.memref_squeeze %dma_start3A_26 : memref<1x125xi32, #tpu.memory_space<vmem>> -> memref<125xi32, #tpu.memory_space<vmem>>
        %dma_start3A_28 = arith.constant 0 : i32
        %dma_start3A_29 = arith.constant 0 : i32
        %dma_start3A_30 = tpu.memref_slice %arg11[%dma_start3A_28, %dma_start3A_29] : memref<5128x128xf32, #tpu.memory_space<vmem_shared>> -> memref<5128x128xf32, #tpu.memory_space<vmem_shared>>
        tpu.enqueue_indirect_dma source(%arg10 : memref<125x128xf32, #tpu.memory_space<vmem>>) target(%dma_start3A_30 : memref<5128x128xf32, #tpu.memory_space<vmem_shared>>) offsets(%dma_start3A_27 : memref<125xi32, #tpu.memory_space<vmem>>) semaphore(%run_scoped3A : memref<!tpu.dma_semaphore, #tpu.memory_space<semaphore_mem>>) {add = true}
        %dma_wait3A = arith.constant 0 : i32
        %dma_wait3A_31 = tpu.memref_slice %arg9[%scan3A_25, %dma_wait3A] : memref<80x125xi32, #tpu.memory_space<vmem>> -> memref<1x125xi32, #tpu.memory_space<vmem>>
        %dma_wait3A_32 = tpu.memref_squeeze %dma_wait3A_31 : memref<1x125xi32, #tpu.memory_space<vmem>> -> memref<125xi32, #tpu.memory_space<vmem>>
        %dma_wait3A_33 = arith.constant 0 : i32
        %dma_wait3A_34 = arith.constant 0 : i32
        %dma_wait3A_35 = tpu.memref_slice %arg11[%dma_wait3A_33, %dma_wait3A_34] : memref<5128x128xf32, #tpu.memory_space<vmem_shared>> -> memref<5128x128xf32, #tpu.memory_space<vmem_shared>>
        tpu.wait_indirect_dma semaphore(%run_scoped3A : memref<!tpu.dma_semaphore, #tpu.memory_space<semaphore_mem>>) src(%arg10 : memref<125x128xf32, #tpu.memory_space<vmem>>) dst(%dma_wait3A_35 : memref<5128x128xf32, #tpu.memory_space<vmem_shared>>)
        tpu.yield
      }) : () -> ()
    }
    %scan3A_20 = arith.constant 80 : i32
    %barrier3A_21 = arith.constant 0 : index
    tpu.barrier barrier_id(%barrier3A_21)
    %mul3A_22 = arith.constant 312 : i32
    %mul3A_23 = arith.muli %arg1, %mul3A_22 : i32
    "tpu.region"() ({
      %run_scoped3A = tpu.sem_alloc : memref<!tpu.dma_semaphore, #tpu.memory_space<semaphore_mem>>
      %dma_start3A = arith.constant 0 : i32
      %dma_start3A_25 = arith.constant 0 : i32
      %dma_start3A_26 = tpu.memref_slice %arg7[%add3A, %dma_start3A, %dma_start3A_25] : memref<32x312x128xf32, #tpu.memory_space<hbm>> -> memref<1x312x128xf32, #tpu.memory_space<hbm>>
      %dma_start3A_27 = tpu.memref_squeeze %dma_start3A_26 : memref<1x312x128xf32, #tpu.memory_space<hbm>> -> memref<312x128xf32, #tpu.memory_space<hbm>>
      %dma_start3A_28 = arith.constant 0 : i32
      %dma_start3A_29 = tpu.memref_slice %arg11[%mul3A_23, %dma_start3A_28] : memref<5128x128xf32, #tpu.memory_space<vmem_shared>> -> memref<312x128xf32, #tpu.memory_space<vmem_shared>>
      tpu.enqueue_dma source(%dma_start3A_29 : memref<312x128xf32, #tpu.memory_space<vmem_shared>>) target(%dma_start3A_27 : memref<312x128xf32, #tpu.memory_space<hbm>>) target_semaphore(%run_scoped3A : memref<!tpu.dma_semaphore, #tpu.memory_space<semaphore_mem>>)
      %dma_wait3A = arith.constant 0 : i32
      %dma_wait3A_30 = arith.constant 0 : i32
      %dma_wait3A_31 = tpu.memref_slice %arg7[%add3A, %dma_wait3A, %dma_wait3A_30] : memref<32x312x128xf32, #tpu.memory_space<hbm>> -> memref<1x312x128xf32, #tpu.memory_space<hbm>>
      %dma_wait3A_32 = tpu.memref_squeeze %dma_wait3A_31 : memref<1x312x128xf32, #tpu.memory_space<hbm>> -> memref<312x128xf32, #tpu.memory_space<hbm>>
      %dma_wait3A_33 = arith.constant 0 : i32
      %dma_wait3A_34 = tpu.memref_slice %arg11[%mul3A_23, %dma_wait3A_33] : memref<5128x128xf32, #tpu.memory_space<vmem_shared>> -> memref<312x128xf32, #tpu.memory_space<vmem_shared>>
      tpu.wait_dma2 semaphore(%run_scoped3A : memref<!tpu.dma_semaphore, #tpu.memory_space<semaphore_mem>>) src(%dma_wait3A_34 : memref<312x128xf32, #tpu.memory_space<vmem_shared>>) dst(%dma_wait3A_32 : memref<312x128xf32, #tpu.memory_space<hbm>>)
      tpu.yield
    }) : () -> ()
    %barrier3A_24 = arith.constant 0 : index
    tpu.barrier barrier_id(%barrier3A_24)
    return
  }
}

#map = affine_map<(d0, d1) -> (0, 0, 0)>
#map1 = affine_map<(d0, d1) -> (0, 0)>
module attributes {stable_mosaic.version = 14 : i64} {
  func.func @k(%arg0: i32, %arg1: i32, %arg2: memref<32x80x125xi32, #tpu.memory_space<hbm>>, %arg3: memref<32x80x125xi32, #tpu.memory_space<hbm>>, %arg4: memref<32x80x125xi32, #tpu.memory_space<hbm>>, %arg5: memref<10000x128xf32, #tpu.memory_space<hbm>>, %arg6: memref<10000x128xf32, #tpu.memory_space<hbm>>, %arg7: memref<320x128xf32, #tpu.memory_space<hbm>>, %arg8: memref<32x320x128xf32, #tpu.memory_space<hbm>>, %arg9: memref<32x312x128xf32, #tpu.memory_space<hbm>>, %arg10: memref<32x320x128xf32, #tpu.memory_space<hbm>>, %arg11: memref<32x312x128xf32, #tpu.memory_space<hbm>>, %arg12: memref<80x125xi32, #tpu.memory_space<vmem>>, %arg13: memref<80x125xi32, #tpu.memory_space<vmem>>, %arg14: memref<80x125xi32, #tpu.memory_space<vmem>>, %arg15: memref<125x128xf32, #tpu.memory_space<vmem>>, %arg16: memref<125x128xf32, #tpu.memory_space<vmem>>, %arg17: memref<5128x128xf32, #tpu.memory_space<vmem_shared>>, %arg18: memref<!tpu.dma_semaphore, #tpu.memory_space<semaphore_mem>>, %arg19: memref<!tpu.dma_semaphore, #tpu.memory_space<semaphore_mem>>, %arg20: memref<!tpu.dma_semaphore, #tpu.memory_space<semaphore_mem>>, %arg21: memref<!tpu.dma_semaphore, #tpu.memory_space<semaphore_mem>>) attributes {dimension_semantics = [#tpu.dimension_semantics<core_parallel>, #tpu.dimension_semantics<subcore_parallel>], iteration_bounds = array<i64: 2, 16>, scalar_prefetch = 0 : i64, scratch_operands = 10 : i64, tpu.core_type = #tpu.core_type<sc_vector_subcore>, window_params = [{transform_indices = #map}, {transform_indices = #map}, {transform_indices = #map}, {transform_indices = #map1}, {transform_indices = #map1}, {transform_indices = #map1}, {transform_indices = #map}, {transform_indices = #map}, {transform_indices = #map}, {transform_indices = #map}]} {
    %mul3A = arith.constant 16 : i32
    %mul3A_0 = arith.muli %arg0, %mul3A : i32
    %add3A = arith.addi %mul3A_0, %arg1 : i32
    "tpu.region"() ({
      %run_scoped3A = tpu.sem_alloc : memref<!tpu.dma_semaphore, #tpu.memory_space<semaphore_mem>>
      %dma_start3A_105 = arith.constant 0 : i32
      %dma_start3A_106 = arith.constant 0 : i32
      %dma_start3A_107 = tpu.memref_slice %arg2[%add3A, %dma_start3A_105, %dma_start3A_106] : memref<32x80x125xi32, #tpu.memory_space<hbm>> -> memref<1x80x125xi32, #tpu.memory_space<hbm>>
      %dma_start3A_108 = tpu.memref_squeeze %dma_start3A_107 : memref<1x80x125xi32, #tpu.memory_space<hbm>> -> memref<80x125xi32, #tpu.memory_space<hbm>>
      %dma_start3A_109 = arith.constant 0 : i32
      %dma_start3A_110 = arith.constant 0 : i32
      %dma_start3A_111 = tpu.memref_slice %arg2[%add3A, %dma_start3A_109, %dma_start3A_110] : memref<32x80x125xi32, #tpu.memory_space<hbm>> -> memref<1x80x125xi32, #tpu.memory_space<hbm>>
      %dma_start3A_112 = tpu.memref_squeeze %dma_start3A_111 : memref<1x80x125xi32, #tpu.memory_space<hbm>> -> memref<80x125xi32, #tpu.memory_space<hbm>>
      tpu.enqueue_dma source(%dma_start3A_112 : memref<80x125xi32, #tpu.memory_space<hbm>>) target(%arg12 : memref<80x125xi32, #tpu.memory_space<vmem>>) target_semaphore(%run_scoped3A : memref<!tpu.dma_semaphore, #tpu.memory_space<semaphore_mem>>)
      %dma_wait3A_113 = arith.constant 0 : i32
      %dma_wait3A_114 = arith.constant 0 : i32
      %dma_wait3A_115 = tpu.memref_slice %arg2[%add3A, %dma_wait3A_113, %dma_wait3A_114] : memref<32x80x125xi32, #tpu.memory_space<hbm>> -> memref<1x80x125xi32, #tpu.memory_space<hbm>>
      %dma_wait3A_116 = tpu.memref_squeeze %dma_wait3A_115 : memref<1x80x125xi32, #tpu.memory_space<hbm>> -> memref<80x125xi32, #tpu.memory_space<hbm>>
      %dma_wait3A_117 = arith.constant 0 : i32
      %dma_wait3A_118 = arith.constant 0 : i32
      %dma_wait3A_119 = tpu.memref_slice %arg2[%add3A, %dma_wait3A_117, %dma_wait3A_118] : memref<32x80x125xi32, #tpu.memory_space<hbm>> -> memref<1x80x125xi32, #tpu.memory_space<hbm>>
      %dma_wait3A_120 = tpu.memref_squeeze %dma_wait3A_119 : memref<1x80x125xi32, #tpu.memory_space<hbm>> -> memref<80x125xi32, #tpu.memory_space<hbm>>
      tpu.wait_dma2 semaphore(%run_scoped3A : memref<!tpu.dma_semaphore, #tpu.memory_space<semaphore_mem>>) src(%dma_wait3A_120 : memref<80x125xi32, #tpu.memory_space<hbm>>) dst(%arg12 : memref<80x125xi32, #tpu.memory_space<vmem>>)
      tpu.yield
    }) : () -> ()
    "tpu.region"() ({
      %run_scoped3A = tpu.sem_alloc : memref<!tpu.dma_semaphore, #tpu.memory_space<semaphore_mem>>
      %dma_start3A_105 = arith.constant 0 : i32
      %dma_start3A_106 = arith.constant 0 : i32
      %dma_start3A_107 = tpu.memref_slice %arg3[%add3A, %dma_start3A_105, %dma_start3A_106] : memref<32x80x125xi32, #tpu.memory_space<hbm>> -> memref<1x80x125xi32, #tpu.memory_space<hbm>>
      %dma_start3A_108 = tpu.memref_squeeze %dma_start3A_107 : memref<1x80x125xi32, #tpu.memory_space<hbm>> -> memref<80x125xi32, #tpu.memory_space<hbm>>
      %dma_start3A_109 = arith.constant 0 : i32
      %dma_start3A_110 = arith.constant 0 : i32
      %dma_start3A_111 = tpu.memref_slice %arg3[%add3A, %dma_start3A_109, %dma_start3A_110] : memref<32x80x125xi32, #tpu.memory_space<hbm>> -> memref<1x80x125xi32, #tpu.memory_space<hbm>>
      %dma_start3A_112 = tpu.memref_squeeze %dma_start3A_111 : memref<1x80x125xi32, #tpu.memory_space<hbm>> -> memref<80x125xi32, #tpu.memory_space<hbm>>
      tpu.enqueue_dma source(%dma_start3A_112 : memref<80x125xi32, #tpu.memory_space<hbm>>) target(%arg13 : memref<80x125xi32, #tpu.memory_space<vmem>>) target_semaphore(%run_scoped3A : memref<!tpu.dma_semaphore, #tpu.memory_space<semaphore_mem>>)
      %dma_wait3A_113 = arith.constant 0 : i32
      %dma_wait3A_114 = arith.constant 0 : i32
      %dma_wait3A_115 = tpu.memref_slice %arg3[%add3A, %dma_wait3A_113, %dma_wait3A_114] : memref<32x80x125xi32, #tpu.memory_space<hbm>> -> memref<1x80x125xi32, #tpu.memory_space<hbm>>
      %dma_wait3A_116 = tpu.memref_squeeze %dma_wait3A_115 : memref<1x80x125xi32, #tpu.memory_space<hbm>> -> memref<80x125xi32, #tpu.memory_space<hbm>>
      %dma_wait3A_117 = arith.constant 0 : i32
      %dma_wait3A_118 = arith.constant 0 : i32
      %dma_wait3A_119 = tpu.memref_slice %arg3[%add3A, %dma_wait3A_117, %dma_wait3A_118] : memref<32x80x125xi32, #tpu.memory_space<hbm>> -> memref<1x80x125xi32, #tpu.memory_space<hbm>>
      %dma_wait3A_120 = tpu.memref_squeeze %dma_wait3A_119 : memref<1x80x125xi32, #tpu.memory_space<hbm>> -> memref<80x125xi32, #tpu.memory_space<hbm>>
      tpu.wait_dma2 semaphore(%run_scoped3A : memref<!tpu.dma_semaphore, #tpu.memory_space<semaphore_mem>>) src(%dma_wait3A_120 : memref<80x125xi32, #tpu.memory_space<hbm>>) dst(%arg13 : memref<80x125xi32, #tpu.memory_space<vmem>>)
      tpu.yield
    }) : () -> ()
    "tpu.region"() ({
      %run_scoped3A = tpu.sem_alloc : memref<!tpu.dma_semaphore, #tpu.memory_space<semaphore_mem>>
      %dma_start3A_105 = arith.constant 0 : i32
      %dma_start3A_106 = arith.constant 0 : i32
      %dma_start3A_107 = tpu.memref_slice %arg4[%add3A, %dma_start3A_105, %dma_start3A_106] : memref<32x80x125xi32, #tpu.memory_space<hbm>> -> memref<1x80x125xi32, #tpu.memory_space<hbm>>
      %dma_start3A_108 = tpu.memref_squeeze %dma_start3A_107 : memref<1x80x125xi32, #tpu.memory_space<hbm>> -> memref<80x125xi32, #tpu.memory_space<hbm>>
      %dma_start3A_109 = arith.constant 0 : i32
      %dma_start3A_110 = arith.constant 0 : i32
      %dma_start3A_111 = tpu.memref_slice %arg4[%add3A, %dma_start3A_109, %dma_start3A_110] : memref<32x80x125xi32, #tpu.memory_space<hbm>> -> memref<1x80x125xi32, #tpu.memory_space<hbm>>
      %dma_start3A_112 = tpu.memref_squeeze %dma_start3A_111 : memref<1x80x125xi32, #tpu.memory_space<hbm>> -> memref<80x125xi32, #tpu.memory_space<hbm>>
      tpu.enqueue_dma source(%dma_start3A_112 : memref<80x125xi32, #tpu.memory_space<hbm>>) target(%arg14 : memref<80x125xi32, #tpu.memory_space<vmem>>) target_semaphore(%run_scoped3A : memref<!tpu.dma_semaphore, #tpu.memory_space<semaphore_mem>>)
      %dma_wait3A_113 = arith.constant 0 : i32
      %dma_wait3A_114 = arith.constant 0 : i32
      %dma_wait3A_115 = tpu.memref_slice %arg4[%add3A, %dma_wait3A_113, %dma_wait3A_114] : memref<32x80x125xi32, #tpu.memory_space<hbm>> -> memref<1x80x125xi32, #tpu.memory_space<hbm>>
      %dma_wait3A_116 = tpu.memref_squeeze %dma_wait3A_115 : memref<1x80x125xi32, #tpu.memory_space<hbm>> -> memref<80x125xi32, #tpu.memory_space<hbm>>
      %dma_wait3A_117 = arith.constant 0 : i32
      %dma_wait3A_118 = arith.constant 0 : i32
      %dma_wait3A_119 = tpu.memref_slice %arg4[%add3A, %dma_wait3A_117, %dma_wait3A_118] : memref<32x80x125xi32, #tpu.memory_space<hbm>> -> memref<1x80x125xi32, #tpu.memory_space<hbm>>
      %dma_wait3A_120 = tpu.memref_squeeze %dma_wait3A_119 : memref<1x80x125xi32, #tpu.memory_space<hbm>> -> memref<80x125xi32, #tpu.memory_space<hbm>>
      tpu.wait_dma2 semaphore(%run_scoped3A : memref<!tpu.dma_semaphore, #tpu.memory_space<semaphore_mem>>) src(%dma_wait3A_120 : memref<80x125xi32, #tpu.memory_space<hbm>>) dst(%arg14 : memref<80x125xi32, #tpu.memory_space<vmem>>)
      tpu.yield
    }) : () -> ()
    %mul3A_1 = arith.constant 320 : i32
    %mul3A_2 = arith.muli %arg1, %mul3A_1 : i32
    "tpu.region"() ({
      %run_scoped3A = tpu.sem_alloc : memref<!tpu.dma_semaphore, #tpu.memory_space<semaphore_mem>>
      %dma_start3A_105 = arith.constant 0 : i32
      %dma_start3A_106 = tpu.memref_slice %arg17[%mul3A_2, %dma_start3A_105] : memref<5128x128xf32, #tpu.memory_space<vmem_shared>> -> memref<320x128xf32, #tpu.memory_space<vmem_shared>>
      %dma_start3A_107 = arith.constant 0 : i32
      %dma_start3A_108 = arith.constant 0 : i32
      %dma_start3A_109 = tpu.memref_slice %arg7[%dma_start3A_107, %dma_start3A_108] : memref<320x128xf32, #tpu.memory_space<hbm>> -> memref<320x128xf32, #tpu.memory_space<hbm>>
      tpu.enqueue_dma source(%dma_start3A_109 : memref<320x128xf32, #tpu.memory_space<hbm>>) target(%dma_start3A_106 : memref<320x128xf32, #tpu.memory_space<vmem_shared>>) target_semaphore(%run_scoped3A : memref<!tpu.dma_semaphore, #tpu.memory_space<semaphore_mem>>)
      %dma_wait3A_110 = arith.constant 0 : i32
      %dma_wait3A_111 = tpu.memref_slice %arg17[%mul3A_2, %dma_wait3A_110] : memref<5128x128xf32, #tpu.memory_space<vmem_shared>> -> memref<320x128xf32, #tpu.memory_space<vmem_shared>>
      %dma_wait3A_112 = arith.constant 0 : i32
      %dma_wait3A_113 = arith.constant 0 : i32
      %dma_wait3A_114 = tpu.memref_slice %arg7[%dma_wait3A_112, %dma_wait3A_113] : memref<320x128xf32, #tpu.memory_space<hbm>> -> memref<320x128xf32, #tpu.memory_space<hbm>>
      tpu.wait_dma2 semaphore(%run_scoped3A : memref<!tpu.dma_semaphore, #tpu.memory_space<semaphore_mem>>) src(%dma_wait3A_114 : memref<320x128xf32, #tpu.memory_space<hbm>>) dst(%dma_wait3A_111 : memref<320x128xf32, #tpu.memory_space<vmem_shared>>)
      tpu.yield
    }) : () -> ()
    %barrier3A = arith.constant 0 : index
    tpu.barrier barrier_id(%barrier3A)
    %dma_start3A = arith.constant 0 : i32
    %dma_start3A_3 = arith.constant 0 : i32
    %dma_start3A_4 = tpu.memref_slice %arg12[%dma_start3A, %dma_start3A_3] : memref<80x125xi32, #tpu.memory_space<vmem>> -> memref<1x125xi32, #tpu.memory_space<vmem>>
    %dma_start3A_5 = tpu.memref_squeeze %dma_start3A_4 : memref<1x125xi32, #tpu.memory_space<vmem>> -> memref<125xi32, #tpu.memory_space<vmem>>
    %dma_start3A_6 = arith.constant 0 : i32
    %dma_start3A_7 = arith.constant 0 : i32
    %dma_start3A_8 = tpu.memref_slice %arg5[%dma_start3A_6, %dma_start3A_7] : memref<10000x128xf32, #tpu.memory_space<hbm>> -> memref<10000x128xf32, #tpu.memory_space<hbm>>
    tpu.enqueue_indirect_dma source(%dma_start3A_8 : memref<10000x128xf32, #tpu.memory_space<hbm>>) target(%arg15 : memref<125x128xf32, #tpu.memory_space<vmem>>) offsets(%dma_start3A_5 : memref<125xi32, #tpu.memory_space<vmem>>) semaphore(%arg18 : memref<!tpu.dma_semaphore, #tpu.memory_space<semaphore_mem>>)
    %scan3A = arith.constant 0 : i32
    %scan3A_9 = arith.constant 0 : i32
    %scan3A_10 = arith.constant 40 : i32
    %scan3A_11 = arith.addi %scan3A_9, %scan3A_10 : i32
    %scan3A_12 = arith.constant 1 : i32
    scf.for %scan3A_105 = %scan3A_9 to %scan3A_11 step %scan3A_12  : i32 {
      %mul3A_106 = arith.constant 2 : i32
      %mul3A_107 = arith.muli %mul3A_106, %scan3A_105 : i32
      %add3A_108 = arith.constant 0 : i32
      %add3A_109 = arith.addi %mul3A_107, %add3A_108 : i32
      %dma_wait3A_110 = arith.constant 0 : i32
      %dma_wait3A_111 = tpu.memref_slice %arg12[%add3A_109, %dma_wait3A_110] : memref<80x125xi32, #tpu.memory_space<vmem>> -> memref<1x125xi32, #tpu.memory_space<vmem>>
      %dma_wait3A_112 = tpu.memref_squeeze %dma_wait3A_111 : memref<1x125xi32, #tpu.memory_space<vmem>> -> memref<125xi32, #tpu.memory_space<vmem>>
      %dma_wait3A_113 = arith.constant 0 : i32
      %dma_wait3A_114 = arith.constant 0 : i32
      %dma_wait3A_115 = tpu.memref_slice %arg5[%dma_wait3A_113, %dma_wait3A_114] : memref<10000x128xf32, #tpu.memory_space<hbm>> -> memref<10000x128xf32, #tpu.memory_space<hbm>>
      tpu.wait_indirect_dma semaphore(%arg18 : memref<!tpu.dma_semaphore, #tpu.memory_space<semaphore_mem>>) src(%dma_wait3A_115 : memref<10000x128xf32, #tpu.memory_space<hbm>>) dst(%arg15 : memref<125x128xf32, #tpu.memory_space<vmem>>)
      %dma_start3A_116 = arith.constant 0 : i32
      %dma_start3A_117 = tpu.memref_slice %arg13[%add3A_109, %dma_start3A_116] : memref<80x125xi32, #tpu.memory_space<vmem>> -> memref<1x125xi32, #tpu.memory_space<vmem>>
      %dma_start3A_118 = tpu.memref_squeeze %dma_start3A_117 : memref<1x125xi32, #tpu.memory_space<vmem>> -> memref<125xi32, #tpu.memory_space<vmem>>
      %dma_start3A_119 = arith.constant 0 : i32
      %dma_start3A_120 = arith.constant 0 : i32
      %dma_start3A_121 = tpu.memref_slice %arg17[%dma_start3A_119, %dma_start3A_120] : memref<5128x128xf32, #tpu.memory_space<vmem_shared>> -> memref<5128x128xf32, #tpu.memory_space<vmem_shared>>
      tpu.enqueue_indirect_dma source(%arg15 : memref<125x128xf32, #tpu.memory_space<vmem>>) target(%dma_start3A_121 : memref<5128x128xf32, #tpu.memory_space<vmem_shared>>) offsets(%dma_start3A_118 : memref<125xi32, #tpu.memory_space<vmem>>) semaphore(%arg20 : memref<!tpu.dma_semaphore, #tpu.memory_space<semaphore_mem>>) {add = true}
      %ge3A = arith.constant 1 : i32
      %ge3A_122 = arith.cmpi sge, %add3A_109, %ge3A : i32
      %convert_element_type3A = arith.extui %ge3A_122 : i1 to i32
      %cond3A = arith.constant 0 : i32
      %cond3A_123 = arith.cmpi ne, %convert_element_type3A, %cond3A : i32
      scf.if %cond3A_123 {
        %sub3A = arith.constant 1 : i32
        %sub3A_158 = arith.subi %add3A_109, %sub3A : i32
        %dma_wait3A_159 = arith.constant 0 : i32
        %dma_wait3A_160 = tpu.memref_slice %arg13[%sub3A_158, %dma_wait3A_159] : memref<80x125xi32, #tpu.memory_space<vmem>> -> memref<1x125xi32, #tpu.memory_space<vmem>>
        %dma_wait3A_161 = tpu.memref_squeeze %dma_wait3A_160 : memref<1x125xi32, #tpu.memory_space<vmem>> -> memref<125xi32, #tpu.memory_space<vmem>>
        %dma_wait3A_162 = arith.constant 0 : i32
        %dma_wait3A_163 = arith.constant 0 : i32
        %dma_wait3A_164 = tpu.memref_slice %arg17[%dma_wait3A_162, %dma_wait3A_163] : memref<5128x128xf32, #tpu.memory_space<vmem_shared>> -> memref<5128x128xf32, #tpu.memory_space<vmem_shared>>
        tpu.wait_indirect_dma semaphore(%arg21 : memref<!tpu.dma_semaphore, #tpu.memory_space<semaphore_mem>>) src(%arg16 : memref<125x128xf32, #tpu.memory_space<vmem>>) dst(%dma_wait3A_164 : memref<5128x128xf32, #tpu.memory_space<vmem_shared>>)
      } else {
      }
      %add3A_124 = arith.constant 1 : i32
      %add3A_125 = arith.addi %add3A_109, %add3A_124 : i32
      %lt3A = arith.constant 80 : i32
      %lt3A_126 = arith.cmpi slt, %add3A_125, %lt3A : i32
      %convert_element_type3A_127 = arith.extui %lt3A_126 : i1 to i32
      %cond3A_128 = arith.constant 0 : i32
      %cond3A_129 = arith.cmpi ne, %convert_element_type3A_127, %cond3A_128 : i32
      scf.if %cond3A_129 {
        %add3A_158 = arith.constant 1 : i32
        %add3A_159 = arith.addi %add3A_109, %add3A_158 : i32
        %dma_start3A_160 = arith.constant 0 : i32
        %dma_start3A_161 = tpu.memref_slice %arg12[%add3A_159, %dma_start3A_160] : memref<80x125xi32, #tpu.memory_space<vmem>> -> memref<1x125xi32, #tpu.memory_space<vmem>>
        %dma_start3A_162 = tpu.memref_squeeze %dma_start3A_161 : memref<1x125xi32, #tpu.memory_space<vmem>> -> memref<125xi32, #tpu.memory_space<vmem>>
        %dma_start3A_163 = arith.constant 0 : i32
        %dma_start3A_164 = arith.constant 0 : i32
        %dma_start3A_165 = tpu.memref_slice %arg5[%dma_start3A_163, %dma_start3A_164] : memref<10000x128xf32, #tpu.memory_space<hbm>> -> memref<10000x128xf32, #tpu.memory_space<hbm>>
        tpu.enqueue_indirect_dma source(%dma_start3A_165 : memref<10000x128xf32, #tpu.memory_space<hbm>>) target(%arg16 : memref<125x128xf32, #tpu.memory_space<vmem>>) offsets(%dma_start3A_162 : memref<125xi32, #tpu.memory_space<vmem>>) semaphore(%arg19 : memref<!tpu.dma_semaphore, #tpu.memory_space<semaphore_mem>>)
      } else {
      }
      %mul3A_130 = arith.constant 2 : i32
      %mul3A_131 = arith.muli %mul3A_130, %scan3A_105 : i32
      %add3A_132 = arith.constant 1 : i32
      %add3A_133 = arith.addi %mul3A_131, %add3A_132 : i32
      %dma_wait3A_134 = arith.constant 0 : i32
      %dma_wait3A_135 = tpu.memref_slice %arg12[%add3A_133, %dma_wait3A_134] : memref<80x125xi32, #tpu.memory_space<vmem>> -> memref<1x125xi32, #tpu.memory_space<vmem>>
      %dma_wait3A_136 = tpu.memref_squeeze %dma_wait3A_135 : memref<1x125xi32, #tpu.memory_space<vmem>> -> memref<125xi32, #tpu.memory_space<vmem>>
      %dma_wait3A_137 = arith.constant 0 : i32
      %dma_wait3A_138 = arith.constant 0 : i32
      %dma_wait3A_139 = tpu.memref_slice %arg5[%dma_wait3A_137, %dma_wait3A_138] : memref<10000x128xf32, #tpu.memory_space<hbm>> -> memref<10000x128xf32, #tpu.memory_space<hbm>>
      tpu.wait_indirect_dma semaphore(%arg19 : memref<!tpu.dma_semaphore, #tpu.memory_space<semaphore_mem>>) src(%dma_wait3A_139 : memref<10000x128xf32, #tpu.memory_space<hbm>>) dst(%arg16 : memref<125x128xf32, #tpu.memory_space<vmem>>)
      %dma_start3A_140 = arith.constant 0 : i32
      %dma_start3A_141 = tpu.memref_slice %arg13[%add3A_133, %dma_start3A_140] : memref<80x125xi32, #tpu.memory_space<vmem>> -> memref<1x125xi32, #tpu.memory_space<vmem>>
      %dma_start3A_142 = tpu.memref_squeeze %dma_start3A_141 : memref<1x125xi32, #tpu.memory_space<vmem>> -> memref<125xi32, #tpu.memory_space<vmem>>
      %dma_start3A_143 = arith.constant 0 : i32
      %dma_start3A_144 = arith.constant 0 : i32
      %dma_start3A_145 = tpu.memref_slice %arg17[%dma_start3A_143, %dma_start3A_144] : memref<5128x128xf32, #tpu.memory_space<vmem_shared>> -> memref<5128x128xf32, #tpu.memory_space<vmem_shared>>
      tpu.enqueue_indirect_dma source(%arg16 : memref<125x128xf32, #tpu.memory_space<vmem>>) target(%dma_start3A_145 : memref<5128x128xf32, #tpu.memory_space<vmem_shared>>) offsets(%dma_start3A_142 : memref<125xi32, #tpu.memory_space<vmem>>) semaphore(%arg21 : memref<!tpu.dma_semaphore, #tpu.memory_space<semaphore_mem>>) {add = true}
      %ge3A_146 = arith.constant 1 : i32
      %ge3A_147 = arith.cmpi sge, %add3A_133, %ge3A_146 : i32
      %convert_element_type3A_148 = arith.extui %ge3A_147 : i1 to i32
      %cond3A_149 = arith.constant 0 : i32
      %cond3A_150 = arith.cmpi ne, %convert_element_type3A_148, %cond3A_149 : i32
      scf.if %cond3A_150 {
        %sub3A = arith.constant 1 : i32
        %sub3A_158 = arith.subi %add3A_133, %sub3A : i32
        %dma_wait3A_159 = arith.constant 0 : i32
        %dma_wait3A_160 = tpu.memref_slice %arg13[%sub3A_158, %dma_wait3A_159] : memref<80x125xi32, #tpu.memory_space<vmem>> -> memref<1x125xi32, #tpu.memory_space<vmem>>
        %dma_wait3A_161 = tpu.memref_squeeze %dma_wait3A_160 : memref<1x125xi32, #tpu.memory_space<vmem>> -> memref<125xi32, #tpu.memory_space<vmem>>
        %dma_wait3A_162 = arith.constant 0 : i32
        %dma_wait3A_163 = arith.constant 0 : i32
        %dma_wait3A_164 = tpu.memref_slice %arg17[%dma_wait3A_162, %dma_wait3A_163] : memref<5128x128xf32, #tpu.memory_space<vmem_shared>> -> memref<5128x128xf32, #tpu.memory_space<vmem_shared>>
        tpu.wait_indirect_dma semaphore(%arg20 : memref<!tpu.dma_semaphore, #tpu.memory_space<semaphore_mem>>) src(%arg15 : memref<125x128xf32, #tpu.memory_space<vmem>>) dst(%dma_wait3A_164 : memref<5128x128xf32, #tpu.memory_space<vmem_shared>>)
      } else {
      }
      %add3A_151 = arith.constant 1 : i32
      %add3A_152 = arith.addi %add3A_133, %add3A_151 : i32
      %lt3A_153 = arith.constant 80 : i32
      %lt3A_154 = arith.cmpi slt, %add3A_152, %lt3A_153 : i32
      %convert_element_type3A_155 = arith.extui %lt3A_154 : i1 to i32
      %cond3A_156 = arith.constant 0 : i32
      %cond3A_157 = arith.cmpi ne, %convert_element_type3A_155, %cond3A_156 : i32
      scf.if %cond3A_157 {
        %add3A_158 = arith.constant 1 : i32
        %add3A_159 = arith.addi %add3A_133, %add3A_158 : i32
        %dma_start3A_160 = arith.constant 0 : i32
        %dma_start3A_161 = tpu.memref_slice %arg12[%add3A_159, %dma_start3A_160] : memref<80x125xi32, #tpu.memory_space<vmem>> -> memref<1x125xi32, #tpu.memory_space<vmem>>
        %dma_start3A_162 = tpu.memref_squeeze %dma_start3A_161 : memref<1x125xi32, #tpu.memory_space<vmem>> -> memref<125xi32, #tpu.memory_space<vmem>>
        %dma_start3A_163 = arith.constant 0 : i32
        %dma_start3A_164 = arith.constant 0 : i32
        %dma_start3A_165 = tpu.memref_slice %arg5[%dma_start3A_163, %dma_start3A_164] : memref<10000x128xf32, #tpu.memory_space<hbm>> -> memref<10000x128xf32, #tpu.memory_space<hbm>>
        tpu.enqueue_indirect_dma source(%dma_start3A_165 : memref<10000x128xf32, #tpu.memory_space<hbm>>) target(%arg15 : memref<125x128xf32, #tpu.memory_space<vmem>>) offsets(%dma_start3A_162 : memref<125xi32, #tpu.memory_space<vmem>>) semaphore(%arg18 : memref<!tpu.dma_semaphore, #tpu.memory_space<semaphore_mem>>)
      } else {
      }
    }
    %scan3A_13 = arith.constant 40 : i32
    %dma_wait3A = arith.constant 79 : i32
    %dma_wait3A_14 = arith.constant 0 : i32
    %dma_wait3A_15 = tpu.memref_slice %arg13[%dma_wait3A, %dma_wait3A_14] : memref<80x125xi32, #tpu.memory_space<vmem>> -> memref<1x125xi32, #tpu.memory_space<vmem>>
    %dma_wait3A_16 = tpu.memref_squeeze %dma_wait3A_15 : memref<1x125xi32, #tpu.memory_space<vmem>> -> memref<125xi32, #tpu.memory_space<vmem>>
    %dma_wait3A_17 = arith.constant 0 : i32
    %dma_wait3A_18 = arith.constant 0 : i32
    %dma_wait3A_19 = tpu.memref_slice %arg17[%dma_wait3A_17, %dma_wait3A_18] : memref<5128x128xf32, #tpu.memory_space<vmem_shared>> -> memref<5128x128xf32, #tpu.memory_space<vmem_shared>>
    tpu.wait_indirect_dma semaphore(%arg21 : memref<!tpu.dma_semaphore, #tpu.memory_space<semaphore_mem>>) src(%arg16 : memref<125x128xf32, #tpu.memory_space<vmem>>) dst(%dma_wait3A_19 : memref<5128x128xf32, #tpu.memory_space<vmem_shared>>)
    %barrier3A_20 = arith.constant 0 : index
    tpu.barrier barrier_id(%barrier3A_20)
    %mul3A_21 = arith.constant 320 : i32
    %mul3A_22 = arith.muli %arg1, %mul3A_21 : i32
    "tpu.region"() ({
      %run_scoped3A = tpu.sem_alloc : memref<!tpu.dma_semaphore, #tpu.memory_space<semaphore_mem>>
      %dma_start3A_105 = arith.constant 0 : i32
      %dma_start3A_106 = arith.constant 0 : i32
      %dma_start3A_107 = tpu.memref_slice %arg8[%add3A, %dma_start3A_105, %dma_start3A_106] : memref<32x320x128xf32, #tpu.memory_space<hbm>> -> memref<1x320x128xf32, #tpu.memory_space<hbm>>
      %dma_start3A_108 = tpu.memref_squeeze %dma_start3A_107 : memref<1x320x128xf32, #tpu.memory_space<hbm>> -> memref<320x128xf32, #tpu.memory_space<hbm>>
      %dma_start3A_109 = arith.constant 0 : i32
      %dma_start3A_110 = tpu.memref_slice %arg17[%mul3A_22, %dma_start3A_109] : memref<5128x128xf32, #tpu.memory_space<vmem_shared>> -> memref<320x128xf32, #tpu.memory_space<vmem_shared>>
      tpu.enqueue_dma source(%dma_start3A_110 : memref<320x128xf32, #tpu.memory_space<vmem_shared>>) target(%dma_start3A_108 : memref<320x128xf32, #tpu.memory_space<hbm>>) target_semaphore(%run_scoped3A : memref<!tpu.dma_semaphore, #tpu.memory_space<semaphore_mem>>)
      %dma_wait3A_111 = arith.constant 0 : i32
      %dma_wait3A_112 = arith.constant 0 : i32
      %dma_wait3A_113 = tpu.memref_slice %arg8[%add3A, %dma_wait3A_111, %dma_wait3A_112] : memref<32x320x128xf32, #tpu.memory_space<hbm>> -> memref<1x320x128xf32, #tpu.memory_space<hbm>>
      %dma_wait3A_114 = tpu.memref_squeeze %dma_wait3A_113 : memref<1x320x128xf32, #tpu.memory_space<hbm>> -> memref<320x128xf32, #tpu.memory_space<hbm>>
      %dma_wait3A_115 = arith.constant 0 : i32
      %dma_wait3A_116 = tpu.memref_slice %arg17[%mul3A_22, %dma_wait3A_115] : memref<5128x128xf32, #tpu.memory_space<vmem_shared>> -> memref<320x128xf32, #tpu.memory_space<vmem_shared>>
      tpu.wait_dma2 semaphore(%run_scoped3A : memref<!tpu.dma_semaphore, #tpu.memory_space<semaphore_mem>>) src(%dma_wait3A_116 : memref<320x128xf32, #tpu.memory_space<vmem_shared>>) dst(%dma_wait3A_114 : memref<320x128xf32, #tpu.memory_space<hbm>>)
      tpu.yield
    }) : () -> ()
    %barrier3A_23 = arith.constant 0 : index
    tpu.barrier barrier_id(%barrier3A_23)
    %mul3A_24 = arith.constant 312 : i32
    %mul3A_25 = arith.muli %arg1, %mul3A_24 : i32
    "tpu.region"() ({
      %run_scoped3A = tpu.sem_alloc : memref<!tpu.dma_semaphore, #tpu.memory_space<semaphore_mem>>
      %dma_start3A_105 = arith.constant 0 : i32
      %dma_start3A_106 = tpu.memref_slice %arg17[%mul3A_25, %dma_start3A_105] : memref<5128x128xf32, #tpu.memory_space<vmem_shared>> -> memref<312x128xf32, #tpu.memory_space<vmem_shared>>
      %dma_start3A_107 = arith.constant 0 : i32
      %dma_start3A_108 = arith.constant 0 : i32
      %dma_start3A_109 = tpu.memref_slice %arg7[%dma_start3A_107, %dma_start3A_108] : memref<320x128xf32, #tpu.memory_space<hbm>> -> memref<312x128xf32, #tpu.memory_space<hbm>>
      tpu.enqueue_dma source(%dma_start3A_109 : memref<312x128xf32, #tpu.memory_space<hbm>>) target(%dma_start3A_106 : memref<312x128xf32, #tpu.memory_space<vmem_shared>>) target_semaphore(%run_scoped3A : memref<!tpu.dma_semaphore, #tpu.memory_space<semaphore_mem>>)
      %dma_wait3A_110 = arith.constant 0 : i32
      %dma_wait3A_111 = tpu.memref_slice %arg17[%mul3A_25, %dma_wait3A_110] : memref<5128x128xf32, #tpu.memory_space<vmem_shared>> -> memref<312x128xf32, #tpu.memory_space<vmem_shared>>
      %dma_wait3A_112 = arith.constant 0 : i32
      %dma_wait3A_113 = arith.constant 0 : i32
      %dma_wait3A_114 = tpu.memref_slice %arg7[%dma_wait3A_112, %dma_wait3A_113] : memref<320x128xf32, #tpu.memory_space<hbm>> -> memref<312x128xf32, #tpu.memory_space<hbm>>
      tpu.wait_dma2 semaphore(%run_scoped3A : memref<!tpu.dma_semaphore, #tpu.memory_space<semaphore_mem>>) src(%dma_wait3A_114 : memref<312x128xf32, #tpu.memory_space<hbm>>) dst(%dma_wait3A_111 : memref<312x128xf32, #tpu.memory_space<vmem_shared>>)
      tpu.yield
    }) : () -> ()
    %barrier3A_26 = arith.constant 0 : index
    tpu.barrier barrier_id(%barrier3A_26)
    %dma_start3A_27 = arith.constant 0 : i32
    %dma_start3A_28 = arith.constant 0 : i32
    %dma_start3A_29 = tpu.memref_slice %arg12[%dma_start3A_27, %dma_start3A_28] : memref<80x125xi32, #tpu.memory_space<vmem>> -> memref<1x125xi32, #tpu.memory_space<vmem>>
    %dma_start3A_30 = tpu.memref_squeeze %dma_start3A_29 : memref<1x125xi32, #tpu.memory_space<vmem>> -> memref<125xi32, #tpu.memory_space<vmem>>
    %dma_start3A_31 = arith.constant 0 : i32
    %dma_start3A_32 = arith.constant 0 : i32
    %dma_start3A_33 = tpu.memref_slice %arg5[%dma_start3A_31, %dma_start3A_32] : memref<10000x128xf32, #tpu.memory_space<hbm>> -> memref<10000x128xf32, #tpu.memory_space<hbm>>
    tpu.enqueue_indirect_dma source(%dma_start3A_33 : memref<10000x128xf32, #tpu.memory_space<hbm>>) target(%arg15 : memref<125x128xf32, #tpu.memory_space<vmem>>) offsets(%dma_start3A_30 : memref<125xi32, #tpu.memory_space<vmem>>) semaphore(%arg18 : memref<!tpu.dma_semaphore, #tpu.memory_space<semaphore_mem>>)
    %scan3A_34 = arith.constant 0 : i32
    %scan3A_35 = arith.constant 0 : i32
    %scan3A_36 = arith.constant 40 : i32
    %scan3A_37 = arith.addi %scan3A_35, %scan3A_36 : i32
    %scan3A_38 = arith.constant 1 : i32
    scf.for %scan3A_105 = %scan3A_35 to %scan3A_37 step %scan3A_38  : i32 {
      %mul3A_106 = arith.constant 2 : i32
      %mul3A_107 = arith.muli %mul3A_106, %scan3A_105 : i32
      %add3A_108 = arith.constant 0 : i32
      %add3A_109 = arith.addi %mul3A_107, %add3A_108 : i32
      %dma_wait3A_110 = arith.constant 0 : i32
      %dma_wait3A_111 = tpu.memref_slice %arg12[%add3A_109, %dma_wait3A_110] : memref<80x125xi32, #tpu.memory_space<vmem>> -> memref<1x125xi32, #tpu.memory_space<vmem>>
      %dma_wait3A_112 = tpu.memref_squeeze %dma_wait3A_111 : memref<1x125xi32, #tpu.memory_space<vmem>> -> memref<125xi32, #tpu.memory_space<vmem>>
      %dma_wait3A_113 = arith.constant 0 : i32
      %dma_wait3A_114 = arith.constant 0 : i32
      %dma_wait3A_115 = tpu.memref_slice %arg5[%dma_wait3A_113, %dma_wait3A_114] : memref<10000x128xf32, #tpu.memory_space<hbm>> -> memref<10000x128xf32, #tpu.memory_space<hbm>>
      tpu.wait_indirect_dma semaphore(%arg18 : memref<!tpu.dma_semaphore, #tpu.memory_space<semaphore_mem>>) src(%dma_wait3A_115 : memref<10000x128xf32, #tpu.memory_space<hbm>>) dst(%arg15 : memref<125x128xf32, #tpu.memory_space<vmem>>)
      %dma_start3A_116 = arith.constant 0 : i32
      %dma_start3A_117 = tpu.memref_slice %arg14[%add3A_109, %dma_start3A_116] : memref<80x125xi32, #tpu.memory_space<vmem>> -> memref<1x125xi32, #tpu.memory_space<vmem>>
      %dma_start3A_118 = tpu.memref_squeeze %dma_start3A_117 : memref<1x125xi32, #tpu.memory_space<vmem>> -> memref<125xi32, #tpu.memory_space<vmem>>
      %dma_start3A_119 = arith.constant 0 : i32
      %dma_start3A_120 = arith.constant 0 : i32
      %dma_start3A_121 = tpu.memref_slice %arg17[%dma_start3A_119, %dma_start3A_120] : memref<5128x128xf32, #tpu.memory_space<vmem_shared>> -> memref<5128x128xf32, #tpu.memory_space<vmem_shared>>
      tpu.enqueue_indirect_dma source(%arg15 : memref<125x128xf32, #tpu.memory_space<vmem>>) target(%dma_start3A_121 : memref<5128x128xf32, #tpu.memory_space<vmem_shared>>) offsets(%dma_start3A_118 : memref<125xi32, #tpu.memory_space<vmem>>) semaphore(%arg20 : memref<!tpu.dma_semaphore, #tpu.memory_space<semaphore_mem>>) {add = true}
      %ge3A = arith.constant 1 : i32
      %ge3A_122 = arith.cmpi sge, %add3A_109, %ge3A : i32
      %convert_element_type3A = arith.extui %ge3A_122 : i1 to i32
      %cond3A = arith.constant 0 : i32
      %cond3A_123 = arith.cmpi ne, %convert_element_type3A, %cond3A : i32
      scf.if %cond3A_123 {
        %sub3A = arith.constant 1 : i32
        %sub3A_158 = arith.subi %add3A_109, %sub3A : i32
        %dma_wait3A_159 = arith.constant 0 : i32
        %dma_wait3A_160 = tpu.memref_slice %arg14[%sub3A_158, %dma_wait3A_159] : memref<80x125xi32, #tpu.memory_space<vmem>> -> memref<1x125xi32, #tpu.memory_space<vmem>>
        %dma_wait3A_161 = tpu.memref_squeeze %dma_wait3A_160 : memref<1x125xi32, #tpu.memory_space<vmem>> -> memref<125xi32, #tpu.memory_space<vmem>>
        %dma_wait3A_162 = arith.constant 0 : i32
        %dma_wait3A_163 = arith.constant 0 : i32
        %dma_wait3A_164 = tpu.memref_slice %arg17[%dma_wait3A_162, %dma_wait3A_163] : memref<5128x128xf32, #tpu.memory_space<vmem_shared>> -> memref<5128x128xf32, #tpu.memory_space<vmem_shared>>
        tpu.wait_indirect_dma semaphore(%arg21 : memref<!tpu.dma_semaphore, #tpu.memory_space<semaphore_mem>>) src(%arg16 : memref<125x128xf32, #tpu.memory_space<vmem>>) dst(%dma_wait3A_164 : memref<5128x128xf32, #tpu.memory_space<vmem_shared>>)
      } else {
      }
      %add3A_124 = arith.constant 1 : i32
      %add3A_125 = arith.addi %add3A_109, %add3A_124 : i32
      %lt3A = arith.constant 80 : i32
      %lt3A_126 = arith.cmpi slt, %add3A_125, %lt3A : i32
      %convert_element_type3A_127 = arith.extui %lt3A_126 : i1 to i32
      %cond3A_128 = arith.constant 0 : i32
      %cond3A_129 = arith.cmpi ne, %convert_element_type3A_127, %cond3A_128 : i32
      scf.if %cond3A_129 {
        %add3A_158 = arith.constant 1 : i32
        %add3A_159 = arith.addi %add3A_109, %add3A_158 : i32
        %dma_start3A_160 = arith.constant 0 : i32
        %dma_start3A_161 = tpu.memref_slice %arg12[%add3A_159, %dma_start3A_160] : memref<80x125xi32, #tpu.memory_space<vmem>> -> memref<1x125xi32, #tpu.memory_space<vmem>>
        %dma_start3A_162 = tpu.memref_squeeze %dma_start3A_161 : memref<1x125xi32, #tpu.memory_space<vmem>> -> memref<125xi32, #tpu.memory_space<vmem>>
        %dma_start3A_163 = arith.constant 0 : i32
        %dma_start3A_164 = arith.constant 0 : i32
        %dma_start3A_165 = tpu.memref_slice %arg5[%dma_start3A_163, %dma_start3A_164] : memref<10000x128xf32, #tpu.memory_space<hbm>> -> memref<10000x128xf32, #tpu.memory_space<hbm>>
        tpu.enqueue_indirect_dma source(%dma_start3A_165 : memref<10000x128xf32, #tpu.memory_space<hbm>>) target(%arg16 : memref<125x128xf32, #tpu.memory_space<vmem>>) offsets(%dma_start3A_162 : memref<125xi32, #tpu.memory_space<vmem>>) semaphore(%arg19 : memref<!tpu.dma_semaphore, #tpu.memory_space<semaphore_mem>>)
      } else {
      }
      %mul3A_130 = arith.constant 2 : i32
      %mul3A_131 = arith.muli %mul3A_130, %scan3A_105 : i32
      %add3A_132 = arith.constant 1 : i32
      %add3A_133 = arith.addi %mul3A_131, %add3A_132 : i32
      %dma_wait3A_134 = arith.constant 0 : i32
      %dma_wait3A_135 = tpu.memref_slice %arg12[%add3A_133, %dma_wait3A_134] : memref<80x125xi32, #tpu.memory_space<vmem>> -> memref<1x125xi32, #tpu.memory_space<vmem>>
      %dma_wait3A_136 = tpu.memref_squeeze %dma_wait3A_135 : memref<1x125xi32, #tpu.memory_space<vmem>> -> memref<125xi32, #tpu.memory_space<vmem>>
      %dma_wait3A_137 = arith.constant 0 : i32
      %dma_wait3A_138 = arith.constant 0 : i32
      %dma_wait3A_139 = tpu.memref_slice %arg5[%dma_wait3A_137, %dma_wait3A_138] : memref<10000x128xf32, #tpu.memory_space<hbm>> -> memref<10000x128xf32, #tpu.memory_space<hbm>>
      tpu.wait_indirect_dma semaphore(%arg19 : memref<!tpu.dma_semaphore, #tpu.memory_space<semaphore_mem>>) src(%dma_wait3A_139 : memref<10000x128xf32, #tpu.memory_space<hbm>>) dst(%arg16 : memref<125x128xf32, #tpu.memory_space<vmem>>)
      %dma_start3A_140 = arith.constant 0 : i32
      %dma_start3A_141 = tpu.memref_slice %arg14[%add3A_133, %dma_start3A_140] : memref<80x125xi32, #tpu.memory_space<vmem>> -> memref<1x125xi32, #tpu.memory_space<vmem>>
      %dma_start3A_142 = tpu.memref_squeeze %dma_start3A_141 : memref<1x125xi32, #tpu.memory_space<vmem>> -> memref<125xi32, #tpu.memory_space<vmem>>
      %dma_start3A_143 = arith.constant 0 : i32
      %dma_start3A_144 = arith.constant 0 : i32
      %dma_start3A_145 = tpu.memref_slice %arg17[%dma_start3A_143, %dma_start3A_144] : memref<5128x128xf32, #tpu.memory_space<vmem_shared>> -> memref<5128x128xf32, #tpu.memory_space<vmem_shared>>
      tpu.enqueue_indirect_dma source(%arg16 : memref<125x128xf32, #tpu.memory_space<vmem>>) target(%dma_start3A_145 : memref<5128x128xf32, #tpu.memory_space<vmem_shared>>) offsets(%dma_start3A_142 : memref<125xi32, #tpu.memory_space<vmem>>) semaphore(%arg21 : memref<!tpu.dma_semaphore, #tpu.memory_space<semaphore_mem>>) {add = true}
      %ge3A_146 = arith.constant 1 : i32
      %ge3A_147 = arith.cmpi sge, %add3A_133, %ge3A_146 : i32
      %convert_element_type3A_148 = arith.extui %ge3A_147 : i1 to i32
      %cond3A_149 = arith.constant 0 : i32
      %cond3A_150 = arith.cmpi ne, %convert_element_type3A_148, %cond3A_149 : i32
      scf.if %cond3A_150 {
        %sub3A = arith.constant 1 : i32
        %sub3A_158 = arith.subi %add3A_133, %sub3A : i32
        %dma_wait3A_159 = arith.constant 0 : i32
        %dma_wait3A_160 = tpu.memref_slice %arg14[%sub3A_158, %dma_wait3A_159] : memref<80x125xi32, #tpu.memory_space<vmem>> -> memref<1x125xi32, #tpu.memory_space<vmem>>
        %dma_wait3A_161 = tpu.memref_squeeze %dma_wait3A_160 : memref<1x125xi32, #tpu.memory_space<vmem>> -> memref<125xi32, #tpu.memory_space<vmem>>
        %dma_wait3A_162 = arith.constant 0 : i32
        %dma_wait3A_163 = arith.constant 0 : i32
        %dma_wait3A_164 = tpu.memref_slice %arg17[%dma_wait3A_162, %dma_wait3A_163] : memref<5128x128xf32, #tpu.memory_space<vmem_shared>> -> memref<5128x128xf32, #tpu.memory_space<vmem_shared>>
        tpu.wait_indirect_dma semaphore(%arg20 : memref<!tpu.dma_semaphore, #tpu.memory_space<semaphore_mem>>) src(%arg15 : memref<125x128xf32, #tpu.memory_space<vmem>>) dst(%dma_wait3A_164 : memref<5128x128xf32, #tpu.memory_space<vmem_shared>>)
      } else {
      }
      %add3A_151 = arith.constant 1 : i32
      %add3A_152 = arith.addi %add3A_133, %add3A_151 : i32
      %lt3A_153 = arith.constant 80 : i32
      %lt3A_154 = arith.cmpi slt, %add3A_152, %lt3A_153 : i32
      %convert_element_type3A_155 = arith.extui %lt3A_154 : i1 to i32
      %cond3A_156 = arith.constant 0 : i32
      %cond3A_157 = arith.cmpi ne, %convert_element_type3A_155, %cond3A_156 : i32
      scf.if %cond3A_157 {
        %add3A_158 = arith.constant 1 : i32
        %add3A_159 = arith.addi %add3A_133, %add3A_158 : i32
        %dma_start3A_160 = arith.constant 0 : i32
        %dma_start3A_161 = tpu.memref_slice %arg12[%add3A_159, %dma_start3A_160] : memref<80x125xi32, #tpu.memory_space<vmem>> -> memref<1x125xi32, #tpu.memory_space<vmem>>
        %dma_start3A_162 = tpu.memref_squeeze %dma_start3A_161 : memref<1x125xi32, #tpu.memory_space<vmem>> -> memref<125xi32, #tpu.memory_space<vmem>>
        %dma_start3A_163 = arith.constant 0 : i32
        %dma_start3A_164 = arith.constant 0 : i32
        %dma_start3A_165 = tpu.memref_slice %arg5[%dma_start3A_163, %dma_start3A_164] : memref<10000x128xf32, #tpu.memory_space<hbm>> -> memref<10000x128xf32, #tpu.memory_space<hbm>>
        tpu.enqueue_indirect_dma source(%dma_start3A_165 : memref<10000x128xf32, #tpu.memory_space<hbm>>) target(%arg15 : memref<125x128xf32, #tpu.memory_space<vmem>>) offsets(%dma_start3A_162 : memref<125xi32, #tpu.memory_space<vmem>>) semaphore(%arg18 : memref<!tpu.dma_semaphore, #tpu.memory_space<semaphore_mem>>)
      } else {
      }
    }
    %scan3A_39 = arith.constant 40 : i32
    %dma_wait3A_40 = arith.constant 79 : i32
    %dma_wait3A_41 = arith.constant 0 : i32
    %dma_wait3A_42 = tpu.memref_slice %arg14[%dma_wait3A_40, %dma_wait3A_41] : memref<80x125xi32, #tpu.memory_space<vmem>> -> memref<1x125xi32, #tpu.memory_space<vmem>>
    %dma_wait3A_43 = tpu.memref_squeeze %dma_wait3A_42 : memref<1x125xi32, #tpu.memory_space<vmem>> -> memref<125xi32, #tpu.memory_space<vmem>>
    %dma_wait3A_44 = arith.constant 0 : i32
    %dma_wait3A_45 = arith.constant 0 : i32
    %dma_wait3A_46 = tpu.memref_slice %arg17[%dma_wait3A_44, %dma_wait3A_45] : memref<5128x128xf32, #tpu.memory_space<vmem_shared>> -> memref<5128x128xf32, #tpu.memory_space<vmem_shared>>
    tpu.wait_indirect_dma semaphore(%arg21 : memref<!tpu.dma_semaphore, #tpu.memory_space<semaphore_mem>>) src(%arg16 : memref<125x128xf32, #tpu.memory_space<vmem>>) dst(%dma_wait3A_46 : memref<5128x128xf32, #tpu.memory_space<vmem_shared>>)
    %barrier3A_47 = arith.constant 0 : index
    tpu.barrier barrier_id(%barrier3A_47)
    %mul3A_48 = arith.constant 312 : i32
    %mul3A_49 = arith.muli %arg1, %mul3A_48 : i32
    "tpu.region"() ({
      %run_scoped3A = tpu.sem_alloc : memref<!tpu.dma_semaphore, #tpu.memory_space<semaphore_mem>>
      %dma_start3A_105 = arith.constant 0 : i32
      %dma_start3A_106 = arith.constant 0 : i32
      %dma_start3A_107 = tpu.memref_slice %arg9[%add3A, %dma_start3A_105, %dma_start3A_106] : memref<32x312x128xf32, #tpu.memory_space<hbm>> -> memref<1x312x128xf32, #tpu.memory_space<hbm>>
      %dma_start3A_108 = tpu.memref_squeeze %dma_start3A_107 : memref<1x312x128xf32, #tpu.memory_space<hbm>> -> memref<312x128xf32, #tpu.memory_space<hbm>>
      %dma_start3A_109 = arith.constant 0 : i32
      %dma_start3A_110 = tpu.memref_slice %arg17[%mul3A_49, %dma_start3A_109] : memref<5128x128xf32, #tpu.memory_space<vmem_shared>> -> memref<312x128xf32, #tpu.memory_space<vmem_shared>>
      tpu.enqueue_dma source(%dma_start3A_110 : memref<312x128xf32, #tpu.memory_space<vmem_shared>>) target(%dma_start3A_108 : memref<312x128xf32, #tpu.memory_space<hbm>>) target_semaphore(%run_scoped3A : memref<!tpu.dma_semaphore, #tpu.memory_space<semaphore_mem>>)
      %dma_wait3A_111 = arith.constant 0 : i32
      %dma_wait3A_112 = arith.constant 0 : i32
      %dma_wait3A_113 = tpu.memref_slice %arg9[%add3A, %dma_wait3A_111, %dma_wait3A_112] : memref<32x312x128xf32, #tpu.memory_space<hbm>> -> memref<1x312x128xf32, #tpu.memory_space<hbm>>
      %dma_wait3A_114 = tpu.memref_squeeze %dma_wait3A_113 : memref<1x312x128xf32, #tpu.memory_space<hbm>> -> memref<312x128xf32, #tpu.memory_space<hbm>>
      %dma_wait3A_115 = arith.constant 0 : i32
      %dma_wait3A_116 = tpu.memref_slice %arg17[%mul3A_49, %dma_wait3A_115] : memref<5128x128xf32, #tpu.memory_space<vmem_shared>> -> memref<312x128xf32, #tpu.memory_space<vmem_shared>>
      tpu.wait_dma2 semaphore(%run_scoped3A : memref<!tpu.dma_semaphore, #tpu.memory_space<semaphore_mem>>) src(%dma_wait3A_116 : memref<312x128xf32, #tpu.memory_space<vmem_shared>>) dst(%dma_wait3A_114 : memref<312x128xf32, #tpu.memory_space<hbm>>)
      tpu.yield
    }) : () -> ()
    %barrier3A_50 = arith.constant 0 : index
    tpu.barrier barrier_id(%barrier3A_50)
    %mul3A_51 = arith.constant 320 : i32
    %mul3A_52 = arith.muli %arg1, %mul3A_51 : i32
    "tpu.region"() ({
      %run_scoped3A = tpu.sem_alloc : memref<!tpu.dma_semaphore, #tpu.memory_space<semaphore_mem>>
      %dma_start3A_105 = arith.constant 0 : i32
      %dma_start3A_106 = tpu.memref_slice %arg17[%mul3A_52, %dma_start3A_105] : memref<5128x128xf32, #tpu.memory_space<vmem_shared>> -> memref<320x128xf32, #tpu.memory_space<vmem_shared>>
      %dma_start3A_107 = arith.constant 0 : i32
      %dma_start3A_108 = arith.constant 0 : i32
      %dma_start3A_109 = tpu.memref_slice %arg7[%dma_start3A_107, %dma_start3A_108] : memref<320x128xf32, #tpu.memory_space<hbm>> -> memref<320x128xf32, #tpu.memory_space<hbm>>
      tpu.enqueue_dma source(%dma_start3A_109 : memref<320x128xf32, #tpu.memory_space<hbm>>) target(%dma_start3A_106 : memref<320x128xf32, #tpu.memory_space<vmem_shared>>) target_semaphore(%run_scoped3A : memref<!tpu.dma_semaphore, #tpu.memory_space<semaphore_mem>>)
      %dma_wait3A_110 = arith.constant 0 : i32
      %dma_wait3A_111 = tpu.memref_slice %arg17[%mul3A_52, %dma_wait3A_110] : memref<5128x128xf32, #tpu.memory_space<vmem_shared>> -> memref<320x128xf32, #tpu.memory_space<vmem_shared>>
      %dma_wait3A_112 = arith.constant 0 : i32
      %dma_wait3A_113 = arith.constant 0 : i32
      %dma_wait3A_114 = tpu.memref_slice %arg7[%dma_wait3A_112, %dma_wait3A_113] : memref<320x128xf32, #tpu.memory_space<hbm>> -> memref<320x128xf32, #tpu.memory_space<hbm>>
      tpu.wait_dma2 semaphore(%run_scoped3A : memref<!tpu.dma_semaphore, #tpu.memory_space<semaphore_mem>>) src(%dma_wait3A_114 : memref<320x128xf32, #tpu.memory_space<hbm>>) dst(%dma_wait3A_111 : memref<320x128xf32, #tpu.memory_space<vmem_shared>>)
      tpu.yield
    }) : () -> ()
    %barrier3A_53 = arith.constant 0 : index
    tpu.barrier barrier_id(%barrier3A_53)
    %dma_start3A_54 = arith.constant 0 : i32
    %dma_start3A_55 = arith.constant 0 : i32
    %dma_start3A_56 = tpu.memref_slice %arg12[%dma_start3A_54, %dma_start3A_55] : memref<80x125xi32, #tpu.memory_space<vmem>> -> memref<1x125xi32, #tpu.memory_space<vmem>>
    %dma_start3A_57 = tpu.memref_squeeze %dma_start3A_56 : memref<1x125xi32, #tpu.memory_space<vmem>> -> memref<125xi32, #tpu.memory_space<vmem>>
    %dma_start3A_58 = arith.constant 0 : i32
    %dma_start3A_59 = arith.constant 0 : i32
    %dma_start3A_60 = tpu.memref_slice %arg6[%dma_start3A_58, %dma_start3A_59] : memref<10000x128xf32, #tpu.memory_space<hbm>> -> memref<10000x128xf32, #tpu.memory_space<hbm>>
    tpu.enqueue_indirect_dma source(%dma_start3A_60 : memref<10000x128xf32, #tpu.memory_space<hbm>>) target(%arg15 : memref<125x128xf32, #tpu.memory_space<vmem>>) offsets(%dma_start3A_57 : memref<125xi32, #tpu.memory_space<vmem>>) semaphore(%arg18 : memref<!tpu.dma_semaphore, #tpu.memory_space<semaphore_mem>>)
    %scan3A_61 = arith.constant 0 : i32
    %scan3A_62 = arith.constant 0 : i32
    %scan3A_63 = arith.constant 40 : i32
    %scan3A_64 = arith.addi %scan3A_62, %scan3A_63 : i32
    %scan3A_65 = arith.constant 1 : i32
    scf.for %scan3A_105 = %scan3A_62 to %scan3A_64 step %scan3A_65  : i32 {
      %mul3A_106 = arith.constant 2 : i32
      %mul3A_107 = arith.muli %mul3A_106, %scan3A_105 : i32
      %add3A_108 = arith.constant 0 : i32
      %add3A_109 = arith.addi %mul3A_107, %add3A_108 : i32
      %dma_wait3A_110 = arith.constant 0 : i32
      %dma_wait3A_111 = tpu.memref_slice %arg12[%add3A_109, %dma_wait3A_110] : memref<80x125xi32, #tpu.memory_space<vmem>> -> memref<1x125xi32, #tpu.memory_space<vmem>>
      %dma_wait3A_112 = tpu.memref_squeeze %dma_wait3A_111 : memref<1x125xi32, #tpu.memory_space<vmem>> -> memref<125xi32, #tpu.memory_space<vmem>>
      %dma_wait3A_113 = arith.constant 0 : i32
      %dma_wait3A_114 = arith.constant 0 : i32
      %dma_wait3A_115 = tpu.memref_slice %arg6[%dma_wait3A_113, %dma_wait3A_114] : memref<10000x128xf32, #tpu.memory_space<hbm>> -> memref<10000x128xf32, #tpu.memory_space<hbm>>
      tpu.wait_indirect_dma semaphore(%arg18 : memref<!tpu.dma_semaphore, #tpu.memory_space<semaphore_mem>>) src(%dma_wait3A_115 : memref<10000x128xf32, #tpu.memory_space<hbm>>) dst(%arg15 : memref<125x128xf32, #tpu.memory_space<vmem>>)
      %dma_start3A_116 = arith.constant 0 : i32
      %dma_start3A_117 = tpu.memref_slice %arg13[%add3A_109, %dma_start3A_116] : memref<80x125xi32, #tpu.memory_space<vmem>> -> memref<1x125xi32, #tpu.memory_space<vmem>>
      %dma_start3A_118 = tpu.memref_squeeze %dma_start3A_117 : memref<1x125xi32, #tpu.memory_space<vmem>> -> memref<125xi32, #tpu.memory_space<vmem>>
      %dma_start3A_119 = arith.constant 0 : i32
      %dma_start3A_120 = arith.constant 0 : i32
      %dma_start3A_121 = tpu.memref_slice %arg17[%dma_start3A_119, %dma_start3A_120] : memref<5128x128xf32, #tpu.memory_space<vmem_shared>> -> memref<5128x128xf32, #tpu.memory_space<vmem_shared>>
      tpu.enqueue_indirect_dma source(%arg15 : memref<125x128xf32, #tpu.memory_space<vmem>>) target(%dma_start3A_121 : memref<5128x128xf32, #tpu.memory_space<vmem_shared>>) offsets(%dma_start3A_118 : memref<125xi32, #tpu.memory_space<vmem>>) semaphore(%arg20 : memref<!tpu.dma_semaphore, #tpu.memory_space<semaphore_mem>>) {add = true}
      %ge3A = arith.constant 1 : i32
      %ge3A_122 = arith.cmpi sge, %add3A_109, %ge3A : i32
      %convert_element_type3A = arith.extui %ge3A_122 : i1 to i32
      %cond3A = arith.constant 0 : i32
      %cond3A_123 = arith.cmpi ne, %convert_element_type3A, %cond3A : i32
      scf.if %cond3A_123 {
        %sub3A = arith.constant 1 : i32
        %sub3A_158 = arith.subi %add3A_109, %sub3A : i32
        %dma_wait3A_159 = arith.constant 0 : i32
        %dma_wait3A_160 = tpu.memref_slice %arg13[%sub3A_158, %dma_wait3A_159] : memref<80x125xi32, #tpu.memory_space<vmem>> -> memref<1x125xi32, #tpu.memory_space<vmem>>
        %dma_wait3A_161 = tpu.memref_squeeze %dma_wait3A_160 : memref<1x125xi32, #tpu.memory_space<vmem>> -> memref<125xi32, #tpu.memory_space<vmem>>
        %dma_wait3A_162 = arith.constant 0 : i32
        %dma_wait3A_163 = arith.constant 0 : i32
        %dma_wait3A_164 = tpu.memref_slice %arg17[%dma_wait3A_162, %dma_wait3A_163] : memref<5128x128xf32, #tpu.memory_space<vmem_shared>> -> memref<5128x128xf32, #tpu.memory_space<vmem_shared>>
        tpu.wait_indirect_dma semaphore(%arg21 : memref<!tpu.dma_semaphore, #tpu.memory_space<semaphore_mem>>) src(%arg16 : memref<125x128xf32, #tpu.memory_space<vmem>>) dst(%dma_wait3A_164 : memref<5128x128xf32, #tpu.memory_space<vmem_shared>>)
      } else {
      }
      %add3A_124 = arith.constant 1 : i32
      %add3A_125 = arith.addi %add3A_109, %add3A_124 : i32
      %lt3A = arith.constant 80 : i32
      %lt3A_126 = arith.cmpi slt, %add3A_125, %lt3A : i32
      %convert_element_type3A_127 = arith.extui %lt3A_126 : i1 to i32
      %cond3A_128 = arith.constant 0 : i32
      %cond3A_129 = arith.cmpi ne, %convert_element_type3A_127, %cond3A_128 : i32
      scf.if %cond3A_129 {
        %add3A_158 = arith.constant 1 : i32
        %add3A_159 = arith.addi %add3A_109, %add3A_158 : i32
        %dma_start3A_160 = arith.constant 0 : i32
        %dma_start3A_161 = tpu.memref_slice %arg12[%add3A_159, %dma_start3A_160] : memref<80x125xi32, #tpu.memory_space<vmem>> -> memref<1x125xi32, #tpu.memory_space<vmem>>
        %dma_start3A_162 = tpu.memref_squeeze %dma_start3A_161 : memref<1x125xi32, #tpu.memory_space<vmem>> -> memref<125xi32, #tpu.memory_space<vmem>>
        %dma_start3A_163 = arith.constant 0 : i32
        %dma_start3A_164 = arith.constant 0 : i32
        %dma_start3A_165 = tpu.memref_slice %arg6[%dma_start3A_163, %dma_start3A_164] : memref<10000x128xf32, #tpu.memory_space<hbm>> -> memref<10000x128xf32, #tpu.memory_space<hbm>>
        tpu.enqueue_indirect_dma source(%dma_start3A_165 : memref<10000x128xf32, #tpu.memory_space<hbm>>) target(%arg16 : memref<125x128xf32, #tpu.memory_space<vmem>>) offsets(%dma_start3A_162 : memref<125xi32, #tpu.memory_space<vmem>>) semaphore(%arg19 : memref<!tpu.dma_semaphore, #tpu.memory_space<semaphore_mem>>)
      } else {
      }
      %mul3A_130 = arith.constant 2 : i32
      %mul3A_131 = arith.muli %mul3A_130, %scan3A_105 : i32
      %add3A_132 = arith.constant 1 : i32
      %add3A_133 = arith.addi %mul3A_131, %add3A_132 : i32
      %dma_wait3A_134 = arith.constant 0 : i32
      %dma_wait3A_135 = tpu.memref_slice %arg12[%add3A_133, %dma_wait3A_134] : memref<80x125xi32, #tpu.memory_space<vmem>> -> memref<1x125xi32, #tpu.memory_space<vmem>>
      %dma_wait3A_136 = tpu.memref_squeeze %dma_wait3A_135 : memref<1x125xi32, #tpu.memory_space<vmem>> -> memref<125xi32, #tpu.memory_space<vmem>>
      %dma_wait3A_137 = arith.constant 0 : i32
      %dma_wait3A_138 = arith.constant 0 : i32
      %dma_wait3A_139 = tpu.memref_slice %arg6[%dma_wait3A_137, %dma_wait3A_138] : memref<10000x128xf32, #tpu.memory_space<hbm>> -> memref<10000x128xf32, #tpu.memory_space<hbm>>
      tpu.wait_indirect_dma semaphore(%arg19 : memref<!tpu.dma_semaphore, #tpu.memory_space<semaphore_mem>>) src(%dma_wait3A_139 : memref<10000x128xf32, #tpu.memory_space<hbm>>) dst(%arg16 : memref<125x128xf32, #tpu.memory_space<vmem>>)
      %dma_start3A_140 = arith.constant 0 : i32
      %dma_start3A_141 = tpu.memref_slice %arg13[%add3A_133, %dma_start3A_140] : memref<80x125xi32, #tpu.memory_space<vmem>> -> memref<1x125xi32, #tpu.memory_space<vmem>>
      %dma_start3A_142 = tpu.memref_squeeze %dma_start3A_141 : memref<1x125xi32, #tpu.memory_space<vmem>> -> memref<125xi32, #tpu.memory_space<vmem>>
      %dma_start3A_143 = arith.constant 0 : i32
      %dma_start3A_144 = arith.constant 0 : i32
      %dma_start3A_145 = tpu.memref_slice %arg17[%dma_start3A_143, %dma_start3A_144] : memref<5128x128xf32, #tpu.memory_space<vmem_shared>> -> memref<5128x128xf32, #tpu.memory_space<vmem_shared>>
      tpu.enqueue_indirect_dma source(%arg16 : memref<125x128xf32, #tpu.memory_space<vmem>>) target(%dma_start3A_145 : memref<5128x128xf32, #tpu.memory_space<vmem_shared>>) offsets(%dma_start3A_142 : memref<125xi32, #tpu.memory_space<vmem>>) semaphore(%arg21 : memref<!tpu.dma_semaphore, #tpu.memory_space<semaphore_mem>>) {add = true}
      %ge3A_146 = arith.constant 1 : i32
      %ge3A_147 = arith.cmpi sge, %add3A_133, %ge3A_146 : i32
      %convert_element_type3A_148 = arith.extui %ge3A_147 : i1 to i32
      %cond3A_149 = arith.constant 0 : i32
      %cond3A_150 = arith.cmpi ne, %convert_element_type3A_148, %cond3A_149 : i32
      scf.if %cond3A_150 {
        %sub3A = arith.constant 1 : i32
        %sub3A_158 = arith.subi %add3A_133, %sub3A : i32
        %dma_wait3A_159 = arith.constant 0 : i32
        %dma_wait3A_160 = tpu.memref_slice %arg13[%sub3A_158, %dma_wait3A_159] : memref<80x125xi32, #tpu.memory_space<vmem>> -> memref<1x125xi32, #tpu.memory_space<vmem>>
        %dma_wait3A_161 = tpu.memref_squeeze %dma_wait3A_160 : memref<1x125xi32, #tpu.memory_space<vmem>> -> memref<125xi32, #tpu.memory_space<vmem>>
        %dma_wait3A_162 = arith.constant 0 : i32
        %dma_wait3A_163 = arith.constant 0 : i32
        %dma_wait3A_164 = tpu.memref_slice %arg17[%dma_wait3A_162, %dma_wait3A_163] : memref<5128x128xf32, #tpu.memory_space<vmem_shared>> -> memref<5128x128xf32, #tpu.memory_space<vmem_shared>>
        tpu.wait_indirect_dma semaphore(%arg20 : memref<!tpu.dma_semaphore, #tpu.memory_space<semaphore_mem>>) src(%arg15 : memref<125x128xf32, #tpu.memory_space<vmem>>) dst(%dma_wait3A_164 : memref<5128x128xf32, #tpu.memory_space<vmem_shared>>)
      } else {
      }
      %add3A_151 = arith.constant 1 : i32
      %add3A_152 = arith.addi %add3A_133, %add3A_151 : i32
      %lt3A_153 = arith.constant 80 : i32
      %lt3A_154 = arith.cmpi slt, %add3A_152, %lt3A_153 : i32
      %convert_element_type3A_155 = arith.extui %lt3A_154 : i1 to i32
      %cond3A_156 = arith.constant 0 : i32
      %cond3A_157 = arith.cmpi ne, %convert_element_type3A_155, %cond3A_156 : i32
      scf.if %cond3A_157 {
        %add3A_158 = arith.constant 1 : i32
        %add3A_159 = arith.addi %add3A_133, %add3A_158 : i32
        %dma_start3A_160 = arith.constant 0 : i32
        %dma_start3A_161 = tpu.memref_slice %arg12[%add3A_159, %dma_start3A_160] : memref<80x125xi32, #tpu.memory_space<vmem>> -> memref<1x125xi32, #tpu.memory_space<vmem>>
        %dma_start3A_162 = tpu.memref_squeeze %dma_start3A_161 : memref<1x125xi32, #tpu.memory_space<vmem>> -> memref<125xi32, #tpu.memory_space<vmem>>
        %dma_start3A_163 = arith.constant 0 : i32
        %dma_start3A_164 = arith.constant 0 : i32
        %dma_start3A_165 = tpu.memref_slice %arg6[%dma_start3A_163, %dma_start3A_164] : memref<10000x128xf32, #tpu.memory_space<hbm>> -> memref<10000x128xf32, #tpu.memory_space<hbm>>
        tpu.enqueue_indirect_dma source(%dma_start3A_165 : memref<10000x128xf32, #tpu.memory_space<hbm>>) target(%arg15 : memref<125x128xf32, #tpu.memory_space<vmem>>) offsets(%dma_start3A_162 : memref<125xi32, #tpu.memory_space<vmem>>) semaphore(%arg18 : memref<!tpu.dma_semaphore, #tpu.memory_space<semaphore_mem>>)
      } else {
      }
    }
    %scan3A_66 = arith.constant 40 : i32
    %dma_wait3A_67 = arith.constant 79 : i32
    %dma_wait3A_68 = arith.constant 0 : i32
    %dma_wait3A_69 = tpu.memref_slice %arg13[%dma_wait3A_67, %dma_wait3A_68] : memref<80x125xi32, #tpu.memory_space<vmem>> -> memref<1x125xi32, #tpu.memory_space<vmem>>
    %dma_wait3A_70 = tpu.memref_squeeze %dma_wait3A_69 : memref<1x125xi32, #tpu.memory_space<vmem>> -> memref<125xi32, #tpu.memory_space<vmem>>
    %dma_wait3A_71 = arith.constant 0 : i32
    %dma_wait3A_72 = arith.constant 0 : i32
    %dma_wait3A_73 = tpu.memref_slice %arg17[%dma_wait3A_71, %dma_wait3A_72] : memref<5128x128xf32, #tpu.memory_space<vmem_shared>> -> memref<5128x128xf32, #tpu.memory_space<vmem_shared>>
    tpu.wait_indirect_dma semaphore(%arg21 : memref<!tpu.dma_semaphore, #tpu.memory_space<semaphore_mem>>) src(%arg16 : memref<125x128xf32, #tpu.memory_space<vmem>>) dst(%dma_wait3A_73 : memref<5128x128xf32, #tpu.memory_space<vmem_shared>>)
    %barrier3A_74 = arith.constant 0 : index
    tpu.barrier barrier_id(%barrier3A_74)
    %mul3A_75 = arith.constant 320 : i32
    %mul3A_76 = arith.muli %arg1, %mul3A_75 : i32
    "tpu.region"() ({
      %run_scoped3A = tpu.sem_alloc : memref<!tpu.dma_semaphore, #tpu.memory_space<semaphore_mem>>
      %dma_start3A_105 = arith.constant 0 : i32
      %dma_start3A_106 = arith.constant 0 : i32
      %dma_start3A_107 = tpu.memref_slice %arg10[%add3A, %dma_start3A_105, %dma_start3A_106] : memref<32x320x128xf32, #tpu.memory_space<hbm>> -> memref<1x320x128xf32, #tpu.memory_space<hbm>>
      %dma_start3A_108 = tpu.memref_squeeze %dma_start3A_107 : memref<1x320x128xf32, #tpu.memory_space<hbm>> -> memref<320x128xf32, #tpu.memory_space<hbm>>
      %dma_start3A_109 = arith.constant 0 : i32
      %dma_start3A_110 = tpu.memref_slice %arg17[%mul3A_76, %dma_start3A_109] : memref<5128x128xf32, #tpu.memory_space<vmem_shared>> -> memref<320x128xf32, #tpu.memory_space<vmem_shared>>
      tpu.enqueue_dma source(%dma_start3A_110 : memref<320x128xf32, #tpu.memory_space<vmem_shared>>) target(%dma_start3A_108 : memref<320x128xf32, #tpu.memory_space<hbm>>) target_semaphore(%run_scoped3A : memref<!tpu.dma_semaphore, #tpu.memory_space<semaphore_mem>>)
      %dma_wait3A_111 = arith.constant 0 : i32
      %dma_wait3A_112 = arith.constant 0 : i32
      %dma_wait3A_113 = tpu.memref_slice %arg10[%add3A, %dma_wait3A_111, %dma_wait3A_112] : memref<32x320x128xf32, #tpu.memory_space<hbm>> -> memref<1x320x128xf32, #tpu.memory_space<hbm>>
      %dma_wait3A_114 = tpu.memref_squeeze %dma_wait3A_113 : memref<1x320x128xf32, #tpu.memory_space<hbm>> -> memref<320x128xf32, #tpu.memory_space<hbm>>
      %dma_wait3A_115 = arith.constant 0 : i32
      %dma_wait3A_116 = tpu.memref_slice %arg17[%mul3A_76, %dma_wait3A_115] : memref<5128x128xf32, #tpu.memory_space<vmem_shared>> -> memref<320x128xf32, #tpu.memory_space<vmem_shared>>
      tpu.wait_dma2 semaphore(%run_scoped3A : memref<!tpu.dma_semaphore, #tpu.memory_space<semaphore_mem>>) src(%dma_wait3A_116 : memref<320x128xf32, #tpu.memory_space<vmem_shared>>) dst(%dma_wait3A_114 : memref<320x128xf32, #tpu.memory_space<hbm>>)
      tpu.yield
    }) : () -> ()
    %barrier3A_77 = arith.constant 0 : index
    tpu.barrier barrier_id(%barrier3A_77)
    %mul3A_78 = arith.constant 312 : i32
    %mul3A_79 = arith.muli %arg1, %mul3A_78 : i32
    "tpu.region"() ({
      %run_scoped3A = tpu.sem_alloc : memref<!tpu.dma_semaphore, #tpu.memory_space<semaphore_mem>>
      %dma_start3A_105 = arith.constant 0 : i32
      %dma_start3A_106 = tpu.memref_slice %arg17[%mul3A_79, %dma_start3A_105] : memref<5128x128xf32, #tpu.memory_space<vmem_shared>> -> memref<312x128xf32, #tpu.memory_space<vmem_shared>>
      %dma_start3A_107 = arith.constant 0 : i32
      %dma_start3A_108 = arith.constant 0 : i32
      %dma_start3A_109 = tpu.memref_slice %arg7[%dma_start3A_107, %dma_start3A_108] : memref<320x128xf32, #tpu.memory_space<hbm>> -> memref<312x128xf32, #tpu.memory_space<hbm>>
      tpu.enqueue_dma source(%dma_start3A_109 : memref<312x128xf32, #tpu.memory_space<hbm>>) target(%dma_start3A_106 : memref<312x128xf32, #tpu.memory_space<vmem_shared>>) target_semaphore(%run_scoped3A : memref<!tpu.dma_semaphore, #tpu.memory_space<semaphore_mem>>)
      %dma_wait3A_110 = arith.constant 0 : i32
      %dma_wait3A_111 = tpu.memref_slice %arg17[%mul3A_79, %dma_wait3A_110] : memref<5128x128xf32, #tpu.memory_space<vmem_shared>> -> memref<312x128xf32, #tpu.memory_space<vmem_shared>>
      %dma_wait3A_112 = arith.constant 0 : i32
      %dma_wait3A_113 = arith.constant 0 : i32
      %dma_wait3A_114 = tpu.memref_slice %arg7[%dma_wait3A_112, %dma_wait3A_113] : memref<320x128xf32, #tpu.memory_space<hbm>> -> memref<312x128xf32, #tpu.memory_space<hbm>>
      tpu.wait_dma2 semaphore(%run_scoped3A : memref<!tpu.dma_semaphore, #tpu.memory_space<semaphore_mem>>) src(%dma_wait3A_114 : memref<312x128xf32, #tpu.memory_space<hbm>>) dst(%dma_wait3A_111 : memref<312x128xf32, #tpu.memory_space<vmem_shared>>)
      tpu.yield
    }) : () -> ()
    %barrier3A_80 = arith.constant 0 : index
    tpu.barrier barrier_id(%barrier3A_80)
    %dma_start3A_81 = arith.constant 0 : i32
    %dma_start3A_82 = arith.constant 0 : i32
    %dma_start3A_83 = tpu.memref_slice %arg12[%dma_start3A_81, %dma_start3A_82] : memref<80x125xi32, #tpu.memory_space<vmem>> -> memref<1x125xi32, #tpu.memory_space<vmem>>
    %dma_start3A_84 = tpu.memref_squeeze %dma_start3A_83 : memref<1x125xi32, #tpu.memory_space<vmem>> -> memref<125xi32, #tpu.memory_space<vmem>>
    %dma_start3A_85 = arith.constant 0 : i32
    %dma_start3A_86 = arith.constant 0 : i32
    %dma_start3A_87 = tpu.memref_slice %arg6[%dma_start3A_85, %dma_start3A_86] : memref<10000x128xf32, #tpu.memory_space<hbm>> -> memref<10000x128xf32, #tpu.memory_space<hbm>>
    tpu.enqueue_indirect_dma source(%dma_start3A_87 : memref<10000x128xf32, #tpu.memory_space<hbm>>) target(%arg15 : memref<125x128xf32, #tpu.memory_space<vmem>>) offsets(%dma_start3A_84 : memref<125xi32, #tpu.memory_space<vmem>>) semaphore(%arg18 : memref<!tpu.dma_semaphore, #tpu.memory_space<semaphore_mem>>)
    %scan3A_88 = arith.constant 0 : i32
    %scan3A_89 = arith.constant 0 : i32
    %scan3A_90 = arith.constant 40 : i32
    %scan3A_91 = arith.addi %scan3A_89, %scan3A_90 : i32
    %scan3A_92 = arith.constant 1 : i32
    scf.for %scan3A_105 = %scan3A_89 to %scan3A_91 step %scan3A_92  : i32 {
      %mul3A_106 = arith.constant 2 : i32
      %mul3A_107 = arith.muli %mul3A_106, %scan3A_105 : i32
      %add3A_108 = arith.constant 0 : i32
      %add3A_109 = arith.addi %mul3A_107, %add3A_108 : i32
      %dma_wait3A_110 = arith.constant 0 : i32
      %dma_wait3A_111 = tpu.memref_slice %arg12[%add3A_109, %dma_wait3A_110] : memref<80x125xi32, #tpu.memory_space<vmem>> -> memref<1x125xi32, #tpu.memory_space<vmem>>
      %dma_wait3A_112 = tpu.memref_squeeze %dma_wait3A_111 : memref<1x125xi32, #tpu.memory_space<vmem>> -> memref<125xi32, #tpu.memory_space<vmem>>
      %dma_wait3A_113 = arith.constant 0 : i32
      %dma_wait3A_114 = arith.constant 0 : i32
      %dma_wait3A_115 = tpu.memref_slice %arg6[%dma_wait3A_113, %dma_wait3A_114] : memref<10000x128xf32, #tpu.memory_space<hbm>> -> memref<10000x128xf32, #tpu.memory_space<hbm>>
      tpu.wait_indirect_dma semaphore(%arg18 : memref<!tpu.dma_semaphore, #tpu.memory_space<semaphore_mem>>) src(%dma_wait3A_115 : memref<10000x128xf32, #tpu.memory_space<hbm>>) dst(%arg15 : memref<125x128xf32, #tpu.memory_space<vmem>>)
      %dma_start3A_116 = arith.constant 0 : i32
      %dma_start3A_117 = tpu.memref_slice %arg14[%add3A_109, %dma_start3A_116] : memref<80x125xi32, #tpu.memory_space<vmem>> -> memref<1x125xi32, #tpu.memory_space<vmem>>
      %dma_start3A_118 = tpu.memref_squeeze %dma_start3A_117 : memref<1x125xi32, #tpu.memory_space<vmem>> -> memref<125xi32, #tpu.memory_space<vmem>>
      %dma_start3A_119 = arith.constant 0 : i32
      %dma_start3A_120 = arith.constant 0 : i32
      %dma_start3A_121 = tpu.memref_slice %arg17[%dma_start3A_119, %dma_start3A_120] : memref<5128x128xf32, #tpu.memory_space<vmem_shared>> -> memref<5128x128xf32, #tpu.memory_space<vmem_shared>>
      tpu.enqueue_indirect_dma source(%arg15 : memref<125x128xf32, #tpu.memory_space<vmem>>) target(%dma_start3A_121 : memref<5128x128xf32, #tpu.memory_space<vmem_shared>>) offsets(%dma_start3A_118 : memref<125xi32, #tpu.memory_space<vmem>>) semaphore(%arg20 : memref<!tpu.dma_semaphore, #tpu.memory_space<semaphore_mem>>) {add = true}
      %ge3A = arith.constant 1 : i32
      %ge3A_122 = arith.cmpi sge, %add3A_109, %ge3A : i32
      %convert_element_type3A = arith.extui %ge3A_122 : i1 to i32
      %cond3A = arith.constant 0 : i32
      %cond3A_123 = arith.cmpi ne, %convert_element_type3A, %cond3A : i32
      scf.if %cond3A_123 {
        %sub3A = arith.constant 1 : i32
        %sub3A_158 = arith.subi %add3A_109, %sub3A : i32
        %dma_wait3A_159 = arith.constant 0 : i32
        %dma_wait3A_160 = tpu.memref_slice %arg14[%sub3A_158, %dma_wait3A_159] : memref<80x125xi32, #tpu.memory_space<vmem>> -> memref<1x125xi32, #tpu.memory_space<vmem>>
        %dma_wait3A_161 = tpu.memref_squeeze %dma_wait3A_160 : memref<1x125xi32, #tpu.memory_space<vmem>> -> memref<125xi32, #tpu.memory_space<vmem>>
        %dma_wait3A_162 = arith.constant 0 : i32
        %dma_wait3A_163 = arith.constant 0 : i32
        %dma_wait3A_164 = tpu.memref_slice %arg17[%dma_wait3A_162, %dma_wait3A_163] : memref<5128x128xf32, #tpu.memory_space<vmem_shared>> -> memref<5128x128xf32, #tpu.memory_space<vmem_shared>>
        tpu.wait_indirect_dma semaphore(%arg21 : memref<!tpu.dma_semaphore, #tpu.memory_space<semaphore_mem>>) src(%arg16 : memref<125x128xf32, #tpu.memory_space<vmem>>) dst(%dma_wait3A_164 : memref<5128x128xf32, #tpu.memory_space<vmem_shared>>)
      } else {
      }
      %add3A_124 = arith.constant 1 : i32
      %add3A_125 = arith.addi %add3A_109, %add3A_124 : i32
      %lt3A = arith.constant 80 : i32
      %lt3A_126 = arith.cmpi slt, %add3A_125, %lt3A : i32
      %convert_element_type3A_127 = arith.extui %lt3A_126 : i1 to i32
      %cond3A_128 = arith.constant 0 : i32
      %cond3A_129 = arith.cmpi ne, %convert_element_type3A_127, %cond3A_128 : i32
      scf.if %cond3A_129 {
        %add3A_158 = arith.constant 1 : i32
        %add3A_159 = arith.addi %add3A_109, %add3A_158 : i32
        %dma_start3A_160 = arith.constant 0 : i32
        %dma_start3A_161 = tpu.memref_slice %arg12[%add3A_159, %dma_start3A_160] : memref<80x125xi32, #tpu.memory_space<vmem>> -> memref<1x125xi32, #tpu.memory_space<vmem>>
        %dma_start3A_162 = tpu.memref_squeeze %dma_start3A_161 : memref<1x125xi32, #tpu.memory_space<vmem>> -> memref<125xi32, #tpu.memory_space<vmem>>
        %dma_start3A_163 = arith.constant 0 : i32
        %dma_start3A_164 = arith.constant 0 : i32
        %dma_start3A_165 = tpu.memref_slice %arg6[%dma_start3A_163, %dma_start3A_164] : memref<10000x128xf32, #tpu.memory_space<hbm>> -> memref<10000x128xf32, #tpu.memory_space<hbm>>
        tpu.enqueue_indirect_dma source(%dma_start3A_165 : memref<10000x128xf32, #tpu.memory_space<hbm>>) target(%arg16 : memref<125x128xf32, #tpu.memory_space<vmem>>) offsets(%dma_start3A_162 : memref<125xi32, #tpu.memory_space<vmem>>) semaphore(%arg19 : memref<!tpu.dma_semaphore, #tpu.memory_space<semaphore_mem>>)
      } else {
      }
      %mul3A_130 = arith.constant 2 : i32
      %mul3A_131 = arith.muli %mul3A_130, %scan3A_105 : i32
      %add3A_132 = arith.constant 1 : i32
      %add3A_133 = arith.addi %mul3A_131, %add3A_132 : i32
      %dma_wait3A_134 = arith.constant 0 : i32
      %dma_wait3A_135 = tpu.memref_slice %arg12[%add3A_133, %dma_wait3A_134] : memref<80x125xi32, #tpu.memory_space<vmem>> -> memref<1x125xi32, #tpu.memory_space<vmem>>
      %dma_wait3A_136 = tpu.memref_squeeze %dma_wait3A_135 : memref<1x125xi32, #tpu.memory_space<vmem>> -> memref<125xi32, #tpu.memory_space<vmem>>
      %dma_wait3A_137 = arith.constant 0 : i32
      %dma_wait3A_138 = arith.constant 0 : i32
      %dma_wait3A_139 = tpu.memref_slice %arg6[%dma_wait3A_137, %dma_wait3A_138] : memref<10000x128xf32, #tpu.memory_space<hbm>> -> memref<10000x128xf32, #tpu.memory_space<hbm>>
      tpu.wait_indirect_dma semaphore(%arg19 : memref<!tpu.dma_semaphore, #tpu.memory_space<semaphore_mem>>) src(%dma_wait3A_139 : memref<10000x128xf32, #tpu.memory_space<hbm>>) dst(%arg16 : memref<125x128xf32, #tpu.memory_space<vmem>>)
      %dma_start3A_140 = arith.constant 0 : i32
      %dma_start3A_141 = tpu.memref_slice %arg14[%add3A_133, %dma_start3A_140] : memref<80x125xi32, #tpu.memory_space<vmem>> -> memref<1x125xi32, #tpu.memory_space<vmem>>
      %dma_start3A_142 = tpu.memref_squeeze %dma_start3A_141 : memref<1x125xi32, #tpu.memory_space<vmem>> -> memref<125xi32, #tpu.memory_space<vmem>>
      %dma_start3A_143 = arith.constant 0 : i32
      %dma_start3A_144 = arith.constant 0 : i32
      %dma_start3A_145 = tpu.memref_slice %arg17[%dma_start3A_143, %dma_start3A_144] : memref<5128x128xf32, #tpu.memory_space<vmem_shared>> -> memref<5128x128xf32, #tpu.memory_space<vmem_shared>>
      tpu.enqueue_indirect_dma source(%arg16 : memref<125x128xf32, #tpu.memory_space<vmem>>) target(%dma_start3A_145 : memref<5128x128xf32, #tpu.memory_space<vmem_shared>>) offsets(%dma_start3A_142 : memref<125xi32, #tpu.memory_space<vmem>>) semaphore(%arg21 : memref<!tpu.dma_semaphore, #tpu.memory_space<semaphore_mem>>) {add = true}
      %ge3A_146 = arith.constant 1 : i32
      %ge3A_147 = arith.cmpi sge, %add3A_133, %ge3A_146 : i32
      %convert_element_type3A_148 = arith.extui %ge3A_147 : i1 to i32
      %cond3A_149 = arith.constant 0 : i32
      %cond3A_150 = arith.cmpi ne, %convert_element_type3A_148, %cond3A_149 : i32
      scf.if %cond3A_150 {
        %sub3A = arith.constant 1 : i32
        %sub3A_158 = arith.subi %add3A_133, %sub3A : i32
        %dma_wait3A_159 = arith.constant 0 : i32
        %dma_wait3A_160 = tpu.memref_slice %arg14[%sub3A_158, %dma_wait3A_159] : memref<80x125xi32, #tpu.memory_space<vmem>> -> memref<1x125xi32, #tpu.memory_space<vmem>>
        %dma_wait3A_161 = tpu.memref_squeeze %dma_wait3A_160 : memref<1x125xi32, #tpu.memory_space<vmem>> -> memref<125xi32, #tpu.memory_space<vmem>>
        %dma_wait3A_162 = arith.constant 0 : i32
        %dma_wait3A_163 = arith.constant 0 : i32
        %dma_wait3A_164 = tpu.memref_slice %arg17[%dma_wait3A_162, %dma_wait3A_163] : memref<5128x128xf32, #tpu.memory_space<vmem_shared>> -> memref<5128x128xf32, #tpu.memory_space<vmem_shared>>
        tpu.wait_indirect_dma semaphore(%arg20 : memref<!tpu.dma_semaphore, #tpu.memory_space<semaphore_mem>>) src(%arg15 : memref<125x128xf32, #tpu.memory_space<vmem>>) dst(%dma_wait3A_164 : memref<5128x128xf32, #tpu.memory_space<vmem_shared>>)
      } else {
      }
      %add3A_151 = arith.constant 1 : i32
      %add3A_152 = arith.addi %add3A_133, %add3A_151 : i32
      %lt3A_153 = arith.constant 80 : i32
      %lt3A_154 = arith.cmpi slt, %add3A_152, %lt3A_153 : i32
      %convert_element_type3A_155 = arith.extui %lt3A_154 : i1 to i32
      %cond3A_156 = arith.constant 0 : i32
      %cond3A_157 = arith.cmpi ne, %convert_element_type3A_155, %cond3A_156 : i32
      scf.if %cond3A_157 {
        %add3A_158 = arith.constant 1 : i32
        %add3A_159 = arith.addi %add3A_133, %add3A_158 : i32
        %dma_start3A_160 = arith.constant 0 : i32
        %dma_start3A_161 = tpu.memref_slice %arg12[%add3A_159, %dma_start3A_160] : memref<80x125xi32, #tpu.memory_space<vmem>> -> memref<1x125xi32, #tpu.memory_space<vmem>>
        %dma_start3A_162 = tpu.memref_squeeze %dma_start3A_161 : memref<1x125xi32, #tpu.memory_space<vmem>> -> memref<125xi32, #tpu.memory_space<vmem>>
        %dma_start3A_163 = arith.constant 0 : i32
        %dma_start3A_164 = arith.constant 0 : i32
        %dma_start3A_165 = tpu.memref_slice %arg6[%dma_start3A_163, %dma_start3A_164] : memref<10000x128xf32, #tpu.memory_space<hbm>> -> memref<10000x128xf32, #tpu.memory_space<hbm>>
        tpu.enqueue_indirect_dma source(%dma_start3A_165 : memref<10000x128xf32, #tpu.memory_space<hbm>>) target(%arg15 : memref<125x128xf32, #tpu.memory_space<vmem>>) offsets(%dma_start3A_162 : memref<125xi32, #tpu.memory_space<vmem>>) semaphore(%arg18 : memref<!tpu.dma_semaphore, #tpu.memory_space<semaphore_mem>>)
      } else {
      }
    }
    %scan3A_93 = arith.constant 40 : i32
    %dma_wait3A_94 = arith.constant 79 : i32
    %dma_wait3A_95 = arith.constant 0 : i32
    %dma_wait3A_96 = tpu.memref_slice %arg14[%dma_wait3A_94, %dma_wait3A_95] : memref<80x125xi32, #tpu.memory_space<vmem>> -> memref<1x125xi32, #tpu.memory_space<vmem>>
    %dma_wait3A_97 = tpu.memref_squeeze %dma_wait3A_96 : memref<1x125xi32, #tpu.memory_space<vmem>> -> memref<125xi32, #tpu.memory_space<vmem>>
    %dma_wait3A_98 = arith.constant 0 : i32
    %dma_wait3A_99 = arith.constant 0 : i32
    %dma_wait3A_100 = tpu.memref_slice %arg17[%dma_wait3A_98, %dma_wait3A_99] : memref<5128x128xf32, #tpu.memory_space<vmem_shared>> -> memref<5128x128xf32, #tpu.memory_space<vmem_shared>>
    tpu.wait_indirect_dma semaphore(%arg21 : memref<!tpu.dma_semaphore, #tpu.memory_space<semaphore_mem>>) src(%arg16 : memref<125x128xf32, #tpu.memory_space<vmem>>) dst(%dma_wait3A_100 : memref<5128x128xf32, #tpu.memory_space<vmem_shared>>)
    %barrier3A_101 = arith.constant 0 : index
    tpu.barrier barrier_id(%barrier3A_101)
    %mul3A_102 = arith.constant 312 : i32
    %mul3A_103 = arith.muli %arg1, %mul3A_102 : i32
    "tpu.region"() ({
      %run_scoped3A = tpu.sem_alloc : memref<!tpu.dma_semaphore, #tpu.memory_space<semaphore_mem>>
      %dma_start3A_105 = arith.constant 0 : i32
      %dma_start3A_106 = arith.constant 0 : i32
      %dma_start3A_107 = tpu.memref_slice %arg11[%add3A, %dma_start3A_105, %dma_start3A_106] : memref<32x312x128xf32, #tpu.memory_space<hbm>> -> memref<1x312x128xf32, #tpu.memory_space<hbm>>
      %dma_start3A_108 = tpu.memref_squeeze %dma_start3A_107 : memref<1x312x128xf32, #tpu.memory_space<hbm>> -> memref<312x128xf32, #tpu.memory_space<hbm>>
      %dma_start3A_109 = arith.constant 0 : i32
      %dma_start3A_110 = tpu.memref_slice %arg17[%mul3A_103, %dma_start3A_109] : memref<5128x128xf32, #tpu.memory_space<vmem_shared>> -> memref<312x128xf32, #tpu.memory_space<vmem_shared>>
      tpu.enqueue_dma source(%dma_start3A_110 : memref<312x128xf32, #tpu.memory_space<vmem_shared>>) target(%dma_start3A_108 : memref<312x128xf32, #tpu.memory_space<hbm>>) target_semaphore(%run_scoped3A : memref<!tpu.dma_semaphore, #tpu.memory_space<semaphore_mem>>)
      %dma_wait3A_111 = arith.constant 0 : i32
      %dma_wait3A_112 = arith.constant 0 : i32
      %dma_wait3A_113 = tpu.memref_slice %arg11[%add3A, %dma_wait3A_111, %dma_wait3A_112] : memref<32x312x128xf32, #tpu.memory_space<hbm>> -> memref<1x312x128xf32, #tpu.memory_space<hbm>>
      %dma_wait3A_114 = tpu.memref_squeeze %dma_wait3A_113 : memref<1x312x128xf32, #tpu.memory_space<hbm>> -> memref<312x128xf32, #tpu.memory_space<hbm>>
      %dma_wait3A_115 = arith.constant 0 : i32
      %dma_wait3A_116 = tpu.memref_slice %arg17[%mul3A_103, %dma_wait3A_115] : memref<5128x128xf32, #tpu.memory_space<vmem_shared>> -> memref<312x128xf32, #tpu.memory_space<vmem_shared>>
      tpu.wait_dma2 semaphore(%run_scoped3A : memref<!tpu.dma_semaphore, #tpu.memory_space<semaphore_mem>>) src(%dma_wait3A_116 : memref<312x128xf32, #tpu.memory_space<vmem_shared>>) dst(%dma_wait3A_114 : memref<312x128xf32, #tpu.memory_space<hbm>>)
      tpu.yield
    }) : () -> ()
    %barrier3A_104 = arith.constant 0 : index
    tpu.barrier barrier_id(%barrier3A_104)
    return
  }
}

module attributes {stable_mosaic.version = 14 : i64} {
  func.func @_clamp_body(%arg0: memref<2500x128xi32, #tpu.memory_space<vmem>>, %arg1: memref<2500x128xi32, #tpu.memory_space<vmem>>, %arg2: memref<2500x128xi32, #tpu.memory_space<vmem>>) attributes {dimension_semantics = [], scalar_prefetch = 0 : i64, scratch_operands = 0 : i64, tpu.core_type = #tpu.core_type<tc>} {
    %get3A = arith.constant 0 : index
    %get3A_0 = arith.constant 0 : index
    %get3A_1 = vector.load %arg0[%get3A, %get3A_0] : memref<2500x128xi32, #tpu.memory_space<vmem>>, vector<2500x128xi32>
    %lt3A = arith.constant 5120 : i32
    %lt3A_2 = vector.broadcast %lt3A : i32 to vector<2500x128xi32>
    %lt3A_3 = arith.cmpi slt, %get3A_1, %lt3A_2 : vector<2500x128xi32>
    %jit3A = arith.constant 5120 : i32
    %broadcast_in_dim3A = vector.broadcast %jit3A : i32 to vector<2500x128xi32>
    %select_n3A = arith.select %lt3A_3, %get3A_1, %broadcast_in_dim3A : vector<2500x128xi1>, vector<2500x128xi32>
    %swap3A = arith.constant 0 : index
    %swap3A_4 = arith.constant 0 : index
    %swap3A_5 = vector.load %arg1[%swap3A, %swap3A_4] : memref<2500x128xi32, #tpu.memory_space<vmem>>, vector<2500x128xi32>
    tpu.vector_store %arg1[%swap3A, %swap3A_4], %select_n3A {strides = array<i32>} : memref<2500x128xi32, #tpu.memory_space<vmem>>, vector<2500x128xi32>,
    %ge3A = arith.constant 5120 : i32
    %ge3A_6 = vector.broadcast %ge3A : i32 to vector<2500x128xi32>
    %ge3A_7 = arith.cmpi sge, %get3A_1, %ge3A_6 : vector<2500x128xi32>
    %sub3A = arith.constant 5120 : i32
    %sub3A_8 = vector.broadcast %sub3A : i32 to vector<2500x128xi32>
    %sub3A_9 = arith.subi %get3A_1, %sub3A_8 : vector<2500x128xi32>
    %jit3A_10 = arith.constant 4992 : i32
    %broadcast_in_dim3A_11 = vector.broadcast %jit3A_10 : i32 to vector<2500x128xi32>
    %select_n3A_12 = arith.select %ge3A_7, %sub3A_9, %broadcast_in_dim3A_11 : vector<2500x128xi1>, vector<2500x128xi32>
    %swap3A_13 = arith.constant 0 : index
    %swap3A_14 = arith.constant 0 : index
    %swap3A_15 = vector.load %arg2[%swap3A_13, %swap3A_14] : memref<2500x128xi32, #tpu.memory_space<vmem>>, vector<2500x128xi32>
    tpu.vector_store %arg2[%swap3A_13, %swap3A_14], %select_n3A_12 {strides = array<i32>} : memref<2500x128xi32, #tpu.memory_space<vmem>>, vector<2500x128xi32>,
    return
  }
}

module attributes {stable_mosaic.version = 14 : i64} {
  func.func @_dinv_body(%arg0: i32, %arg1: memref<2x2000x1xf32, #tpu.memory_space<vmem>>, %arg2: memref<2000x1xf32, #tpu.memory_space<vmem>>) attributes {dimension_semantics = [#tpu.dimension_semantics<arbitrary>], iteration_bounds = array<i64: 5>, scalar_prefetch = 0 : i64, scratch_operands = 0 : i64, tpu.core_type = #tpu.core_type<tc>, window_params = [{transform_indices = @transform_0, window_bounds = array<i64: 2, 2000, 1>}, {transform_indices = @transform_1, window_bounds = array<i64: 2000, 1>}]} {
    %get3A = arith.constant 0 : index
    %get3A_0 = arith.constant 0 : index
    %get3A_1 = arith.constant 0 : index
    %get3A_2 = vector.load %arg1[%get3A, %get3A_0, %get3A_1] : memref<2x2000x1xf32, #tpu.memory_space<vmem>>, vector<1x2000x1xf32>
    %get3A_3 = vector.shape_cast %get3A_2 : vector<1x2000x1xf32> to vector<2000x1xf32>
    %get3A_4 = arith.constant 1 : index
    %get3A_5 = arith.constant 0 : index
    %get3A_6 = arith.constant 0 : index
    %get3A_7 = vector.load %arg1[%get3A_4, %get3A_5, %get3A_6] : memref<2x2000x1xf32, #tpu.memory_space<vmem>>, vector<1x2000x1xf32>
    %get3A_8 = vector.shape_cast %get3A_7 : vector<1x2000x1xf32> to vector<2000x1xf32>
    %add3A = arith.addf %get3A_3, %get3A_8 : vector<2000x1xf32>
    %add3A_9 = arith.constant 1.000000e+00 : f32
    %add3A_10 = vector.broadcast %add3A_9 : f32 to vector<2000x1xf32>
    %add3A_11 = arith.addf %add3A, %add3A_10 : vector<2000x1xf32>
    %rsqrt3A = math.rsqrt %add3A_11 : vector<2000x1xf32>
    %swap3A = arith.constant 0 : index
    %swap3A_12 = arith.constant 0 : index
    %swap3A_13 = vector.load %arg2[%swap3A, %swap3A_12] : memref<2000x1xf32, #tpu.memory_space<vmem>>, vector<2000x1xf32>
    tpu.vector_store %arg2[%swap3A, %swap3A_12], %rsqrt3A {strides = array<i32>} : memref<2000x1xf32, #tpu.memory_space<vmem>>, vector<2000x1xf32>,
    return
  }
  func.func @transform_0(%arg0: i32) -> (i32, i32, i32) {
    %c0_i32 = arith.constant 0 : i32
    %c0_i32_0 = arith.constant 0 : i32
    %c0_i32_1 = arith.constant 0 : i32
    return %c0_i32, %arg0, %c0_i32_0 : i32, i32, i32
  }
  func.func @transform_1(%arg0: i32) -> (i32, i32) {
    %c0_i32 = arith.constant 0 : i32
    %c0_i32_0 = arith.constant 0 : i32
    return %arg0, %c0_i32 : i32, i32
  }
}

module attributes {stable_mosaic.version = 14 : i64} {
  func.func @_mm_scale_body(%arg0: i32, %arg1: memref<2000x128xf32, #tpu.memory_space<vmem>>, %arg2: memref<128x256xf32, #tpu.memory_space<vmem>>, %arg3: memref<2000x1xf32, #tpu.memory_space<vmem>>, %arg4: memref<2000x256xf32, #tpu.memory_space<vmem>>) attributes {dimension_semantics = [#tpu.dimension_semantics<arbitrary>], iteration_bounds = array<i64: 5>, scalar_prefetch = 0 : i64, scratch_operands = 0 : i64, tpu.core_type = #tpu.core_type<tc>, window_params = [{transform_indices = @transform_0, window_bounds = array<i64: 2000, 128>}, {pipeline_mode = #tpu.pipeline_mode<synchronous>, transform_indices = @transform_1, window_bounds = array<i64: 128, 256>}, {transform_indices = @transform_2, window_bounds = array<i64: 2000, 1>}, {transform_indices = @transform_3, window_bounds = array<i64: 2000, 256>}]} {
    %get3A = arith.constant 0 : index
    %get3A_0 = arith.constant 0 : index
    %get3A_1 = vector.load %arg1[%get3A, %get3A_0] : memref<2000x128xf32, #tpu.memory_space<vmem>>, vector<2000x128xf32>
    %get3A_2 = arith.constant 0 : index
    %get3A_3 = arith.constant 0 : index
    %get3A_4 = vector.load %arg2[%get3A_2, %get3A_3] : memref<128x256xf32, #tpu.memory_space<vmem>>, vector<128x256xf32>
    %dot_general3A = arith.constant dense<0.000000e+00> : vector<2000x256xf32>
    %dot_general3A_5 = tpu.matmul %get3A_1, %get3A_4, %dot_general3A {dimension_numbers = #tpu.dot_dimension_numbers<[1], [0], [0], [1], [0, 0, 1, 1], [], []>, transpose_lhs_hint = false} : vector<2000x128xf32>, vector<128x256xf32>, vector<2000x256xf32> -> vector<2000x256xf32>
    %get3A_6 = arith.constant 0 : index
    %get3A_7 = arith.constant 0 : index
    %get3A_8 = vector.load %arg3[%get3A_6, %get3A_7] : memref<2000x1xf32, #tpu.memory_space<vmem>>, vector<2000x1xf32>
    %mul3A = vector.broadcast %get3A_8 : vector<2000x1xf32> to vector<2000x256xf32>
    %mul3A_9 = arith.mulf %dot_general3A_5, %mul3A : vector<2000x256xf32>
    %swap3A = arith.constant 0 : index
    %swap3A_10 = arith.constant 0 : index
    %swap3A_11 = vector.load %arg4[%swap3A, %swap3A_10] : memref<2000x256xf32, #tpu.memory_space<vmem>>, vector<2000x256xf32>
    tpu.vector_store %arg4[%swap3A, %swap3A_10], %mul3A_9 {strides = array<i32>} : memref<2000x256xf32, #tpu.memory_space<vmem>>, vector<2000x256xf32>,
    return
  }
  func.func @transform_0(%arg0: i32) -> (i32, i32) {
    %c0_i32 = arith.constant 0 : i32
    %c0_i32_0 = arith.constant 0 : i32
    return %arg0, %c0_i32 : i32, i32
  }
  func.func @transform_1(%arg0: i32) -> (i32, i32) {
    %c0_i32 = arith.constant 0 : i32
    %c0_i32_0 = arith.constant 0 : i32
    %c0_i32_1 = arith.constant 0 : i32
    return %c0_i32, %c0_i32_0 : i32, i32
  }
  func.func @transform_2(%arg0: i32) -> (i32, i32) {
    %c0_i32 = arith.constant 0 : i32
    %c0_i32_0 = arith.constant 0 : i32
    return %arg0, %c0_i32 : i32, i32
  }
  func.func @transform_3(%arg0: i32) -> (i32, i32) {
    %c0_i32 = arith.constant 0 : i32
    %c0_i32_0 = arith.constant 0 : i32
    return %arg0, %c0_i32 : i32, i32
  }
}

module attributes {stable_mosaic.version = 14 : i64} {
  func.func @_cmb_mm_body(%arg0: i32, %arg1: memref<1000x256xf32, #tpu.memory_space<vmem>>, %arg2: memref<1000x256xf32, #tpu.memory_space<vmem>>, %arg3: memref<1000x256xf32, #tpu.memory_space<vmem>>, %arg4: memref<1000x1xf32, #tpu.memory_space<vmem>>, %arg5: memref<1x256xf32, #tpu.memory_space<vmem>>, %arg6: memref<256x256xf32, #tpu.memory_space<vmem>>, %arg7: memref<1x256xf32, #tpu.memory_space<vmem>>, %arg8: memref<1000x256xf32, #tpu.memory_space<vmem>>) attributes {dimension_semantics = [#tpu.dimension_semantics<arbitrary>], iteration_bounds = array<i64: 10>, scalar_prefetch = 0 : i64, scratch_operands = 0 : i64, tpu.core_type = #tpu.core_type<tc>, window_params = [{transform_indices = @transform_0, window_bounds = array<i64: 1000, 256>}, {transform_indices = @transform_1, window_bounds = array<i64: 1000, 256>}, {transform_indices = @transform_2, window_bounds = array<i64: 1000, 256>}, {transform_indices = @transform_3, window_bounds = array<i64: 1000, 1>}, {pipeline_mode = #tpu.pipeline_mode<synchronous>, transform_indices = @transform_4, window_bounds = array<i64: 1, 256>}, {pipeline_mode = #tpu.pipeline_mode<synchronous>, transform_indices = @transform_5, window_bounds = array<i64: 256, 256>}, {pipeline_mode = #tpu.pipeline_mode<synchronous>, transform_indices = @transform_6, window_bounds = array<i64: 1, 256>}, {transform_indices = @transform_7, window_bounds = array<i64: 1000, 256>}]} {
    %get3A = arith.constant 0 : index
    %get3A_0 = arith.constant 0 : index
    %get3A_1 = vector.load %arg1[%get3A, %get3A_0] : memref<1000x256xf32, #tpu.memory_space<vmem>>, vector<1000x256xf32>
    %get3A_2 = arith.constant 0 : index
    %get3A_3 = arith.constant 0 : index
    %get3A_4 = vector.load %arg2[%get3A_2, %get3A_3] : memref<1000x256xf32, #tpu.memory_space<vmem>>, vector<1000x256xf32>
    %add3A = arith.addf %get3A_1, %get3A_4 : vector<1000x256xf32>
    %get3A_5 = arith.constant 0 : index
    %get3A_6 = arith.constant 0 : index
    %get3A_7 = vector.load %arg3[%get3A_5, %get3A_6] : memref<1000x256xf32, #tpu.memory_space<vmem>>, vector<1000x256xf32>
    %add3A_8 = arith.addf %add3A, %get3A_7 : vector<1000x256xf32>
    %get3A_9 = arith.constant 0 : index
    %get3A_10 = arith.constant 0 : index
    %get3A_11 = vector.load %arg4[%get3A_9, %get3A_10] : memref<1000x1xf32, #tpu.memory_space<vmem>>, vector<1000x1xf32>
    %mul3A = vector.broadcast %get3A_11 : vector<1000x1xf32> to vector<1000x256xf32>
    %mul3A_12 = arith.mulf %add3A_8, %mul3A : vector<1000x256xf32>
    %get3A_13 = arith.constant 0 : index
    %get3A_14 = arith.constant 0 : index
    %get3A_15 = vector.load %arg5[%get3A_13, %get3A_14] : memref<1x256xf32, #tpu.memory_space<vmem>>, vector<1x256xf32>
    %add3A_16 = vector.broadcast %get3A_15 : vector<1x256xf32> to vector<1000x256xf32>
    %add3A_17 = arith.addf %mul3A_12, %add3A_16 : vector<1000x256xf32>
    %max3A = arith.constant 0.000000e+00 : f32
    %max3A_18 = vector.broadcast %max3A : f32 to vector<1000x256xf32>
    %max3A_19 = arith.maximumf %add3A_17, %max3A_18 : vector<1000x256xf32>
    %get3A_20 = arith.constant 0 : index
    %get3A_21 = arith.constant 0 : index
    %get3A_22 = vector.load %arg6[%get3A_20, %get3A_21] : memref<256x256xf32, #tpu.memory_space<vmem>>, vector<256x256xf32>
    %dot_general3A = arith.constant dense<0.000000e+00> : vector<1000x256xf32>
    %dot_general3A_23 = tpu.matmul %max3A_19, %get3A_22, %dot_general3A {dimension_numbers = #tpu.dot_dimension_numbers<[1], [0], [0], [1], [0, 0, 1, 1], [], []>, transpose_lhs_hint = false} : vector<1000x256xf32>, vector<256x256xf32>, vector<1000x256xf32> -> vector<1000x256xf32>
    %get3A_24 = arith.constant 0 : index
    %get3A_25 = arith.constant 0 : index
    %get3A_26 = vector.load %arg4[%get3A_24, %get3A_25] : memref<1000x1xf32, #tpu.memory_space<vmem>>, vector<1000x1xf32>
    %mul3A_27 = vector.broadcast %get3A_26 : vector<1000x1xf32> to vector<1000x256xf32>
    %mul3A_28 = arith.mulf %dot_general3A_23, %mul3A_27 : vector<1000x256xf32>
    %swap3A = arith.constant 0 : index
    %swap3A_29 = arith.constant 0 : index
    %swap3A_30 = vector.load %arg8[%swap3A, %swap3A_29] : memref<1000x256xf32, #tpu.memory_space<vmem>>, vector<1000x256xf32>
    tpu.vector_store %arg8[%swap3A, %swap3A_29], %mul3A_28 {strides = array<i32>} : memref<1000x256xf32, #tpu.memory_space<vmem>>, vector<1000x256xf32>,
    return
  }
  func.func @transform_0(%arg0: i32) -> (i32, i32) {
    %c0_i32 = arith.constant 0 : i32
    %c0_i32_0 = arith.constant 0 : i32
    return %arg0, %c0_i32 : i32, i32
  }
  func.func @transform_1(%arg0: i32) -> (i32, i32) {
    %c0_i32 = arith.constant 0 : i32
    %c0_i32_0 = arith.constant 0 : i32
    return %arg0, %c0_i32 : i32, i32
  }
  func.func @transform_2(%arg0: i32) -> (i32, i32) {
    %c0_i32 = arith.constant 0 : i32
    %c0_i32_0 = arith.constant 0 : i32
    return %arg0, %c0_i32 : i32, i32
  }
  func.func @transform_3(%arg0: i32) -> (i32, i32) {
    %c0_i32 = arith.constant 0 : i32
    %c0_i32_0 = arith.constant 0 : i32
    return %arg0, %c0_i32 : i32, i32
  }
  func.func @transform_4(%arg0: i32) -> (i32, i32) {
    %c0_i32 = arith.constant 0 : i32
    %c0_i32_0 = arith.constant 0 : i32
    %c0_i32_1 = arith.constant 0 : i32
    return %c0_i32, %c0_i32_0 : i32, i32
  }
  func.func @transform_5(%arg0: i32) -> (i32, i32) {
    %c0_i32 = arith.constant 0 : i32
    %c0_i32_0 = arith.constant 0 : i32
    %c0_i32_1 = arith.constant 0 : i32
    return %c0_i32, %c0_i32_0 : i32, i32
  }
  func.func @transform_6(%arg0: i32) -> (i32, i32) {
    %c0_i32 = arith.constant 0 : i32
    %c0_i32_0 = arith.constant 0 : i32
    %c0_i32_1 = arith.constant 0 : i32
    return %c0_i32, %c0_i32_0 : i32, i32
  }
  func.func @transform_7(%arg0: i32) -> (i32, i32) {
    %c0_i32 = arith.constant 0 : i32
    %c0_i32_0 = arith.constant 0 : i32
    return %arg0, %c0_i32 : i32, i32
  }
}

module attributes {stable_mosaic.version = 14 : i64} {
  func.func @_cmb_mm_body(%arg0: i32, %arg1: memref<976x256xf32, #tpu.memory_space<vmem>>, %arg2: memref<976x256xf32, #tpu.memory_space<vmem>>, %arg3: memref<976x256xf32, #tpu.memory_space<vmem>>, %arg4: memref<976x1xf32, #tpu.memory_space<vmem>>, %arg5: memref<1x256xf32, #tpu.memory_space<vmem>>, %arg6: memref<256x1024xf32, #tpu.memory_space<vmem>>, %arg7: memref<1x1024xf32, #tpu.memory_space<vmem>>, %arg8: memref<976x1024xf32, #tpu.memory_space<vmem>>) attributes {dimension_semantics = [#tpu.dimension_semantics<arbitrary>], iteration_bounds = array<i64: 5>, scalar_prefetch = 0 : i64, scratch_operands = 0 : i64, tpu.core_type = #tpu.core_type<tc>, window_params = [{transform_indices = @transform_0, window_bounds = array<i64: 976, 256>}, {transform_indices = @transform_1, window_bounds = array<i64: 976, 256>}, {transform_indices = @transform_2, window_bounds = array<i64: 976, 256>}, {transform_indices = @transform_3, window_bounds = array<i64: 976, 1>}, {pipeline_mode = #tpu.pipeline_mode<synchronous>, transform_indices = @transform_4, window_bounds = array<i64: 1, 256>}, {pipeline_mode = #tpu.pipeline_mode<synchronous>, transform_indices = @transform_5, window_bounds = array<i64: 256, 1024>}, {pipeline_mode = #tpu.pipeline_mode<synchronous>, transform_indices = @transform_6, window_bounds = array<i64: 1, 1024>}, {transform_indices = @transform_7, window_bounds = array<i64: 976, 1024>}]} {
    %get3A = arith.constant 0 : index
    %get3A_0 = arith.constant 0 : index
    %get3A_1 = vector.load %arg1[%get3A, %get3A_0] : memref<976x256xf32, #tpu.memory_space<vmem>>, vector<976x256xf32>
    %get3A_2 = arith.constant 0 : index
    %get3A_3 = arith.constant 0 : index
    %get3A_4 = vector.load %arg2[%get3A_2, %get3A_3] : memref<976x256xf32, #tpu.memory_space<vmem>>, vector<976x256xf32>
    %add3A = arith.addf %get3A_1, %get3A_4 : vector<976x256xf32>
    %get3A_5 = arith.constant 0 : index
    %get3A_6 = arith.constant 0 : index
    %get3A_7 = vector.load %arg3[%get3A_5, %get3A_6] : memref<976x256xf32, #tpu.memory_space<vmem>>, vector<976x256xf32>
    %add3A_8 = arith.addf %add3A, %get3A_7 : vector<976x256xf32>
    %get3A_9 = arith.constant 0 : index
    %get3A_10 = arith.constant 0 : index
    %get3A_11 = vector.load %arg4[%get3A_9, %get3A_10] : memref<976x1xf32, #tpu.memory_space<vmem>>, vector<976x1xf32>
    %mul3A = vector.broadcast %get3A_11 : vector<976x1xf32> to vector<976x256xf32>
    %mul3A_12 = arith.mulf %add3A_8, %mul3A : vector<976x256xf32>
    %get3A_13 = arith.constant 0 : index
    %get3A_14 = arith.constant 0 : index
    %get3A_15 = vector.load %arg5[%get3A_13, %get3A_14] : memref<1x256xf32, #tpu.memory_space<vmem>>, vector<1x256xf32>
    %add3A_16 = vector.broadcast %get3A_15 : vector<1x256xf32> to vector<976x256xf32>
    %add3A_17 = arith.addf %mul3A_12, %add3A_16 : vector<976x256xf32>
    %max3A = arith.constant 0.000000e+00 : f32
    %max3A_18 = vector.broadcast %max3A : f32 to vector<976x256xf32>
    %max3A_19 = arith.maximumf %add3A_17, %max3A_18 : vector<976x256xf32>
    %get3A_20 = arith.constant 0 : index
    %get3A_21 = arith.constant 0 : index
    %get3A_22 = vector.load %arg6[%get3A_20, %get3A_21] : memref<256x1024xf32, #tpu.memory_space<vmem>>, vector<256x1024xf32>
    %dot_general3A = arith.constant dense<0.000000e+00> : vector<976x1024xf32>
    %dot_general3A_23 = tpu.matmul %max3A_19, %get3A_22, %dot_general3A {dimension_numbers = #tpu.dot_dimension_numbers<[1], [0], [0], [1], [0, 0, 1, 1], [], []>, transpose_lhs_hint = false} : vector<976x256xf32>, vector<256x1024xf32>, vector<976x1024xf32> -> vector<976x1024xf32>
    %get3A_24 = arith.constant 0 : index
    %get3A_25 = arith.constant 0 : index
    %get3A_26 = vector.load %arg7[%get3A_24, %get3A_25] : memref<1x1024xf32, #tpu.memory_space<vmem>>, vector<1x1024xf32>
    %add3A_27 = vector.broadcast %get3A_26 : vector<1x1024xf32> to vector<976x1024xf32>
    %add3A_28 = arith.addf %dot_general3A_23, %add3A_27 : vector<976x1024xf32>
    %swap3A = arith.constant 0 : index
    %swap3A_29 = arith.constant 0 : index
    %swap3A_30 = vector.load %arg8[%swap3A, %swap3A_29] : memref<976x1024xf32, #tpu.memory_space<vmem>>, vector<976x1024xf32>
    tpu.vector_store %arg8[%swap3A, %swap3A_29], %add3A_28 {strides = array<i32>} : memref<976x1024xf32, #tpu.memory_space<vmem>>, vector<976x1024xf32>,
    return
  }
  func.func @transform_0(%arg0: i32) -> (i32, i32) {
    %c0_i32 = arith.constant 0 : i32
    %c0_i32_0 = arith.constant 0 : i32
    return %arg0, %c0_i32 : i32, i32
  }
  func.func @transform_1(%arg0: i32) -> (i32, i32) {
    %c0_i32 = arith.constant 0 : i32
    %c0_i32_0 = arith.constant 0 : i32
    return %arg0, %c0_i32 : i32, i32
  }
  func.func @transform_2(%arg0: i32) -> (i32, i32) {
    %c0_i32 = arith.constant 0 : i32
    %c0_i32_0 = arith.constant 0 : i32
    return %arg0, %c0_i32 : i32, i32
  }
  func.func @transform_3(%arg0: i32) -> (i32, i32) {
    %c0_i32 = arith.constant 0 : i32
    %c0_i32_0 = arith.constant 0 : i32
    return %arg0, %c0_i32 : i32, i32
  }
  func.func @transform_4(%arg0: i32) -> (i32, i32) {
    %c0_i32 = arith.constant 0 : i32
    %c0_i32_0 = arith.constant 0 : i32
    %c0_i32_1 = arith.constant 0 : i32
    return %c0_i32, %c0_i32_0 : i32, i32
  }
  func.func @transform_5(%arg0: i32) -> (i32, i32) {
    %c0_i32 = arith.constant 0 : i32
    %c0_i32_0 = arith.constant 0 : i32
    %c0_i32_1 = arith.constant 0 : i32
    return %c0_i32, %c0_i32_0 : i32, i32
  }
  func.func @transform_6(%arg0: i32) -> (i32, i32) {
    %c0_i32 = arith.constant 0 : i32
    %c0_i32_0 = arith.constant 0 : i32
    %c0_i32_1 = arith.constant 0 : i32
    return %c0_i32, %c0_i32_0 : i32, i32
  }
  func.func @transform_7(%arg0: i32) -> (i32, i32) {
    %c0_i32 = arith.constant 0 : i32
    %c0_i32_0 = arith.constant 0 : i32
    return %arg0, %c0_i32 : i32, i32
  }
}

module attributes {stable_mosaic.version = 14 : i64} {
  func.func @_cmb_mm_body(%arg0: i32, %arg1: memref<640x256xf32, #tpu.memory_space<vmem>>, %arg2: memref<640x256xf32, #tpu.memory_space<vmem>>, %arg3: memref<640x256xf32, #tpu.memory_space<vmem>>, %arg4: memref<640x1xf32, #tpu.memory_space<vmem>>, %arg5: memref<1x256xf32, #tpu.memory_space<vmem>>, %arg6: memref<256x1024xf32, #tpu.memory_space<vmem>>, %arg7: memref<1x1024xf32, #tpu.memory_space<vmem>>, %arg8: memref<640x1024xf32, #tpu.memory_space<vmem>>) attributes {dimension_semantics = [#tpu.dimension_semantics<arbitrary>], iteration_bounds = array<i64: 8>, scalar_prefetch = 0 : i64, scratch_operands = 0 : i64, tpu.core_type = #tpu.core_type<tc>, window_params = [{transform_indices = @transform_0, window_bounds = array<i64: 640, 256>}, {transform_indices = @transform_1, window_bounds = array<i64: 640, 256>}, {transform_indices = @transform_2, window_bounds = array<i64: 640, 256>}, {transform_indices = @transform_3, window_bounds = array<i64: 640, 1>}, {pipeline_mode = #tpu.pipeline_mode<synchronous>, transform_indices = @transform_4, window_bounds = array<i64: 1, 256>}, {pipeline_mode = #tpu.pipeline_mode<synchronous>, transform_indices = @transform_5, window_bounds = array<i64: 256, 1024>}, {pipeline_mode = #tpu.pipeline_mode<synchronous>, transform_indices = @transform_6, window_bounds = array<i64: 1, 1024>}, {transform_indices = @transform_7, window_bounds = array<i64: 640, 1024>}]} {
    %get3A = arith.constant 0 : index
    %get3A_0 = arith.constant 0 : index
    %get3A_1 = vector.load %arg1[%get3A, %get3A_0] : memref<640x256xf32, #tpu.memory_space<vmem>>, vector<640x256xf32>
    %get3A_2 = arith.constant 0 : index
    %get3A_3 = arith.constant 0 : index
    %get3A_4 = vector.load %arg2[%get3A_2, %get3A_3] : memref<640x256xf32, #tpu.memory_space<vmem>>, vector<640x256xf32>
    %add3A = arith.addf %get3A_1, %get3A_4 : vector<640x256xf32>
    %get3A_5 = arith.constant 0 : index
    %get3A_6 = arith.constant 0 : index
    %get3A_7 = vector.load %arg3[%get3A_5, %get3A_6] : memref<640x256xf32, #tpu.memory_space<vmem>>, vector<640x256xf32>
    %add3A_8 = arith.addf %add3A, %get3A_7 : vector<640x256xf32>
    %get3A_9 = arith.constant 0 : index
    %get3A_10 = arith.constant 0 : index
    %get3A_11 = vector.load %arg4[%get3A_9, %get3A_10] : memref<640x1xf32, #tpu.memory_space<vmem>>, vector<640x1xf32>
    %mul3A = vector.broadcast %get3A_11 : vector<640x1xf32> to vector<640x256xf32>
    %mul3A_12 = arith.mulf %add3A_8, %mul3A : vector<640x256xf32>
    %get3A_13 = arith.constant 0 : index
    %get3A_14 = arith.constant 0 : index
    %get3A_15 = vector.load %arg5[%get3A_13, %get3A_14] : memref<1x256xf32, #tpu.memory_space<vmem>>, vector<1x256xf32>
    %add3A_16 = vector.broadcast %get3A_15 : vector<1x256xf32> to vector<640x256xf32>
    %add3A_17 = arith.addf %mul3A_12, %add3A_16 : vector<640x256xf32>
    %max3A = arith.constant 0.000000e+00 : f32
    %max3A_18 = vector.broadcast %max3A : f32 to vector<640x256xf32>
    %max3A_19 = arith.maximumf %add3A_17, %max3A_18 : vector<640x256xf32>
    %get3A_20 = arith.constant 0 : index
    %get3A_21 = arith.constant 0 : index
    %get3A_22 = vector.load %arg6[%get3A_20, %get3A_21] : memref<256x1024xf32, #tpu.memory_space<vmem>>, vector<256x1024xf32>
    %dot_general3A = arith.constant dense<0.000000e+00> : vector<640x1024xf32>
    %dot_general3A_23 = tpu.matmul %max3A_19, %get3A_22, %dot_general3A {dimension_numbers = #tpu.dot_dimension_numbers<[1], [0], [0], [1], [0, 0, 1, 1], [], []>, transpose_lhs_hint = false} : vector<640x256xf32>, vector<256x1024xf32>, vector<640x1024xf32> -> vector<640x1024xf32>
    %get3A_24 = arith.constant 0 : index
    %get3A_25 = arith.constant 0 : index
    %get3A_26 = vector.load %arg7[%get3A_24, %get3A_25] : memref<1x1024xf32, #tpu.memory_space<vmem>>, vector<1x1024xf32>
    %add3A_27 = vector.broadcast %get3A_26 : vector<1x1024xf32> to vector<640x1024xf32>
    %add3A_28 = arith.addf %dot_general3A_23, %add3A_27 : vector<640x1024xf32>
    %swap3A = arith.constant 0 : index
    %swap3A_29 = arith.constant 0 : index
    %swap3A_30 = vector.load %arg8[%swap3A, %swap3A_29] : memref<640x1024xf32, #tpu.memory_space<vmem>>, vector<640x1024xf32>
    tpu.vector_store %arg8[%swap3A, %swap3A_29], %add3A_28 {strides = array<i32>} : memref<640x1024xf32, #tpu.memory_space<vmem>>, vector<640x1024xf32>,
    return
  }
  func.func @transform_0(%arg0: i32) -> (i32, i32) {
    %c0_i32 = arith.constant 0 : i32
    %c0_i32_0 = arith.constant 0 : i32
    return %arg0, %c0_i32 : i32, i32
  }
  func.func @transform_1(%arg0: i32) -> (i32, i32) {
    %c0_i32 = arith.constant 0 : i32
    %c0_i32_0 = arith.constant 0 : i32
    return %arg0, %c0_i32 : i32, i32
  }
  func.func @transform_2(%arg0: i32) -> (i32, i32) {
    %c0_i32 = arith.constant 0 : i32
    %c0_i32_0 = arith.constant 0 : i32
    return %arg0, %c0_i32 : i32, i32
  }
  func.func @transform_3(%arg0: i32) -> (i32, i32) {
    %c0_i32 = arith.constant 0 : i32
    %c0_i32_0 = arith.constant 0 : i32
    return %arg0, %c0_i32 : i32, i32
  }
  func.func @transform_4(%arg0: i32) -> (i32, i32) {
    %c0_i32 = arith.constant 0 : i32
    %c0_i32_0 = arith.constant 0 : i32
    %c0_i32_1 = arith.constant 0 : i32
    return %c0_i32, %c0_i32_0 : i32, i32
  }
  func.func @transform_5(%arg0: i32) -> (i32, i32) {
    %c0_i32 = arith.constant 0 : i32
    %c0_i32_0 = arith.constant 0 : i32
    %c0_i32_1 = arith.constant 0 : i32
    return %c0_i32, %c0_i32_0 : i32, i32
  }
  func.func @transform_6(%arg0: i32) -> (i32, i32) {
    %c0_i32 = arith.constant 0 : i32
    %c0_i32_0 = arith.constant 0 : i32
    %c0_i32_1 = arith.constant 0 : i32
    return %c0_i32, %c0_i32_0 : i32, i32
  }
  func.func @transform_7(%arg0: i32) -> (i32, i32) {
    %c0_i32 = arith.constant 0 : i32
    %c0_i32_0 = arith.constant 0 : i32
    return %arg0, %c0_i32 : i32, i32
  }
}

module attributes {stable_mosaic.version = 14 : i64} {
  func.func @_lstm_body(%arg0: i32, %arg1: memref<320x1024xf32, #tpu.memory_space<vmem>>, %arg2: memref<1x256xf32, #tpu.memory_space<vmem>>, %arg3: memref<1x256xf32, #tpu.memory_space<vmem>>, %arg4: memref<256x1024xbf16, #tpu.memory_space<vmem>>, %arg5: memref<1x1024xf32, #tpu.memory_space<vmem>>, %arg6: memref<256x128xf32, #tpu.memory_space<vmem>>, %arg7: memref<1x128xf32, #tpu.memory_space<vmem>>, %arg8: memref<320x128xf32, #tpu.memory_space<vmem>>, %arg9: memref<1x256xf32, #tpu.memory_space<vmem>>, %arg10: memref<1x256xf32, #tpu.memory_space<vmem>>, %arg11: memref<8x256xf32, #tpu.memory_space<vmem>>, %arg12: memref<8x256xf32, #tpu.memory_space<vmem>>, %arg13: memref<320x256xf32, #tpu.memory_space<vmem>>) attributes {dimension_semantics = [#tpu.dimension_semantics<arbitrary>], iteration_bounds = array<i64: 16>, scalar_prefetch = 0 : i64, scratch_operands = 3 : i64, tpu.core_type = #tpu.core_type<tc>, window_params = [{transform_indices = @transform_0, window_bounds = array<i64: 320, 1024>}, {pipeline_mode = #tpu.pipeline_mode<synchronous>, transform_indices = @transform_1, window_bounds = array<i64: 1, 256>}, {pipeline_mode = #tpu.pipeline_mode<synchronous>, transform_indices = @transform_2, window_bounds = array<i64: 1, 256>}, {pipeline_mode = #tpu.pipeline_mode<synchronous>, transform_indices = @transform_3, window_bounds = array<i64: 256, 1024>}, {pipeline_mode = #tpu.pipeline_mode<synchronous>, transform_indices = @transform_4, window_bounds = array<i64: 1, 1024>}, {pipeline_mode = #tpu.pipeline_mode<synchronous>, transform_indices = @transform_5, window_bounds = array<i64: 256, 128>}, {pipeline_mode = #tpu.pipeline_mode<synchronous>, transform_indices = @transform_6, window_bounds = array<i64: 1, 128>}, {transform_indices = @transform_7, window_bounds = array<i64: 320, 128>}, {pipeline_mode = #tpu.pipeline_mode<synchronous>, transform_indices = @transform_8, window_bounds = array<i64: 1, 256>}, {pipeline_mode = #tpu.pipeline_mode<synchronous>, transform_indices = @transform_9, window_bounds = array<i64: 1, 256>}]} {
    %eq3A = arith.constant 0 : i32
    %eq3A_0 = arith.cmpi eq, %arg0, %eq3A : i32
    %convert_element_type3A = arith.extui %eq3A_0 : i1 to i32
    %cond3A = arith.constant 0 : i32
    %cond3A_1 = arith.cmpi ne, %convert_element_type3A, %cond3A : i32
    scf.if %cond3A_1 {
      %get3A_46 = arith.constant 0 : index
      %get3A_47 = arith.constant 0 : index
      %get3A_48 = vector.load %arg2[%get3A_46, %get3A_47] : memref<1x256xf32, #tpu.memory_space<vmem>>, vector<1x256xf32>
      %broadcast_in_dim3A_49 = vector.shape_cast %get3A_48 : vector<1x256xf32> to vector<1x256xf32>
      %broadcast_in_dim3A_50 = vector.broadcast %broadcast_in_dim3A_49 : vector<1x256xf32> to vector<8x256xf32>
      %swap3A_51 = arith.constant 0 : index
      %swap3A_52 = arith.constant 0 : index
      %swap3A_53 = vector.load %arg11[%swap3A_51, %swap3A_52] : memref<8x256xf32, #tpu.memory_space<vmem>>, vector<8x256xf32>
      tpu.vector_store %arg11[%swap3A_51, %swap3A_52], %broadcast_in_dim3A_50 {strides = array<i32>} : memref<8x256xf32, #tpu.memory_space<vmem>>, vector<8x256xf32>,
      %get3A_54 = arith.constant 0 : index
      %get3A_55 = arith.constant 0 : index
      %get3A_56 = vector.load %arg3[%get3A_54, %get3A_55] : memref<1x256xf32, #tpu.memory_space<vmem>>, vector<1x256xf32>
      %broadcast_in_dim3A_57 = vector.shape_cast %get3A_56 : vector<1x256xf32> to vector<1x256xf32>
      %broadcast_in_dim3A_58 = vector.broadcast %broadcast_in_dim3A_57 : vector<1x256xf32> to vector<8x256xf32>
      %swap3A_59 = arith.constant 0 : index
      %swap3A_60 = arith.constant 0 : index
      %swap3A_61 = vector.load %arg12[%swap3A_59, %swap3A_60] : memref<8x256xf32, #tpu.memory_space<vmem>>, vector<8x256xf32>
      tpu.vector_store %arg12[%swap3A_59, %swap3A_60], %broadcast_in_dim3A_58 {strides = array<i32>} : memref<8x256xf32, #tpu.memory_space<vmem>>, vector<8x256xf32>,
    } else {
    }
    %get3A = arith.constant 0 : index
    %get3A_2 = arith.constant 0 : index
    %get3A_3 = vector.load %arg11[%get3A, %get3A_2] : memref<8x256xf32, #tpu.memory_space<vmem>>, vector<8x256xf32>
    %get3A_4 = arith.constant 0 : index
    %get3A_5 = arith.constant 0 : index
    %get3A_6 = vector.load %arg12[%get3A_4, %get3A_5] : memref<8x256xf32, #tpu.memory_space<vmem>>, vector<8x256xf32>
    %scan3A = arith.constant 0 : i32
    %scan3A_7 = arith.constant 320 : i32
    %scan3A_8 = arith.addi %scan3A, %scan3A_7 : i32
    %scan3A_9 = arith.constant 8 : i32
    %scan3A_10:2 = scf.for %scan3A_46 = %scan3A to %scan3A_8 step %scan3A_9 iter_args(%scan3A_47 = %get3A_3, %scan3A_48 = %get3A_6) -> (vector<8x256xf32>, vector<8x256xf32>)  : i32 {
      %get3A_49 = arith.index_cast %scan3A_46 : i32 to index
      %get3A_50 = arith.constant 0 : index
      %get3A_51 = vector.load %arg1[%get3A_49, %get3A_50] : memref<320x1024xf32, #tpu.memory_space<vmem>>, vector<1x1024xf32>
      %convert_element_type3A_52 = arith.truncf %scan3A_47 : vector<8x256xf32> to vector<8x256xbf16>
      %get3A_53 = arith.constant 0 : index
      %get3A_54 = arith.constant 0 : index
      %get3A_55 = vector.load %arg4[%get3A_53, %get3A_54] : memref<256x1024xbf16, #tpu.memory_space<vmem>>, vector<256x1024xbf16>
      %dot_general3A_56 = arith.constant dense<0.000000e+00> : vector<8x1024xf32>
      %dot_general3A_57 = tpu.matmul %convert_element_type3A_52, %get3A_55, %dot_general3A_56 {dimension_numbers = #tpu.dot_dimension_numbers<[1], [0], [0], [1], [0, 0, 1, 1], [], []>, transpose_lhs_hint = false} : vector<8x256xbf16>, vector<256x1024xbf16>, vector<8x1024xf32> -> vector<8x1024xf32>
      %add3A_58 = vector.broadcast %get3A_51 : vector<1x1024xf32> to vector<8x1024xf32>
      %add3A_59 = arith.addf %add3A_58, %dot_general3A_57 : vector<8x1024xf32>
      %get3A_60 = arith.constant 0 : index
      %get3A_61 = arith.constant 0 : index
      %get3A_62 = vector.load %arg5[%get3A_60, %get3A_61] : memref<1x1024xf32, #tpu.memory_space<vmem>>, vector<1x1024xf32>
      %add3A_63 = vector.broadcast %get3A_62 : vector<1x1024xf32> to vector<8x1024xf32>
      %add3A_64 = arith.addf %add3A_59, %add3A_63 : vector<8x1024xf32>
      %slice3A_65 = vector.extract_strided_slice %add3A_64 {offsets = [0, 0], sizes = [8, 256], strides = [1, 1]} : vector<8x1024xf32> to vector<8x256xf32>
      %logistic3A = arith.negf %slice3A_65 : vector<8x256xf32>
      %logistic3A_66 = math.exp %logistic3A : vector<8x256xf32>
      %logistic3A_67 = arith.constant 1.000000e+00 : f32
      %logistic3A_68 = vector.broadcast %logistic3A_67 : f32 to vector<8x256xf32>
      %logistic3A_69 = arith.addf %logistic3A_68, %logistic3A_66 : vector<8x256xf32>
      %logistic3A_70 = arith.divf %logistic3A_68, %logistic3A_69 : vector<8x256xf32>
      %slice3A_71 = vector.extract_strided_slice %add3A_64 {offsets = [0, 256], sizes = [8, 256], strides = [1, 1]} : vector<8x1024xf32> to vector<8x256xf32>
      %logistic3A_72 = arith.negf %slice3A_71 : vector<8x256xf32>
      %logistic3A_73 = math.exp %logistic3A_72 : vector<8x256xf32>
      %logistic3A_74 = arith.constant 1.000000e+00 : f32
      %logistic3A_75 = vector.broadcast %logistic3A_74 : f32 to vector<8x256xf32>
      %logistic3A_76 = arith.addf %logistic3A_75, %logistic3A_73 : vector<8x256xf32>
      %logistic3A_77 = arith.divf %logistic3A_75, %logistic3A_76 : vector<8x256xf32>
      %slice3A_78 = vector.extract_strided_slice %add3A_64 {offsets = [0, 512], sizes = [8, 256], strides = [1, 1]} : vector<8x1024xf32> to vector<8x256xf32>
      %tanh3A = math.tanh %slice3A_78 : vector<8x256xf32>
      %slice3A_79 = vector.extract_strided_slice %add3A_64 {offsets = [0, 768], sizes = [8, 256], strides = [1, 1]} : vector<8x1024xf32> to vector<8x256xf32>
      %logistic3A_80 = arith.negf %slice3A_79 : vector<8x256xf32>
      %logistic3A_81 = math.exp %logistic3A_80 : vector<8x256xf32>
      %logistic3A_82 = arith.constant 1.000000e+00 : f32
      %logistic3A_83 = vector.broadcast %logistic3A_82 : f32 to vector<8x256xf32>
      %logistic3A_84 = arith.addf %logistic3A_83, %logistic3A_81 : vector<8x256xf32>
      %logistic3A_85 = arith.divf %logistic3A_83, %logistic3A_84 : vector<8x256xf32>
      %mul3A = arith.mulf %logistic3A_77, %scan3A_48 : vector<8x256xf32>
      %mul3A_86 = arith.mulf %logistic3A_70, %tanh3A : vector<8x256xf32>
      %add3A_87 = arith.addf %mul3A, %mul3A_86 : vector<8x256xf32>
      %tanh3A_88 = math.tanh %add3A_87 : vector<8x256xf32>
      %mul3A_89 = arith.mulf %logistic3A_85, %tanh3A_88 : vector<8x256xf32>
      %slice3A_90 = vector.extract_strided_slice %mul3A_89 {offsets = [0, 0], sizes = [1, 256], strides = [1, 1]} : vector<8x256xf32> to vector<1x256xf32>
      %swap3A_91 = arith.index_cast %scan3A_46 : i32 to index
      %swap3A_92 = arith.constant 0 : index
      %swap3A_93 = vector.load %arg13[%swap3A_91, %swap3A_92] : memref<320x256xf32, #tpu.memory_space<vmem>>, vector<1x256xf32>
      tpu.vector_store %arg13[%swap3A_91, %swap3A_92], %slice3A_90 {strides = array<i32>} : memref<320x256xf32, #tpu.memory_space<vmem>>, vector<1x256xf32>,
      %scan3A_94 = arith.constant 1 : i32
      %scan3A_95 = arith.addi %scan3A_46, %scan3A_94 : i32
      %get3A_96 = arith.index_cast %scan3A_95 : i32 to index
      %get3A_97 = arith.constant 0 : index
      %get3A_98 = vector.load %arg1[%get3A_96, %get3A_97] : memref<320x1024xf32, #tpu.memory_space<vmem>>, vector<1x1024xf32>
      %convert_element_type3A_99 = arith.truncf %mul3A_89 : vector<8x256xf32> to vector<8x256xbf16>
      %get3A_100 = arith.constant 0 : index
      %get3A_101 = arith.constant 0 : index
      %get3A_102 = vector.load %arg4[%get3A_100, %get3A_101] : memref<256x1024xbf16, #tpu.memory_space<vmem>>, vector<256x1024xbf16>
      %dot_general3A_103 = arith.constant dense<0.000000e+00> : vector<8x1024xf32>
      %dot_general3A_104 = tpu.matmul %convert_element_type3A_99, %get3A_102, %dot_general3A_103 {dimension_numbers = #tpu.dot_dimension_numbers<[1], [0], [0], [1], [0, 0, 1, 1], [], []>, transpose_lhs_hint = false} : vector<8x256xbf16>, vector<256x1024xbf16>, vector<8x1024xf32> -> vector<8x1024xf32>
      %add3A_105 = vector.broadcast %get3A_98 : vector<1x1024xf32> to vector<8x1024xf32>
      %add3A_106 = arith.addf %add3A_105, %dot_general3A_104 : vector<8x1024xf32>
      %get3A_107 = arith.constant 0 : index
      %get3A_108 = arith.constant 0 : index
      %get3A_109 = vector.load %arg5[%get3A_107, %get3A_108] : memref<1x1024xf32, #tpu.memory_space<vmem>>, vector<1x1024xf32>
      %add3A_110 = vector.broadcast %get3A_109 : vector<1x1024xf32> to vector<8x1024xf32>
      %add3A_111 = arith.addf %add3A_106, %add3A_110 : vector<8x1024xf32>
      %slice3A_112 = vector.extract_strided_slice %add3A_111 {offsets = [0, 0], sizes = [8, 256], strides = [1, 1]} : vector<8x1024xf32> to vector<8x256xf32>
      %logistic3A_113 = arith.negf %slice3A_112 : vector<8x256xf32>
      %logistic3A_114 = math.exp %logistic3A_113 : vector<8x256xf32>
      %logistic3A_115 = arith.constant 1.000000e+00 : f32
      %logistic3A_116 = vector.broadcast %logistic3A_115 : f32 to vector<8x256xf32>
      %logistic3A_117 = arith.addf %logistic3A_116, %logistic3A_114 : vector<8x256xf32>
      %logistic3A_118 = arith.divf %logistic3A_116, %logistic3A_117 : vector<8x256xf32>
      %slice3A_119 = vector.extract_strided_slice %add3A_111 {offsets = [0, 256], sizes = [8, 256], strides = [1, 1]} : vector<8x1024xf32> to vector<8x256xf32>
      %logistic3A_120 = arith.negf %slice3A_119 : vector<8x256xf32>
      %logistic3A_121 = math.exp %logistic3A_120 : vector<8x256xf32>
      %logistic3A_122 = arith.constant 1.000000e+00 : f32
      %logistic3A_123 = vector.broadcast %logistic3A_122 : f32 to vector<8x256xf32>
      %logistic3A_124 = arith.addf %logistic3A_123, %logistic3A_121 : vector<8x256xf32>
      %logistic3A_125 = arith.divf %logistic3A_123, %logistic3A_124 : vector<8x256xf32>
      %slice3A_126 = vector.extract_strided_slice %add3A_111 {offsets = [0, 512], sizes = [8, 256], strides = [1, 1]} : vector<8x1024xf32> to vector<8x256xf32>
      %tanh3A_127 = math.tanh %slice3A_126 : vector<8x256xf32>
      %slice3A_128 = vector.extract_strided_slice %add3A_111 {offsets = [0, 768], sizes = [8, 256], strides = [1, 1]} : vector<8x1024xf32> to vector<8x256xf32>
      %logistic3A_129 = arith.negf %slice3A_128 : vector<8x256xf32>
      %logistic3A_130 = math.exp %logistic3A_129 : vector<8x256xf32>
      %logistic3A_131 = arith.constant 1.000000e+00 : f32
      %logistic3A_132 = vector.broadcast %logistic3A_131 : f32 to vector<8x256xf32>
      %logistic3A_133 = arith.addf %logistic3A_132, %logistic3A_130 : vector<8x256xf32>
      %logistic3A_134 = arith.divf %logistic3A_132, %logistic3A_133 : vector<8x256xf32>
      %mul3A_135 = arith.mulf %logistic3A_125, %add3A_87 : vector<8x256xf32>
      %mul3A_136 = arith.mulf %logistic3A_118, %tanh3A_127 : vector<8x256xf32>
      %add3A_137 = arith.addf %mul3A_135, %mul3A_136 : vector<8x256xf32>
      %tanh3A_138 = math.tanh %add3A_137 : vector<8x256xf32>
      %mul3A_139 = arith.mulf %logistic3A_134, %tanh3A_138 : vector<8x256xf32>
      %slice3A_140 = vector.extract_strided_slice %mul3A_139 {offsets = [0, 0], sizes = [1, 256], strides = [1, 1]} : vector<8x256xf32> to vector<1x256xf32>
      %swap3A_141 = arith.index_cast %scan3A_95 : i32 to index
      %swap3A_142 = arith.constant 0 : index
      %swap3A_143 = vector.load %arg13[%swap3A_141, %swap3A_142] : memref<320x256xf32, #tpu.memory_space<vmem>>, vector<1x256xf32>
      tpu.vector_store %arg13[%swap3A_141, %swap3A_142], %slice3A_140 {strides = array<i32>} : memref<320x256xf32, #tpu.memory_space<vmem>>, vector<1x256xf32>,
      %scan3A_144 = arith.constant 2 : i32
      %scan3A_145 = arith.addi %scan3A_46, %scan3A_144 : i32
      %get3A_146 = arith.index_cast %scan3A_145 : i32 to index
      %get3A_147 = arith.constant 0 : index
      %get3A_148 = vector.load %arg1[%get3A_146, %get3A_147] : memref<320x1024xf32, #tpu.memory_space<vmem>>, vector<1x1024xf32>
      %convert_element_type3A_149 = arith.truncf %mul3A_139 : vector<8x256xf32> to vector<8x256xbf16>
      %get3A_150 = arith.constant 0 : index
      %get3A_151 = arith.constant 0 : index
      %get3A_152 = vector.load %arg4[%get3A_150, %get3A_151] : memref<256x1024xbf16, #tpu.memory_space<vmem>>, vector<256x1024xbf16>
      %dot_general3A_153 = arith.constant dense<0.000000e+00> : vector<8x1024xf32>
      %dot_general3A_154 = tpu.matmul %convert_element_type3A_149, %get3A_152, %dot_general3A_153 {dimension_numbers = #tpu.dot_dimension_numbers<[1], [0], [0], [1], [0, 0, 1, 1], [], []>, transpose_lhs_hint = false} : vector<8x256xbf16>, vector<256x1024xbf16>, vector<8x1024xf32> -> vector<8x1024xf32>
      %add3A_155 = vector.broadcast %get3A_148 : vector<1x1024xf32> to vector<8x1024xf32>
      %add3A_156 = arith.addf %add3A_155, %dot_general3A_154 : vector<8x1024xf32>
      %get3A_157 = arith.constant 0 : index
      %get3A_158 = arith.constant 0 : index
      %get3A_159 = vector.load %arg5[%get3A_157, %get3A_158] : memref<1x1024xf32, #tpu.memory_space<vmem>>, vector<1x1024xf32>
      %add3A_160 = vector.broadcast %get3A_159 : vector<1x1024xf32> to vector<8x1024xf32>
      %add3A_161 = arith.addf %add3A_156, %add3A_160 : vector<8x1024xf32>
      %slice3A_162 = vector.extract_strided_slice %add3A_161 {offsets = [0, 0], sizes = [8, 256], strides = [1, 1]} : vector<8x1024xf32> to vector<8x256xf32>
      %logistic3A_163 = arith.negf %slice3A_162 : vector<8x256xf32>
      %logistic3A_164 = math.exp %logistic3A_163 : vector<8x256xf32>
      %logistic3A_165 = arith.constant 1.000000e+00 : f32
      %logistic3A_166 = vector.broadcast %logistic3A_165 : f32 to vector<8x256xf32>
      %logistic3A_167 = arith.addf %logistic3A_166, %logistic3A_164 : vector<8x256xf32>
      %logistic3A_168 = arith.divf %logistic3A_166, %logistic3A_167 : vector<8x256xf32>
      %slice3A_169 = vector.extract_strided_slice %add3A_161 {offsets = [0, 256], sizes = [8, 256], strides = [1, 1]} : vector<8x1024xf32> to vector<8x256xf32>
      %logistic3A_170 = arith.negf %slice3A_169 : vector<8x256xf32>
      %logistic3A_171 = math.exp %logistic3A_170 : vector<8x256xf32>
      %logistic3A_172 = arith.constant 1.000000e+00 : f32
      %logistic3A_173 = vector.broadcast %logistic3A_172 : f32 to vector<8x256xf32>
      %logistic3A_174 = arith.addf %logistic3A_173, %logistic3A_171 : vector<8x256xf32>
      %logistic3A_175 = arith.divf %logistic3A_173, %logistic3A_174 : vector<8x256xf32>
      %slice3A_176 = vector.extract_strided_slice %add3A_161 {offsets = [0, 512], sizes = [8, 256], strides = [1, 1]} : vector<8x1024xf32> to vector<8x256xf32>
      %tanh3A_177 = math.tanh %slice3A_176 : vector<8x256xf32>
      %slice3A_178 = vector.extract_strided_slice %add3A_161 {offsets = [0, 768], sizes = [8, 256], strides = [1, 1]} : vector<8x1024xf32> to vector<8x256xf32>
      %logistic3A_179 = arith.negf %slice3A_178 : vector<8x256xf32>
      %logistic3A_180 = math.exp %logistic3A_179 : vector<8x256xf32>
      %logistic3A_181 = arith.constant 1.000000e+00 : f32
      %logistic3A_182 = vector.broadcast %logistic3A_181 : f32 to vector<8x256xf32>
      %logistic3A_183 = arith.addf %logistic3A_182, %logistic3A_180 : vector<8x256xf32>
      %logistic3A_184 = arith.divf %logistic3A_182, %logistic3A_183 : vector<8x256xf32>
      %mul3A_185 = arith.mulf %logistic3A_175, %add3A_137 : vector<8x256xf32>
      %mul3A_186 = arith.mulf %logistic3A_168, %tanh3A_177 : vector<8x256xf32>
      %add3A_187 = arith.addf %mul3A_185, %mul3A_186 : vector<8x256xf32>
      %tanh3A_188 = math.tanh %add3A_187 : vector<8x256xf32>
      %mul3A_189 = arith.mulf %logistic3A_184, %tanh3A_188 : vector<8x256xf32>
      %slice3A_190 = vector.extract_strided_slice %mul3A_189 {offsets = [0, 0], sizes = [1, 256], strides = [1, 1]} : vector<8x256xf32> to vector<1x256xf32>
      %swap3A_191 = arith.index_cast %scan3A_145 : i32 to index
      %swap3A_192 = arith.constant 0 : index
      %swap3A_193 = vector.load %arg13[%swap3A_191, %swap3A_192] : memref<320x256xf32, #tpu.memory_space<vmem>>, vector<1x256xf32>
      tpu.vector_store %arg13[%swap3A_191, %swap3A_192], %slice3A_190 {strides = array<i32>} : memref<320x256xf32, #tpu.memory_space<vmem>>, vector<1x256xf32>,
      %scan3A_194 = arith.constant 3 : i32
      %scan3A_195 = arith.addi %scan3A_46, %scan3A_194 : i32
      %get3A_196 = arith.index_cast %scan3A_195 : i32 to index
      %get3A_197 = arith.constant 0 : index
      %get3A_198 = vector.load %arg1[%get3A_196, %get3A_197] : memref<320x1024xf32, #tpu.memory_space<vmem>>, vector<1x1024xf32>
      %convert_element_type3A_199 = arith.truncf %mul3A_189 : vector<8x256xf32> to vector<8x256xbf16>
      %get3A_200 = arith.constant 0 : index
      %get3A_201 = arith.constant 0 : index
      %get3A_202 = vector.load %arg4[%get3A_200, %get3A_201] : memref<256x1024xbf16, #tpu.memory_space<vmem>>, vector<256x1024xbf16>
      %dot_general3A_203 = arith.constant dense<0.000000e+00> : vector<8x1024xf32>
      %dot_general3A_204 = tpu.matmul %convert_element_type3A_199, %get3A_202, %dot_general3A_203 {dimension_numbers = #tpu.dot_dimension_numbers<[1], [0], [0], [1], [0, 0, 1, 1], [], []>, transpose_lhs_hint = false} : vector<8x256xbf16>, vector<256x1024xbf16>, vector<8x1024xf32> -> vector<8x1024xf32>
      %add3A_205 = vector.broadcast %get3A_198 : vector<1x1024xf32> to vector<8x1024xf32>
      %add3A_206 = arith.addf %add3A_205, %dot_general3A_204 : vector<8x1024xf32>
      %get3A_207 = arith.constant 0 : index
      %get3A_208 = arith.constant 0 : index
      %get3A_209 = vector.load %arg5[%get3A_207, %get3A_208] : memref<1x1024xf32, #tpu.memory_space<vmem>>, vector<1x1024xf32>
      %add3A_210 = vector.broadcast %get3A_209 : vector<1x1024xf32> to vector<8x1024xf32>
      %add3A_211 = arith.addf %add3A_206, %add3A_210 : vector<8x1024xf32>
      %slice3A_212 = vector.extract_strided_slice %add3A_211 {offsets = [0, 0], sizes = [8, 256], strides = [1, 1]} : vector<8x1024xf32> to vector<8x256xf32>
      %logistic3A_213 = arith.negf %slice3A_212 : vector<8x256xf32>
      %logistic3A_214 = math.exp %logistic3A_213 : vector<8x256xf32>
      %logistic3A_215 = arith.constant 1.000000e+00 : f32
      %logistic3A_216 = vector.broadcast %logistic3A_215 : f32 to vector<8x256xf32>
      %logistic3A_217 = arith.addf %logistic3A_216, %logistic3A_214 : vector<8x256xf32>
      %logistic3A_218 = arith.divf %logistic3A_216, %logistic3A_217 : vector<8x256xf32>
      %slice3A_219 = vector.extract_strided_slice %add3A_211 {offsets = [0, 256], sizes = [8, 256], strides = [1, 1]} : vector<8x1024xf32> to vector<8x256xf32>
      %logistic3A_220 = arith.negf %slice3A_219 : vector<8x256xf32>
      %logistic3A_221 = math.exp %logistic3A_220 : vector<8x256xf32>
      %logistic3A_222 = arith.constant 1.000000e+00 : f32
      %logistic3A_223 = vector.broadcast %logistic3A_222 : f32 to vector<8x256xf32>
      %logistic3A_224 = arith.addf %logistic3A_223, %logistic3A_221 : vector<8x256xf32>
      %logistic3A_225 = arith.divf %logistic3A_223, %logistic3A_224 : vector<8x256xf32>
      %slice3A_226 = vector.extract_strided_slice %add3A_211 {offsets = [0, 512], sizes = [8, 256], strides = [1, 1]} : vector<8x1024xf32> to vector<8x256xf32>
      %tanh3A_227 = math.tanh %slice3A_226 : vector<8x256xf32>
      %slice3A_228 = vector.extract_strided_slice %add3A_211 {offsets = [0, 768], sizes = [8, 256], strides = [1, 1]} : vector<8x1024xf32> to vector<8x256xf32>
      %logistic3A_229 = arith.negf %slice3A_228 : vector<8x256xf32>
      %logistic3A_230 = math.exp %logistic3A_229 : vector<8x256xf32>
      %logistic3A_231 = arith.constant 1.000000e+00 : f32
      %logistic3A_232 = vector.broadcast %logistic3A_231 : f32 to vector<8x256xf32>
      %logistic3A_233 = arith.addf %logistic3A_232, %logistic3A_230 : vector<8x256xf32>
      %logistic3A_234 = arith.divf %logistic3A_232, %logistic3A_233 : vector<8x256xf32>
      %mul3A_235 = arith.mulf %logistic3A_225, %add3A_187 : vector<8x256xf32>
      %mul3A_236 = arith.mulf %logistic3A_218, %tanh3A_227 : vector<8x256xf32>
      %add3A_237 = arith.addf %mul3A_235, %mul3A_236 : vector<8x256xf32>
      %tanh3A_238 = math.tanh %add3A_237 : vector<8x256xf32>
      %mul3A_239 = arith.mulf %logistic3A_234, %tanh3A_238 : vector<8x256xf32>
      %slice3A_240 = vector.extract_strided_slice %mul3A_239 {offsets = [0, 0], sizes = [1, 256], strides = [1, 1]} : vector<8x256xf32> to vector<1x256xf32>
      %swap3A_241 = arith.index_cast %scan3A_195 : i32 to index
      %swap3A_242 = arith.constant 0 : index
      %swap3A_243 = vector.load %arg13[%swap3A_241, %swap3A_242] : memref<320x256xf32, #tpu.memory_space<vmem>>, vector<1x256xf32>
      tpu.vector_store %arg13[%swap3A_241, %swap3A_242], %slice3A_240 {strides = array<i32>} : memref<320x256xf32, #tpu.memory_space<vmem>>, vector<1x256xf32>,
      %scan3A_244 = arith.constant 4 : i32
      %scan3A_245 = arith.addi %scan3A_46, %scan3A_244 : i32
      %get3A_246 = arith.index_cast %scan3A_245 : i32 to index
      %get3A_247 = arith.constant 0 : index
      %get3A_248 = vector.load %arg1[%get3A_246, %get3A_247] : memref<320x1024xf32, #tpu.memory_space<vmem>>, vector<1x1024xf32>
      %convert_element_type3A_249 = arith.truncf %mul3A_239 : vector<8x256xf32> to vector<8x256xbf16>
      %get3A_250 = arith.constant 0 : index
      %get3A_251 = arith.constant 0 : index
      %get3A_252 = vector.load %arg4[%get3A_250, %get3A_251] : memref<256x1024xbf16, #tpu.memory_space<vmem>>, vector<256x1024xbf16>
      %dot_general3A_253 = arith.constant dense<0.000000e+00> : vector<8x1024xf32>
      %dot_general3A_254 = tpu.matmul %convert_element_type3A_249, %get3A_252, %dot_general3A_253 {dimension_numbers = #tpu.dot_dimension_numbers<[1], [0], [0], [1], [0, 0, 1, 1], [], []>, transpose_lhs_hint = false} : vector<8x256xbf16>, vector<256x1024xbf16>, vector<8x1024xf32> -> vector<8x1024xf32>
      %add3A_255 = vector.broadcast %get3A_248 : vector<1x1024xf32> to vector<8x1024xf32>
      %add3A_256 = arith.addf %add3A_255, %dot_general3A_254 : vector<8x1024xf32>
      %get3A_257 = arith.constant 0 : index
      %get3A_258 = arith.constant 0 : index
      %get3A_259 = vector.load %arg5[%get3A_257, %get3A_258] : memref<1x1024xf32, #tpu.memory_space<vmem>>, vector<1x1024xf32>
      %add3A_260 = vector.broadcast %get3A_259 : vector<1x1024xf32> to vector<8x1024xf32>
      %add3A_261 = arith.addf %add3A_256, %add3A_260 : vector<8x1024xf32>
      %slice3A_262 = vector.extract_strided_slice %add3A_261 {offsets = [0, 0], sizes = [8, 256], strides = [1, 1]} : vector<8x1024xf32> to vector<8x256xf32>
      %logistic3A_263 = arith.negf %slice3A_262 : vector<8x256xf32>
      %logistic3A_264 = math.exp %logistic3A_263 : vector<8x256xf32>
      %logistic3A_265 = arith.constant 1.000000e+00 : f32
      %logistic3A_266 = vector.broadcast %logistic3A_265 : f32 to vector<8x256xf32>
      %logistic3A_267 = arith.addf %logistic3A_266, %logistic3A_264 : vector<8x256xf32>
      %logistic3A_268 = arith.divf %logistic3A_266, %logistic3A_267 : vector<8x256xf32>
      %slice3A_269 = vector.extract_strided_slice %add3A_261 {offsets = [0, 256], sizes = [8, 256], strides = [1, 1]} : vector<8x1024xf32> to vector<8x256xf32>
      %logistic3A_270 = arith.negf %slice3A_269 : vector<8x256xf32>
      %logistic3A_271 = math.exp %logistic3A_270 : vector<8x256xf32>
      %logistic3A_272 = arith.constant 1.000000e+00 : f32
      %logistic3A_273 = vector.broadcast %logistic3A_272 : f32 to vector<8x256xf32>
      %logistic3A_274 = arith.addf %logistic3A_273, %logistic3A_271 : vector<8x256xf32>
      %logistic3A_275 = arith.divf %logistic3A_273, %logistic3A_274 : vector<8x256xf32>
      %slice3A_276 = vector.extract_strided_slice %add3A_261 {offsets = [0, 512], sizes = [8, 256], strides = [1, 1]} : vector<8x1024xf32> to vector<8x256xf32>
      %tanh3A_277 = math.tanh %slice3A_276 : vector<8x256xf32>
      %slice3A_278 = vector.extract_strided_slice %add3A_261 {offsets = [0, 768], sizes = [8, 256], strides = [1, 1]} : vector<8x1024xf32> to vector<8x256xf32>
      %logistic3A_279 = arith.negf %slice3A_278 : vector<8x256xf32>
      %logistic3A_280 = math.exp %logistic3A_279 : vector<8x256xf32>
      %logistic3A_281 = arith.constant 1.000000e+00 : f32
      %logistic3A_282 = vector.broadcast %logistic3A_281 : f32 to vector<8x256xf32>
      %logistic3A_283 = arith.addf %logistic3A_282, %logistic3A_280 : vector<8x256xf32>
      %logistic3A_284 = arith.divf %logistic3A_282, %logistic3A_283 : vector<8x256xf32>
      %mul3A_285 = arith.mulf %logistic3A_275, %add3A_237 : vector<8x256xf32>
      %mul3A_286 = arith.mulf %logistic3A_268, %tanh3A_277 : vector<8x256xf32>
      %add3A_287 = arith.addf %mul3A_285, %mul3A_286 : vector<8x256xf32>
      %tanh3A_288 = math.tanh %add3A_287 : vector<8x256xf32>
      %mul3A_289 = arith.mulf %logistic3A_284, %tanh3A_288 : vector<8x256xf32>
      %slice3A_290 = vector.extract_strided_slice %mul3A_289 {offsets = [0, 0], sizes = [1, 256], strides = [1, 1]} : vector<8x256xf32> to vector<1x256xf32>
      %swap3A_291 = arith.index_cast %scan3A_245 : i32 to index
      %swap3A_292 = arith.constant 0 : index
      %swap3A_293 = vector.load %arg13[%swap3A_291, %swap3A_292] : memref<320x256xf32, #tpu.memory_space<vmem>>, vector<1x256xf32>
      tpu.vector_store %arg13[%swap3A_291, %swap3A_292], %slice3A_290 {strides = array<i32>} : memref<320x256xf32, #tpu.memory_space<vmem>>, vector<1x256xf32>,
      %scan3A_294 = arith.constant 5 : i32
      %scan3A_295 = arith.addi %scan3A_46, %scan3A_294 : i32
      %get3A_296 = arith.index_cast %scan3A_295 : i32 to index
      %get3A_297 = arith.constant 0 : index
      %get3A_298 = vector.load %arg1[%get3A_296, %get3A_297] : memref<320x1024xf32, #tpu.memory_space<vmem>>, vector<1x1024xf32>
      %convert_element_type3A_299 = arith.truncf %mul3A_289 : vector<8x256xf32> to vector<8x256xbf16>
      %get3A_300 = arith.constant 0 : index
      %get3A_301 = arith.constant 0 : index
      %get3A_302 = vector.load %arg4[%get3A_300, %get3A_301] : memref<256x1024xbf16, #tpu.memory_space<vmem>>, vector<256x1024xbf16>
      %dot_general3A_303 = arith.constant dense<0.000000e+00> : vector<8x1024xf32>
      %dot_general3A_304 = tpu.matmul %convert_element_type3A_299, %get3A_302, %dot_general3A_303 {dimension_numbers = #tpu.dot_dimension_numbers<[1], [0], [0], [1], [0, 0, 1, 1], [], []>, transpose_lhs_hint = false} : vector<8x256xbf16>, vector<256x1024xbf16>, vector<8x1024xf32> -> vector<8x1024xf32>
      %add3A_305 = vector.broadcast %get3A_298 : vector<1x1024xf32> to vector<8x1024xf32>
      %add3A_306 = arith.addf %add3A_305, %dot_general3A_304 : vector<8x1024xf32>
      %get3A_307 = arith.constant 0 : index
      %get3A_308 = arith.constant 0 : index
      %get3A_309 = vector.load %arg5[%get3A_307, %get3A_308] : memref<1x1024xf32, #tpu.memory_space<vmem>>, vector<1x1024xf32>
      %add3A_310 = vector.broadcast %get3A_309 : vector<1x1024xf32> to vector<8x1024xf32>
      %add3A_311 = arith.addf %add3A_306, %add3A_310 : vector<8x1024xf32>
      %slice3A_312 = vector.extract_strided_slice %add3A_311 {offsets = [0, 0], sizes = [8, 256], strides = [1, 1]} : vector<8x1024xf32> to vector<8x256xf32>
      %logistic3A_313 = arith.negf %slice3A_312 : vector<8x256xf32>
      %logistic3A_314 = math.exp %logistic3A_313 : vector<8x256xf32>
      %logistic3A_315 = arith.constant 1.000000e+00 : f32
      %logistic3A_316 = vector.broadcast %logistic3A_315 : f32 to vector<8x256xf32>
      %logistic3A_317 = arith.addf %logistic3A_316, %logistic3A_314 : vector<8x256xf32>
      %logistic3A_318 = arith.divf %logistic3A_316, %logistic3A_317 : vector<8x256xf32>
      %slice3A_319 = vector.extract_strided_slice %add3A_311 {offsets = [0, 256], sizes = [8, 256], strides = [1, 1]} : vector<8x1024xf32> to vector<8x256xf32>
      %logistic3A_320 = arith.negf %slice3A_319 : vector<8x256xf32>
      %logistic3A_321 = math.exp %logistic3A_320 : vector<8x256xf32>
      %logistic3A_322 = arith.constant 1.000000e+00 : f32
      %logistic3A_323 = vector.broadcast %logistic3A_322 : f32 to vector<8x256xf32>
      %logistic3A_324 = arith.addf %logistic3A_323, %logistic3A_321 : vector<8x256xf32>
      %logistic3A_325 = arith.divf %logistic3A_323, %logistic3A_324 : vector<8x256xf32>
      %slice3A_326 = vector.extract_strided_slice %add3A_311 {offsets = [0, 512], sizes = [8, 256], strides = [1, 1]} : vector<8x1024xf32> to vector<8x256xf32>
      %tanh3A_327 = math.tanh %slice3A_326 : vector<8x256xf32>
      %slice3A_328 = vector.extract_strided_slice %add3A_311 {offsets = [0, 768], sizes = [8, 256], strides = [1, 1]} : vector<8x1024xf32> to vector<8x256xf32>
      %logistic3A_329 = arith.negf %slice3A_328 : vector<8x256xf32>
      %logistic3A_330 = math.exp %logistic3A_329 : vector<8x256xf32>
      %logistic3A_331 = arith.constant 1.000000e+00 : f32
      %logistic3A_332 = vector.broadcast %logistic3A_331 : f32 to vector<8x256xf32>
      %logistic3A_333 = arith.addf %logistic3A_332, %logistic3A_330 : vector<8x256xf32>
      %logistic3A_334 = arith.divf %logistic3A_332, %logistic3A_333 : vector<8x256xf32>
      %mul3A_335 = arith.mulf %logistic3A_325, %add3A_287 : vector<8x256xf32>
      %mul3A_336 = arith.mulf %logistic3A_318, %tanh3A_327 : vector<8x256xf32>
      %add3A_337 = arith.addf %mul3A_335, %mul3A_336 : vector<8x256xf32>
      %tanh3A_338 = math.tanh %add3A_337 : vector<8x256xf32>
      %mul3A_339 = arith.mulf %logistic3A_334, %tanh3A_338 : vector<8x256xf32>
      %slice3A_340 = vector.extract_strided_slice %mul3A_339 {offsets = [0, 0], sizes = [1, 256], strides = [1, 1]} : vector<8x256xf32> to vector<1x256xf32>
      %swap3A_341 = arith.index_cast %scan3A_295 : i32 to index
      %swap3A_342 = arith.constant 0 : index
      %swap3A_343 = vector.load %arg13[%swap3A_341, %swap3A_342] : memref<320x256xf32, #tpu.memory_space<vmem>>, vector<1x256xf32>
      tpu.vector_store %arg13[%swap3A_341, %swap3A_342], %slice3A_340 {strides = array<i32>} : memref<320x256xf32, #tpu.memory_space<vmem>>, vector<1x256xf32>,
      %scan3A_344 = arith.constant 6 : i32
      %scan3A_345 = arith.addi %scan3A_46, %scan3A_344 : i32
      %get3A_346 = arith.index_cast %scan3A_345 : i32 to index
      %get3A_347 = arith.constant 0 : index
      %get3A_348 = vector.load %arg1[%get3A_346, %get3A_347] : memref<320x1024xf32, #tpu.memory_space<vmem>>, vector<1x1024xf32>
      %convert_element_type3A_349 = arith.truncf %mul3A_339 : vector<8x256xf32> to vector<8x256xbf16>
      %get3A_350 = arith.constant 0 : index
      %get3A_351 = arith.constant 0 : index
      %get3A_352 = vector.load %arg4[%get3A_350, %get3A_351] : memref<256x1024xbf16, #tpu.memory_space<vmem>>, vector<256x1024xbf16>
      %dot_general3A_353 = arith.constant dense<0.000000e+00> : vector<8x1024xf32>
      %dot_general3A_354 = tpu.matmul %convert_element_type3A_349, %get3A_352, %dot_general3A_353 {dimension_numbers = #tpu.dot_dimension_numbers<[1], [0], [0], [1], [0, 0, 1, 1], [], []>, transpose_lhs_hint = false} : vector<8x256xbf16>, vector<256x1024xbf16>, vector<8x1024xf32> -> vector<8x1024xf32>
      %add3A_355 = vector.broadcast %get3A_348 : vector<1x1024xf32> to vector<8x1024xf32>
      %add3A_356 = arith.addf %add3A_355, %dot_general3A_354 : vector<8x1024xf32>
      %get3A_357 = arith.constant 0 : index
      %get3A_358 = arith.constant 0 : index
      %get3A_359 = vector.load %arg5[%get3A_357, %get3A_358] : memref<1x1024xf32, #tpu.memory_space<vmem>>, vector<1x1024xf32>
      %add3A_360 = vector.broadcast %get3A_359 : vector<1x1024xf32> to vector<8x1024xf32>
      %add3A_361 = arith.addf %add3A_356, %add3A_360 : vector<8x1024xf32>
      %slice3A_362 = vector.extract_strided_slice %add3A_361 {offsets = [0, 0], sizes = [8, 256], strides = [1, 1]} : vector<8x1024xf32> to vector<8x256xf32>
      %logistic3A_363 = arith.negf %slice3A_362 : vector<8x256xf32>
      %logistic3A_364 = math.exp %logistic3A_363 : vector<8x256xf32>
      %logistic3A_365 = arith.constant 1.000000e+00 : f32
      %logistic3A_366 = vector.broadcast %logistic3A_365 : f32 to vector<8x256xf32>
      %logistic3A_367 = arith.addf %logistic3A_366, %logistic3A_364 : vector<8x256xf32>
      %logistic3A_368 = arith.divf %logistic3A_366, %logistic3A_367 : vector<8x256xf32>
      %slice3A_369 = vector.extract_strided_slice %add3A_361 {offsets = [0, 256], sizes = [8, 256], strides = [1, 1]} : vector<8x1024xf32> to vector<8x256xf32>
      %logistic3A_370 = arith.negf %slice3A_369 : vector<8x256xf32>
      %logistic3A_371 = math.exp %logistic3A_370 : vector<8x256xf32>
      %logistic3A_372 = arith.constant 1.000000e+00 : f32
      %logistic3A_373 = vector.broadcast %logistic3A_372 : f32 to vector<8x256xf32>
      %logistic3A_374 = arith.addf %logistic3A_373, %logistic3A_371 : vector<8x256xf32>
      %logistic3A_375 = arith.divf %logistic3A_373, %logistic3A_374 : vector<8x256xf32>
      %slice3A_376 = vector.extract_strided_slice %add3A_361 {offsets = [0, 512], sizes = [8, 256], strides = [1, 1]} : vector<8x1024xf32> to vector<8x256xf32>
      %tanh3A_377 = math.tanh %slice3A_376 : vector<8x256xf32>
      %slice3A_378 = vector.extract_strided_slice %add3A_361 {offsets = [0, 768], sizes = [8, 256], strides = [1, 1]} : vector<8x1024xf32> to vector<8x256xf32>
      %logistic3A_379 = arith.negf %slice3A_378 : vector<8x256xf32>
      %logistic3A_380 = math.exp %logistic3A_379 : vector<8x256xf32>
      %logistic3A_381 = arith.constant 1.000000e+00 : f32
      %logistic3A_382 = vector.broadcast %logistic3A_381 : f32 to vector<8x256xf32>
      %logistic3A_383 = arith.addf %logistic3A_382, %logistic3A_380 : vector<8x256xf32>
      %logistic3A_384 = arith.divf %logistic3A_382, %logistic3A_383 : vector<8x256xf32>
      %mul3A_385 = arith.mulf %logistic3A_375, %add3A_337 : vector<8x256xf32>
      %mul3A_386 = arith.mulf %logistic3A_368, %tanh3A_377 : vector<8x256xf32>
      %add3A_387 = arith.addf %mul3A_385, %mul3A_386 : vector<8x256xf32>
      %tanh3A_388 = math.tanh %add3A_387 : vector<8x256xf32>
      %mul3A_389 = arith.mulf %logistic3A_384, %tanh3A_388 : vector<8x256xf32>
      %slice3A_390 = vector.extract_strided_slice %mul3A_389 {offsets = [0, 0], sizes = [1, 256], strides = [1, 1]} : vector<8x256xf32> to vector<1x256xf32>
      %swap3A_391 = arith.index_cast %scan3A_345 : i32 to index
      %swap3A_392 = arith.constant 0 : index
      %swap3A_393 = vector.load %arg13[%swap3A_391, %swap3A_392] : memref<320x256xf32, #tpu.memory_space<vmem>>, vector<1x256xf32>
      tpu.vector_store %arg13[%swap3A_391, %swap3A_392], %slice3A_390 {strides = array<i32>} : memref<320x256xf32, #tpu.memory_space<vmem>>, vector<1x256xf32>,
      %scan3A_394 = arith.constant 7 : i32
      %scan3A_395 = arith.addi %scan3A_46, %scan3A_394 : i32
      %get3A_396 = arith.index_cast %scan3A_395 : i32 to index
      %get3A_397 = arith.constant 0 : index
      %get3A_398 = vector.load %arg1[%get3A_396, %get3A_397] : memref<320x1024xf32, #tpu.memory_space<vmem>>, vector<1x1024xf32>
      %convert_element_type3A_399 = arith.truncf %mul3A_389 : vector<8x256xf32> to vector<8x256xbf16>
      %get3A_400 = arith.constant 0 : index
      %get3A_401 = arith.constant 0 : index
      %get3A_402 = vector.load %arg4[%get3A_400, %get3A_401] : memref<256x1024xbf16, #tpu.memory_space<vmem>>, vector<256x1024xbf16>
      %dot_general3A_403 = arith.constant dense<0.000000e+00> : vector<8x1024xf32>
      %dot_general3A_404 = tpu.matmul %convert_element_type3A_399, %get3A_402, %dot_general3A_403 {dimension_numbers = #tpu.dot_dimension_numbers<[1], [0], [0], [1], [0, 0, 1, 1], [], []>, transpose_lhs_hint = false} : vector<8x256xbf16>, vector<256x1024xbf16>, vector<8x1024xf32> -> vector<8x1024xf32>
      %add3A_405 = vector.broadcast %get3A_398 : vector<1x1024xf32> to vector<8x1024xf32>
      %add3A_406 = arith.addf %add3A_405, %dot_general3A_404 : vector<8x1024xf32>
      %get3A_407 = arith.constant 0 : index
      %get3A_408 = arith.constant 0 : index
      %get3A_409 = vector.load %arg5[%get3A_407, %get3A_408] : memref<1x1024xf32, #tpu.memory_space<vmem>>, vector<1x1024xf32>
      %add3A_410 = vector.broadcast %get3A_409 : vector<1x1024xf32> to vector<8x1024xf32>
      %add3A_411 = arith.addf %add3A_406, %add3A_410 : vector<8x1024xf32>
      %slice3A_412 = vector.extract_strided_slice %add3A_411 {offsets = [0, 0], sizes = [8, 256], strides = [1, 1]} : vector<8x1024xf32> to vector<8x256xf32>
      %logistic3A_413 = arith.negf %slice3A_412 : vector<8x256xf32>
      %logistic3A_414 = math.exp %logistic3A_413 : vector<8x256xf32>
      %logistic3A_415 = arith.constant 1.000000e+00 : f32
      %logistic3A_416 = vector.broadcast %logistic3A_415 : f32 to vector<8x256xf32>
      %logistic3A_417 = arith.addf %logistic3A_416, %logistic3A_414 : vector<8x256xf32>
      %logistic3A_418 = arith.divf %logistic3A_416, %logistic3A_417 : vector<8x256xf32>
      %slice3A_419 = vector.extract_strided_slice %add3A_411 {offsets = [0, 256], sizes = [8, 256], strides = [1, 1]} : vector<8x1024xf32> to vector<8x256xf32>
      %logistic3A_420 = arith.negf %slice3A_419 : vector<8x256xf32>
      %logistic3A_421 = math.exp %logistic3A_420 : vector<8x256xf32>
      %logistic3A_422 = arith.constant 1.000000e+00 : f32
      %logistic3A_423 = vector.broadcast %logistic3A_422 : f32 to vector<8x256xf32>
      %logistic3A_424 = arith.addf %logistic3A_423, %logistic3A_421 : vector<8x256xf32>
      %logistic3A_425 = arith.divf %logistic3A_423, %logistic3A_424 : vector<8x256xf32>
      %slice3A_426 = vector.extract_strided_slice %add3A_411 {offsets = [0, 512], sizes = [8, 256], strides = [1, 1]} : vector<8x1024xf32> to vector<8x256xf32>
      %tanh3A_427 = math.tanh %slice3A_426 : vector<8x256xf32>
      %slice3A_428 = vector.extract_strided_slice %add3A_411 {offsets = [0, 768], sizes = [8, 256], strides = [1, 1]} : vector<8x1024xf32> to vector<8x256xf32>
      %logistic3A_429 = arith.negf %slice3A_428 : vector<8x256xf32>
      %logistic3A_430 = math.exp %logistic3A_429 : vector<8x256xf32>
      %logistic3A_431 = arith.constant 1.000000e+00 : f32
      %logistic3A_432 = vector.broadcast %logistic3A_431 : f32 to vector<8x256xf32>
      %logistic3A_433 = arith.addf %logistic3A_432, %logistic3A_430 : vector<8x256xf32>
      %logistic3A_434 = arith.divf %logistic3A_432, %logistic3A_433 : vector<8x256xf32>
      %mul3A_435 = arith.mulf %logistic3A_425, %add3A_387 : vector<8x256xf32>
      %mul3A_436 = arith.mulf %logistic3A_418, %tanh3A_427 : vector<8x256xf32>
      %add3A_437 = arith.addf %mul3A_435, %mul3A_436 : vector<8x256xf32>
      %tanh3A_438 = math.tanh %add3A_437 : vector<8x256xf32>
      %mul3A_439 = arith.mulf %logistic3A_434, %tanh3A_438 : vector<8x256xf32>
      %slice3A_440 = vector.extract_strided_slice %mul3A_439 {offsets = [0, 0], sizes = [1, 256], strides = [1, 1]} : vector<8x256xf32> to vector<1x256xf32>
      %swap3A_441 = arith.index_cast %scan3A_395 : i32 to index
      %swap3A_442 = arith.constant 0 : index
      %swap3A_443 = vector.load %arg13[%swap3A_441, %swap3A_442] : memref<320x256xf32, #tpu.memory_space<vmem>>, vector<1x256xf32>
      tpu.vector_store %arg13[%swap3A_441, %swap3A_442], %slice3A_440 {strides = array<i32>} : memref<320x256xf32, #tpu.memory_space<vmem>>, vector<1x256xf32>,
      scf.yield %mul3A_439, %add3A_437 : vector<8x256xf32>, vector<8x256xf32>
    }
    %scan3A_11 = arith.constant 320 : i32
    %swap3A = arith.constant 0 : index
    %swap3A_12 = arith.constant 0 : index
    %swap3A_13 = vector.load %arg11[%swap3A, %swap3A_12] : memref<8x256xf32, #tpu.memory_space<vmem>>, vector<8x256xf32>
    tpu.vector_store %arg11[%swap3A, %swap3A_12], %scan3A_10#0 {strides = array<i32>} : memref<8x256xf32, #tpu.memory_space<vmem>>, vector<8x256xf32>,
    %swap3A_14 = arith.constant 0 : index
    %swap3A_15 = arith.constant 0 : index
    %swap3A_16 = vector.load %arg12[%swap3A_14, %swap3A_15] : memref<8x256xf32, #tpu.memory_space<vmem>>, vector<8x256xf32>
    tpu.vector_store %arg12[%swap3A_14, %swap3A_15], %scan3A_10#1 {strides = array<i32>} : memref<8x256xf32, #tpu.memory_space<vmem>>, vector<8x256xf32>,
    %get3A_17 = arith.constant 0 : index
    %get3A_18 = arith.constant 0 : index
    %get3A_19 = vector.load %arg13[%get3A_17, %get3A_18] : memref<320x256xf32, #tpu.memory_space<vmem>>, vector<320x256xf32>
    %get3A_20 = arith.constant 0 : index
    %get3A_21 = arith.constant 0 : index
    %get3A_22 = vector.load %arg6[%get3A_20, %get3A_21] : memref<256x128xf32, #tpu.memory_space<vmem>>, vector<256x128xf32>
    %dot_general3A = arith.constant dense<0.000000e+00> : vector<320x128xf32>
    %dot_general3A_23 = tpu.matmul %get3A_19, %get3A_22, %dot_general3A {dimension_numbers = #tpu.dot_dimension_numbers<[1], [0], [0], [1], [0, 0, 1, 1], [], []>, transpose_lhs_hint = false} : vector<320x256xf32>, vector<256x128xf32>, vector<320x128xf32> -> vector<320x128xf32>
    %get3A_24 = arith.constant 0 : index
    %get3A_25 = arith.constant 0 : index
    %get3A_26 = vector.load %arg7[%get3A_24, %get3A_25] : memref<1x128xf32, #tpu.memory_space<vmem>>, vector<1x128xf32>
    %add3A = vector.broadcast %get3A_26 : vector<1x128xf32> to vector<320x128xf32>
    %add3A_27 = arith.addf %dot_general3A_23, %add3A : vector<320x128xf32>
    %reduce_max3A = arith.constant dense<0xFF800000> : vector<320xf32>
    %reduce_max3A_28 = vector.multi_reduction <maximumf>, %add3A_27, %reduce_max3A [1] : vector<320x128xf32> to vector<320xf32>
    %broadcast_in_dim3A = vector.shape_cast %reduce_max3A_28 : vector<320xf32> to vector<320x1xf32>
    %sub3A = vector.broadcast %broadcast_in_dim3A : vector<320x1xf32> to vector<320x128xf32>
    %sub3A_29 = arith.subf %add3A_27, %sub3A : vector<320x128xf32>
    %exp3A = math.exp %sub3A_29 : vector<320x128xf32>
    %reduce_sum3A = arith.constant dense<0.000000e+00> : vector<320xf32>
    %reduce_sum3A_30 = vector.multi_reduction <add>, %exp3A, %reduce_sum3A [1] : vector<320x128xf32> to vector<320xf32>
    %broadcast_in_dim3A_31 = vector.shape_cast %reduce_sum3A_30 : vector<320xf32> to vector<320x1xf32>
    %log3A = math.log %broadcast_in_dim3A_31 : vector<320x1xf32>
    %sub3A_32 = vector.broadcast %broadcast_in_dim3A : vector<320x1xf32> to vector<320x128xf32>
    %sub3A_33 = arith.subf %add3A_27, %sub3A_32 : vector<320x128xf32>
    %sub3A_34 = vector.broadcast %log3A : vector<320x1xf32> to vector<320x128xf32>
    %sub3A_35 = arith.subf %sub3A_33, %sub3A_34 : vector<320x128xf32>
    %swap3A_36 = arith.constant 0 : index
    %swap3A_37 = arith.constant 0 : index
    %swap3A_38 = vector.load %arg8[%swap3A_36, %swap3A_37] : memref<320x128xf32, #tpu.memory_space<vmem>>, vector<320x128xf32>
    tpu.vector_store %arg8[%swap3A_36, %swap3A_37], %sub3A_35 {strides = array<i32>} : memref<320x128xf32, #tpu.memory_space<vmem>>, vector<320x128xf32>,
    %slice3A = vector.extract_strided_slice %scan3A_10#0 {offsets = [0, 0], sizes = [1, 256], strides = [1, 1]} : vector<8x256xf32> to vector<1x256xf32>
    %swap3A_39 = arith.constant 0 : index
    %swap3A_40 = arith.constant 0 : index
    %swap3A_41 = vector.load %arg9[%swap3A_39, %swap3A_40] : memref<1x256xf32, #tpu.memory_space<vmem>>, vector<1x256xf32>
    tpu.vector_store %arg9[%swap3A_39, %swap3A_40], %slice3A {strides = array<i32>} : memref<1x256xf32, #tpu.memory_space<vmem>>, vector<1x256xf32>,
    %slice3A_42 = vector.extract_strided_slice %scan3A_10#1 {offsets = [0, 0], sizes = [1, 256], strides = [1, 1]} : vector<8x256xf32> to vector<1x256xf32>
    %swap3A_43 = arith.constant 0 : index
    %swap3A_44 = arith.constant 0 : index
    %swap3A_45 = vector.load %arg10[%swap3A_43, %swap3A_44] : memref<1x256xf32, #tpu.memory_space<vmem>>, vector<1x256xf32>
    tpu.vector_store %arg10[%swap3A_43, %swap3A_44], %slice3A_42 {strides = array<i32>} : memref<1x256xf32, #tpu.memory_space<vmem>>, vector<1x256xf32>,
    return
  }
  func.func @transform_0(%arg0: i32) -> (i32, i32) {
    %c0_i32 = arith.constant 0 : i32
    %c0_i32_0 = arith.constant 0 : i32
    return %arg0, %c0_i32 : i32, i32
  }
  func.func @transform_1(%arg0: i32) -> (i32, i32) {
    %c0_i32 = arith.constant 0 : i32
    %c0_i32_0 = arith.constant 0 : i32
    %c0_i32_1 = arith.constant 0 : i32
    return %c0_i32, %c0_i32_0 : i32, i32
  }
  func.func @transform_2(%arg0: i32) -> (i32, i32) {
    %c0_i32 = arith.constant 0 : i32
    %c0_i32_0 = arith.constant 0 : i32
    %c0_i32_1 = arith.constant 0 : i32
    return %c0_i32, %c0_i32_0 : i32, i32
  }
  func.func @transform_3(%arg0: i32) -> (i32, i32) {
    %c0_i32 = arith.constant 0 : i32
    %c0_i32_0 = arith.constant 0 : i32
    %c0_i32_1 = arith.constant 0 : i32
    return %c0_i32, %c0_i32_0 : i32, i32
  }
  func.func @transform_4(%arg0: i32) -> (i32, i32) {
    %c0_i32 = arith.constant 0 : i32
    %c0_i32_0 = arith.constant 0 : i32
    %c0_i32_1 = arith.constant 0 : i32
    return %c0_i32, %c0_i32_0 : i32, i32
  }
  func.func @transform_5(%arg0: i32) -> (i32, i32) {
    %c0_i32 = arith.constant 0 : i32
    %c0_i32_0 = arith.constant 0 : i32
    %c0_i32_1 = arith.constant 0 : i32
    return %c0_i32, %c0_i32_0 : i32, i32
  }
  func.func @transform_6(%arg0: i32) -> (i32, i32) {
    %c0_i32 = arith.constant 0 : i32
    %c0_i32_0 = arith.constant 0 : i32
    %c0_i32_1 = arith.constant 0 : i32
    return %c0_i32, %c0_i32_0 : i32, i32
  }
  func.func @transform_7(%arg0: i32) -> (i32, i32) {
    %c0_i32 = arith.constant 0 : i32
    %c0_i32_0 = arith.constant 0 : i32
    return %arg0, %c0_i32 : i32, i32
  }
  func.func @transform_8(%arg0: i32) -> (i32, i32) {
    %c0_i32 = arith.constant 0 : i32
    %c0_i32_0 = arith.constant 0 : i32
    %c0_i32_1 = arith.constant 0 : i32
    return %c0_i32, %c0_i32_0 : i32, i32
  }
  func.func @transform_9(%arg0: i32) -> (i32, i32) {
    %c0_i32 = arith.constant 0 : i32
    %c0_i32_0 = arith.constant 0 : i32
    %c0_i32_1 = arith.constant 0 : i32
    return %c0_i32, %c0_i32_0 : i32, i32
  }
}

module attributes {stable_mosaic.version = 14 : i64} {
  func.func @_lstm_body(%arg0: i32, %arg1: memref<488x1024xf32, #tpu.memory_space<vmem>>, %arg2: memref<1x256xf32, #tpu.memory_space<vmem>>, %arg3: memref<1x256xf32, #tpu.memory_space<vmem>>, %arg4: memref<256x1024xbf16, #tpu.memory_space<vmem>>, %arg5: memref<1x1024xf32, #tpu.memory_space<vmem>>, %arg6: memref<256x128xf32, #tpu.memory_space<vmem>>, %arg7: memref<1x128xf32, #tpu.memory_space<vmem>>, %arg8: memref<488x128xf32, #tpu.memory_space<vmem>>, %arg9: memref<1x256xf32, #tpu.memory_space<vmem>>, %arg10: memref<1x256xf32, #tpu.memory_space<vmem>>, %arg11: memref<8x256xf32, #tpu.memory_space<vmem>>, %arg12: memref<8x256xf32, #tpu.memory_space<vmem>>, %arg13: memref<488x256xf32, #tpu.memory_space<vmem>>) attributes {dimension_semantics = [#tpu.dimension_semantics<arbitrary>], iteration_bounds = array<i64: 10>, scalar_prefetch = 0 : i64, scratch_operands = 3 : i64, tpu.core_type = #tpu.core_type<tc>, window_params = [{transform_indices = @transform_0, window_bounds = array<i64: 488, 1024>}, {pipeline_mode = #tpu.pipeline_mode<synchronous>, transform_indices = @transform_1, window_bounds = array<i64: 1, 256>}, {pipeline_mode = #tpu.pipeline_mode<synchronous>, transform_indices = @transform_2, window_bounds = array<i64: 1, 256>}, {pipeline_mode = #tpu.pipeline_mode<synchronous>, transform_indices = @transform_3, window_bounds = array<i64: 256, 1024>}, {pipeline_mode = #tpu.pipeline_mode<synchronous>, transform_indices = @transform_4, window_bounds = array<i64: 1, 1024>}, {pipeline_mode = #tpu.pipeline_mode<synchronous>, transform_indices = @transform_5, window_bounds = array<i64: 256, 128>}, {pipeline_mode = #tpu.pipeline_mode<synchronous>, transform_indices = @transform_6, window_bounds = array<i64: 1, 128>}, {transform_indices = @transform_7, window_bounds = array<i64: 488, 128>}, {pipeline_mode = #tpu.pipeline_mode<synchronous>, transform_indices = @transform_8, window_bounds = array<i64: 1, 256>}, {pipeline_mode = #tpu.pipeline_mode<synchronous>, transform_indices = @transform_9, window_bounds = array<i64: 1, 256>}]} {
    %eq3A = arith.constant 0 : i32
    %eq3A_0 = arith.cmpi eq, %arg0, %eq3A : i32
    %convert_element_type3A = arith.extui %eq3A_0 : i1 to i32
    %cond3A = arith.constant 0 : i32
    %cond3A_1 = arith.cmpi ne, %convert_element_type3A, %cond3A : i32
    scf.if %cond3A_1 {
      %get3A_46 = arith.constant 0 : index
      %get3A_47 = arith.constant 0 : index
      %get3A_48 = vector.load %arg2[%get3A_46, %get3A_47] : memref<1x256xf32, #tpu.memory_space<vmem>>, vector<1x256xf32>
      %broadcast_in_dim3A_49 = vector.shape_cast %get3A_48 : vector<1x256xf32> to vector<1x256xf32>
      %broadcast_in_dim3A_50 = vector.broadcast %broadcast_in_dim3A_49 : vector<1x256xf32> to vector<8x256xf32>
      %swap3A_51 = arith.constant 0 : index
      %swap3A_52 = arith.constant 0 : index
      %swap3A_53 = vector.load %arg11[%swap3A_51, %swap3A_52] : memref<8x256xf32, #tpu.memory_space<vmem>>, vector<8x256xf32>
      tpu.vector_store %arg11[%swap3A_51, %swap3A_52], %broadcast_in_dim3A_50 {strides = array<i32>} : memref<8x256xf32, #tpu.memory_space<vmem>>, vector<8x256xf32>,
      %get3A_54 = arith.constant 0 : index
      %get3A_55 = arith.constant 0 : index
      %get3A_56 = vector.load %arg3[%get3A_54, %get3A_55] : memref<1x256xf32, #tpu.memory_space<vmem>>, vector<1x256xf32>
      %broadcast_in_dim3A_57 = vector.shape_cast %get3A_56 : vector<1x256xf32> to vector<1x256xf32>
      %broadcast_in_dim3A_58 = vector.broadcast %broadcast_in_dim3A_57 : vector<1x256xf32> to vector<8x256xf32>
      %swap3A_59 = arith.constant 0 : index
      %swap3A_60 = arith.constant 0 : index
      %swap3A_61 = vector.load %arg12[%swap3A_59, %swap3A_60] : memref<8x256xf32, #tpu.memory_space<vmem>>, vector<8x256xf32>
      tpu.vector_store %arg12[%swap3A_59, %swap3A_60], %broadcast_in_dim3A_58 {strides = array<i32>} : memref<8x256xf32, #tpu.memory_space<vmem>>, vector<8x256xf32>,
    } else {
    }
    %get3A = arith.constant 0 : index
    %get3A_2 = arith.constant 0 : index
    %get3A_3 = vector.load %arg11[%get3A, %get3A_2] : memref<8x256xf32, #tpu.memory_space<vmem>>, vector<8x256xf32>
    %get3A_4 = arith.constant 0 : index
    %get3A_5 = arith.constant 0 : index
    %get3A_6 = vector.load %arg12[%get3A_4, %get3A_5] : memref<8x256xf32, #tpu.memory_space<vmem>>, vector<8x256xf32>
    %scan3A = arith.constant 0 : i32
    %scan3A_7 = arith.constant 488 : i32
    %scan3A_8 = arith.addi %scan3A, %scan3A_7 : i32
    %scan3A_9 = arith.constant 8 : i32
    %scan3A_10:2 = scf.for %scan3A_46 = %scan3A to %scan3A_8 step %scan3A_9 iter_args(%scan3A_47 = %get3A_3, %scan3A_48 = %get3A_6) -> (vector<8x256xf32>, vector<8x256xf32>)  : i32 {
      %get3A_49 = arith.index_cast %scan3A_46 : i32 to index
      %get3A_50 = arith.constant 0 : index
      %get3A_51 = vector.load %arg1[%get3A_49, %get3A_50] : memref<488x1024xf32, #tpu.memory_space<vmem>>, vector<1x1024xf32>
      %convert_element_type3A_52 = arith.truncf %scan3A_47 : vector<8x256xf32> to vector<8x256xbf16>
      %get3A_53 = arith.constant 0 : index
      %get3A_54 = arith.constant 0 : index
      %get3A_55 = vector.load %arg4[%get3A_53, %get3A_54] : memref<256x1024xbf16, #tpu.memory_space<vmem>>, vector<256x1024xbf16>
      %dot_general3A_56 = arith.constant dense<0.000000e+00> : vector<8x1024xf32>
      %dot_general3A_57 = tpu.matmul %convert_element_type3A_52, %get3A_55, %dot_general3A_56 {dimension_numbers = #tpu.dot_dimension_numbers<[1], [0], [0], [1], [0, 0, 1, 1], [], []>, transpose_lhs_hint = false} : vector<8x256xbf16>, vector<256x1024xbf16>, vector<8x1024xf32> -> vector<8x1024xf32>
      %add3A_58 = vector.broadcast %get3A_51 : vector<1x1024xf32> to vector<8x1024xf32>
      %add3A_59 = arith.addf %add3A_58, %dot_general3A_57 : vector<8x1024xf32>
      %get3A_60 = arith.constant 0 : index
      %get3A_61 = arith.constant 0 : index
      %get3A_62 = vector.load %arg5[%get3A_60, %get3A_61] : memref<1x1024xf32, #tpu.memory_space<vmem>>, vector<1x1024xf32>
      %add3A_63 = vector.broadcast %get3A_62 : vector<1x1024xf32> to vector<8x1024xf32>
      %add3A_64 = arith.addf %add3A_59, %add3A_63 : vector<8x1024xf32>
      %slice3A_65 = vector.extract_strided_slice %add3A_64 {offsets = [0, 0], sizes = [8, 256], strides = [1, 1]} : vector<8x1024xf32> to vector<8x256xf32>
      %logistic3A = arith.negf %slice3A_65 : vector<8x256xf32>
      %logistic3A_66 = math.exp %logistic3A : vector<8x256xf32>
      %logistic3A_67 = arith.constant 1.000000e+00 : f32
      %logistic3A_68 = vector.broadcast %logistic3A_67 : f32 to vector<8x256xf32>
      %logistic3A_69 = arith.addf %logistic3A_68, %logistic3A_66 : vector<8x256xf32>
      %logistic3A_70 = arith.divf %logistic3A_68, %logistic3A_69 : vector<8x256xf32>
      %slice3A_71 = vector.extract_strided_slice %add3A_64 {offsets = [0, 256], sizes = [8, 256], strides = [1, 1]} : vector<8x1024xf32> to vector<8x256xf32>
      %logistic3A_72 = arith.negf %slice3A_71 : vector<8x256xf32>
      %logistic3A_73 = math.exp %logistic3A_72 : vector<8x256xf32>
      %logistic3A_74 = arith.constant 1.000000e+00 : f32
      %logistic3A_75 = vector.broadcast %logistic3A_74 : f32 to vector<8x256xf32>
      %logistic3A_76 = arith.addf %logistic3A_75, %logistic3A_73 : vector<8x256xf32>
      %logistic3A_77 = arith.divf %logistic3A_75, %logistic3A_76 : vector<8x256xf32>
      %slice3A_78 = vector.extract_strided_slice %add3A_64 {offsets = [0, 512], sizes = [8, 256], strides = [1, 1]} : vector<8x1024xf32> to vector<8x256xf32>
      %tanh3A = math.tanh %slice3A_78 : vector<8x256xf32>
      %slice3A_79 = vector.extract_strided_slice %add3A_64 {offsets = [0, 768], sizes = [8, 256], strides = [1, 1]} : vector<8x1024xf32> to vector<8x256xf32>
      %logistic3A_80 = arith.negf %slice3A_79 : vector<8x256xf32>
      %logistic3A_81 = math.exp %logistic3A_80 : vector<8x256xf32>
      %logistic3A_82 = arith.constant 1.000000e+00 : f32
      %logistic3A_83 = vector.broadcast %logistic3A_82 : f32 to vector<8x256xf32>
      %logistic3A_84 = arith.addf %logistic3A_83, %logistic3A_81 : vector<8x256xf32>
      %logistic3A_85 = arith.divf %logistic3A_83, %logistic3A_84 : vector<8x256xf32>
      %mul3A = arith.mulf %logistic3A_77, %scan3A_48 : vector<8x256xf32>
      %mul3A_86 = arith.mulf %logistic3A_70, %tanh3A : vector<8x256xf32>
      %add3A_87 = arith.addf %mul3A, %mul3A_86 : vector<8x256xf32>
      %tanh3A_88 = math.tanh %add3A_87 : vector<8x256xf32>
      %mul3A_89 = arith.mulf %logistic3A_85, %tanh3A_88 : vector<8x256xf32>
      %slice3A_90 = vector.extract_strided_slice %mul3A_89 {offsets = [0, 0], sizes = [1, 256], strides = [1, 1]} : vector<8x256xf32> to vector<1x256xf32>
      %swap3A_91 = arith.index_cast %scan3A_46 : i32 to index
      %swap3A_92 = arith.constant 0 : index
      %swap3A_93 = vector.load %arg13[%swap3A_91, %swap3A_92] : memref<488x256xf32, #tpu.memory_space<vmem>>, vector<1x256xf32>
      tpu.vector_store %arg13[%swap3A_91, %swap3A_92], %slice3A_90 {strides = array<i32>} : memref<488x256xf32, #tpu.memory_space<vmem>>, vector<1x256xf32>,
      %scan3A_94 = arith.constant 1 : i32
      %scan3A_95 = arith.addi %scan3A_46, %scan3A_94 : i32
      %get3A_96 = arith.index_cast %scan3A_95 : i32 to index
      %get3A_97 = arith.constant 0 : index
      %get3A_98 = vector.load %arg1[%get3A_96, %get3A_97] : memref<488x1024xf32, #tpu.memory_space<vmem>>, vector<1x1024xf32>
      %convert_element_type3A_99 = arith.truncf %mul3A_89 : vector<8x256xf32> to vector<8x256xbf16>
      %get3A_100 = arith.constant 0 : index
      %get3A_101 = arith.constant 0 : index
      %get3A_102 = vector.load %arg4[%get3A_100, %get3A_101] : memref<256x1024xbf16, #tpu.memory_space<vmem>>, vector<256x1024xbf16>
      %dot_general3A_103 = arith.constant dense<0.000000e+00> : vector<8x1024xf32>
      %dot_general3A_104 = tpu.matmul %convert_element_type3A_99, %get3A_102, %dot_general3A_103 {dimension_numbers = #tpu.dot_dimension_numbers<[1], [0], [0], [1], [0, 0, 1, 1], [], []>, transpose_lhs_hint = false} : vector<8x256xbf16>, vector<256x1024xbf16>, vector<8x1024xf32> -> vector<8x1024xf32>
      %add3A_105 = vector.broadcast %get3A_98 : vector<1x1024xf32> to vector<8x1024xf32>
      %add3A_106 = arith.addf %add3A_105, %dot_general3A_104 : vector<8x1024xf32>
      %get3A_107 = arith.constant 0 : index
      %get3A_108 = arith.constant 0 : index
      %get3A_109 = vector.load %arg5[%get3A_107, %get3A_108] : memref<1x1024xf32, #tpu.memory_space<vmem>>, vector<1x1024xf32>
      %add3A_110 = vector.broadcast %get3A_109 : vector<1x1024xf32> to vector<8x1024xf32>
      %add3A_111 = arith.addf %add3A_106, %add3A_110 : vector<8x1024xf32>
      %slice3A_112 = vector.extract_strided_slice %add3A_111 {offsets = [0, 0], sizes = [8, 256], strides = [1, 1]} : vector<8x1024xf32> to vector<8x256xf32>
      %logistic3A_113 = arith.negf %slice3A_112 : vector<8x256xf32>
      %logistic3A_114 = math.exp %logistic3A_113 : vector<8x256xf32>
      %logistic3A_115 = arith.constant 1.000000e+00 : f32
      %logistic3A_116 = vector.broadcast %logistic3A_115 : f32 to vector<8x256xf32>
      %logistic3A_117 = arith.addf %logistic3A_116, %logistic3A_114 : vector<8x256xf32>
      %logistic3A_118 = arith.divf %logistic3A_116, %logistic3A_117 : vector<8x256xf32>
      %slice3A_119 = vector.extract_strided_slice %add3A_111 {offsets = [0, 256], sizes = [8, 256], strides = [1, 1]} : vector<8x1024xf32> to vector<8x256xf32>
      %logistic3A_120 = arith.negf %slice3A_119 : vector<8x256xf32>
      %logistic3A_121 = math.exp %logistic3A_120 : vector<8x256xf32>
      %logistic3A_122 = arith.constant 1.000000e+00 : f32
      %logistic3A_123 = vector.broadcast %logistic3A_122 : f32 to vector<8x256xf32>
      %logistic3A_124 = arith.addf %logistic3A_123, %logistic3A_121 : vector<8x256xf32>
      %logistic3A_125 = arith.divf %logistic3A_123, %logistic3A_124 : vector<8x256xf32>
      %slice3A_126 = vector.extract_strided_slice %add3A_111 {offsets = [0, 512], sizes = [8, 256], strides = [1, 1]} : vector<8x1024xf32> to vector<8x256xf32>
      %tanh3A_127 = math.tanh %slice3A_126 : vector<8x256xf32>
      %slice3A_128 = vector.extract_strided_slice %add3A_111 {offsets = [0, 768], sizes = [8, 256], strides = [1, 1]} : vector<8x1024xf32> to vector<8x256xf32>
      %logistic3A_129 = arith.negf %slice3A_128 : vector<8x256xf32>
      %logistic3A_130 = math.exp %logistic3A_129 : vector<8x256xf32>
      %logistic3A_131 = arith.constant 1.000000e+00 : f32
      %logistic3A_132 = vector.broadcast %logistic3A_131 : f32 to vector<8x256xf32>
      %logistic3A_133 = arith.addf %logistic3A_132, %logistic3A_130 : vector<8x256xf32>
      %logistic3A_134 = arith.divf %logistic3A_132, %logistic3A_133 : vector<8x256xf32>
      %mul3A_135 = arith.mulf %logistic3A_125, %add3A_87 : vector<8x256xf32>
      %mul3A_136 = arith.mulf %logistic3A_118, %tanh3A_127 : vector<8x256xf32>
      %add3A_137 = arith.addf %mul3A_135, %mul3A_136 : vector<8x256xf32>
      %tanh3A_138 = math.tanh %add3A_137 : vector<8x256xf32>
      %mul3A_139 = arith.mulf %logistic3A_134, %tanh3A_138 : vector<8x256xf32>
      %slice3A_140 = vector.extract_strided_slice %mul3A_139 {offsets = [0, 0], sizes = [1, 256], strides = [1, 1]} : vector<8x256xf32> to vector<1x256xf32>
      %swap3A_141 = arith.index_cast %scan3A_95 : i32 to index
      %swap3A_142 = arith.constant 0 : index
      %swap3A_143 = vector.load %arg13[%swap3A_141, %swap3A_142] : memref<488x256xf32, #tpu.memory_space<vmem>>, vector<1x256xf32>
      tpu.vector_store %arg13[%swap3A_141, %swap3A_142], %slice3A_140 {strides = array<i32>} : memref<488x256xf32, #tpu.memory_space<vmem>>, vector<1x256xf32>,
      %scan3A_144 = arith.constant 2 : i32
      %scan3A_145 = arith.addi %scan3A_46, %scan3A_144 : i32
      %get3A_146 = arith.index_cast %scan3A_145 : i32 to index
      %get3A_147 = arith.constant 0 : index
      %get3A_148 = vector.load %arg1[%get3A_146, %get3A_147] : memref<488x1024xf32, #tpu.memory_space<vmem>>, vector<1x1024xf32>
      %convert_element_type3A_149 = arith.truncf %mul3A_139 : vector<8x256xf32> to vector<8x256xbf16>
      %get3A_150 = arith.constant 0 : index
      %get3A_151 = arith.constant 0 : index
      %get3A_152 = vector.load %arg4[%get3A_150, %get3A_151] : memref<256x1024xbf16, #tpu.memory_space<vmem>>, vector<256x1024xbf16>
      %dot_general3A_153 = arith.constant dense<0.000000e+00> : vector<8x1024xf32>
      %dot_general3A_154 = tpu.matmul %convert_element_type3A_149, %get3A_152, %dot_general3A_153 {dimension_numbers = #tpu.dot_dimension_numbers<[1], [0], [0], [1], [0, 0, 1, 1], [], []>, transpose_lhs_hint = false} : vector<8x256xbf16>, vector<256x1024xbf16>, vector<8x1024xf32> -> vector<8x1024xf32>
      %add3A_155 = vector.broadcast %get3A_148 : vector<1x1024xf32> to vector<8x1024xf32>
      %add3A_156 = arith.addf %add3A_155, %dot_general3A_154 : vector<8x1024xf32>
      %get3A_157 = arith.constant 0 : index
      %get3A_158 = arith.constant 0 : index
      %get3A_159 = vector.load %arg5[%get3A_157, %get3A_158] : memref<1x1024xf32, #tpu.memory_space<vmem>>, vector<1x1024xf32>
      %add3A_160 = vector.broadcast %get3A_159 : vector<1x1024xf32> to vector<8x1024xf32>
      %add3A_161 = arith.addf %add3A_156, %add3A_160 : vector<8x1024xf32>
      %slice3A_162 = vector.extract_strided_slice %add3A_161 {offsets = [0, 0], sizes = [8, 256], strides = [1, 1]} : vector<8x1024xf32> to vector<8x256xf32>
      %logistic3A_163 = arith.negf %slice3A_162 : vector<8x256xf32>
      %logistic3A_164 = math.exp %logistic3A_163 : vector<8x256xf32>
      %logistic3A_165 = arith.constant 1.000000e+00 : f32
      %logistic3A_166 = vector.broadcast %logistic3A_165 : f32 to vector<8x256xf32>
      %logistic3A_167 = arith.addf %logistic3A_166, %logistic3A_164 : vector<8x256xf32>
      %logistic3A_168 = arith.divf %logistic3A_166, %logistic3A_167 : vector<8x256xf32>
      %slice3A_169 = vector.extract_strided_slice %add3A_161 {offsets = [0, 256], sizes = [8, 256], strides = [1, 1]} : vector<8x1024xf32> to vector<8x256xf32>
      %logistic3A_170 = arith.negf %slice3A_169 : vector<8x256xf32>
      %logistic3A_171 = math.exp %logistic3A_170 : vector<8x256xf32>
      %logistic3A_172 = arith.constant 1.000000e+00 : f32
      %logistic3A_173 = vector.broadcast %logistic3A_172 : f32 to vector<8x256xf32>
      %logistic3A_174 = arith.addf %logistic3A_173, %logistic3A_171 : vector<8x256xf32>
      %logistic3A_175 = arith.divf %logistic3A_173, %logistic3A_174 : vector<8x256xf32>
      %slice3A_176 = vector.extract_strided_slice %add3A_161 {offsets = [0, 512], sizes = [8, 256], strides = [1, 1]} : vector<8x1024xf32> to vector<8x256xf32>
      %tanh3A_177 = math.tanh %slice3A_176 : vector<8x256xf32>
      %slice3A_178 = vector.extract_strided_slice %add3A_161 {offsets = [0, 768], sizes = [8, 256], strides = [1, 1]} : vector<8x1024xf32> to vector<8x256xf32>
      %logistic3A_179 = arith.negf %slice3A_178 : vector<8x256xf32>
      %logistic3A_180 = math.exp %logistic3A_179 : vector<8x256xf32>
      %logistic3A_181 = arith.constant 1.000000e+00 : f32
      %logistic3A_182 = vector.broadcast %logistic3A_181 : f32 to vector<8x256xf32>
      %logistic3A_183 = arith.addf %logistic3A_182, %logistic3A_180 : vector<8x256xf32>
      %logistic3A_184 = arith.divf %logistic3A_182, %logistic3A_183 : vector<8x256xf32>
      %mul3A_185 = arith.mulf %logistic3A_175, %add3A_137 : vector<8x256xf32>
      %mul3A_186 = arith.mulf %logistic3A_168, %tanh3A_177 : vector<8x256xf32>
      %add3A_187 = arith.addf %mul3A_185, %mul3A_186 : vector<8x256xf32>
      %tanh3A_188 = math.tanh %add3A_187 : vector<8x256xf32>
      %mul3A_189 = arith.mulf %logistic3A_184, %tanh3A_188 : vector<8x256xf32>
      %slice3A_190 = vector.extract_strided_slice %mul3A_189 {offsets = [0, 0], sizes = [1, 256], strides = [1, 1]} : vector<8x256xf32> to vector<1x256xf32>
      %swap3A_191 = arith.index_cast %scan3A_145 : i32 to index
      %swap3A_192 = arith.constant 0 : index
      %swap3A_193 = vector.load %arg13[%swap3A_191, %swap3A_192] : memref<488x256xf32, #tpu.memory_space<vmem>>, vector<1x256xf32>
      tpu.vector_store %arg13[%swap3A_191, %swap3A_192], %slice3A_190 {strides = array<i32>} : memref<488x256xf32, #tpu.memory_space<vmem>>, vector<1x256xf32>,
      %scan3A_194 = arith.constant 3 : i32
      %scan3A_195 = arith.addi %scan3A_46, %scan3A_194 : i32
      %get3A_196 = arith.index_cast %scan3A_195 : i32 to index
      %get3A_197 = arith.constant 0 : index
      %get3A_198 = vector.load %arg1[%get3A_196, %get3A_197] : memref<488x1024xf32, #tpu.memory_space<vmem>>, vector<1x1024xf32>
      %convert_element_type3A_199 = arith.truncf %mul3A_189 : vector<8x256xf32> to vector<8x256xbf16>
      %get3A_200 = arith.constant 0 : index
      %get3A_201 = arith.constant 0 : index
      %get3A_202 = vector.load %arg4[%get3A_200, %get3A_201] : memref<256x1024xbf16, #tpu.memory_space<vmem>>, vector<256x1024xbf16>
      %dot_general3A_203 = arith.constant dense<0.000000e+00> : vector<8x1024xf32>
      %dot_general3A_204 = tpu.matmul %convert_element_type3A_199, %get3A_202, %dot_general3A_203 {dimension_numbers = #tpu.dot_dimension_numbers<[1], [0], [0], [1], [0, 0, 1, 1], [], []>, transpose_lhs_hint = false} : vector<8x256xbf16>, vector<256x1024xbf16>, vector<8x1024xf32> -> vector<8x1024xf32>
      %add3A_205 = vector.broadcast %get3A_198 : vector<1x1024xf32> to vector<8x1024xf32>
      %add3A_206 = arith.addf %add3A_205, %dot_general3A_204 : vector<8x1024xf32>
      %get3A_207 = arith.constant 0 : index
      %get3A_208 = arith.constant 0 : index
      %get3A_209 = vector.load %arg5[%get3A_207, %get3A_208] : memref<1x1024xf32, #tpu.memory_space<vmem>>, vector<1x1024xf32>
      %add3A_210 = vector.broadcast %get3A_209 : vector<1x1024xf32> to vector<8x1024xf32>
      %add3A_211 = arith.addf %add3A_206, %add3A_210 : vector<8x1024xf32>
      %slice3A_212 = vector.extract_strided_slice %add3A_211 {offsets = [0, 0], sizes = [8, 256], strides = [1, 1]} : vector<8x1024xf32> to vector<8x256xf32>
      %logistic3A_213 = arith.negf %slice3A_212 : vector<8x256xf32>
      %logistic3A_214 = math.exp %logistic3A_213 : vector<8x256xf32>
      %logistic3A_215 = arith.constant 1.000000e+00 : f32
      %logistic3A_216 = vector.broadcast %logistic3A_215 : f32 to vector<8x256xf32>
      %logistic3A_217 = arith.addf %logistic3A_216, %logistic3A_214 : vector<8x256xf32>
      %logistic3A_218 = arith.divf %logistic3A_216, %logistic3A_217 : vector<8x256xf32>
      %slice3A_219 = vector.extract_strided_slice %add3A_211 {offsets = [0, 256], sizes = [8, 256], strides = [1, 1]} : vector<8x1024xf32> to vector<8x256xf32>
      %logistic3A_220 = arith.negf %slice3A_219 : vector<8x256xf32>
      %logistic3A_221 = math.exp %logistic3A_220 : vector<8x256xf32>
      %logistic3A_222 = arith.constant 1.000000e+00 : f32
      %logistic3A_223 = vector.broadcast %logistic3A_222 : f32 to vector<8x256xf32>
      %logistic3A_224 = arith.addf %logistic3A_223, %logistic3A_221 : vector<8x256xf32>
      %logistic3A_225 = arith.divf %logistic3A_223, %logistic3A_224 : vector<8x256xf32>
      %slice3A_226 = vector.extract_strided_slice %add3A_211 {offsets = [0, 512], sizes = [8, 256], strides = [1, 1]} : vector<8x1024xf32> to vector<8x256xf32>
      %tanh3A_227 = math.tanh %slice3A_226 : vector<8x256xf32>
      %slice3A_228 = vector.extract_strided_slice %add3A_211 {offsets = [0, 768], sizes = [8, 256], strides = [1, 1]} : vector<8x1024xf32> to vector<8x256xf32>
      %logistic3A_229 = arith.negf %slice3A_228 : vector<8x256xf32>
      %logistic3A_230 = math.exp %logistic3A_229 : vector<8x256xf32>
      %logistic3A_231 = arith.constant 1.000000e+00 : f32
      %logistic3A_232 = vector.broadcast %logistic3A_231 : f32 to vector<8x256xf32>
      %logistic3A_233 = arith.addf %logistic3A_232, %logistic3A_230 : vector<8x256xf32>
      %logistic3A_234 = arith.divf %logistic3A_232, %logistic3A_233 : vector<8x256xf32>
      %mul3A_235 = arith.mulf %logistic3A_225, %add3A_187 : vector<8x256xf32>
      %mul3A_236 = arith.mulf %logistic3A_218, %tanh3A_227 : vector<8x256xf32>
      %add3A_237 = arith.addf %mul3A_235, %mul3A_236 : vector<8x256xf32>
      %tanh3A_238 = math.tanh %add3A_237 : vector<8x256xf32>
      %mul3A_239 = arith.mulf %logistic3A_234, %tanh3A_238 : vector<8x256xf32>
      %slice3A_240 = vector.extract_strided_slice %mul3A_239 {offsets = [0, 0], sizes = [1, 256], strides = [1, 1]} : vector<8x256xf32> to vector<1x256xf32>
      %swap3A_241 = arith.index_cast %scan3A_195 : i32 to index
      %swap3A_242 = arith.constant 0 : index
      %swap3A_243 = vector.load %arg13[%swap3A_241, %swap3A_242] : memref<488x256xf32, #tpu.memory_space<vmem>>, vector<1x256xf32>
      tpu.vector_store %arg13[%swap3A_241, %swap3A_242], %slice3A_240 {strides = array<i32>} : memref<488x256xf32, #tpu.memory_space<vmem>>, vector<1x256xf32>,
      %scan3A_244 = arith.constant 4 : i32
      %scan3A_245 = arith.addi %scan3A_46, %scan3A_244 : i32
      %get3A_246 = arith.index_cast %scan3A_245 : i32 to index
      %get3A_247 = arith.constant 0 : index
      %get3A_248 = vector.load %arg1[%get3A_246, %get3A_247] : memref<488x1024xf32, #tpu.memory_space<vmem>>, vector<1x1024xf32>
      %convert_element_type3A_249 = arith.truncf %mul3A_239 : vector<8x256xf32> to vector<8x256xbf16>
      %get3A_250 = arith.constant 0 : index
      %get3A_251 = arith.constant 0 : index
      %get3A_252 = vector.load %arg4[%get3A_250, %get3A_251] : memref<256x1024xbf16, #tpu.memory_space<vmem>>, vector<256x1024xbf16>
      %dot_general3A_253 = arith.constant dense<0.000000e+00> : vector<8x1024xf32>
      %dot_general3A_254 = tpu.matmul %convert_element_type3A_249, %get3A_252, %dot_general3A_253 {dimension_numbers = #tpu.dot_dimension_numbers<[1], [0], [0], [1], [0, 0, 1, 1], [], []>, transpose_lhs_hint = false} : vector<8x256xbf16>, vector<256x1024xbf16>, vector<8x1024xf32> -> vector<8x1024xf32>
      %add3A_255 = vector.broadcast %get3A_248 : vector<1x1024xf32> to vector<8x1024xf32>
      %add3A_256 = arith.addf %add3A_255, %dot_general3A_254 : vector<8x1024xf32>
      %get3A_257 = arith.constant 0 : index
      %get3A_258 = arith.constant 0 : index
      %get3A_259 = vector.load %arg5[%get3A_257, %get3A_258] : memref<1x1024xf32, #tpu.memory_space<vmem>>, vector<1x1024xf32>
      %add3A_260 = vector.broadcast %get3A_259 : vector<1x1024xf32> to vector<8x1024xf32>
      %add3A_261 = arith.addf %add3A_256, %add3A_260 : vector<8x1024xf32>
      %slice3A_262 = vector.extract_strided_slice %add3A_261 {offsets = [0, 0], sizes = [8, 256], strides = [1, 1]} : vector<8x1024xf32> to vector<8x256xf32>
      %logistic3A_263 = arith.negf %slice3A_262 : vector<8x256xf32>
      %logistic3A_264 = math.exp %logistic3A_263 : vector<8x256xf32>
      %logistic3A_265 = arith.constant 1.000000e+00 : f32
      %logistic3A_266 = vector.broadcast %logistic3A_265 : f32 to vector<8x256xf32>
      %logistic3A_267 = arith.addf %logistic3A_266, %logistic3A_264 : vector<8x256xf32>
      %logistic3A_268 = arith.divf %logistic3A_266, %logistic3A_267 : vector<8x256xf32>
      %slice3A_269 = vector.extract_strided_slice %add3A_261 {offsets = [0, 256], sizes = [8, 256], strides = [1, 1]} : vector<8x1024xf32> to vector<8x256xf32>
      %logistic3A_270 = arith.negf %slice3A_269 : vector<8x256xf32>
      %logistic3A_271 = math.exp %logistic3A_270 : vector<8x256xf32>
      %logistic3A_272 = arith.constant 1.000000e+00 : f32
      %logistic3A_273 = vector.broadcast %logistic3A_272 : f32 to vector<8x256xf32>
      %logistic3A_274 = arith.addf %logistic3A_273, %logistic3A_271 : vector<8x256xf32>
      %logistic3A_275 = arith.divf %logistic3A_273, %logistic3A_274 : vector<8x256xf32>
      %slice3A_276 = vector.extract_strided_slice %add3A_261 {offsets = [0, 512], sizes = [8, 256], strides = [1, 1]} : vector<8x1024xf32> to vector<8x256xf32>
      %tanh3A_277 = math.tanh %slice3A_276 : vector<8x256xf32>
      %slice3A_278 = vector.extract_strided_slice %add3A_261 {offsets = [0, 768], sizes = [8, 256], strides = [1, 1]} : vector<8x1024xf32> to vector<8x256xf32>
      %logistic3A_279 = arith.negf %slice3A_278 : vector<8x256xf32>
      %logistic3A_280 = math.exp %logistic3A_279 : vector<8x256xf32>
      %logistic3A_281 = arith.constant 1.000000e+00 : f32
      %logistic3A_282 = vector.broadcast %logistic3A_281 : f32 to vector<8x256xf32>
      %logistic3A_283 = arith.addf %logistic3A_282, %logistic3A_280 : vector<8x256xf32>
      %logistic3A_284 = arith.divf %logistic3A_282, %logistic3A_283 : vector<8x256xf32>
      %mul3A_285 = arith.mulf %logistic3A_275, %add3A_237 : vector<8x256xf32>
      %mul3A_286 = arith.mulf %logistic3A_268, %tanh3A_277 : vector<8x256xf32>
      %add3A_287 = arith.addf %mul3A_285, %mul3A_286 : vector<8x256xf32>
      %tanh3A_288 = math.tanh %add3A_287 : vector<8x256xf32>
      %mul3A_289 = arith.mulf %logistic3A_284, %tanh3A_288 : vector<8x256xf32>
      %slice3A_290 = vector.extract_strided_slice %mul3A_289 {offsets = [0, 0], sizes = [1, 256], strides = [1, 1]} : vector<8x256xf32> to vector<1x256xf32>
      %swap3A_291 = arith.index_cast %scan3A_245 : i32 to index
      %swap3A_292 = arith.constant 0 : index
      %swap3A_293 = vector.load %arg13[%swap3A_291, %swap3A_292] : memref<488x256xf32, #tpu.memory_space<vmem>>, vector<1x256xf32>
      tpu.vector_store %arg13[%swap3A_291, %swap3A_292], %slice3A_290 {strides = array<i32>} : memref<488x256xf32, #tpu.memory_space<vmem>>, vector<1x256xf32>,
      %scan3A_294 = arith.constant 5 : i32
      %scan3A_295 = arith.addi %scan3A_46, %scan3A_294 : i32
      %get3A_296 = arith.index_cast %scan3A_295 : i32 to index
      %get3A_297 = arith.constant 0 : index
      %get3A_298 = vector.load %arg1[%get3A_296, %get3A_297] : memref<488x1024xf32, #tpu.memory_space<vmem>>, vector<1x1024xf32>
      %convert_element_type3A_299 = arith.truncf %mul3A_289 : vector<8x256xf32> to vector<8x256xbf16>
      %get3A_300 = arith.constant 0 : index
      %get3A_301 = arith.constant 0 : index
      %get3A_302 = vector.load %arg4[%get3A_300, %get3A_301] : memref<256x1024xbf16, #tpu.memory_space<vmem>>, vector<256x1024xbf16>
      %dot_general3A_303 = arith.constant dense<0.000000e+00> : vector<8x1024xf32>
      %dot_general3A_304 = tpu.matmul %convert_element_type3A_299, %get3A_302, %dot_general3A_303 {dimension_numbers = #tpu.dot_dimension_numbers<[1], [0], [0], [1], [0, 0, 1, 1], [], []>, transpose_lhs_hint = false} : vector<8x256xbf16>, vector<256x1024xbf16>, vector<8x1024xf32> -> vector<8x1024xf32>
      %add3A_305 = vector.broadcast %get3A_298 : vector<1x1024xf32> to vector<8x1024xf32>
      %add3A_306 = arith.addf %add3A_305, %dot_general3A_304 : vector<8x1024xf32>
      %get3A_307 = arith.constant 0 : index
      %get3A_308 = arith.constant 0 : index
      %get3A_309 = vector.load %arg5[%get3A_307, %get3A_308] : memref<1x1024xf32, #tpu.memory_space<vmem>>, vector<1x1024xf32>
      %add3A_310 = vector.broadcast %get3A_309 : vector<1x1024xf32> to vector<8x1024xf32>
      %add3A_311 = arith.addf %add3A_306, %add3A_310 : vector<8x1024xf32>
      %slice3A_312 = vector.extract_strided_slice %add3A_311 {offsets = [0, 0], sizes = [8, 256], strides = [1, 1]} : vector<8x1024xf32> to vector<8x256xf32>
      %logistic3A_313 = arith.negf %slice3A_312 : vector<8x256xf32>
      %logistic3A_314 = math.exp %logistic3A_313 : vector<8x256xf32>
      %logistic3A_315 = arith.constant 1.000000e+00 : f32
      %logistic3A_316 = vector.broadcast %logistic3A_315 : f32 to vector<8x256xf32>
      %logistic3A_317 = arith.addf %logistic3A_316, %logistic3A_314 : vector<8x256xf32>
      %logistic3A_318 = arith.divf %logistic3A_316, %logistic3A_317 : vector<8x256xf32>
      %slice3A_319 = vector.extract_strided_slice %add3A_311 {offsets = [0, 256], sizes = [8, 256], strides = [1, 1]} : vector<8x1024xf32> to vector<8x256xf32>
      %logistic3A_320 = arith.negf %slice3A_319 : vector<8x256xf32>
      %logistic3A_321 = math.exp %logistic3A_320 : vector<8x256xf32>
      %logistic3A_322 = arith.constant 1.000000e+00 : f32
      %logistic3A_323 = vector.broadcast %logistic3A_322 : f32 to vector<8x256xf32>
      %logistic3A_324 = arith.addf %logistic3A_323, %logistic3A_321 : vector<8x256xf32>
      %logistic3A_325 = arith.divf %logistic3A_323, %logistic3A_324 : vector<8x256xf32>
      %slice3A_326 = vector.extract_strided_slice %add3A_311 {offsets = [0, 512], sizes = [8, 256], strides = [1, 1]} : vector<8x1024xf32> to vector<8x256xf32>
      %tanh3A_327 = math.tanh %slice3A_326 : vector<8x256xf32>
      %slice3A_328 = vector.extract_strided_slice %add3A_311 {offsets = [0, 768], sizes = [8, 256], strides = [1, 1]} : vector<8x1024xf32> to vector<8x256xf32>
      %logistic3A_329 = arith.negf %slice3A_328 : vector<8x256xf32>
      %logistic3A_330 = math.exp %logistic3A_329 : vector<8x256xf32>
      %logistic3A_331 = arith.constant 1.000000e+00 : f32
      %logistic3A_332 = vector.broadcast %logistic3A_331 : f32 to vector<8x256xf32>
      %logistic3A_333 = arith.addf %logistic3A_332, %logistic3A_330 : vector<8x256xf32>
      %logistic3A_334 = arith.divf %logistic3A_332, %logistic3A_333 : vector<8x256xf32>
      %mul3A_335 = arith.mulf %logistic3A_325, %add3A_287 : vector<8x256xf32>
      %mul3A_336 = arith.mulf %logistic3A_318, %tanh3A_327 : vector<8x256xf32>
      %add3A_337 = arith.addf %mul3A_335, %mul3A_336 : vector<8x256xf32>
      %tanh3A_338 = math.tanh %add3A_337 : vector<8x256xf32>
      %mul3A_339 = arith.mulf %logistic3A_334, %tanh3A_338 : vector<8x256xf32>
      %slice3A_340 = vector.extract_strided_slice %mul3A_339 {offsets = [0, 0], sizes = [1, 256], strides = [1, 1]} : vector<8x256xf32> to vector<1x256xf32>
      %swap3A_341 = arith.index_cast %scan3A_295 : i32 to index
      %swap3A_342 = arith.constant 0 : index
      %swap3A_343 = vector.load %arg13[%swap3A_341, %swap3A_342] : memref<488x256xf32, #tpu.memory_space<vmem>>, vector<1x256xf32>
      tpu.vector_store %arg13[%swap3A_341, %swap3A_342], %slice3A_340 {strides = array<i32>} : memref<488x256xf32, #tpu.memory_space<vmem>>, vector<1x256xf32>,
      %scan3A_344 = arith.constant 6 : i32
      %scan3A_345 = arith.addi %scan3A_46, %scan3A_344 : i32
      %get3A_346 = arith.index_cast %scan3A_345 : i32 to index
      %get3A_347 = arith.constant 0 : index
      %get3A_348 = vector.load %arg1[%get3A_346, %get3A_347] : memref<488x1024xf32, #tpu.memory_space<vmem>>, vector<1x1024xf32>
      %convert_element_type3A_349 = arith.truncf %mul3A_339 : vector<8x256xf32> to vector<8x256xbf16>
      %get3A_350 = arith.constant 0 : index
      %get3A_351 = arith.constant 0 : index
      %get3A_352 = vector.load %arg4[%get3A_350, %get3A_351] : memref<256x1024xbf16, #tpu.memory_space<vmem>>, vector<256x1024xbf16>
      %dot_general3A_353 = arith.constant dense<0.000000e+00> : vector<8x1024xf32>
      %dot_general3A_354 = tpu.matmul %convert_element_type3A_349, %get3A_352, %dot_general3A_353 {dimension_numbers = #tpu.dot_dimension_numbers<[1], [0], [0], [1], [0, 0, 1, 1], [], []>, transpose_lhs_hint = false} : vector<8x256xbf16>, vector<256x1024xbf16>, vector<8x1024xf32> -> vector<8x1024xf32>
      %add3A_355 = vector.broadcast %get3A_348 : vector<1x1024xf32> to vector<8x1024xf32>
      %add3A_356 = arith.addf %add3A_355, %dot_general3A_354 : vector<8x1024xf32>
      %get3A_357 = arith.constant 0 : index
      %get3A_358 = arith.constant 0 : index
      %get3A_359 = vector.load %arg5[%get3A_357, %get3A_358] : memref<1x1024xf32, #tpu.memory_space<vmem>>, vector<1x1024xf32>
      %add3A_360 = vector.broadcast %get3A_359 : vector<1x1024xf32> to vector<8x1024xf32>
      %add3A_361 = arith.addf %add3A_356, %add3A_360 : vector<8x1024xf32>
      %slice3A_362 = vector.extract_strided_slice %add3A_361 {offsets = [0, 0], sizes = [8, 256], strides = [1, 1]} : vector<8x1024xf32> to vector<8x256xf32>
      %logistic3A_363 = arith.negf %slice3A_362 : vector<8x256xf32>
      %logistic3A_364 = math.exp %logistic3A_363 : vector<8x256xf32>
      %logistic3A_365 = arith.constant 1.000000e+00 : f32
      %logistic3A_366 = vector.broadcast %logistic3A_365 : f32 to vector<8x256xf32>
      %logistic3A_367 = arith.addf %logistic3A_366, %logistic3A_364 : vector<8x256xf32>
      %logistic3A_368 = arith.divf %logistic3A_366, %logistic3A_367 : vector<8x256xf32>
      %slice3A_369 = vector.extract_strided_slice %add3A_361 {offsets = [0, 256], sizes = [8, 256], strides = [1, 1]} : vector<8x1024xf32> to vector<8x256xf32>
      %logistic3A_370 = arith.negf %slice3A_369 : vector<8x256xf32>
      %logistic3A_371 = math.exp %logistic3A_370 : vector<8x256xf32>
      %logistic3A_372 = arith.constant 1.000000e+00 : f32
      %logistic3A_373 = vector.broadcast %logistic3A_372 : f32 to vector<8x256xf32>
      %logistic3A_374 = arith.addf %logistic3A_373, %logistic3A_371 : vector<8x256xf32>
      %logistic3A_375 = arith.divf %logistic3A_373, %logistic3A_374 : vector<8x256xf32>
      %slice3A_376 = vector.extract_strided_slice %add3A_361 {offsets = [0, 512], sizes = [8, 256], strides = [1, 1]} : vector<8x1024xf32> to vector<8x256xf32>
      %tanh3A_377 = math.tanh %slice3A_376 : vector<8x256xf32>
      %slice3A_378 = vector.extract_strided_slice %add3A_361 {offsets = [0, 768], sizes = [8, 256], strides = [1, 1]} : vector<8x1024xf32> to vector<8x256xf32>
      %logistic3A_379 = arith.negf %slice3A_378 : vector<8x256xf32>
      %logistic3A_380 = math.exp %logistic3A_379 : vector<8x256xf32>
      %logistic3A_381 = arith.constant 1.000000e+00 : f32
      %logistic3A_382 = vector.broadcast %logistic3A_381 : f32 to vector<8x256xf32>
      %logistic3A_383 = arith.addf %logistic3A_382, %logistic3A_380 : vector<8x256xf32>
      %logistic3A_384 = arith.divf %logistic3A_382, %logistic3A_383 : vector<8x256xf32>
      %mul3A_385 = arith.mulf %logistic3A_375, %add3A_337 : vector<8x256xf32>
      %mul3A_386 = arith.mulf %logistic3A_368, %tanh3A_377 : vector<8x256xf32>
      %add3A_387 = arith.addf %mul3A_385, %mul3A_386 : vector<8x256xf32>
      %tanh3A_388 = math.tanh %add3A_387 : vector<8x256xf32>
      %mul3A_389 = arith.mulf %logistic3A_384, %tanh3A_388 : vector<8x256xf32>
      %slice3A_390 = vector.extract_strided_slice %mul3A_389 {offsets = [0, 0], sizes = [1, 256], strides = [1, 1]} : vector<8x256xf32> to vector<1x256xf32>
      %swap3A_391 = arith.index_cast %scan3A_345 : i32 to index
      %swap3A_392 = arith.constant 0 : index
      %swap3A_393 = vector.load %arg13[%swap3A_391, %swap3A_392] : memref<488x256xf32, #tpu.memory_space<vmem>>, vector<1x256xf32>
      tpu.vector_store %arg13[%swap3A_391, %swap3A_392], %slice3A_390 {strides = array<i32>} : memref<488x256xf32, #tpu.memory_space<vmem>>, vector<1x256xf32>,
      %scan3A_394 = arith.constant 7 : i32
      %scan3A_395 = arith.addi %scan3A_46, %scan3A_394 : i32
      %get3A_396 = arith.index_cast %scan3A_395 : i32 to index
      %get3A_397 = arith.constant 0 : index
      %get3A_398 = vector.load %arg1[%get3A_396, %get3A_397] : memref<488x1024xf32, #tpu.memory_space<vmem>>, vector<1x1024xf32>
      %convert_element_type3A_399 = arith.truncf %mul3A_389 : vector<8x256xf32> to vector<8x256xbf16>
      %get3A_400 = arith.constant 0 : index
      %get3A_401 = arith.constant 0 : index
      %get3A_402 = vector.load %arg4[%get3A_400, %get3A_401] : memref<256x1024xbf16, #tpu.memory_space<vmem>>, vector<256x1024xbf16>
      %dot_general3A_403 = arith.constant dense<0.000000e+00> : vector<8x1024xf32>
      %dot_general3A_404 = tpu.matmul %convert_element_type3A_399, %get3A_402, %dot_general3A_403 {dimension_numbers = #tpu.dot_dimension_numbers<[1], [0], [0], [1], [0, 0, 1, 1], [], []>, transpose_lhs_hint = false} : vector<8x256xbf16>, vector<256x1024xbf16>, vector<8x1024xf32> -> vector<8x1024xf32>
      %add3A_405 = vector.broadcast %get3A_398 : vector<1x1024xf32> to vector<8x1024xf32>
      %add3A_406 = arith.addf %add3A_405, %dot_general3A_404 : vector<8x1024xf32>
      %get3A_407 = arith.constant 0 : index
      %get3A_408 = arith.constant 0 : index
      %get3A_409 = vector.load %arg5[%get3A_407, %get3A_408] : memref<1x1024xf32, #tpu.memory_space<vmem>>, vector<1x1024xf32>
      %add3A_410 = vector.broadcast %get3A_409 : vector<1x1024xf32> to vector<8x1024xf32>
      %add3A_411 = arith.addf %add3A_406, %add3A_410 : vector<8x1024xf32>
      %slice3A_412 = vector.extract_strided_slice %add3A_411 {offsets = [0, 0], sizes = [8, 256], strides = [1, 1]} : vector<8x1024xf32> to vector<8x256xf32>
      %logistic3A_413 = arith.negf %slice3A_412 : vector<8x256xf32>
      %logistic3A_414 = math.exp %logistic3A_413 : vector<8x256xf32>
      %logistic3A_415 = arith.constant 1.000000e+00 : f32
      %logistic3A_416 = vector.broadcast %logistic3A_415 : f32 to vector<8x256xf32>
      %logistic3A_417 = arith.addf %logistic3A_416, %logistic3A_414 : vector<8x256xf32>
      %logistic3A_418 = arith.divf %logistic3A_416, %logistic3A_417 : vector<8x256xf32>
      %slice3A_419 = vector.extract_strided_slice %add3A_411 {offsets = [0, 256], sizes = [8, 256], strides = [1, 1]} : vector<8x1024xf32> to vector<8x256xf32>
      %logistic3A_420 = arith.negf %slice3A_419 : vector<8x256xf32>
      %logistic3A_421 = math.exp %logistic3A_420 : vector<8x256xf32>
      %logistic3A_422 = arith.constant 1.000000e+00 : f32
      %logistic3A_423 = vector.broadcast %logistic3A_422 : f32 to vector<8x256xf32>
      %logistic3A_424 = arith.addf %logistic3A_423, %logistic3A_421 : vector<8x256xf32>
      %logistic3A_425 = arith.divf %logistic3A_423, %logistic3A_424 : vector<8x256xf32>
      %slice3A_426 = vector.extract_strided_slice %add3A_411 {offsets = [0, 512], sizes = [8, 256], strides = [1, 1]} : vector<8x1024xf32> to vector<8x256xf32>
      %tanh3A_427 = math.tanh %slice3A_426 : vector<8x256xf32>
      %slice3A_428 = vector.extract_strided_slice %add3A_411 {offsets = [0, 768], sizes = [8, 256], strides = [1, 1]} : vector<8x1024xf32> to vector<8x256xf32>
      %logistic3A_429 = arith.negf %slice3A_428 : vector<8x256xf32>
      %logistic3A_430 = math.exp %logistic3A_429 : vector<8x256xf32>
      %logistic3A_431 = arith.constant 1.000000e+00 : f32
      %logistic3A_432 = vector.broadcast %logistic3A_431 : f32 to vector<8x256xf32>
      %logistic3A_433 = arith.addf %logistic3A_432, %logistic3A_430 : vector<8x256xf32>
      %logistic3A_434 = arith.divf %logistic3A_432, %logistic3A_433 : vector<8x256xf32>
      %mul3A_435 = arith.mulf %logistic3A_425, %add3A_387 : vector<8x256xf32>
      %mul3A_436 = arith.mulf %logistic3A_418, %tanh3A_427 : vector<8x256xf32>
      %add3A_437 = arith.addf %mul3A_435, %mul3A_436 : vector<8x256xf32>
      %tanh3A_438 = math.tanh %add3A_437 : vector<8x256xf32>
      %mul3A_439 = arith.mulf %logistic3A_434, %tanh3A_438 : vector<8x256xf32>
      %slice3A_440 = vector.extract_strided_slice %mul3A_439 {offsets = [0, 0], sizes = [1, 256], strides = [1, 1]} : vector<8x256xf32> to vector<1x256xf32>
      %swap3A_441 = arith.index_cast %scan3A_395 : i32 to index
      %swap3A_442 = arith.constant 0 : index
      %swap3A_443 = vector.load %arg13[%swap3A_441, %swap3A_442] : memref<488x256xf32, #tpu.memory_space<vmem>>, vector<1x256xf32>
      tpu.vector_store %arg13[%swap3A_441, %swap3A_442], %slice3A_440 {strides = array<i32>} : memref<488x256xf32, #tpu.memory_space<vmem>>, vector<1x256xf32>,
      scf.yield %mul3A_439, %add3A_437 : vector<8x256xf32>, vector<8x256xf32>
    }
    %scan3A_11 = arith.constant 488 : i32
    %swap3A = arith.constant 0 : index
    %swap3A_12 = arith.constant 0 : index
    %swap3A_13 = vector.load %arg11[%swap3A, %swap3A_12] : memref<8x256xf32, #tpu.memory_space<vmem>>, vector<8x256xf32>
    tpu.vector_store %arg11[%swap3A, %swap3A_12], %scan3A_10#0 {strides = array<i32>} : memref<8x256xf32, #tpu.memory_space<vmem>>, vector<8x256xf32>,
    %swap3A_14 = arith.constant 0 : index
    %swap3A_15 = arith.constant 0 : index
    %swap3A_16 = vector.load %arg12[%swap3A_14, %swap3A_15] : memref<8x256xf32, #tpu.memory_space<vmem>>, vector<8x256xf32>
    tpu.vector_store %arg12[%swap3A_14, %swap3A_15], %scan3A_10#1 {strides = array<i32>} : memref<8x256xf32, #tpu.memory_space<vmem>>, vector<8x256xf32>,
    %get3A_17 = arith.constant 0 : index
    %get3A_18 = arith.constant 0 : index
    %get3A_19 = vector.load %arg13[%get3A_17, %get3A_18] : memref<488x256xf32, #tpu.memory_space<vmem>>, vector<488x256xf32>
    %get3A_20 = arith.constant 0 : index
    %get3A_21 = arith.constant 0 : index
    %get3A_22 = vector.load %arg6[%get3A_20, %get3A_21] : memref<256x128xf32, #tpu.memory_space<vmem>>, vector<256x128xf32>
    %dot_general3A = arith.constant dense<0.000000e+00> : vector<488x128xf32>
    %dot_general3A_23 = tpu.matmul %get3A_19, %get3A_22, %dot_general3A {dimension_numbers = #tpu.dot_dimension_numbers<[1], [0], [0], [1], [0, 0, 1, 1], [], []>, transpose_lhs_hint = false} : vector<488x256xf32>, vector<256x128xf32>, vector<488x128xf32> -> vector<488x128xf32>
    %get3A_24 = arith.constant 0 : index
    %get3A_25 = arith.constant 0 : index
    %get3A_26 = vector.load %arg7[%get3A_24, %get3A_25] : memref<1x128xf32, #tpu.memory_space<vmem>>, vector<1x128xf32>
    %add3A = vector.broadcast %get3A_26 : vector<1x128xf32> to vector<488x128xf32>
    %add3A_27 = arith.addf %dot_general3A_23, %add3A : vector<488x128xf32>
    %reduce_max3A = arith.constant dense<0xFF800000> : vector<488xf32>
    %reduce_max3A_28 = vector.multi_reduction <maximumf>, %add3A_27, %reduce_max3A [1] : vector<488x128xf32> to vector<488xf32>
    %broadcast_in_dim3A = vector.shape_cast %reduce_max3A_28 : vector<488xf32> to vector<488x1xf32>
    %sub3A = vector.broadcast %broadcast_in_dim3A : vector<488x1xf32> to vector<488x128xf32>
    %sub3A_29 = arith.subf %add3A_27, %sub3A : vector<488x128xf32>
    %exp3A = math.exp %sub3A_29 : vector<488x128xf32>
    %reduce_sum3A = arith.constant dense<0.000000e+00> : vector<488xf32>
    %reduce_sum3A_30 = vector.multi_reduction <add>, %exp3A, %reduce_sum3A [1] : vector<488x128xf32> to vector<488xf32>
    %broadcast_in_dim3A_31 = vector.shape_cast %reduce_sum3A_30 : vector<488xf32> to vector<488x1xf32>
    %log3A = math.log %broadcast_in_dim3A_31 : vector<488x1xf32>
    %sub3A_32 = vector.broadcast %broadcast_in_dim3A : vector<488x1xf32> to vector<488x128xf32>
    %sub3A_33 = arith.subf %add3A_27, %sub3A_32 : vector<488x128xf32>
    %sub3A_34 = vector.broadcast %log3A : vector<488x1xf32> to vector<488x128xf32>
    %sub3A_35 = arith.subf %sub3A_33, %sub3A_34 : vector<488x128xf32>
    %swap3A_36 = arith.constant 0 : index
    %swap3A_37 = arith.constant 0 : index
    %swap3A_38 = vector.load %arg8[%swap3A_36, %swap3A_37] : memref<488x128xf32, #tpu.memory_space<vmem>>, vector<488x128xf32>
    tpu.vector_store %arg8[%swap3A_36, %swap3A_37], %sub3A_35 {strides = array<i32>} : memref<488x128xf32, #tpu.memory_space<vmem>>, vector<488x128xf32>,
    %slice3A = vector.extract_strided_slice %scan3A_10#0 {offsets = [0, 0], sizes = [1, 256], strides = [1, 1]} : vector<8x256xf32> to vector<1x256xf32>
    %swap3A_39 = arith.constant 0 : index
    %swap3A_40 = arith.constant 0 : index
    %swap3A_41 = vector.load %arg9[%swap3A_39, %swap3A_40] : memref<1x256xf32, #tpu.memory_space<vmem>>, vector<1x256xf32>
    tpu.vector_store %arg9[%swap3A_39, %swap3A_40], %slice3A {strides = array<i32>} : memref<1x256xf32, #tpu.memory_space<vmem>>, vector<1x256xf32>,
    %slice3A_42 = vector.extract_strided_slice %scan3A_10#1 {offsets = [0, 0], sizes = [1, 256], strides = [1, 1]} : vector<8x256xf32> to vector<1x256xf32>
    %swap3A_43 = arith.constant 0 : index
    %swap3A_44 = arith.constant 0 : index
    %swap3A_45 = vector.load %arg10[%swap3A_43, %swap3A_44] : memref<1x256xf32, #tpu.memory_space<vmem>>, vector<1x256xf32>
    tpu.vector_store %arg10[%swap3A_43, %swap3A_44], %slice3A_42 {strides = array<i32>} : memref<1x256xf32, #tpu.memory_space<vmem>>, vector<1x256xf32>,
    return
  }
  func.func @transform_0(%arg0: i32) -> (i32, i32) {
    %c0_i32 = arith.constant 0 : i32
    %c0_i32_0 = arith.constant 0 : i32
    return %arg0, %c0_i32 : i32, i32
  }
  func.func @transform_1(%arg0: i32) -> (i32, i32) {
    %c0_i32 = arith.constant 0 : i32
    %c0_i32_0 = arith.constant 0 : i32
    %c0_i32_1 = arith.constant 0 : i32
    return %c0_i32, %c0_i32_0 : i32, i32
  }
  func.func @transform_2(%arg0: i32) -> (i32, i32) {
    %c0_i32 = arith.constant 0 : i32
    %c0_i32_0 = arith.constant 0 : i32
    %c0_i32_1 = arith.constant 0 : i32
    return %c0_i32, %c0_i32_0 : i32, i32
  }
  func.func @transform_3(%arg0: i32) -> (i32, i32) {
    %c0_i32 = arith.constant 0 : i32
    %c0_i32_0 = arith.constant 0 : i32
    %c0_i32_1 = arith.constant 0 : i32
    return %c0_i32, %c0_i32_0 : i32, i32
  }
  func.func @transform_4(%arg0: i32) -> (i32, i32) {
    %c0_i32 = arith.constant 0 : i32
    %c0_i32_0 = arith.constant 0 : i32
    %c0_i32_1 = arith.constant 0 : i32
    return %c0_i32, %c0_i32_0 : i32, i32
  }
  func.func @transform_5(%arg0: i32) -> (i32, i32) {
    %c0_i32 = arith.constant 0 : i32
    %c0_i32_0 = arith.constant 0 : i32
    %c0_i32_1 = arith.constant 0 : i32
    return %c0_i32, %c0_i32_0 : i32, i32
  }
  func.func @transform_6(%arg0: i32) -> (i32, i32) {
    %c0_i32 = arith.constant 0 : i32
    %c0_i32_0 = arith.constant 0 : i32
    %c0_i32_1 = arith.constant 0 : i32
    return %c0_i32, %c0_i32_0 : i32, i32
  }
  func.func @transform_7(%arg0: i32) -> (i32, i32) {
    %c0_i32 = arith.constant 0 : i32
    %c0_i32_0 = arith.constant 0 : i32
    return %arg0, %c0_i32 : i32, i32
  }
  func.func @transform_8(%arg0: i32) -> (i32, i32) {
    %c0_i32 = arith.constant 0 : i32
    %c0_i32_0 = arith.constant 0 : i32
    %c0_i32_1 = arith.constant 0 : i32
    return %c0_i32, %c0_i32_0 : i32, i32
  }
  func.func @transform_9(%arg0: i32) -> (i32, i32) {
    %c0_i32 = arith.constant 0 : i32
    %c0_i32_0 = arith.constant 0 : i32
    %c0_i32_1 = arith.constant 0 : i32
    return %c0_i32, %c0_i32_0 : i32, i32
  }
}

</mosaic_0001>

<sc_bundles>
// kernel: kernel.14.cloned.1.call-start
scs
__scs_entry_jumppad:
0x0: {  	(pc) =	sbr.rel $0x88, $3  }
0x1: {  	(tag) =	ssettag $0x0;
	lr =	simm.s32 $0x1  }
0x2: {  	[smem:$0x3F93] =	sst lr;
	_ =	strace $0xD0000000  }
0x3: {  	_ = 	snop  }
0x4: {  	_ = 	snop  }
0x5: {  	_ = 	snop  }
0x6: {  	_ = 	snop  }
0x7: {  	_ = 	snop  }
__scs_overlays_trampoline_lowered:
0x8: {  	[smem:$0x3FA2] =	sst s0  }
0x9: {  	[smem:$0x3FA3] =	sst s1  }
0xa: {  	[smem:$0x3FA4] =	sst s2  }
0xb: {  	[smem:$0x3FA5] =	sst s3  }
0xc: {  	[smem:$0x3FA6] =	sst s4  }
0xd: {  	[smem:$0x3FA7] =	sst s5  }
0xe: {  	[smem:$0x3FA8] =	sst s6  }
0xf: {  	[smem:$0x3FA9] =	sst s7  }
0x10: {  	[smem:$0x3FAA] =	sst s8  }
0x11: {  	[smem:$0x3FAB] =	sst s9;
	s0 =	simm.s32 @!p0 $0x0  }
0x12: {  	s1 =	sld [smem:$0x3F91];
	s0 =	simm.s32 @p0 $0x1  }
0x13: {  	[smem:$0x3FAC] =	sst s0;
	s0 =	simm.s32 @!p1 $0x0  }
0x14: {  	s2 =	sld [smem:$0x3F90];
	s0 =	simm.s32 @p1 $0x1  }
0x15: {  	[smem:$0x3FAD] =	sst s0;
	s0 =	simm.s32 @!p2 $0x0  }
0x16: {  	s3 =	sld [smem:$0x3FDB];
	s0 =	simm.s32 @p2 $0x1  }
0x17: {  	s4 =	simm.s32 $0x1BF5;
	[smem:$0x3FAF] =	sst s0  }
0x18: {  	s0 =	sld [smem:$0x3F92];
	_ =	swait.ge [sflag:s4], $0x0  }
0x19: {  	s7 =	sld [smem:$0x3F93]  }
0x1a: {  	s8 =	sadd.s32 $0xFFFFE003, lr  }
0x1b: {  	s9 =	sadd.s32 $0xFFFFFEF7, lr;
	s5 =	simm.s32 $0xFFFFFFFF;
	p2 =	slt.u32 s8, $0xFFFFF086  }
0x1c: {  	p1 =	slt.u32 s9, $0xF7A;
	s5 =	simm.s32 @!p2 $0x0  }
0x1d: {  	s5 =	simm.s32 @p1 $0x1;
	p0 =	seq.s32 s7, s2  }
0x1e: {  	s7 =	smul.u32 @!p0 $0xF7A, s2;
	p2 =	seq.s32 @!p0 s5, $0x0  }
0x1f: {  	s9 =	smul.u32 $0xF7A, s1;
	s8 =	simm.s32 @!p0 $0x1BF5;
	p2 =	por !p2, p0  }
0x20: {  	[sflag:s8] =	ssyncset.s32 @!p0 $0xFFFFF086;
	s6 =	sadd.s32 @!p0 s3, s7;
	s7 =	simm.s32 @!p0 $0x108  }
0x21: {  	s3 =	sadd.s32 s3, s9;
	s6 =	sadd.s32 @!p0 $0x88, s6;
	s7 =	simm.s32 @p2 $0x1082  }
0x22: {  	[simem:s7], [sflag:s8] =	dma.local @!p0 [hbm:s6], $0xF7A  }
0x23: {  	s9 =	sor.u32 $0xD0000000, s2;
	s6 =	simm.s32 $0x108;
	_ =	swait.ge @!p0 [sflag:s8], $0x0  }
0x24: {  	s3 =	sadd.s32 $0x88, s3;
	s6 =	simm.s32 @!p1 $0x1082;
	[sflag:s4] =	ssyncset.s32 $0xFFFFF086  }
0x25: {  	[simem:s6], [sflag:s4] =	dma.local [hbm:s3], $0xF7A  }
0x26: {  	[smem:$0x3F93] =	sst s1;
	(tag) =	ssettag s2;
	_ =	strace s9  }
0x27: {  	s1 =	sld [smem:$0x3FA3]  }
0x28: {  	s2 =	sld [smem:$0x3FA4]  }
0x29: {  	s4 =	sld [smem:$0x3FA6]  }
0x2a: {  	p0 =	seq.s32 s5, $0x0;
	s5 =	sld [smem:$0x3FA7]  }
0x2b: {  	s6 =	sld [smem:$0x3FA8]  }
0x2c: {  	s7 =	sld [smem:$0x3FA9]  }
0x2d: {  	s3 =	simm.s32 $0x108;
	s8 =	sld [smem:$0x3FAA]  }
0x2e: {  	s3 =	simm.s32 @!p0 $0x1082;
	s9 =	sld [smem:$0x3FAB]  }
0x2f: {  	lr =	sadd.s32 s0, s3;
	s0 =	sld [smem:$0x3FA2]  }
0x30: {  	s3 =	sld [smem:$0x3FA5]  }
0x31: {  	[smem:$0x3FAE] =	sst s10  }
0x32: {  	s10 =	sld [smem:$0x3FAC];
	_ =	sdelay $0x3  }
0x33: {  	p0 =	seq.s32 s10, $0x1;
	s10 =	sld [smem:$0x3FAE];
	_ =	sdelay $0x3  }
0x34: {  	[smem:$0x3FAE] =	sst s10  }
0x35: {  	s10 =	sld [smem:$0x3FAD];
	_ =	sdelay $0x3  }
0x36: {  	p1 =	seq.s32 s10, $0x1;
	s10 =	sld [smem:$0x3FAE];
	_ =	sdelay $0x3  }
0x37: {  	[smem:$0x3FAE] =	sst s10  }
0x38: {  	s10 =	sld [smem:$0x3FAF]  }
0x39: {  	_ = 	snop;
	(pc) =	sbr.ind lr, $3  }
0x3a: {  	_ = 	snop  }
0x3b: {  	_ = 	snop  }
0x3c: {  	p2 =	seq.s32 s10, $0x1;
	s10 =	sld [smem:$0x3FAE]  }
0x3d: {  	_ =	shalt  }
0x3e: {  	_ =	shalt  }
0x3f: {  	_ =	shalt  }
0x40: {  	_ =	shalt  }
0x41: {  	_ =	shalt  }
0x42: {  	_ =	shalt  }
0x43: {  	_ =	shalt  }
0x44: {  	_ =	shalt  }
0x45: {  	_ =	shalt  }
0x46: {  	_ =	shalt  }
0x47: {  	_ =	shalt  }
0x48: {  	_ =	shalt  }
0x49: {  	_ =	shalt  }
0x4a: {  	_ =	shalt  }
0x4b: {  	_ =	shalt  }
0x4c: {  	_ =	shalt  }
0x4d: {  	_ =	shalt  }
0x4e: {  	_ =	shalt  }
0x4f: {  	_ =	shalt  }
0x50: {  	_ =	shalt  }
0x51: {  	_ =	shalt  }
0x52: {  	_ =	shalt  }
0x53: {  	_ =	shalt  }
0x54: {  	_ =	shalt  }
0x55: {  	_ =	shalt  }
0x56: {  	_ =	shalt  }
0x57: {  	_ =	shalt  }
0x58: {  	_ =	shalt  }
0x59: {  	_ =	shalt  }
0x5a: {  	_ =	shalt  }
0x5b: {  	_ =	shalt  }
0x5c: {  	_ =	shalt  }
0x5d: {  	_ =	shalt  }
0x5e: {  	_ =	shalt  }
0x5f: {  	_ =	shalt  }
0x60: {  	_ =	shalt  }
0x61: {  	_ =	shalt  }
0x62: {  	_ =	shalt  }
0x63: {  	_ =	shalt  }
0x64: {  	_ =	shalt  }
0x65: {  	_ =	shalt  }
0x66: {  	_ =	shalt  }
0x67: {  	_ =	shalt  }
0x68: {  	_ =	shalt  }
0x69: {  	_ =	shalt  }
0x6a: {  	_ =	shalt  }
0x6b: {  	_ =	shalt  }
0x6c: {  	_ =	shalt  }
0x6d: {  	_ =	shalt  }
0x6e: {  	_ =	shalt  }
0x6f: {  	_ =	shalt  }
0x70: {  	_ =	shalt  }
0x71: {  	_ =	shalt  }
0x72: {  	_ =	shalt  }
0x73: {  	_ =	shalt  }
0x74: {  	_ =	shalt  }
0x75: {  	_ =	shalt  }
0x76: {  	_ =	shalt  }
0x77: {  	_ =	shalt  }
0x78: {  	_ =	shalt  }
0x79: {  	_ =	shalt  }
0x7a: {  	_ =	shalt  }
0x7b: {  	_ =	shalt  }
0x7c: {  	_ =	shalt  }
0x7d: {  	_ =	shalt  }
0x7e: {  	_ =	shalt  }
0x7f: {  	_ =	shalt  }
0x80: {  	_ =	shalt  }
0x81: {  	_ =	shalt  }
0x82: {  	_ =	shalt  }
0x83: {  	_ =	shalt  }
0x84: {  	_ =	shalt  }
0x85: {  	_ =	shalt  }
0x86: {  	_ =	shalt  }
0x87: {  	_ =	shalt  }
.Lfunc_end0:
.L_simem_size_0:
called_computation_lowered:
.L_overlay_start_0:
0x88: {  	s2 =	sld [smem:$0x3FD9]  }
0x89: {  	s3 =	sld [smem:$0x3FFE];
	_ =	sdelay $0x1  }
0x8a: {  	s1 =	srdreg.scid  }
0x8b: {  	s0 =	sand.u32 $0x1, s1  }
0x8c: {  	s14 =	sshll.u32 s0, $0xA;
	s2 =	sadd.s32 s3, s2  }
0x8d: {  	s2 =	sadd.s32 s2, s14  }
0x8e: {  	[smem:$0x3FBA] =	sst s2  }
0x8f: {  	_ = 	snop  }
0x90: {  	s2 =	sld [smem:$0x3FD0];
	_ =	sdelay $0x2  }
0x91: {  	s15 =	simm.s32 $0xB;
	s4 =	simm.s32 $0x10  }
0x92: {  	[smem:s4], [sflag:s15] =	dma.local [hbm:s2], $0x1  }
0x93: {  	_ =	swait.eq [sflag:s15], $0x1  }
0x94: {  	[sflag:s15] =	ssyncset.done $0x0  }
0x95: {  	[sflag:s15] =	ssyncadd.s32 $0xFFFFFFFF  }
0x96: {  	s16 =	sld [smem:$0x10];
	(tm) =	ssettm $0x1  }
0x97: {  	s17 =	sld [smem:$0x3FFB];
	_ =	sdelay $0x3  }
0x98: {  	_ =	strace s17  }
0x99: {  	s3 =	sld [smem:$0x3FFC];
	_ =	sdelay $0x3  }
0x9a: {  	_ =	strace s3  }
0x9b: {  	s3 =	sld [smem:$0x3FFD];
	_ =	sdelay $0x3  }
0x9c: {  	_ =	strace s3  }
0x9d: {  	_ =	strace $0x8FFFFFFF  }
0x9e: {  	s18 =	sld [smem:$0x3FDB];
	_ =	sdelay $0x1  }
0x9f: {  	s19 =	simm.s32 $_scs_section_size  }
0xa0: {  	s5 =	simm.s32 $_size__tile_overlayer_lowered;
	s6 =	simm.s32 $_tile_overlayer_lowered  }
0xa1: {  	s22 =	simm.s32 $0x1BFF;
	s21 =	sshll.u32 s6, $0x1;
	s3 =	sadd.s32 s19, s18  }
0xa2: {  	s7 =	simm.s32 $0x0;
	s20 =	sshll.u32 s5, $0x1;
	s5 =	sadd.s32 s21, s3  }
0xa3: {  	[timem:s7], [sflag:s22] =	dma.local [hbm:s5], s20  }
0xa4: {  	_ =	swait.ge [sflag:s22], s20  }
0xa5: {  	s4 =	ssub.s32 $0x0, s20;
	[sflag:s22] =	ssyncset.done $0x0  }
0xa6: {  	[sflag:s22] =	ssyncadd.s32 s4;
	_ =	sdelay $0x1  }
0xa7: {  	s23 =	simm.s32 $0x1B8B  }
0xa8: {  	_ =	swait.ge [sflag:s23], $0x1  }
0xa9: {  	[sflag:s23] =	ssyncset.done $0x0  }
0xaa: {  	s25 =	simm.s32 $0x1B8E;
	s24 =	sld [smem:$0x3FFE];
	[sflag:s23] =	ssyncadd.s32 $0xFFFFFFFF  }
0xab: {  	s26 =	simm.s32 $execute0_lowered;
	[smem:$0x3FD2] =	sst s25  }
0xac: {  	s5 =	sshll.u32 s26, $0x1;
	_ =	strace $0x80000046;
	[dreg:$0x1] =	wrdreg $0xFFFFFFFF  }
0xad: {  	s28 =	simm.s32 $_size_execute0_lowered;
	s3 =	sadd.s32 s3, s5;
	[dreg:$0x0] =	wrdreg $0x0  }
0xae: {  	s5 =	sshll.u32 s28, $0x1;
	[dreg:$0x2] =	wrdreg s3  }
0xaf: {  	[dreg:$0x3] =	wrdreg s5  }
0xb0: {  	[dreg:$0x4] =	wrdreg $0xC0  }
0xb1: {  	_ =	task [dreg:s7], $0x5FFFF  }
0xb2: {  	[dreg:$0x1] =	wrdreg $0xFFFFFFFF  }
0xb3: {  	[dreg:$0x0] =	wrdreg $0x60  }
0xb4: {  	[dreg:$0x2] =	wrdreg s24  }
0xb5: {  	[dreg:$0x3] =	wrdreg s16  }
0xb6: {  	[dreg:$0x4] =	wrdreg $0x90000  }
0xb7: {  	[dreg:$0x5] =	wrdreg $0x9  }
0xb8: {  	_ =	task.clear_ibuf [dreg:s7], $0x6FFFF;
	_ =	strace $0x90000046  }
0xb9: {  	s29 =	simm.s32 $0x9;
	_ =	strace $0x80000048  }
0xba: {  	_ =	swait.ge [sflag:s29], $0x1  }
0xbb: {  	[sflag:s29] =	ssyncadd.s32 $0xFFFFFFFF  }
0xbc: {  	_ =	strace $0x90000048  }
0xbd: {  	_ =	sfence  }
0xbe: {  	s30 =	sld [smem:$0x0];
	_ =	sdelay $0x2  }
0xbf: {  	s31 =	sshll.u32 s1, $0xD;
	s1 =	sshrl.u32 s1, $0x2  }
0xc0: {  	s3 =	sand.u32 $0x4000, s31;
	s1 =	sadd.s32 s1, s30  }
0xc1: {  	s0 =	sor.u32 s3, s0;
	s1 =	sshll.u32 s1, $0x11  }
0xc2: {  	s0 =	sor.u32 s1, s0  }
0xc3: {  	s0 =	sadd.s32 $0x8F2B, s0  }
0xc4: {  	[sflag:s0] =	ssyncadd.remote.s32 $0x1  }
0xc5: {  	_ =	sfence.sel $0xFFFF  }
0xc6: {  	[dreg:$0x0] =	wrdreg $0xFFFFFFFF;
	(pc) =	sbr.abs _section_cstart, $3  }
0xc7: {  	[dreg:$0x1] =	wrdreg $0xFFFFFFFF  }
0xc8: {  	_ =	task.clear_ibuf [dreg:s7], $0x2FFFF;
	_ =	strace $0x9FFFFFFF  }
0xc9: {  	(tm) =	ssettm $0x7FFFFFFF  }
tec
execute0_lowered:
.L_overlay_start_1:
0x0: {  	(tag) =	ssettag $0x1  }
0x1: {  	s6 =	rddreg [dreg:$0x0]  }
0x2: {  	s0 =	srdreg.scid;
	s9 =	rddreg [dreg:$0x1]  }
0x3: {  	s2 =	rddreg [dreg:$0x2];
	s3 =	simm.s32 $0x0;
	s16 =	simm.s32 $0x7D  }
0x4: {  	s18 =	simm.s32 $0x0;
	s7 =	sand.u32 $0x1, s0;
	s0 =	stileid.u32  }
0x5: {  	[smem:$0x7FF] =	sst s3;
	s5 =	sadd.s32 $0x1A600, s6;
	s12 =	smul.u32 $0x28000, s0  }
0x6: {  	s1 =	sshll.u32 s7, $0x4;
	s7 =	ssub.s32 $0x2, s7;
	s14 =	smul.u32 $0x27000, s0  }
0x7: {  	s31 =	sshll.u32 s0, $0x6;
	s8 =	sor.u32 s0, s1;
	s1 =	rddreg [dreg:$0x3]  }
0x8: {  	_ =	strace $0x80000047;
	s26 =	sshrl.u32 s7, $0x1;
	s4 =	smul.u32 $0x500, s8  }
0x9: {  	s11 =	smul.u32 $0x1400, s8;
	s13 =	ssub.s32 s7, s26;
	s28 =	sshrl.u32 s12, $0x2  }
0xa: {  	s29 =	smul.u32 $0x1380, s8;
	s30 =	sshrl.u32 s14, $0x2;
	s12 =	simm.s32 $0x2800  }
0xb: {  	s14 =	sor.u32 $0x1C01, s31;
	s15 =	sadd.s32 s28, s2;
	s17 =	sadd.s32 s30, s2  }
0xc: {  	s10 =	sadd.s32 s4, s6;
	s4 =	sadd.s32 $0x1AE00, s6;
	s11 =	sadd.s32 s11, s6  }
0xd: {  	s9 =	sadd.s32 s9, s29;
	s15 =	sshrl.u32 s15, $0x3;
	s17 =	sshrl.u32 s17, $0x3  }
0xe: {  	s6 =	sadd.s32 $0x6600, s10;
	s7 =	sadd.s32 $0x10600, s10;
	s8 =	sadd.s32 $0x1C200, s11  }
0xf: {  	s10 =	smax.u32 s13, $0x1;
	s11 =	simm.s32 $0x1;
	s13 =	simm.s32 $0x5000  }
.LBB2_1:
0x10: {  	[tilespmem:s3], [sflag:$0x1] =	stream.linear.gather [hbm4b:s6+s3], $0x2800, $0x38;
	[tilespmem:$0x13040] =	vst v63  }
0x11: {  	_ =	swait.ge [sflag:s11], $0x2800  }
0x12: {  	[sflag:s11] =	ssyncset.done $0x0  }
0x13: {  	[sflag:s11] =	ssyncadd.s32 $0xFFFFD800  }
0x14: {  	[tilespmem:s12], [sflag:$0x1] =	stream.linear.gather [hbm4b:s7+s3], $0x2800, $0x38;
	[tilespmem:$0x13040] =	vst v63  }
0x15: {  	_ =	swait.ge [sflag:s11], $0x2800  }
0x16: {  	[sflag:s11] =	ssyncset.done $0x0  }
0x17: {  	[sflag:s11] =	ssyncadd.s32 $0xFFFFD800  }
0x18: {  	[tilespmem:s13], [sflag:$0x1] =	stream.linear.gather [hbm4b:s5+s3], $0x3E80, $0x38;
	[tilespmem:$0x13040] =	vst v63  }
0x19: {  	_ =	swait.ge [sflag:s11], $0x3E80  }
0x1a: {  	[sflag:s11] =	ssyncset.done $0x0  }
0x1b: {  	[sflag:s11] =	ssyncadd.s32 $0xFFFFC180  }
0x1c: {  	[spmem:s15], [sflag:s14] =	dma.local [hbm:s4], $0x1400  }
0x1d: {  	_ =	swait.ge [sflag:s11], $0x1400  }
0x1e: {  	[sflag:s11] =	ssyncset.done $0x0  }
0x1f: {  	[sflag:s11] =	ssyncadd.s32 $0xFFFFEC00  }
0x20: {  	s19 =	simm.s32 $0x0;
	[bflag:$0x0] =	sbarrier.arrive $0xFFFF  }
0x21: {  	[spmem:s2] =	stream.indirect.scatter.add.f32 [tilespmem:s13], [sflag:$0x1], $0x80, s19, s16, $0xb8;
	[tilespmem:$0x13040] =	vst v63  }
0x22: {  	_ =	swait.ge [sflag:s11], $0x3E80  }
0x23: {  	s19 =	simm.s32 $0x200;
	[sflag:s11] =	ssyncset.done $0x0  }
.LBB2_2:
0x24: {  	s20 =	sshra.s32 s19, $0x2;
	[sflag:s11] =	ssyncadd.s32 $0xFFFFC180;
	p0 =	sne.s32 s19, $0x9E00  }
0x25: {  	[spmem:s2] =	stream.indirect.scatter.add.f32 [tilespmem:s13], [sflag:$0x1], $0x80, s20, s16, $0xb8;
	[tilespmem:$0x13040] =	vst v63  }
.Ltmp0:
0x26: {  	_ = 	snop;
	(pc) =	sbr.rel @p0 .LBB2_2-.Ltmp0, $4  }
0x27: {  	_ = 	snop  }
0x28: {  	s19 =	sadd.s32 $0x200, s19  }
0x29: {  	_ =	swait.ge [sflag:s11], $0x3E80  }
0x2a: {  	[sflag:s11] =	ssyncset.done $0x0  }
0x2b: {  	[sflag:s11] =	ssyncadd.s32 $0xFFFFC180  }
0x2c: {  	[bflag:$0x0] =	sbarrier.arrive $0xFFFF  }
0x2d: {  	[hbm:s8], [sflag:s14] =	dma.local [spmem:s15], $0x1400  }
0x2e: {  	_ =	swait.ge [sflag:s11], $0x1400  }
0x2f: {  	[sflag:s11] =	ssyncset.done $0x0  }
0x30: {  	[sflag:s11] =	ssyncadd.s32 $0xFFFFEC00  }
0x31: {  	[bflag:$0x0] =	sbarrier.arrive $0xFFFF  }
0x32: {  	[spmem:s17], [sflag:s14] =	dma.local [hbm:s4], $0x1380  }
0x33: {  	_ =	swait.ge [sflag:s11], $0x1380  }
0x34: {  	[sflag:s11] =	ssyncset.done $0x0  }
0x35: {  	[sflag:s11] =	ssyncadd.s32 $0xFFFFEC80  }
0x36: {  	s19 =	simm.s32 $0x2800;
	[bflag:$0x0] =	sbarrier.arrive $0xFFFF  }
0x37: {  	[spmem:s2] =	stream.indirect.scatter.add.f32 [tilespmem:s13], [sflag:$0x1], $0x80, s19, s16, $0xb8;
	[tilespmem:$0x13040] =	vst v63  }
0x38: {  	s19 =	simm.s32 $0x200;
	_ =	swait.ge [sflag:s11], $0x3E80  }
.LBB2_4:
0x39: {  	s20 =	sshra.s32 s19, $0x2;
	[sflag:s11] =	ssyncset.done $0x0;
	p0 =	sne.s32 s19, $0x9E00  }
.Ltmp1:
0x3a: {  	s20 =	sadd.s32 $0x2800, s20;
	[sflag:s11] =	ssyncadd.s32 $0xFFFFC180;
	(pc) =	sbr.rel @p0 .LBB2_4-.Ltmp1, $3  }
0x3b: {  	[spmem:s2] =	stream.indirect.scatter.add.f32 [tilespmem:s13], [sflag:$0x1], $0x80, s20, s16, $0xb8;
	[tilespmem:$0x13040] =	vst v63  }
0x3c: {  	s19 =	sadd.s32 $0x200, s19;
	_ =	sdelay $0x1  }
0x3d: {  	_ =	swait.ge [sflag:s11], $0x3E80  }
0x3e: {  	[sflag:s11] =	ssyncset.done $0x0  }
0x3f: {  	s18 =	sadd.s32 $0x1, s18;
	[sflag:s11] =	ssyncadd.s32 $0xFFFFC180  }
0x40: {  	p0 =	sne.s32 s18, s10;
	[bflag:$0x0] =	sbarrier.arrive $0xFFFF  }
0x41: {  	[hbm:s9], [sflag:s14] =	dma.local [spmem:s17], $0x1380  }
.Ltmp2:
0x42: {  	_ =	swait.ge [sflag:s11], $0x1380;
	(pc) =	sbr.rel @p0 .LBB2_1-.Ltmp2, $3  }
0x43: {  	[sflag:s11] =	ssyncset.done $0x0  }
0x44: {  	[sflag:s11] =	ssyncadd.s32 $0xFFFFEC80  }
0x45: {  	[bflag:$0x0] =	sbarrier.arrive $0xFFFF;
	_ =	sdelay $0x1  }
0x46: {  	_ =	sfence.sel $0x180000  }
0x47: {  	[bflag:$0x0] =	sbarrier.arrive $0xFFFF  }
0x48: {  	p0 =	sne.s32 s0, $0x0;
	_ =	strace $0x90000047  }
0x49: {  	s0 =	sadd.s32 @!p0 $0x100000, s1;
	[bflag:$0x2] =	sbarrier.arrive $0xFFFF  }
0x4a: {  	[sflag:s0] =	ssyncadd.tile.s32 @!p0 $0x1;
	_ =	shalt  }
.Lfunc_end2:
_tile_overlayer_lowered:
.L_overlay_start_2:
0x4b: {  	(tag) =	ssettag $0x2  }
0x4c: {  	s0 =	rddreg [dreg:$0x0];
	s2 =	stileid.u32  }
0x4d: {  	s1 =	rddreg [dreg:$0x1];
	p0 =	sne.s32 s2, $0x0  }
0x4e: {  	s3 =	rddreg [dreg:$0x2];
	[bflag:$0x3] =	sbarrier.arrive $0xFFFF;
	s2 =	simm.s32 @!p0 $0x1C01  }
0x4f: {  	[timem:s3], [sflag:s2] =	dma.local @!p0 [hbm:s0], s1  }
0x50: {  	s0 =	simm.s32 @!p0 $0x1  }
0x51: {  	_ =	swait.ge @!p0 [sflag:s0], s1  }
0x52: {  	s1 =	ssub.s32 @!p0 $0x0, s1;
	[sflag:s0] =	ssyncset.done @!p0 $0x0  }
0x53: {  	[sflag:s0] =	ssyncadd.s32 @!p0 s1  }
0x54: {  	[bflag:$0x3] =	sbarrier.arrive $0xFFFF  }
0x55: {  	_ =	shalt  }

// kernel: kernel.17.cloned.1.call-start
scs
__scs_entry_jumppad:
0x0: {  	(pc) =	sbr.rel $0x88, $3  }
0x1: {  	(tag) =	ssettag $0x0;
	lr =	simm.s32 $0x1  }
0x2: {  	[smem:$0x3F93] =	sst lr;
	_ =	strace $0xD0000000  }
0x3: {  	_ = 	snop  }
0x4: {  	_ = 	snop  }
0x5: {  	_ = 	snop  }
0x6: {  	_ = 	snop  }
0x7: {  	_ = 	snop  }
__scs_overlays_trampoline_lowered:
0x8: {  	[smem:$0x3FA2] =	sst s0  }
0x9: {  	[smem:$0x3FA3] =	sst s1  }
0xa: {  	[smem:$0x3FA4] =	sst s2  }
0xb: {  	[smem:$0x3FA5] =	sst s3  }
0xc: {  	[smem:$0x3FA6] =	sst s4  }
0xd: {  	[smem:$0x3FA7] =	sst s5  }
0xe: {  	[smem:$0x3FA8] =	sst s6  }
0xf: {  	[smem:$0x3FA9] =	sst s7  }
0x10: {  	[smem:$0x3FAA] =	sst s8  }
0x11: {  	[smem:$0x3FAB] =	sst s9;
	s0 =	simm.s32 @!p0 $0x0  }
0x12: {  	s1 =	sld [smem:$0x3F91];
	s0 =	simm.s32 @p0 $0x1  }
0x13: {  	[smem:$0x3FAC] =	sst s0;
	s0 =	simm.s32 @!p1 $0x0  }
0x14: {  	s2 =	sld [smem:$0x3F90];
	s0 =	simm.s32 @p1 $0x1  }
0x15: {  	[smem:$0x3FAD] =	sst s0;
	s0 =	simm.s32 @!p2 $0x0  }
0x16: {  	s3 =	sld [smem:$0x3FDB];
	s0 =	simm.s32 @p2 $0x1  }
0x17: {  	s4 =	simm.s32 $0x1BF5;
	[smem:$0x3FAF] =	sst s0  }
0x18: {  	s0 =	sld [smem:$0x3F92];
	_ =	swait.ge [sflag:s4], $0x0  }
0x19: {  	s7 =	sld [smem:$0x3F93]  }
0x1a: {  	s8 =	sadd.s32 $0xFFFFE003, lr  }
0x1b: {  	s9 =	sadd.s32 $0xFFFFFEF7, lr;
	s5 =	simm.s32 $0xFFFFFFFF;
	p2 =	slt.u32 s8, $0xFFFFF086  }
0x1c: {  	p1 =	slt.u32 s9, $0xF7A;
	s5 =	simm.s32 @!p2 $0x0  }
0x1d: {  	s5 =	simm.s32 @p1 $0x1;
	p0 =	seq.s32 s7, s2  }
0x1e: {  	s7 =	smul.u32 @!p0 $0xF7A, s2;
	p2 =	seq.s32 @!p0 s5, $0x0  }
0x1f: {  	s9 =	smul.u32 $0xF7A, s1;
	s8 =	simm.s32 @!p0 $0x1BF5;
	p2 =	por !p2, p0  }
0x20: {  	[sflag:s8] =	ssyncset.s32 @!p0 $0xFFFFF086;
	s6 =	sadd.s32 @!p0 s3, s7;
	s7 =	simm.s32 @!p0 $0x108  }
0x21: {  	s3 =	sadd.s32 s3, s9;
	s6 =	sadd.s32 @!p0 $0x88, s6;
	s7 =	simm.s32 @p2 $0x1082  }
0x22: {  	[simem:s7], [sflag:s8] =	dma.local @!p0 [hbm:s6], $0xF7A  }
0x23: {  	s9 =	sor.u32 $0xD0000000, s2;
	s6 =	simm.s32 $0x108;
	_ =	swait.ge @!p0 [sflag:s8], $0x0  }
0x24: {  	s3 =	sadd.s32 $0x88, s3;
	s6 =	simm.s32 @!p1 $0x1082;
	[sflag:s4] =	ssyncset.s32 $0xFFFFF086  }
0x25: {  	[simem:s6], [sflag:s4] =	dma.local [hbm:s3], $0xF7A  }
0x26: {  	[smem:$0x3F93] =	sst s1;
	(tag) =	ssettag s2;
	_ =	strace s9  }
0x27: {  	s1 =	sld [smem:$0x3FA3]  }
0x28: {  	s2 =	sld [smem:$0x3FA4]  }
0x29: {  	s4 =	sld [smem:$0x3FA6]  }
0x2a: {  	p0 =	seq.s32 s5, $0x0;
	s5 =	sld [smem:$0x3FA7]  }
0x2b: {  	s6 =	sld [smem:$0x3FA8]  }
0x2c: {  	s7 =	sld [smem:$0x3FA9]  }
0x2d: {  	s3 =	simm.s32 $0x108;
	s8 =	sld [smem:$0x3FAA]  }
0x2e: {  	s3 =	simm.s32 @!p0 $0x1082;
	s9 =	sld [smem:$0x3FAB]  }
0x2f: {  	lr =	sadd.s32 s0, s3;
	s0 =	sld [smem:$0x3FA2]  }
0x30: {  	s3 =	sld [smem:$0x3FA5]  }
0x31: {  	[smem:$0x3FAE] =	sst s10  }
0x32: {  	s10 =	sld [smem:$0x3FAC];
	_ =	sdelay $0x3  }
0x33: {  	p0 =	seq.s32 s10, $0x1;
	s10 =	sld [smem:$0x3FAE];
	_ =	sdelay $0x3  }
0x34: {  	[smem:$0x3FAE] =	sst s10  }
0x35: {  	s10 =	sld [smem:$0x3FAD];
	_ =	sdelay $0x3  }
0x36: {  	p1 =	seq.s32 s10, $0x1;
	s10 =	sld [smem:$0x3FAE];
	_ =	sdelay $0x3  }
0x37: {  	[smem:$0x3FAE] =	sst s10  }
0x38: {  	s10 =	sld [smem:$0x3FAF]  }
0x39: {  	_ = 	snop;
	(pc) =	sbr.ind lr, $3  }
0x3a: {  	_ = 	snop  }
0x3b: {  	_ = 	snop  }
0x3c: {  	p2 =	seq.s32 s10, $0x1;
	s10 =	sld [smem:$0x3FAE]  }
0x3d: {  	_ =	shalt  }
0x3e: {  	_ =	shalt  }
0x3f: {  	_ =	shalt  }
0x40: {  	_ =	shalt  }
0x41: {  	_ =	shalt  }
0x42: {  	_ =	shalt  }
0x43: {  	_ =	shalt  }
0x44: {  	_ =	shalt  }
0x45: {  	_ =	shalt  }
0x46: {  	_ =	shalt  }
0x47: {  	_ =	shalt  }
0x48: {  	_ =	shalt  }
0x49: {  	_ =	shalt  }
0x4a: {  	_ =	shalt  }
0x4b: {  	_ =	shalt  }
0x4c: {  	_ =	shalt  }
0x4d: {  	_ =	shalt  }
0x4e: {  	_ =	shalt  }
0x4f: {  	_ =	shalt  }
0x50: {  	_ =	shalt  }
0x51: {  	_ =	shalt  }
0x52: {  	_ =	shalt  }
0x53: {  	_ =	shalt  }
0x54: {  	_ =	shalt  }
0x55: {  	_ =	shalt  }
0x56: {  	_ =	shalt  }
0x57: {  	_ =	shalt  }
0x58: {  	_ =	shalt  }
0x59: {  	_ =	shalt  }
0x5a: {  	_ =	shalt  }
0x5b: {  	_ =	shalt  }
0x5c: {  	_ =	shalt  }
0x5d: {  	_ =	shalt  }
0x5e: {  	_ =	shalt  }
0x5f: {  	_ =	shalt  }
0x60: {  	_ =	shalt  }
0x61: {  	_ =	shalt  }
0x62: {  	_ =	shalt  }
0x63: {  	_ =	shalt  }
0x64: {  	_ =	shalt  }
0x65: {  	_ =	shalt  }
0x66: {  	_ =	shalt  }
0x67: {  	_ =	shalt  }
0x68: {  	_ =	shalt  }
0x69: {  	_ =	shalt  }
0x6a: {  	_ =	shalt  }
0x6b: {  	_ =	shalt  }
0x6c: {  	_ =	shalt  }
0x6d: {  	_ =	shalt  }
0x6e: {  	_ =	shalt  }
0x6f: {  	_ =	shalt  }
0x70: {  	_ =	shalt  }
0x71: {  	_ =	shalt  }
0x72: {  	_ =	shalt  }
0x73: {  	_ =	shalt  }
0x74: {  	_ =	shalt  }
0x75: {  	_ =	shalt  }
0x76: {  	_ =	shalt  }
0x77: {  	_ =	shalt  }
0x78: {  	_ =	shalt  }
0x79: {  	_ =	shalt  }
0x7a: {  	_ =	shalt  }
0x7b: {  	_ =	shalt  }
0x7c: {  	_ =	shalt  }
0x7d: {  	_ =	shalt  }
0x7e: {  	_ =	shalt  }
0x7f: {  	_ =	shalt  }
0x80: {  	_ =	shalt  }
0x81: {  	_ =	shalt  }
0x82: {  	_ =	shalt  }
0x83: {  	_ =	shalt  }
0x84: {  	_ =	shalt  }
0x85: {  	_ =	shalt  }
0x86: {  	_ =	shalt  }
0x87: {  	_ =	shalt  }
.Lfunc_end0:
.L_simem_size_0:
called_computation.1_lowered:
.L_overlay_start_0:
0x88: {  	s2 =	sld [smem:$0x3FD9]  }
0x89: {  	s3 =	sld [smem:$0x3FFE];
	_ =	sdelay $0x1  }
0x8a: {  	s1 =	srdreg.scid  }
0x8b: {  	s0 =	sand.u32 $0x1, s1  }
0x8c: {  	s14 =	sshll.u32 s0, $0xA;
	s2 =	sadd.s32 s3, s2  }
0x8d: {  	s2 =	sadd.s32 s2, s14  }
0x8e: {  	[smem:$0x3FBA] =	sst s2  }
0x8f: {  	_ = 	snop  }
0x90: {  	s2 =	sld [smem:$0x3FD0];
	_ =	sdelay $0x2  }
0x91: {  	s15 =	simm.s32 $0xB;
	s4 =	simm.s32 $0x10  }
0x92: {  	[smem:s4], [sflag:s15] =	dma.local [hbm:s2], $0x1  }
0x93: {  	_ =	swait.eq [sflag:s15], $0x1  }
0x94: {  	[sflag:s15] =	ssyncset.done $0x0  }
0x95: {  	[sflag:s15] =	ssyncadd.s32 $0xFFFFFFFF  }
0x96: {  	s16 =	sld [smem:$0x10];
	(tm) =	ssettm $0x1  }
0x97: {  	s17 =	sld [smem:$0x3FFB];
	_ =	sdelay $0x3  }
0x98: {  	_ =	strace s17  }
0x99: {  	s3 =	sld [smem:$0x3FFC];
	_ =	sdelay $0x3  }
0x9a: {  	_ =	strace s3  }
0x9b: {  	s3 =	sld [smem:$0x3FFD];
	_ =	sdelay $0x3  }
0x9c: {  	_ =	strace s3  }
0x9d: {  	_ =	strace $0x8FFFFFFF  }
0x9e: {  	s18 =	sld [smem:$0x3FDB];
	_ =	sdelay $0x1  }
0x9f: {  	s19 =	simm.s32 $_scs_section_size  }
0xa0: {  	s5 =	simm.s32 $_size__tile_overlayer_lowered;
	s6 =	simm.s32 $_tile_overlayer_lowered  }
0xa1: {  	s22 =	simm.s32 $0x1BFF;
	s21 =	sshll.u32 s6, $0x1;
	s3 =	sadd.s32 s19, s18  }
0xa2: {  	s7 =	simm.s32 $0x0;
	s20 =	sshll.u32 s5, $0x1;
	s5 =	sadd.s32 s21, s3  }
0xa3: {  	[timem:s7], [sflag:s22] =	dma.local [hbm:s5], s20  }
0xa4: {  	_ =	swait.ge [sflag:s22], s20  }
0xa5: {  	s4 =	ssub.s32 $0x0, s20;
	[sflag:s22] =	ssyncset.done $0x0  }
0xa6: {  	[sflag:s22] =	ssyncadd.s32 s4;
	_ =	sdelay $0x1  }
0xa7: {  	s23 =	simm.s32 $0x1B8B  }
0xa8: {  	_ =	swait.ge [sflag:s23], $0x1  }
0xa9: {  	[sflag:s23] =	ssyncset.done $0x0  }
0xaa: {  	s25 =	simm.s32 $0x1B8E;
	s24 =	sld [smem:$0x3FFE];
	[sflag:s23] =	ssyncadd.s32 $0xFFFFFFFF  }
0xab: {  	s26 =	simm.s32 $execute0_lowered;
	[smem:$0x3FD2] =	sst s25  }
0xac: {  	s5 =	sshll.u32 s26, $0x1;
	_ =	strace $0x80000049;
	[dreg:$0x1] =	wrdreg $0xFFFFFFFF  }
0xad: {  	s28 =	simm.s32 $_size_execute0_lowered;
	s3 =	sadd.s32 s3, s5;
	[dreg:$0x0] =	wrdreg $0x0  }
0xae: {  	s5 =	sshll.u32 s28, $0x1;
	[dreg:$0x2] =	wrdreg s3  }
0xaf: {  	[dreg:$0x3] =	wrdreg s5  }
0xb0: {  	[dreg:$0x4] =	wrdreg $0xC0  }
0xb1: {  	_ =	task [dreg:s7], $0x5FFFF  }
0xb2: {  	[dreg:$0x1] =	wrdreg $0xFFFFFFFF  }
0xb3: {  	[dreg:$0x0] =	wrdreg $0x60  }
0xb4: {  	[dreg:$0x2] =	wrdreg s24  }
0xb5: {  	[dreg:$0x3] =	wrdreg s16  }
0xb6: {  	[dreg:$0x4] =	wrdreg $0xF8000  }
0xb7: {  	[dreg:$0x5] =	wrdreg $0x9  }
0xb8: {  	_ =	task.clear_ibuf [dreg:s7], $0x6FFFF;
	_ =	strace $0x90000049  }
0xb9: {  	s29 =	simm.s32 $0x9;
	_ =	strace $0x8000004B  }
0xba: {  	_ =	swait.ge [sflag:s29], $0x1  }
0xbb: {  	[sflag:s29] =	ssyncadd.s32 $0xFFFFFFFF  }
0xbc: {  	_ =	strace $0x9000004B  }
0xbd: {  	_ =	sfence  }
0xbe: {  	s30 =	sld [smem:$0x0];
	_ =	sdelay $0x2  }
0xbf: {  	s31 =	sshll.u32 s1, $0xD;
	s1 =	sshrl.u32 s1, $0x2  }
0xc0: {  	s3 =	sand.u32 $0x4000, s31;
	s1 =	sadd.s32 s1, s30  }
0xc1: {  	s0 =	sor.u32 s3, s0;
	s1 =	sshll.u32 s1, $0x11  }
0xc2: {  	s0 =	sor.u32 s1, s0  }
0xc3: {  	s0 =	sadd.s32 $0x8F2B, s0  }
0xc4: {  	[sflag:s0] =	ssyncadd.remote.s32 $0x1  }
0xc5: {  	_ =	sfence.sel $0xFFFF  }
0xc6: {  	[dreg:$0x0] =	wrdreg $0xFFFFFFFF;
	(pc) =	sbr.abs _section_cstart, $3  }
0xc7: {  	[dreg:$0x1] =	wrdreg $0xFFFFFFFF  }
0xc8: {  	_ =	task.clear_ibuf [dreg:s7], $0x2FFFF;
	_ =	strace $0x9FFFFFFF  }
0xc9: {  	(tm) =	ssettm $0x7FFFFFFF  }
tec
execute0_lowered:
.L_overlay_start_1:
0x0: {  	(tag) =	ssettag $0x1  }
0x1: {  	s0 =	rddreg [dreg:$0x0]  }
0x2: {  	s1 =	srdreg.scid;
	s2 =	rddreg [dreg:$0x1]  }
0x3: {  	s3 =	rddreg [dreg:$0x2];
	s18 =	stileid.u32  }
0x4: {  	s4 =	simm.s32 $0x0;
	s16 =	simm.s32 $0x5;
	s17 =	simm.s32 $0x2800  }
0x5: {  	s28 =	simm.s32 $0x2880;
	s29 =	simm.s32 $0x3;
	s30 =	simm.s32 $0x100  }
0x6: {  	s31 =	simm.s32 $0x4;
	s1 =	sand.u32 $0x1, s1;
	s11 =	smul.u32 $0x28000, s18  }
0x7: {  	[smem:$0x7FF] =	sst s4;
	s6 =	sadd.s32 $0x1AE00, s0;
	s20 =	smul.u32 $0x27000, s18  }
0x8: {  	s26 =	sshll.u32 s18, $0x6;
	s5 =	sshll.u32 s1, $0x4;
	_ =	strace $0x8000004A  }
0x9: {  	s1 =	ssub.s32 $0x2, s1;
	s19 =	sor.u32 $0x1C05, s26;
	s7 =	sor.u32 s18, s5  }
0xa: {  	s26 =	simm.s32 $0x2;
	s10 =	sshrl.u32 s1, $0x1;
	s5 =	smul.u32 $0x500, s7  }
0xb: {  	s23 =	sshrl.u32 s11, $0x2;
	s18 =	simm.s32 $0x5000;
	s9 =	smul.u32 $0x1400, s7  }
0xc: {  	s7 =	smul.u32 $0x1380, s7;
	s1 =	ssub.s32 s1, s10;
	s24 =	sadd.s32 s23, s3  }
0xd: {  	s23 =	simm.s32 $0x1;
	s15 =	smax.u32 s1, $0x1;
	s1 =	simm.s32 $0x0  }
0xe: {  	s8 =	sadd.s32 s5, s0;
	s5 =	sadd.s32 $0x1C200, s0;
	s9 =	sadd.s32 s9, s0  }
0xf: {  	s0 =	sadd.s32 s7, s0;
	s7 =	sshrl.u32 s20, $0x2;
	s20 =	sshrl.u32 s24, $0x3  }
0x10: {  	s24 =	simm.s32 $0x80;
	s21 =	sadd.s32 $0x44200, s8;
	s22 =	sadd.s32 $0x6600, s8  }
.Ltmp0:
0x11: {  	s8 =	sadd.s32 $0x10600, s8;
	[dreg:$0x4] =	wrdreg s21;
	(pc) =	sbr.rel .LBB2_1-.Ltmp0, $4  }
0x12: {  	s25 =	sadd.s32 $0x9C400, s9;
	s11 =	sadd.s32 s7, s3;
	[dreg:$0x5] =	wrdreg s22  }
0x13: {  	s12 =	sadd.s32 $0xC4400, s0;
	s13 =	sadd.s32 $0xEB400, s9;
	[dreg:$0x6] =	wrdreg s8  }
0x14: {  	s14 =	sadd.s32 $0x113400, s0;
	s0 =	simm.s32 $0x5080;
	[dreg:$0x7] =	wrdreg s25  }
0x15: {  	s21 =	simm.s32 $0x7D;
	s22 =	simm.s32 $0x7800;
	s25 =	simm.s32 $0xB800  }
.LBB2_13:
0x16: {  	_ =	swait.ge [sflag:s31], $0x3E80  }
0x17: {  	[sflag:s31] =	ssyncset.done $0x0  }
0x18: {  	s1 =	sadd.s32 $0x1, s1;
	[sflag:s31] =	ssyncadd.s32 $0xFFFFC180  }
0x19: {  	p0 =	sne.s32 s1, s15;
	[bflag:$0x0] =	sbarrier.arrive $0xFFFF  }
0x1a: {  	[hbm:s14], [sflag:s19] =	dma.local [spmem:s7], $0x1380  }
.Ltmp1:
0x1b: {  	_ =	swait.ge [sflag:s16], $0x1380;
	(pc) =	sbr.rel @!p0 .LBB2_14-.Ltmp1, $3  }
0x1c: {  	[sflag:s16] =	ssyncset.done $0x0  }
0x1d: {  	[sflag:s16] =	ssyncadd.s32 $0xFFFFEC80  }
0x1e: {  	[bflag:$0x0] =	sbarrier.arrive $0xFFFF;
	_ =	sdelay $0x1  }
.LBB2_1:
0x1f: {  	s7 =	rddreg [dreg:$0x4]  }
0x20: {  	[tilespmem:s4], [sflag:$0x5] =	stream.linear.gather [hbm4b:s7+s4], $0x2800, $0x38;
	[tilespmem:$0x19840] =	vst v63  }
0x21: {  	_ =	swait.ge [sflag:s16], $0x2800  }
0x22: {  	[sflag:s16] =	ssyncset.done $0x0  }
0x23: {  	s9 =	rddreg [dreg:$0x5];
	[sflag:s16] =	ssyncadd.s32 $0xFFFFD800  }
0x24: {  	[tilespmem:s17], [sflag:$0x5] =	stream.linear.gather [hbm4b:s9+s4], $0x2800, $0x38;
	[tilespmem:$0x19840] =	vst v63  }
0x25: {  	_ =	swait.ge [sflag:s16], $0x2800  }
0x26: {  	[sflag:s16] =	ssyncset.done $0x0  }
0x27: {  	s10 =	rddreg [dreg:$0x6];
	[sflag:s16] =	ssyncadd.s32 $0xFFFFD800  }
0x28: {  	[tilespmem:s18], [sflag:$0x5] =	stream.linear.gather [hbm4b:s10+s4], $0x2800, $0x38;
	[tilespmem:$0x19840] =	vst v63  }
0x29: {  	_ =	swait.ge [sflag:s16], $0x2800  }
0x2a: {  	[sflag:s16] =	ssyncset.done $0x0  }
0x2b: {  	[sflag:s16] =	ssyncadd.s32 $0xFFFFD800  }
0x2c: {  	[spmem:s20], [sflag:s19] =	dma.local [hbm:s6], $0x1400  }
0x2d: {  	_ =	swait.ge [sflag:s16], $0x1400  }
0x2e: {  	[sflag:s16] =	ssyncset.done $0x0  }
0x2f: {  	[sflag:s16] =	ssyncadd.s32 $0xFFFFEC00  }
0x30: {  	[bflag:$0x0] =	sbarrier.arrive $0xFFFF  }
0x31: {  	[tilespmem:s22], [sflag:$0x1] =	stream.indirect.gather [hbm4b:s5+s21], $0x80, s4, s21, $0xb8;
	[tilespmem:$0x19840] =	vst v63  }
0x32: {  	_ =	swait.ge [sflag:s23], $0x3E80  }
0x33: {  	[sflag:s23] =	ssyncset.done $0x0  }
0x34: {  	[sflag:s23] =	ssyncadd.s32 $0xFFFFC180  }
0x35: {  	[spmem:s3] =	stream.indirect.scatter.add.f32 [tilespmem:s22], [sflag:$0x3], $0x80, s17, s21, $0xb8;
	[tilespmem:$0x19840] =	vst v63  }
0x36: {  	_ = 	snop  }
0x37: {  	[tilespmem:s25], [sflag:$0x2] =	stream.indirect.gather [hbm4b:s5+s21], $0x80, s24, s21, $0xb8;
	[tilespmem:$0x19840] =	vst v63  }
0x38: {  	_ =	swait.ge [sflag:s26], $0x3E80  }
0x39: {  	[sflag:s26] =	ssyncset.done $0x0  }
0x3a: {  	[sflag:s26] =	ssyncadd.s32 $0xFFFFC180  }
0x3b: {  	[spmem:s3] =	stream.indirect.scatter.add.f32 [tilespmem:s25], [sflag:$0x4], $0x80, s28, s21, $0xb8;
	[tilespmem:$0x19840] =	vst v63  }
0x3c: {  	_ =	swait.ge [sflag:s29], $0x3E80  }
0x3d: {  	[sflag:s29] =	ssyncset.done $0x0  }
0x3e: {  	s7 =	simm.s32 $0xFFFF6800;
	[sflag:s29] =	ssyncadd.s32 $0xFFFFC180  }
0x3f: {  	[tilespmem:s22], [sflag:$0x1] =	stream.indirect.gather [hbm4b:s5+s21], $0x80, s30, s21, $0xb8;
	[tilespmem:$0x19840] =	vst v63  }
.LBB2_2:
0x40: {  	_ =	swait.ge [sflag:s23], $0x3E80  }
0x41: {  	s8 =	sshra.s32 s7, $0x2;
	[sflag:s23] =	ssyncset.done $0x0  }
0x42: {  	s9 =	sadd.s32 $0x4F00, s8;
	[sflag:s23] =	ssyncadd.s32 $0xFFFFC180  }
0x43: {  	[spmem:s3] =	stream.indirect.scatter.add.f32 [tilespmem:s22], [sflag:$0x3], $0x80, s9, s21, $0xb8;
	[tilespmem:$0x19840] =	vst v63  }
0x44: {  	_ =	swait.ge [sflag:s31], $0x3E80  }
0x45: {  	[sflag:s31] =	ssyncset.done $0x0  }
0x46: {  	s10 =	sadd.s32 $0x2780, s8;
	[sflag:s31] =	ssyncadd.s32 $0xFFFFC180  }
0x47: {  	[tilespmem:s25], [sflag:$0x2] =	stream.indirect.gather [hbm4b:s5+s21], $0x80, s10, s21, $0xb8;
	[tilespmem:$0x19840] =	vst v63  }
0x48: {  	_ =	swait.ge [sflag:s26], $0x3E80  }
0x49: {  	p0 =	seq.s32 s7, $0x0;
	[sflag:s26] =	ssyncset.done $0x0  }
.Ltmp2:
0x4a: {  	s10 =	sadd.s32 $0x4F80, s8;
	[sflag:s26] =	ssyncadd.s32 $0xFFFFC180;
	(pc) =	sbr.rel @p0 .LBB2_4-.Ltmp2, $4  }
0x4b: {  	[spmem:s3] =	stream.indirect.scatter.add.f32 [tilespmem:s25], [sflag:$0x4], $0x80, s10, s21, $0xb8;
	[tilespmem:$0x19840] =	vst v63  }
0x4c: {  	_ =	swait.ge [sflag:s29], $0x3E80  }
0x4d: {  	[sflag:s29] =	ssyncset.done $0x0  }
0x4e: {  	[sflag:s29] =	ssyncadd.s32 $0xFFFFC180  }
.Ltmp3:
0x4f: {  	(pc) =	sbr.rel .LBB2_2-.Ltmp3, $3  }
0x50: {  	_ =	sdelay $0x1  }
0x51: {  	s8 =	sadd.s32 $0x2800, s8;
	s7 =	sadd.s32 $0x400, s7  }
0x52: {  	[tilespmem:s22], [sflag:$0x1] =	stream.indirect.gather [hbm4b:s5+s21], $0x80, s8, s21, $0xb8;
	[tilespmem:$0x19840] =	vst v63  }
.LBB2_4:
0x53: {  	_ =	swait.ge [sflag:s31], $0x3E80  }
0x54: {  	[sflag:s31] =	ssyncset.done $0x0  }
0x55: {  	[sflag:s31] =	ssyncadd.s32 $0xFFFFC180  }
0x56: {  	[bflag:$0x0] =	sbarrier.arrive $0xFFFF  }
0x57: {  	s7 =	rddreg [dreg:$0x7]  }
0x58: {  	[hbm:s7], [sflag:s19] =	dma.local [spmem:s20], $0x1400  }
0x59: {  	_ =	swait.ge [sflag:s16], $0x1400  }
0x5a: {  	[sflag:s16] =	ssyncset.done $0x0  }
0x5b: {  	[sflag:s16] =	ssyncadd.s32 $0xFFFFEC00  }
0x5c: {  	s7 =	sshrl.u32 s11, $0x3;
	[bflag:$0x0] =	sbarrier.arrive $0xFFFF  }
0x5d: {  	[spmem:s7], [sflag:s19] =	dma.local [hbm:s6], $0x1380  }
0x5e: {  	_ =	swait.ge [sflag:s16], $0x1380  }
0x5f: {  	[sflag:s16] =	ssyncset.done $0x0  }
0x60: {  	[sflag:s16] =	ssyncadd.s32 $0xFFFFEC80  }
0x61: {  	[bflag:$0x0] =	sbarrier.arrive $0xFFFF  }
0x62: {  	[tilespmem:s22], [sflag:$0x1] =	stream.indirect.gather [hbm4b:s5+s21], $0x80, s4, s21, $0xb8;
	[tilespmem:$0x19840] =	vst v63  }
0x63: {  	_ =	swait.ge [sflag:s23], $0x3E80  }
0x64: {  	[sflag:s23] =	ssyncset.done $0x0  }
0x65: {  	[sflag:s23] =	ssyncadd.s32 $0xFFFFC180  }
0x66: {  	[spmem:s3] =	stream.indirect.scatter.add.f32 [tilespmem:s22], [sflag:$0x3], $0x80, s18, s21, $0xb8;
	[tilespmem:$0x19840] =	vst v63  }
0x67: {  	_ = 	snop  }
0x68: {  	[tilespmem:s25], [sflag:$0x2] =	stream.indirect.gather [hbm4b:s5+s21], $0x80, s24, s21, $0xb8;
	[tilespmem:$0x19840] =	vst v63  }
0x69: {  	_ =	swait.ge [sflag:s26], $0x3E80  }
0x6a: {  	[sflag:s26] =	ssyncset.done $0x0  }
0x6b: {  	[sflag:s26] =	ssyncadd.s32 $0xFFFFC180  }
0x6c: {  	[spmem:s3] =	stream.indirect.scatter.add.f32 [tilespmem:s25], [sflag:$0x4], $0x80, s0, s21, $0xb8;
	[tilespmem:$0x19840] =	vst v63  }
0x6d: {  	_ =	swait.ge [sflag:s29], $0x3E80  }
0x6e: {  	[sflag:s29] =	ssyncset.done $0x0  }
0x6f: {  	s8 =	simm.s32 $0xFFFF6800;
	[sflag:s29] =	ssyncadd.s32 $0xFFFFC180  }
0x70: {  	[tilespmem:s22], [sflag:$0x1] =	stream.indirect.gather [hbm4b:s5+s21], $0x80, s30, s21, $0xb8;
	[tilespmem:$0x19840] =	vst v63  }
.LBB2_5:
0x71: {  	_ =	swait.ge [sflag:s23], $0x3E80  }
0x72: {  	s9 =	sshra.s32 s8, $0x2;
	[sflag:s23] =	ssyncset.done $0x0  }
0x73: {  	s10 =	sadd.s32 $0x7700, s9;
	[sflag:s23] =	ssyncadd.s32 $0xFFFFC180  }
0x74: {  	[spmem:s3] =	stream.indirect.scatter.add.f32 [tilespmem:s22], [sflag:$0x3], $0x80, s10, s21, $0xb8;
	[tilespmem:$0x19840] =	vst v63  }
0x75: {  	_ =	swait.ge [sflag:s31], $0x3E80  }
0x76: {  	[sflag:s31] =	ssyncset.done $0x0  }
0x77: {  	s10 =	sadd.s32 $0x2780, s9;
	[sflag:s31] =	ssyncadd.s32 $0xFFFFC180  }
0x78: {  	[tilespmem:s25], [sflag:$0x2] =	stream.indirect.gather [hbm4b:s5+s21], $0x80, s10, s21, $0xb8;
	[tilespmem:$0x19840] =	vst v63  }
0x79: {  	_ =	swait.ge [sflag:s26], $0x3E80  }
0x7a: {  	p0 =	seq.s32 s8, $0x0;
	[sflag:s26] =	ssyncset.done $0x0  }
.Ltmp4:
0x7b: {  	s10 =	sadd.s32 $0x7780, s9;
	[sflag:s26] =	ssyncadd.s32 $0xFFFFC180;
	(pc) =	sbr.rel @p0 .LBB2_7-.Ltmp4, $4  }
0x7c: {  	[spmem:s3] =	stream.indirect.scatter.add.f32 [tilespmem:s25], [sflag:$0x4], $0x80, s10, s21, $0xb8;
	[tilespmem:$0x19840] =	vst v63  }
0x7d: {  	_ =	swait.ge [sflag:s29], $0x3E80  }
0x7e: {  	[sflag:s29] =	ssyncset.done $0x0  }
0x7f: {  	[sflag:s29] =	ssyncadd.s32 $0xFFFFC180  }
.Ltmp5:
0x80: {  	(pc) =	sbr.rel .LBB2_5-.Ltmp5, $3  }
0x81: {  	_ =	sdelay $0x1  }
0x82: {  	s9 =	sadd.s32 $0x2800, s9;
	s8 =	sadd.s32 $0x400, s8  }
0x83: {  	[tilespmem:s22], [sflag:$0x1] =	stream.indirect.gather [hbm4b:s5+s21], $0x80, s9, s21, $0xb8;
	[tilespmem:$0x19840] =	vst v63  }
.LBB2_7:
0x84: {  	_ =	swait.ge [sflag:s31], $0x3E80  }
0x85: {  	[sflag:s31] =	ssyncset.done $0x0  }
0x86: {  	[sflag:s31] =	ssyncadd.s32 $0xFFFFC180  }
0x87: {  	[bflag:$0x0] =	sbarrier.arrive $0xFFFF  }
0x88: {  	[hbm:s12], [sflag:s19] =	dma.local [spmem:s7], $0x1380  }
0x89: {  	_ =	swait.ge [sflag:s16], $0x1380  }
0x8a: {  	[sflag:s16] =	ssyncset.done $0x0  }
0x8b: {  	[sflag:s16] =	ssyncadd.s32 $0xFFFFEC80  }
0x8c: {  	[bflag:$0x0] =	sbarrier.arrive $0xFFFF  }
0x8d: {  	[spmem:s20], [sflag:s19] =	dma.local [hbm:s6], $0x1400  }
0x8e: {  	_ =	swait.ge [sflag:s16], $0x1400  }
0x8f: {  	[sflag:s16] =	ssyncset.done $0x0  }
0x90: {  	[sflag:s16] =	ssyncadd.s32 $0xFFFFEC00  }
0x91: {  	[bflag:$0x0] =	sbarrier.arrive $0xFFFF  }
0x92: {  	[tilespmem:s22], [sflag:$0x1] =	stream.indirect.gather [hbm4b:s2+s21], $0x80, s4, s21, $0xb8;
	[tilespmem:$0x19840] =	vst v63  }
0x93: {  	_ =	swait.ge [sflag:s23], $0x3E80  }
0x94: {  	[sflag:s23] =	ssyncset.done $0x0  }
0x95: {  	[sflag:s23] =	ssyncadd.s32 $0xFFFFC180  }
0x96: {  	[spmem:s3] =	stream.indirect.scatter.add.f32 [tilespmem:s22], [sflag:$0x3], $0x80, s17, s21, $0xb8;
	[tilespmem:$0x19840] =	vst v63  }
0x97: {  	_ = 	snop  }
0x98: {  	[tilespmem:s25], [sflag:$0x2] =	stream.indirect.gather [hbm4b:s2+s21], $0x80, s24, s21, $0xb8;
	[tilespmem:$0x19840] =	vst v63  }
0x99: {  	_ =	swait.ge [sflag:s26], $0x3E80  }
0x9a: {  	[sflag:s26] =	ssyncset.done $0x0  }
0x9b: {  	[sflag:s26] =	ssyncadd.s32 $0xFFFFC180  }
0x9c: {  	[spmem:s3] =	stream.indirect.scatter.add.f32 [tilespmem:s25], [sflag:$0x4], $0x80, s28, s21, $0xb8;
	[tilespmem:$0x19840] =	vst v63  }
0x9d: {  	_ =	swait.ge [sflag:s29], $0x3E80  }
0x9e: {  	[sflag:s29] =	ssyncset.done $0x0  }
0x9f: {  	s8 =	simm.s32 $0xFFFF6800;
	[sflag:s29] =	ssyncadd.s32 $0xFFFFC180  }
0xa0: {  	[tilespmem:s22], [sflag:$0x1] =	stream.indirect.gather [hbm4b:s2+s21], $0x80, s30, s21, $0xb8;
	[tilespmem:$0x19840] =	vst v63  }
.LBB2_8:
0xa1: {  	_ =	swait.ge [sflag:s23], $0x3E80  }
0xa2: {  	s9 =	sshra.s32 s8, $0x2;
	[sflag:s23] =	ssyncset.done $0x0  }
0xa3: {  	s10 =	sadd.s32 $0x4F00, s9;
	[sflag:s23] =	ssyncadd.s32 $0xFFFFC180  }
0xa4: {  	[spmem:s3] =	stream.indirect.scatter.add.f32 [tilespmem:s22], [sflag:$0x3], $0x80, s10, s21, $0xb8;
	[tilespmem:$0x19840] =	vst v63  }
0xa5: {  	_ =	swait.ge [sflag:s31], $0x3E80  }
0xa6: {  	[sflag:s31] =	ssyncset.done $0x0  }
0xa7: {  	s10 =	sadd.s32 $0x2780, s9;
	[sflag:s31] =	ssyncadd.s32 $0xFFFFC180  }
0xa8: {  	[tilespmem:s25], [sflag:$0x2] =	stream.indirect.gather [hbm4b:s2+s21], $0x80, s10, s21, $0xb8;
	[tilespmem:$0x19840] =	vst v63  }
0xa9: {  	_ =	swait.ge [sflag:s26], $0x3E80  }
0xaa: {  	p0 =	seq.s32 s8, $0x0;
	[sflag:s26] =	ssyncset.done $0x0  }
.Ltmp6:
0xab: {  	s10 =	sadd.s32 $0x4F80, s9;
	[sflag:s26] =	ssyncadd.s32 $0xFFFFC180;
	(pc) =	sbr.rel @p0 .LBB2_10-.Ltmp6, $4  }
0xac: {  	[spmem:s3] =	stream.indirect.scatter.add.f32 [tilespmem:s25], [sflag:$0x4], $0x80, s10, s21, $0xb8;
	[tilespmem:$0x19840] =	vst v63  }
0xad: {  	_ =	swait.ge [sflag:s29], $0x3E80  }
0xae: {  	[sflag:s29] =	ssyncset.done $0x0  }
0xaf: {  	[sflag:s29] =	ssyncadd.s32 $0xFFFFC180  }
.Ltmp7:
0xb0: {  	(pc) =	sbr.rel .LBB2_8-.Ltmp7, $3  }
0xb1: {  	_ =	sdelay $0x1  }
0xb2: {  	s9 =	sadd.s32 $0x2800, s9;
	s8 =	sadd.s32 $0x400, s8  }
0xb3: {  	[tilespmem:s22], [sflag:$0x1] =	stream.indirect.gather [hbm4b:s2+s21], $0x80, s9, s21, $0xb8;
	[tilespmem:$0x19840] =	vst v63  }
.LBB2_10:
0xb4: {  	_ =	swait.ge [sflag:s31], $0x3E80  }
0xb5: {  	[sflag:s31] =	ssyncset.done $0x0  }
0xb6: {  	[sflag:s31] =	ssyncadd.s32 $0xFFFFC180  }
0xb7: {  	[bflag:$0x0] =	sbarrier.arrive $0xFFFF  }
0xb8: {  	[hbm:s13], [sflag:s19] =	dma.local [spmem:s20], $0x1400  }
0xb9: {  	_ =	swait.ge [sflag:s16], $0x1400  }
0xba: {  	[sflag:s16] =	ssyncset.done $0x0  }
0xbb: {  	[sflag:s16] =	ssyncadd.s32 $0xFFFFEC00  }
0xbc: {  	[bflag:$0x0] =	sbarrier.arrive $0xFFFF  }
0xbd: {  	[spmem:s7], [sflag:s19] =	dma.local [hbm:s6], $0x1380  }
0xbe: {  	_ =	swait.ge [sflag:s16], $0x1380  }
0xbf: {  	[sflag:s16] =	ssyncset.done $0x0  }
0xc0: {  	[sflag:s16] =	ssyncadd.s32 $0xFFFFEC80  }
0xc1: {  	[bflag:$0x0] =	sbarrier.arrive $0xFFFF  }
0xc2: {  	[tilespmem:s22], [sflag:$0x1] =	stream.indirect.gather [hbm4b:s2+s21], $0x80, s4, s21, $0xb8;
	[tilespmem:$0x19840] =	vst v63  }
0xc3: {  	_ =	swait.ge [sflag:s23], $0x3E80  }
0xc4: {  	[sflag:s23] =	ssyncset.done $0x0  }
0xc5: {  	[sflag:s23] =	ssyncadd.s32 $0xFFFFC180  }
0xc6: {  	[spmem:s3] =	stream.indirect.scatter.add.f32 [tilespmem:s22], [sflag:$0x3], $0x80, s18, s21, $0xb8;
	[tilespmem:$0x19840] =	vst v63  }
0xc7: {  	_ = 	snop  }
0xc8: {  	[tilespmem:s25], [sflag:$0x2] =	stream.indirect.gather [hbm4b:s2+s21], $0x80, s24, s21, $0xb8;
	[tilespmem:$0x19840] =	vst v63  }
0xc9: {  	_ =	swait.ge [sflag:s26], $0x3E80  }
0xca: {  	[sflag:s26] =	ssyncset.done $0x0  }
0xcb: {  	[sflag:s26] =	ssyncadd.s32 $0xFFFFC180  }
0xcc: {  	[spmem:s3] =	stream.indirect.scatter.add.f32 [tilespmem:s25], [sflag:$0x4], $0x80, s0, s21, $0xb8;
	[tilespmem:$0x19840] =	vst v63  }
0xcd: {  	_ =	swait.ge [sflag:s29], $0x3E80  }
0xce: {  	[sflag:s29] =	ssyncset.done $0x0  }
0xcf: {  	s8 =	simm.s32 $0xFFFF6800;
	[sflag:s29] =	ssyncadd.s32 $0xFFFFC180  }
0xd0: {  	[tilespmem:s22], [sflag:$0x1] =	stream.indirect.gather [hbm4b:s2+s21], $0x80, s30, s21, $0xb8;
	[tilespmem:$0x19840] =	vst v63  }
.LBB2_11:
0xd1: {  	_ =	swait.ge [sflag:s23], $0x3E80  }
0xd2: {  	s9 =	sshra.s32 s8, $0x2;
	[sflag:s23] =	ssyncset.done $0x0  }
0xd3: {  	s10 =	sadd.s32 $0x7700, s9;
	[sflag:s23] =	ssyncadd.s32 $0xFFFFC180  }
0xd4: {  	[spmem:s3] =	stream.indirect.scatter.add.f32 [tilespmem:s22], [sflag:$0x3], $0x80, s10, s21, $0xb8;
	[tilespmem:$0x19840] =	vst v63  }
0xd5: {  	_ =	swait.ge [sflag:s31], $0x3E80  }
0xd6: {  	[sflag:s31] =	ssyncset.done $0x0  }
0xd7: {  	s10 =	sadd.s32 $0x2780, s9;
	[sflag:s31] =	ssyncadd.s32 $0xFFFFC180  }
0xd8: {  	[tilespmem:s25], [sflag:$0x2] =	stream.indirect.gather [hbm4b:s2+s21], $0x80, s10, s21, $0xb8;
	[tilespmem:$0x19840] =	vst v63  }
0xd9: {  	_ =	swait.ge [sflag:s26], $0x3E80  }
0xda: {  	p0 =	seq.s32 s8, $0x0;
	[sflag:s26] =	ssyncset.done $0x0  }
.Ltmp8:
0xdb: {  	s10 =	sadd.s32 $0x7780, s9;
	[sflag:s26] =	ssyncadd.s32 $0xFFFFC180;
	(pc) =	sbr.rel @p0 .LBB2_13-.Ltmp8, $4  }
0xdc: {  	[spmem:s3] =	stream.indirect.scatter.add.f32 [tilespmem:s25], [sflag:$0x4], $0x80, s10, s21, $0xb8;
	[tilespmem:$0x19840] =	vst v63  }
0xdd: {  	_ =	swait.ge [sflag:s29], $0x3E80  }
0xde: {  	[sflag:s29] =	ssyncset.done $0x0  }
0xdf: {  	[sflag:s29] =	ssyncadd.s32 $0xFFFFC180  }
.Ltmp9:
0xe0: {  	(pc) =	sbr.rel .LBB2_11-.Ltmp9, $3  }
0xe1: {  	_ =	sdelay $0x1  }
0xe2: {  	s9 =	sadd.s32 $0x2800, s9;
	s8 =	sadd.s32 $0x400, s8  }
0xe3: {  	[tilespmem:s22], [sflag:$0x1] =	stream.indirect.gather [hbm4b:s2+s21], $0x80, s9, s21, $0xb8;
	[tilespmem:$0x19840] =	vst v63  }
.LBB2_14:
0xe4: {  	_ =	sfence.sel $0x180000  }
0xe5: {  	[bflag:$0x0] =	sbarrier.arrive $0xFFFF  }
0xe6: {  	_ =	strace $0x9000004A  }
0xe7: {  	s0 =	stileid.u32;
	[bflag:$0x2] =	sbarrier.arrive $0xFFFF  }
0xe8: {  	p0 =	sne.s32 s0, $0x0;
	s0 =	rddreg [dreg:$0x3]  }
0xe9: {  	s0 =	sadd.s32 @!p0 $0x100000, s0  }
0xea: {  	[sflag:s0] =	ssyncadd.tile.s32 @!p0 $0x1;
	_ =	shalt  }
.Lfunc_end2:
_tile_overlayer_lowered:
.L_overlay_start_2:
0xeb: {  	(tag) =	ssettag $0x2  }
0xec: {  	s0 =	rddreg [dreg:$0x0];
	s2 =	stileid.u32  }
0xed: {  	s1 =	rddreg [dreg:$0x1];
	p0 =	sne.s32 s2, $0x0  }
0xee: {  	s3 =	rddreg [dreg:$0x2];
	[bflag:$0x3] =	sbarrier.arrive $0xFFFF;
	s2 =	simm.s32 @!p0 $0x1C05  }
0xef: {  	[timem:s3], [sflag:s2] =	dma.local @!p0 [hbm:s0], s1  }
0xf0: {  	s0 =	simm.s32 @!p0 $0x5  }
0xf1: {  	_ =	swait.ge @!p0 [sflag:s0], s1  }
0xf2: {  	s1 =	ssub.s32 @!p0 $0x0, s1;
	[sflag:s0] =	ssyncset.done @!p0 $0x0  }
0xf3: {  	[sflag:s0] =	ssyncadd.s32 @!p0 s1  }
0xf4: {  	[bflag:$0x3] =	sbarrier.arrive $0xFFFF  }
0xf5: {  	_ =	shalt  }

// kernel: kernel.20.cloned.1.call-start
scs
__scs_entry_jumppad:
0x0: {  	(pc) =	sbr.rel $0x88, $3  }
0x1: {  	(tag) =	ssettag $0x0;
	lr =	simm.s32 $0x1  }
0x2: {  	[smem:$0x3F93] =	sst lr;
	_ =	strace $0xD0000000  }
0x3: {  	_ = 	snop  }
0x4: {  	_ = 	snop  }
0x5: {  	_ = 	snop  }
0x6: {  	_ = 	snop  }
0x7: {  	_ = 	snop  }
__scs_overlays_trampoline_lowered:
0x8: {  	[smem:$0x3FA2] =	sst s0  }
0x9: {  	[smem:$0x3FA3] =	sst s1  }
0xa: {  	[smem:$0x3FA4] =	sst s2  }
0xb: {  	[smem:$0x3FA5] =	sst s3  }
0xc: {  	[smem:$0x3FA6] =	sst s4  }
0xd: {  	[smem:$0x3FA7] =	sst s5  }
0xe: {  	[smem:$0x3FA8] =	sst s6  }
0xf: {  	[smem:$0x3FA9] =	sst s7  }
0x10: {  	[smem:$0x3FAA] =	sst s8  }
0x11: {  	[smem:$0x3FAB] =	sst s9;
	s0 =	simm.s32 @!p0 $0x0  }
0x12: {  	s1 =	sld [smem:$0x3F91];
	s0 =	simm.s32 @p0 $0x1  }
0x13: {  	[smem:$0x3FAC] =	sst s0;
	s0 =	simm.s32 @!p1 $0x0  }
0x14: {  	s2 =	sld [smem:$0x3F90];
	s0 =	simm.s32 @p1 $0x1  }
0x15: {  	[smem:$0x3FAD] =	sst s0;
	s0 =	simm.s32 @!p2 $0x0  }
0x16: {  	s3 =	sld [smem:$0x3FDB];
	s0 =	simm.s32 @p2 $0x1  }
0x17: {  	s4 =	simm.s32 $0x1BF5;
	[smem:$0x3FAF] =	sst s0  }
0x18: {  	s0 =	sld [smem:$0x3F92];
	_ =	swait.ge [sflag:s4], $0x0  }
0x19: {  	s7 =	sld [smem:$0x3F93]  }
0x1a: {  	s8 =	sadd.s32 $0xFFFFE003, lr  }
0x1b: {  	s9 =	sadd.s32 $0xFFFFFEF7, lr;
	s5 =	simm.s32 $0xFFFFFFFF;
	p2 =	slt.u32 s8, $0xFFFFF086  }
0x1c: {  	p1 =	slt.u32 s9, $0xF7A;
	s5 =	simm.s32 @!p2 $0x0  }
0x1d: {  	s5 =	simm.s32 @p1 $0x1;
	p0 =	seq.s32 s7, s2  }
0x1e: {  	s7 =	smul.u32 @!p0 $0xF7A, s2;
	p2 =	seq.s32 @!p0 s5, $0x0  }
0x1f: {  	s9 =	smul.u32 $0xF7A, s1;
	s8 =	simm.s32 @!p0 $0x1BF5;
	p2 =	por !p2, p0  }
0x20: {  	[sflag:s8] =	ssyncset.s32 @!p0 $0xFFFFF086;
	s6 =	sadd.s32 @!p0 s3, s7;
	s7 =	simm.s32 @!p0 $0x108  }
0x21: {  	s3 =	sadd.s32 s3, s9;
	s6 =	sadd.s32 @!p0 $0x88, s6;
	s7 =	simm.s32 @p2 $0x1082  }
0x22: {  	[simem:s7], [sflag:s8] =	dma.local @!p0 [hbm:s6], $0xF7A  }
0x23: {  	s9 =	sor.u32 $0xD0000000, s2;
	s6 =	simm.s32 $0x108;
	_ =	swait.ge @!p0 [sflag:s8], $0x0  }
0x24: {  	s3 =	sadd.s32 $0x88, s3;
	s6 =	simm.s32 @!p1 $0x1082;
	[sflag:s4] =	ssyncset.s32 $0xFFFFF086  }
0x25: {  	[simem:s6], [sflag:s4] =	dma.local [hbm:s3], $0xF7A  }
0x26: {  	[smem:$0x3F93] =	sst s1;
	(tag) =	ssettag s2;
	_ =	strace s9  }
0x27: {  	s1 =	sld [smem:$0x3FA3]  }
0x28: {  	s2 =	sld [smem:$0x3FA4]  }
0x29: {  	s4 =	sld [smem:$0x3FA6]  }
0x2a: {  	p0 =	seq.s32 s5, $0x0;
	s5 =	sld [smem:$0x3FA7]  }
0x2b: {  	s6 =	sld [smem:$0x3FA8]  }
0x2c: {  	s7 =	sld [smem:$0x3FA9]  }
0x2d: {  	s3 =	simm.s32 $0x108;
	s8 =	sld [smem:$0x3FAA]  }
0x2e: {  	s3 =	simm.s32 @!p0 $0x1082;
	s9 =	sld [smem:$0x3FAB]  }
0x2f: {  	lr =	sadd.s32 s0, s3;
	s0 =	sld [smem:$0x3FA2]  }
0x30: {  	s3 =	sld [smem:$0x3FA5]  }
0x31: {  	[smem:$0x3FAE] =	sst s10  }
0x32: {  	s10 =	sld [smem:$0x3FAC];
	_ =	sdelay $0x3  }
0x33: {  	p0 =	seq.s32 s10, $0x1;
	s10 =	sld [smem:$0x3FAE];
	_ =	sdelay $0x3  }
0x34: {  	[smem:$0x3FAE] =	sst s10  }
0x35: {  	s10 =	sld [smem:$0x3FAD];
	_ =	sdelay $0x3  }
0x36: {  	p1 =	seq.s32 s10, $0x1;
	s10 =	sld [smem:$0x3FAE];
	_ =	sdelay $0x3  }
0x37: {  	[smem:$0x3FAE] =	sst s10  }
0x38: {  	s10 =	sld [smem:$0x3FAF]  }
0x39: {  	_ = 	snop;
	(pc) =	sbr.ind lr, $3  }
0x3a: {  	_ = 	snop  }
0x3b: {  	_ = 	snop  }
0x3c: {  	p2 =	seq.s32 s10, $0x1;
	s10 =	sld [smem:$0x3FAE]  }
0x3d: {  	_ =	shalt  }
0x3e: {  	_ =	shalt  }
0x3f: {  	_ =	shalt  }
0x40: {  	_ =	shalt  }
0x41: {  	_ =	shalt  }
0x42: {  	_ =	shalt  }
0x43: {  	_ =	shalt  }
0x44: {  	_ =	shalt  }
0x45: {  	_ =	shalt  }
0x46: {  	_ =	shalt  }
0x47: {  	_ =	shalt  }
0x48: {  	_ =	shalt  }
0x49: {  	_ =	shalt  }
0x4a: {  	_ =	shalt  }
0x4b: {  	_ =	shalt  }
0x4c: {  	_ =	shalt  }
0x4d: {  	_ =	shalt  }
0x4e: {  	_ =	shalt  }
0x4f: {  	_ =	shalt  }
0x50: {  	_ =	shalt  }
0x51: {  	_ =	shalt  }
0x52: {  	_ =	shalt  }
0x53: {  	_ =	shalt  }
0x54: {  	_ =	shalt  }
0x55: {  	_ =	shalt  }
0x56: {  	_ =	shalt  }
0x57: {  	_ =	shalt  }
0x58: {  	_ =	shalt  }
0x59: {  	_ =	shalt  }
0x5a: {  	_ =	shalt  }
0x5b: {  	_ =	shalt  }
0x5c: {  	_ =	shalt  }
0x5d: {  	_ =	shalt  }
0x5e: {  	_ =	shalt  }
0x5f: {  	_ =	shalt  }
0x60: {  	_ =	shalt  }
0x61: {  	_ =	shalt  }
0x62: {  	_ =	shalt  }
0x63: {  	_ =	shalt  }
0x64: {  	_ =	shalt  }
0x65: {  	_ =	shalt  }
0x66: {  	_ =	shalt  }
0x67: {  	_ =	shalt  }
0x68: {  	_ =	shalt  }
0x69: {  	_ =	shalt  }
0x6a: {  	_ =	shalt  }
0x6b: {  	_ =	shalt  }
0x6c: {  	_ =	shalt  }
0x6d: {  	_ =	shalt  }
0x6e: {  	_ =	shalt  }
0x6f: {  	_ =	shalt  }
0x70: {  	_ =	shalt  }
0x71: {  	_ =	shalt  }
0x72: {  	_ =	shalt  }
0x73: {  	_ =	shalt  }
0x74: {  	_ =	shalt  }
0x75: {  	_ =	shalt  }
0x76: {  	_ =	shalt  }
0x77: {  	_ =	shalt  }
0x78: {  	_ =	shalt  }
0x79: {  	_ =	shalt  }
0x7a: {  	_ =	shalt  }
0x7b: {  	_ =	shalt  }
0x7c: {  	_ =	shalt  }
0x7d: {  	_ =	shalt  }
0x7e: {  	_ =	shalt  }
0x7f: {  	_ =	shalt  }
0x80: {  	_ =	shalt  }
0x81: {  	_ =	shalt  }
0x82: {  	_ =	shalt  }
0x83: {  	_ =	shalt  }
0x84: {  	_ =	shalt  }
0x85: {  	_ =	shalt  }
0x86: {  	_ =	shalt  }
0x87: {  	_ =	shalt  }
.Lfunc_end0:
.L_simem_size_0:
called_computation.2_lowered:
.L_overlay_start_0:
0x88: {  	s2 =	sld [smem:$0x3FD9]  }
0x89: {  	s3 =	sld [smem:$0x3FFE];
	_ =	sdelay $0x1  }
0x8a: {  	s1 =	srdreg.scid  }
0x8b: {  	s0 =	sand.u32 $0x1, s1  }
0x8c: {  	s15 =	sshll.u32 s0, $0xA;
	s2 =	sadd.s32 s3, s2  }
0x8d: {  	s2 =	sadd.s32 s2, s15  }
0x8e: {  	[smem:$0x3FBA] =	sst s2  }
0x8f: {  	_ = 	snop  }
0x90: {  	s2 =	sld [smem:$0x3FD0];
	_ =	sdelay $0x2  }
0x91: {  	s16 =	simm.s32 $0xB;
	s4 =	simm.s32 $0x10  }
0x92: {  	[smem:s4], [sflag:s16] =	dma.local [hbm:s2], $0x1  }
0x93: {  	_ =	swait.eq [sflag:s16], $0x1  }
0x94: {  	[sflag:s16] =	ssyncset.done $0x0  }
0x95: {  	[sflag:s16] =	ssyncadd.s32 $0xFFFFFFFF  }
0x96: {  	s17 =	sld [smem:$0x10];
	(tm) =	ssettm $0x1  }
0x97: {  	s18 =	sld [smem:$0x3FFB];
	_ =	sdelay $0x3  }
0x98: {  	_ =	strace s18  }
0x99: {  	s2 =	sld [smem:$0x3FFC];
	_ =	sdelay $0x3  }
0x9a: {  	_ =	strace s2  }
0x9b: {  	s2 =	sld [smem:$0x3FFD];
	_ =	sdelay $0x3  }
0x9c: {  	_ =	strace s2  }
0x9d: {  	_ =	strace $0x8FFFFFFF  }
0x9e: {  	s19 =	sld [smem:$0x3FDB];
	_ =	sdelay $0x1  }
0x9f: {  	s20 =	simm.s32 $_scs_section_size  }
0xa0: {  	s5 =	simm.s32 $_size__tile_overlayer_lowered;
	s6 =	simm.s32 $_tile_overlayer_lowered  }
0xa1: {  	s7 =	simm.s32 $0x1BFF;
	s21 =	sshll.u32 s6, $0x1;
	s4 =	sadd.s32 s20, s19  }
0xa2: {  	s22 =	simm.s32 $0x0;
	s5 =	sshll.u32 s5, $0x1;
	s6 =	sadd.s32 s21, s4  }
0xa3: {  	[timem:s22], [sflag:s7] =	dma.local [hbm:s6], s5  }
0xa4: {  	_ =	swait.ge [sflag:s7], s5  }
0xa5: {  	s5 =	ssub.s32 $0x0, s5;
	[sflag:s7] =	ssyncset.done $0x0  }
0xa6: {  	[sflag:s7] =	ssyncadd.s32 s5;
	_ =	sdelay $0x1  }
0xa7: {  	s23 =	simm.s32 $0x1B8B  }
0xa8: {  	_ =	swait.ge [sflag:s23], $0x1  }
0xa9: {  	[sflag:s23] =	ssyncset.done $0x0  }
0xaa: {  	[sflag:s23] =	ssyncadd.s32 $0xFFFFFFFF  }
0xab: {  	s5 =	sld [smem:$0x0]  }
0xac: {  	s6 =	sand.u32 $0xFFFFFFFE, s1  }
0xad: {  	p0 =	sne.s32 s1, s6  }
0xae: {  	s6 =	sshll.u32 @p0 s6, $0xE  }
0xaf: {  	s6 =	sadd.s32 @p0 $0x11B8D, s6;
	s7 =	sshll.u32 @p0 s5, $0x11  }
0xb0: {  	s6 =	sor.u32 @p0 s7, s6  }
0xb1: {  	[sflag:s6] =	ssyncadd.remote.s32 @p0 $0x1;
	_ =	sdelay $0x1  }
0xb2: {  	s6 =	simm.s32 @p0 $0x1B8D  }
0xb3: {  	_ =	swait.eq @p0 [sflag:s6], $0x1  }
0xb4: {  	[sflag:s6] =	ssyncadd.s32 @p0 $0xFFFFFFFF  }
0xb5: {  	s7 =	sshll.u32 @!p0 s1, $0xE  }
0xb6: {  	s7 =	sor.u32 @!p0 $0x4000, s7;
	s6 =	simm.s32 @!p0 $0x1B8D  }
0xb7: {  	s5 =	sshll.u32 @!p0 s5, $0x11;
	s7 =	sadd.s32 @!p0 $0x11B8D, s7;
	_ =	swait.eq @!p0 [sflag:s6], $0x1  }
0xb8: {  	s5 =	sor.u32 @!p0 s5, s7;
	[sflag:s6] =	ssyncadd.s32 @!p0 $0xFFFFFFFF  }
0xb9: {  	s25 =	simm.s32 $0x1B8E;
	s24 =	sld [smem:$0x3FFE];
	[sflag:s5] =	ssyncadd.remote.s32 @!p0 $0x1  }
0xba: {  	s26 =	simm.s32 $execute0_lowered;
	[smem:$0x3FD2] =	sst s25  }
0xbb: {  	s6 =	sshll.u32 s26, $0x1;
	_ =	strace $0x8000004F;
	[dreg:$0x1] =	wrdreg $0xFFFFFFFF  }
0xbc: {  	s28 =	simm.s32 $_size_execute0_lowered;
	s4 =	sadd.s32 s4, s6;
	[dreg:$0x0] =	wrdreg $0x0  }
0xbd: {  	s6 =	sshll.u32 s28, $0x1;
	[dreg:$0x2] =	wrdreg s4  }
0xbe: {  	[dreg:$0x3] =	wrdreg s6  }
0xbf: {  	[dreg:$0x4] =	wrdreg $0xC0  }
0xc0: {  	_ =	task [dreg:s22], $0x5FFFF  }
0xc1: {  	[dreg:$0x1] =	wrdreg $0xFFFFFFFF  }
0xc2: {  	[dreg:$0x0] =	wrdreg $0x60  }
0xc3: {  	[dreg:$0x2] =	wrdreg s24  }
0xc4: {  	[dreg:$0x3] =	wrdreg s17  }
0xc5: {  	[dreg:$0x4] =	wrdreg $0xD0000  }
0xc6: {  	[dreg:$0x5] =	wrdreg $0x9  }
0xc7: {  	_ =	task.clear_ibuf [dreg:s22], $0x6FFFF;
	_ =	strace $0x9000004F  }
0xc8: {  	s29 =	simm.s32 $0x9;
	_ =	strace $0x80000051  }
0xc9: {  	_ =	swait.ge [sflag:s29], $0x1  }
0xca: {  	[sflag:s29] =	ssyncadd.s32 $0xFFFFFFFF  }
0xcb: {  	_ =	strace $0x90000051  }
0xcc: {  	_ =	sfence  }
0xcd: {  	s30 =	sld [smem:$0x0];
	_ =	sdelay $0x2  }
0xce: {  	s31 =	sshll.u32 s1, $0xD;
	s1 =	sshrl.u32 s1, $0x2  }
0xcf: {  	s4 =	sand.u32 $0x4000, s31;
	s1 =	sadd.s32 s1, s30  }
0xd0: {  	s0 =	sor.u32 s4, s0;
	s1 =	sshll.u32 s1, $0x11  }
0xd1: {  	s0 =	sor.u32 s1, s0  }
0xd2: {  	s0 =	sadd.s32 $0x8F2B, s0  }
0xd3: {  	[sflag:s0] =	ssyncadd.remote.s32 $0x1  }
0xd4: {  	_ =	sfence.sel $0xFFFF  }
0xd5: {  	[dreg:$0x0] =	wrdreg $0xFFFFFFFF;
	(pc) =	sbr.abs _section_cstart, $3  }
0xd6: {  	[dreg:$0x1] =	wrdreg $0xFFFFFFFF  }
0xd7: {  	_ =	task.clear_ibuf [dreg:s22], $0x2FFFF;
	_ =	strace $0x9FFFFFFF  }
0xd8: {  	(tm) =	ssettm $0x7FFFFFFF  }
0xd9: {  	_ =	shalt  }
tec
execute0_lowered:
.L_overlay_start_1:
0x0: {  	(tag) =	ssettag $0x1  }
0x1: {  	s7 =	rddreg [dreg:$0x0]  }
0x2: {  	s2 =	rddreg [dreg:$0x1]  }
0x3: {  	s0 =	srdreg.scid;
	s3 =	rddreg [dreg:$0x2]  }
0x4: {  	s4 =	simm.s32 $0x0;
	s16 =	simm.s32 $0x7D;
	s17 =	simm.s32 $0x5000  }
0x5: {  	s18 =	simm.s32 $0x1;
	s19 =	simm.s32 $0x80;
	s20 =	simm.s32 $0x9000  }
0x6: {  	s21 =	simm.s32 $0x2;
	s22 =	simm.s32 $0x2880;
	s23 =	simm.s32 $0x3  }
0x7: {  	s24 =	simm.s32 $0x100;
	s25 =	simm.s32 $0x4;
	s26 =	simm.s32 $0x0  }
0x8: {  	s6 =	sand.u32 $0x1, s0;
	s0 =	stileid.u32;
	[smem:$0x7FF] =	sst s4  }
0x9: {  	s1 =	sshll.u32 s6, $0x4;
	s10 =	ssub.s32 $0x2, s6;
	s11 =	smul.u32 $0x28000, s0  }
0xa: {  	s6 =	sadd.s32 $0x1AE00, s7;
	s14 =	sshll.u32 s0, $0x6;
	s5 =	sor.u32 s0, s1  }
0xb: {  	s1 =	rddreg [dreg:$0x3];
	_ =	strace $0x80000050;
	s8 =	smul.u32 $0x500, s5  }
0xc: {  	s30 =	sshrl.u32 s10, $0x1;
	s14 =	sor.u32 $0x1C05, s14;
	s9 =	smul.u32 $0x1400, s5  }
.Ltmp0:
0xd: {  	s13 =	ssub.s32 s10, s30;
	s31 =	sshrl.u32 s11, $0x2;
	(pc) =	sbr.rel .LBB2_1-.Ltmp0, $4  }
0xe: {  	s5 =	sadd.s32 $0x1C200, s7;
	s15 =	sadd.s32 s31, s3;
	s11 =	smax.u32 s13, $0x1  }
0xf: {  	s13 =	simm.s32 $0x2800;
	s8 =	sadd.s32 s8, s7;
	s12 =	sadd.s32 s9, s7  }
0x10: {  	s15 =	sshrl.u32 s15, $0x3;
	s7 =	sadd.s32 $0x44200, s8;
	s8 =	sadd.s32 $0x6600, s8  }
0x11: {  	s9 =	sadd.s32 $0xC4200, s12;
	s10 =	sadd.s32 $0x9C200, s12;
	s12 =	simm.s32 $0x5  }
.LBB2_7:
0x12: {  	_ =	swait.ge [sflag:s25], $0x3E80  }
0x13: {  	[sflag:s25] =	ssyncset.done $0x0  }
0x14: {  	s26 =	sadd.s32 $0x1, s26;
	[sflag:s25] =	ssyncadd.s32 $0xFFFFC180  }
0x15: {  	p0 =	sne.s32 s26, s11;
	[bflag:$0x0] =	sbarrier.arrive $0xFFFF  }
0x16: {  	[hbm:s10], [sflag:s14] =	dma.local [spmem:s15], $0x1400  }
.Ltmp1:
0x17: {  	_ =	swait.ge [sflag:s12], $0x1400;
	(pc) =	sbr.rel @!p0 .LBB2_8-.Ltmp1, $3  }
0x18: {  	[sflag:s12] =	ssyncset.done $0x0  }
0x19: {  	[sflag:s12] =	ssyncadd.s32 $0xFFFFEC00  }
0x1a: {  	[bflag:$0x0] =	sbarrier.arrive $0xFFFF;
	_ =	sdelay $0x1  }
.LBB2_1:
0x1b: {  	[tilespmem:s4], [sflag:$0x5] =	stream.linear.gather [hbm4b:s7+s4], $0x2800, $0x38;
	[tilespmem:$0x17040] =	vst v63  }
0x1c: {  	_ =	swait.ge [sflag:s12], $0x2800  }
0x1d: {  	[sflag:s12] =	ssyncset.done $0x0  }
0x1e: {  	[sflag:s12] =	ssyncadd.s32 $0xFFFFD800  }
0x1f: {  	[tilespmem:s13], [sflag:$0x5] =	stream.linear.gather [hbm4b:s8+s4], $0x2800, $0x38;
	[tilespmem:$0x17040] =	vst v63  }
0x20: {  	_ =	swait.ge [sflag:s12], $0x2800  }
0x21: {  	[sflag:s12] =	ssyncset.done $0x0  }
0x22: {  	[sflag:s12] =	ssyncadd.s32 $0xFFFFD800  }
0x23: {  	[spmem:s15], [sflag:s14] =	dma.local [hbm:s6], $0x1400  }
0x24: {  	_ =	swait.ge [sflag:s12], $0x1400  }
0x25: {  	[sflag:s12] =	ssyncset.done $0x0  }
0x26: {  	[sflag:s12] =	ssyncadd.s32 $0xFFFFEC00  }
0x27: {  	[bflag:$0x0] =	sbarrier.arrive $0xFFFF  }
0x28: {  	[tilespmem:s17], [sflag:$0x1] =	stream.indirect.gather [hbm4b:s5+s16], $0x80, s4, s16, $0xb8;
	[tilespmem:$0x17040] =	vst v63  }
0x29: {  	_ =	swait.ge [sflag:s18], $0x3E80  }
0x2a: {  	[sflag:s18] =	ssyncset.done $0x0  }
0x2b: {  	[sflag:s18] =	ssyncadd.s32 $0xFFFFC180  }
0x2c: {  	[spmem:s3] =	stream.indirect.scatter.add.f32 [tilespmem:s17], [sflag:$0x3], $0x80, s13, s16, $0xb8;
	[tilespmem:$0x17040] =	vst v63  }
0x2d: {  	_ = 	snop  }
0x2e: {  	[tilespmem:s20], [sflag:$0x2] =	stream.indirect.gather [hbm4b:s5+s16], $0x80, s19, s16, $0xb8;
	[tilespmem:$0x17040] =	vst v63  }
0x2f: {  	_ =	swait.ge [sflag:s21], $0x3E80  }
0x30: {  	[sflag:s21] =	ssyncset.done $0x0  }
0x31: {  	[sflag:s21] =	ssyncadd.s32 $0xFFFFC180  }
0x32: {  	[spmem:s3] =	stream.indirect.scatter.add.f32 [tilespmem:s20], [sflag:$0x4], $0x80, s22, s16, $0xb8;
	[tilespmem:$0x17040] =	vst v63  }
0x33: {  	_ =	swait.ge [sflag:s23], $0x3E80  }
0x34: {  	[sflag:s23] =	ssyncset.done $0x0  }
0x35: {  	s28 =	simm.s32 $0xFFFF6800;
	[sflag:s23] =	ssyncadd.s32 $0xFFFFC180  }
0x36: {  	[tilespmem:s17], [sflag:$0x1] =	stream.indirect.gather [hbm4b:s5+s16], $0x80, s24, s16, $0xb8;
	[tilespmem:$0x17040] =	vst v63  }
.LBB2_2:
0x37: {  	_ =	swait.ge [sflag:s18], $0x3E80  }
0x38: {  	s29 =	sshra.s32 s28, $0x2;
	[sflag:s18] =	ssyncset.done $0x0  }
0x39: {  	s30 =	sadd.s32 $0x4F00, s29;
	[sflag:s18] =	ssyncadd.s32 $0xFFFFC180  }
0x3a: {  	[spmem:s3] =	stream.indirect.scatter.add.f32 [tilespmem:s17], [sflag:$0x3], $0x80, s30, s16, $0xb8;
	[tilespmem:$0x17040] =	vst v63  }
0x3b: {  	_ =	swait.ge [sflag:s25], $0x3E80  }
0x3c: {  	[sflag:s25] =	ssyncset.done $0x0  }
0x3d: {  	s31 =	sadd.s32 $0x2780, s29;
	[sflag:s25] =	ssyncadd.s32 $0xFFFFC180  }
0x3e: {  	[tilespmem:s20], [sflag:$0x2] =	stream.indirect.gather [hbm4b:s5+s16], $0x80, s31, s16, $0xb8;
	[tilespmem:$0x17040] =	vst v63  }
0x3f: {  	_ =	swait.ge [sflag:s21], $0x3E80  }
0x40: {  	p0 =	seq.s32 s28, $0x0;
	[sflag:s21] =	ssyncset.done $0x0  }
.Ltmp2:
0x41: {  	s31 =	sadd.s32 $0x4F80, s29;
	[sflag:s21] =	ssyncadd.s32 $0xFFFFC180;
	(pc) =	sbr.rel @p0 .LBB2_4-.Ltmp2, $4  }
0x42: {  	[spmem:s3] =	stream.indirect.scatter.add.f32 [tilespmem:s20], [sflag:$0x4], $0x80, s31, s16, $0xb8;
	[tilespmem:$0x17040] =	vst v63  }
0x43: {  	_ =	swait.ge [sflag:s23], $0x3E80  }
0x44: {  	[sflag:s23] =	ssyncset.done $0x0  }
0x45: {  	[sflag:s23] =	ssyncadd.s32 $0xFFFFC180  }
.Ltmp3:
0x46: {  	(pc) =	sbr.rel .LBB2_2-.Ltmp3, $3  }
0x47: {  	_ =	sdelay $0x1  }
0x48: {  	s29 =	sadd.s32 $0x2800, s29;
	s28 =	sadd.s32 $0x400, s28  }
0x49: {  	[tilespmem:s17], [sflag:$0x1] =	stream.indirect.gather [hbm4b:s5+s16], $0x80, s29, s16, $0xb8;
	[tilespmem:$0x17040] =	vst v63  }
.LBB2_4:
0x4a: {  	_ =	swait.ge [sflag:s25], $0x3E80  }
0x4b: {  	[sflag:s25] =	ssyncset.done $0x0  }
0x4c: {  	[sflag:s25] =	ssyncadd.s32 $0xFFFFC180  }
0x4d: {  	[bflag:$0x0] =	sbarrier.arrive $0xFFFF  }
0x4e: {  	[hbm:s9], [sflag:s14] =	dma.local [spmem:s15], $0x1400  }
0x4f: {  	_ =	swait.ge [sflag:s12], $0x1400  }
0x50: {  	[sflag:s12] =	ssyncset.done $0x0  }
0x51: {  	[sflag:s12] =	ssyncadd.s32 $0xFFFFEC00  }
0x52: {  	[bflag:$0x0] =	sbarrier.arrive $0xFFFF  }
0x53: {  	[spmem:s15], [sflag:s14] =	dma.local [hbm:s6], $0x1400  }
0x54: {  	_ =	swait.ge [sflag:s12], $0x1400  }
0x55: {  	[sflag:s12] =	ssyncset.done $0x0  }
0x56: {  	[sflag:s12] =	ssyncadd.s32 $0xFFFFEC00  }
0x57: {  	[bflag:$0x0] =	sbarrier.arrive $0xFFFF  }
0x58: {  	[tilespmem:s17], [sflag:$0x1] =	stream.indirect.gather [hbm4b:s2+s16], $0x80, s4, s16, $0xb8;
	[tilespmem:$0x17040] =	vst v63  }
0x59: {  	_ =	swait.ge [sflag:s18], $0x3E80  }
0x5a: {  	[sflag:s18] =	ssyncset.done $0x0  }
0x5b: {  	[sflag:s18] =	ssyncadd.s32 $0xFFFFC180  }
0x5c: {  	[spmem:s3] =	stream.indirect.scatter.add.f32 [tilespmem:s17], [sflag:$0x3], $0x80, s13, s16, $0xb8;
	[tilespmem:$0x17040] =	vst v63  }
0x5d: {  	_ = 	snop  }
0x5e: {  	[tilespmem:s20], [sflag:$0x2] =	stream.indirect.gather [hbm4b:s2+s16], $0x80, s19, s16, $0xb8;
	[tilespmem:$0x17040] =	vst v63  }
0x5f: {  	_ =	swait.ge [sflag:s21], $0x3E80  }
0x60: {  	[sflag:s21] =	ssyncset.done $0x0  }
0x61: {  	[sflag:s21] =	ssyncadd.s32 $0xFFFFC180  }
0x62: {  	[spmem:s3] =	stream.indirect.scatter.add.f32 [tilespmem:s20], [sflag:$0x4], $0x80, s22, s16, $0xb8;
	[tilespmem:$0x17040] =	vst v63  }
0x63: {  	_ =	swait.ge [sflag:s23], $0x3E80  }
0x64: {  	[sflag:s23] =	ssyncset.done $0x0  }
0x65: {  	s28 =	simm.s32 $0xFFFF6800;
	[sflag:s23] =	ssyncadd.s32 $0xFFFFC180  }
0x66: {  	[tilespmem:s17], [sflag:$0x1] =	stream.indirect.gather [hbm4b:s2+s16], $0x80, s24, s16, $0xb8;
	[tilespmem:$0x17040] =	vst v63  }
.LBB2_5:
0x67: {  	_ =	swait.ge [sflag:s18], $0x3E80  }
0x68: {  	s29 =	sshra.s32 s28, $0x2;
	[sflag:s18] =	ssyncset.done $0x0  }
0x69: {  	s30 =	sadd.s32 $0x4F00, s29;
	[sflag:s18] =	ssyncadd.s32 $0xFFFFC180  }
0x6a: {  	[spmem:s3] =	stream.indirect.scatter.add.f32 [tilespmem:s17], [sflag:$0x3], $0x80, s30, s16, $0xb8;
	[tilespmem:$0x17040] =	vst v63  }
0x6b: {  	_ =	swait.ge [sflag:s25], $0x3E80  }
0x6c: {  	[sflag:s25] =	ssyncset.done $0x0  }
0x6d: {  	s31 =	sadd.s32 $0x2780, s29;
	[sflag:s25] =	ssyncadd.s32 $0xFFFFC180  }
0x6e: {  	[tilespmem:s20], [sflag:$0x2] =	stream.indirect.gather [hbm4b:s2+s16], $0x80, s31, s16, $0xb8;
	[tilespmem:$0x17040] =	vst v63  }
0x6f: {  	_ =	swait.ge [sflag:s21], $0x3E80  }
0x70: {  	p0 =	seq.s32 s28, $0x0;
	[sflag:s21] =	ssyncset.done $0x0  }
.Ltmp4:
0x71: {  	s31 =	sadd.s32 $0x4F80, s29;
	[sflag:s21] =	ssyncadd.s32 $0xFFFFC180;
	(pc) =	sbr.rel @p0 .LBB2_7-.Ltmp4, $4  }
0x72: {  	[spmem:s3] =	stream.indirect.scatter.add.f32 [tilespmem:s20], [sflag:$0x4], $0x80, s31, s16, $0xb8;
	[tilespmem:$0x17040] =	vst v63  }
0x73: {  	_ =	swait.ge [sflag:s23], $0x3E80  }
0x74: {  	[sflag:s23] =	ssyncset.done $0x0  }
0x75: {  	[sflag:s23] =	ssyncadd.s32 $0xFFFFC180  }
.Ltmp5:
0x76: {  	(pc) =	sbr.rel .LBB2_5-.Ltmp5, $3  }
0x77: {  	_ =	sdelay $0x1  }
0x78: {  	s29 =	sadd.s32 $0x2800, s29;
	s28 =	sadd.s32 $0x400, s28  }
0x79: {  	[tilespmem:s17], [sflag:$0x1] =	stream.indirect.gather [hbm4b:s2+s16], $0x80, s29, s16, $0xb8;
	[tilespmem:$0x17040] =	vst v63  }
.LBB2_8:
0x7a: {  	_ =	sfence.sel $0x180000  }
0x7b: {  	[bflag:$0x0] =	sbarrier.arrive $0xFFFF  }
0x7c: {  	p0 =	sne.s32 s0, $0x0;
	_ =	strace $0x90000050  }
0x7d: {  	s0 =	sadd.s32 @!p0 $0x100000, s1;
	[bflag:$0x2] =	sbarrier.arrive $0xFFFF  }
0x7e: {  	[sflag:s0] =	ssyncadd.tile.s32 @!p0 $0x1;
	_ =	shalt  }
.Lfunc_end2:
_tile_overlayer_lowered:
.L_overlay_start_2:
0x7f: {  	(tag) =	ssettag $0x2  }
0x80: {  	s0 =	rddreg [dreg:$0x0];
	s2 =	stileid.u32  }
0x81: {  	s1 =	rddreg [dreg:$0x1];
	p0 =	sne.s32 s2, $0x0  }
0x82: {  	s3 =	rddreg [dreg:$0x2];
	[bflag:$0x3] =	sbarrier.arrive $0xFFFF;
	s2 =	simm.s32 @!p0 $0x1C05  }
0x83: {  	[timem:s3], [sflag:s2] =	dma.local @!p0 [hbm:s0], s1  }
0x84: {  	s0 =	simm.s32 @!p0 $0x5  }
0x85: {  	_ =	swait.ge @!p0 [sflag:s0], s1  }
0x86: {  	s1 =	ssub.s32 @!p0 $0x0, s1;
	[sflag:s0] =	ssyncset.done @!p0 $0x0  }
0x87: {  	[sflag:s0] =	ssyncadd.s32 @!p0 s1  }
0x88: {  	[bflag:$0x3] =	sbarrier.arrive $0xFFFF  }
0x89: {  	_ =	shalt  }

// kernel: kernel.23.cloned.1.call-start
scs
__scs_entry_jumppad:
0x0: {  	(pc) =	sbr.rel $0x88, $3  }
0x1: {  	(tag) =	ssettag $0x0;
	lr =	simm.s32 $0x1  }
0x2: {  	[smem:$0x3F93] =	sst lr;
	_ =	strace $0xD0000000  }
0x3: {  	_ = 	snop  }
0x4: {  	_ = 	snop  }
0x5: {  	_ = 	snop  }
0x6: {  	_ = 	snop  }
0x7: {  	_ = 	snop  }
__scs_overlays_trampoline_lowered:
0x8: {  	[smem:$0x3FA2] =	sst s0  }
0x9: {  	[smem:$0x3FA3] =	sst s1  }
0xa: {  	[smem:$0x3FA4] =	sst s2  }
0xb: {  	[smem:$0x3FA5] =	sst s3  }
0xc: {  	[smem:$0x3FA6] =	sst s4  }
0xd: {  	[smem:$0x3FA7] =	sst s5  }
0xe: {  	[smem:$0x3FA8] =	sst s6  }
0xf: {  	[smem:$0x3FA9] =	sst s7  }
0x10: {  	[smem:$0x3FAA] =	sst s8  }
0x11: {  	[smem:$0x3FAB] =	sst s9;
	s0 =	simm.s32 @!p0 $0x0  }
0x12: {  	s1 =	sld [smem:$0x3F91];
	s0 =	simm.s32 @p0 $0x1  }
0x13: {  	[smem:$0x3FAC] =	sst s0;
	s0 =	simm.s32 @!p1 $0x0  }
0x14: {  	s2 =	sld [smem:$0x3F90];
	s0 =	simm.s32 @p1 $0x1  }
0x15: {  	[smem:$0x3FAD] =	sst s0;
	s0 =	simm.s32 @!p2 $0x0  }
0x16: {  	s3 =	sld [smem:$0x3FDB];
	s0 =	simm.s32 @p2 $0x1  }
0x17: {  	s4 =	simm.s32 $0x1BF5;
	[smem:$0x3FAF] =	sst s0  }
0x18: {  	s0 =	sld [smem:$0x3F92];
	_ =	swait.ge [sflag:s4], $0x0  }
0x19: {  	s7 =	sld [smem:$0x3F93]  }
0x1a: {  	s8 =	sadd.s32 $0xFFFFE003, lr  }
0x1b: {  	s9 =	sadd.s32 $0xFFFFFEF7, lr;
	s5 =	simm.s32 $0xFFFFFFFF;
	p2 =	slt.u32 s8, $0xFFFFF086  }
0x1c: {  	p1 =	slt.u32 s9, $0xF7A;
	s5 =	simm.s32 @!p2 $0x0  }
0x1d: {  	s5 =	simm.s32 @p1 $0x1;
	p0 =	seq.s32 s7, s2  }
0x1e: {  	s7 =	smul.u32 @!p0 $0xF7A, s2;
	p2 =	seq.s32 @!p0 s5, $0x0  }
0x1f: {  	s9 =	smul.u32 $0xF7A, s1;
	s8 =	simm.s32 @!p0 $0x1BF5;
	p2 =	por !p2, p0  }
0x20: {  	[sflag:s8] =	ssyncset.s32 @!p0 $0xFFFFF086;
	s6 =	sadd.s32 @!p0 s3, s7;
	s7 =	simm.s32 @!p0 $0x108  }
0x21: {  	s3 =	sadd.s32 s3, s9;
	s6 =	sadd.s32 @!p0 $0x88, s6;
	s7 =	simm.s32 @p2 $0x1082  }
0x22: {  	[simem:s7], [sflag:s8] =	dma.local @!p0 [hbm:s6], $0xF7A  }
0x23: {  	s9 =	sor.u32 $0xD0000000, s2;
	s6 =	simm.s32 $0x108;
	_ =	swait.ge @!p0 [sflag:s8], $0x0  }
0x24: {  	s3 =	sadd.s32 $0x88, s3;
	s6 =	simm.s32 @!p1 $0x1082;
	[sflag:s4] =	ssyncset.s32 $0xFFFFF086  }
0x25: {  	[simem:s6], [sflag:s4] =	dma.local [hbm:s3], $0xF7A  }
0x26: {  	[smem:$0x3F93] =	sst s1;
	(tag) =	ssettag s2;
	_ =	strace s9  }
0x27: {  	s1 =	sld [smem:$0x3FA3]  }
0x28: {  	s2 =	sld [smem:$0x3FA4]  }
0x29: {  	s4 =	sld [smem:$0x3FA6]  }
0x2a: {  	p0 =	seq.s32 s5, $0x0;
	s5 =	sld [smem:$0x3FA7]  }
0x2b: {  	s6 =	sld [smem:$0x3FA8]  }
0x2c: {  	s7 =	sld [smem:$0x3FA9]  }
0x2d: {  	s3 =	simm.s32 $0x108;
	s8 =	sld [smem:$0x3FAA]  }
0x2e: {  	s3 =	simm.s32 @!p0 $0x1082;
	s9 =	sld [smem:$0x3FAB]  }
0x2f: {  	lr =	sadd.s32 s0, s3;
	s0 =	sld [smem:$0x3FA2]  }
0x30: {  	s3 =	sld [smem:$0x3FA5]  }
0x31: {  	[smem:$0x3FAE] =	sst s10  }
0x32: {  	s10 =	sld [smem:$0x3FAC];
	_ =	sdelay $0x3  }
0x33: {  	p0 =	seq.s32 s10, $0x1;
	s10 =	sld [smem:$0x3FAE];
	_ =	sdelay $0x3  }
0x34: {  	[smem:$0x3FAE] =	sst s10  }
0x35: {  	s10 =	sld [smem:$0x3FAD];
	_ =	sdelay $0x3  }
0x36: {  	p1 =	seq.s32 s10, $0x1;
	s10 =	sld [smem:$0x3FAE];
	_ =	sdelay $0x3  }
0x37: {  	[smem:$0x3FAE] =	sst s10  }
0x38: {  	s10 =	sld [smem:$0x3FAF]  }
0x39: {  	_ = 	snop;
	(pc) =	sbr.ind lr, $3  }
0x3a: {  	_ = 	snop  }
0x3b: {  	_ = 	snop  }
0x3c: {  	p2 =	seq.s32 s10, $0x1;
	s10 =	sld [smem:$0x3FAE]  }
0x3d: {  	_ =	shalt  }
0x3e: {  	_ =	shalt  }
0x3f: {  	_ =	shalt  }
0x40: {  	_ =	shalt  }
0x41: {  	_ =	shalt  }
0x42: {  	_ =	shalt  }
0x43: {  	_ =	shalt  }
0x44: {  	_ =	shalt  }
0x45: {  	_ =	shalt  }
0x46: {  	_ =	shalt  }
0x47: {  	_ =	shalt  }
0x48: {  	_ =	shalt  }
0x49: {  	_ =	shalt  }
0x4a: {  	_ =	shalt  }
0x4b: {  	_ =	shalt  }
0x4c: {  	_ =	shalt  }
0x4d: {  	_ =	shalt  }
0x4e: {  	_ =	shalt  }
0x4f: {  	_ =	shalt  }
0x50: {  	_ =	shalt  }
0x51: {  	_ =	shalt  }
0x52: {  	_ =	shalt  }
0x53: {  	_ =	shalt  }
0x54: {  	_ =	shalt  }
0x55: {  	_ =	shalt  }
0x56: {  	_ =	shalt  }
0x57: {  	_ =	shalt  }
0x58: {  	_ =	shalt  }
0x59: {  	_ =	shalt  }
0x5a: {  	_ =	shalt  }
0x5b: {  	_ =	shalt  }
0x5c: {  	_ =	shalt  }
0x5d: {  	_ =	shalt  }
0x5e: {  	_ =	shalt  }
0x5f: {  	_ =	shalt  }
0x60: {  	_ =	shalt  }
0x61: {  	_ =	shalt  }
0x62: {  	_ =	shalt  }
0x63: {  	_ =	shalt  }
0x64: {  	_ =	shalt  }
0x65: {  	_ =	shalt  }
0x66: {  	_ =	shalt  }
0x67: {  	_ =	shalt  }
0x68: {  	_ =	shalt  }
0x69: {  	_ =	shalt  }
0x6a: {  	_ =	shalt  }
0x6b: {  	_ =	shalt  }
0x6c: {  	_ =	shalt  }
0x6d: {  	_ =	shalt  }
0x6e: {  	_ =	shalt  }
0x6f: {  	_ =	shalt  }
0x70: {  	_ =	shalt  }
0x71: {  	_ =	shalt  }
0x72: {  	_ =	shalt  }
0x73: {  	_ =	shalt  }
0x74: {  	_ =	shalt  }
0x75: {  	_ =	shalt  }
0x76: {  	_ =	shalt  }
0x77: {  	_ =	shalt  }
0x78: {  	_ =	shalt  }
0x79: {  	_ =	shalt  }
0x7a: {  	_ =	shalt  }
0x7b: {  	_ =	shalt  }
0x7c: {  	_ =	shalt  }
0x7d: {  	_ =	shalt  }
0x7e: {  	_ =	shalt  }
0x7f: {  	_ =	shalt  }
0x80: {  	_ =	shalt  }
0x81: {  	_ =	shalt  }
0x82: {  	_ =	shalt  }
0x83: {  	_ =	shalt  }
0x84: {  	_ =	shalt  }
0x85: {  	_ =	shalt  }
0x86: {  	_ =	shalt  }
0x87: {  	_ =	shalt  }
.Lfunc_end0:
.L_simem_size_0:
called_computation.3_lowered:
.L_overlay_start_0:
0x88: {  	s2 =	sld [smem:$0x3FD9]  }
0x89: {  	s3 =	sld [smem:$0x3FFE];
	_ =	sdelay $0x1  }
0x8a: {  	s1 =	srdreg.scid  }
0x8b: {  	s0 =	sand.u32 $0x1, s1  }
0x8c: {  	s14 =	sshll.u32 s0, $0xA;
	s2 =	sadd.s32 s3, s2  }
0x8d: {  	s2 =	sadd.s32 s2, s14  }
0x8e: {  	[smem:$0x3FBA] =	sst s2  }
0x8f: {  	_ = 	snop  }
0x90: {  	s2 =	sld [smem:$0x3FD0];
	_ =	sdelay $0x2  }
0x91: {  	s15 =	simm.s32 $0xB;
	s4 =	simm.s32 $0x10  }
0x92: {  	[smem:s4], [sflag:s15] =	dma.local [hbm:s2], $0x1  }
0x93: {  	_ =	swait.eq [sflag:s15], $0x1  }
0x94: {  	[sflag:s15] =	ssyncset.done $0x0  }
0x95: {  	[sflag:s15] =	ssyncadd.s32 $0xFFFFFFFF  }
0x96: {  	s16 =	sld [smem:$0x10];
	(tm) =	ssettm $0x1  }
0x97: {  	s17 =	sld [smem:$0x3FFB];
	_ =	sdelay $0x3  }
0x98: {  	_ =	strace s17  }
0x99: {  	s3 =	sld [smem:$0x3FFC];
	_ =	sdelay $0x3  }
0x9a: {  	_ =	strace s3  }
0x9b: {  	s3 =	sld [smem:$0x3FFD];
	_ =	sdelay $0x3  }
0x9c: {  	_ =	strace s3  }
0x9d: {  	_ =	strace $0x8FFFFFFF  }
0x9e: {  	s18 =	sld [smem:$0x3FDB];
	_ =	sdelay $0x1  }
0x9f: {  	s19 =	simm.s32 $_scs_section_size  }
0xa0: {  	s5 =	simm.s32 $_size__tile_overlayer_lowered;
	s6 =	simm.s32 $_tile_overlayer_lowered  }
0xa1: {  	s22 =	simm.s32 $0x1BFF;
	s21 =	sshll.u32 s6, $0x1;
	s3 =	sadd.s32 s19, s18  }
0xa2: {  	s7 =	simm.s32 $0x0;
	s20 =	sshll.u32 s5, $0x1;
	s5 =	sadd.s32 s21, s3  }
0xa3: {  	[timem:s7], [sflag:s22] =	dma.local [hbm:s5], s20  }
0xa4: {  	_ =	swait.ge [sflag:s22], s20  }
0xa5: {  	s4 =	ssub.s32 $0x0, s20;
	[sflag:s22] =	ssyncset.done $0x0  }
0xa6: {  	[sflag:s22] =	ssyncadd.s32 s4;
	_ =	sdelay $0x1  }
0xa7: {  	s23 =	simm.s32 $0x1B8B  }
0xa8: {  	_ =	swait.ge [sflag:s23], $0x1  }
0xa9: {  	[sflag:s23] =	ssyncset.done $0x0  }
0xaa: {  	s25 =	simm.s32 $0x1B8E;
	s24 =	sld [smem:$0x3FFE];
	[sflag:s23] =	ssyncadd.s32 $0xFFFFFFFF  }
0xab: {  	s26 =	simm.s32 $execute0_lowered;
	[smem:$0x3FD2] =	sst s25  }
0xac: {  	s5 =	sshll.u32 s26, $0x1;
	_ =	strace $0x8000004C;
	[dreg:$0x1] =	wrdreg $0xFFFFFFFF  }
0xad: {  	s28 =	simm.s32 $_size_execute0_lowered;
	s3 =	sadd.s32 s3, s5;
	[dreg:$0x0] =	wrdreg $0x0  }
0xae: {  	s5 =	sshll.u32 s28, $0x1;
	[dreg:$0x2] =	wrdreg s3  }
0xaf: {  	[dreg:$0x3] =	wrdreg s5  }
0xb0: {  	[dreg:$0x4] =	wrdreg $0xC0  }
0xb1: {  	_ =	task [dreg:s7], $0x5FFFF  }
0xb2: {  	[dreg:$0x1] =	wrdreg $0xFFFFFFFF  }
0xb3: {  	[dreg:$0x0] =	wrdreg $0x60  }
0xb4: {  	[dreg:$0x2] =	wrdreg s24  }
0xb5: {  	[dreg:$0x3] =	wrdreg s16  }
0xb6: {  	[dreg:$0x4] =	wrdreg $0xD0000  }
0xb7: {  	[dreg:$0x5] =	wrdreg $0xA  }
0xb8: {  	_ =	task.clear_ibuf [dreg:s7], $0x6FFFF;
	_ =	strace $0x9000004C  }
0xb9: {  	s29 =	simm.s32 $0xA;
	_ =	strace $0x8000004E  }
0xba: {  	_ =	swait.ge [sflag:s29], $0x1  }
0xbb: {  	[sflag:s29] =	ssyncadd.s32 $0xFFFFFFFF  }
0xbc: {  	_ =	strace $0x9000004E  }
0xbd: {  	_ =	sfence  }
0xbe: {  	s30 =	sld [smem:$0x0];
	_ =	sdelay $0x2  }
0xbf: {  	s31 =	sshll.u32 s1, $0xD;
	s1 =	sshrl.u32 s1, $0x2  }
0xc0: {  	s3 =	sand.u32 $0x4000, s31;
	s1 =	sadd.s32 s1, s30  }
0xc1: {  	s0 =	sor.u32 s3, s0;
	s1 =	sshll.u32 s1, $0x11  }
0xc2: {  	s0 =	sor.u32 s1, s0  }
0xc3: {  	s0 =	sadd.s32 $0x8F2B, s0  }
0xc4: {  	[sflag:s0] =	ssyncadd.remote.s32 $0x1  }
0xc5: {  	_ =	sfence.sel $0xFFFF  }
0xc6: {  	[dreg:$0x0] =	wrdreg $0xFFFFFFFF;
	(pc) =	sbr.abs _section_cstart, $3  }
0xc7: {  	[dreg:$0x1] =	wrdreg $0xFFFFFFFF  }
0xc8: {  	_ =	task.clear_ibuf [dreg:s7], $0x2FFFF;
	_ =	strace $0x9FFFFFFF  }
0xc9: {  	(tm) =	ssettm $0x7FFFFFFF  }
tec
execute0_lowered:
.L_overlay_start_1:
0x0: {  	(tag) =	ssettag $0x1  }
0x1: {  	s7 =	rddreg [dreg:$0x0]  }
0x2: {  	s2 =	rddreg [dreg:$0x1]  }
0x3: {  	s0 =	srdreg.scid;
	s3 =	rddreg [dreg:$0x2]  }
0x4: {  	s4 =	simm.s32 $0x0;
	s16 =	simm.s32 $0x7D;
	s17 =	simm.s32 $0x5000  }
0x5: {  	s18 =	simm.s32 $0x1;
	s19 =	simm.s32 $0x80;
	s20 =	simm.s32 $0x9000  }
0x6: {  	s21 =	simm.s32 $0x2;
	s22 =	simm.s32 $0x2880;
	s23 =	simm.s32 $0x3  }
0x7: {  	s24 =	simm.s32 $0x100;
	s25 =	simm.s32 $0x4;
	s26 =	simm.s32 $0x0  }
0x8: {  	s6 =	sand.u32 $0x1, s0;
	s0 =	stileid.u32;
	[smem:$0x7FF] =	sst s4  }
0x9: {  	s1 =	sshll.u32 s6, $0x4;
	s10 =	ssub.s32 $0x2, s6;
	s11 =	smul.u32 $0x27000, s0  }
0xa: {  	s6 =	sadd.s32 $0x1AE00, s7;
	s14 =	sshll.u32 s0, $0x6;
	s5 =	sor.u32 s0, s1  }
0xb: {  	s1 =	rddreg [dreg:$0x3];
	_ =	strace $0x8000004D;
	s8 =	smul.u32 $0x500, s5  }
0xc: {  	s30 =	sshrl.u32 s10, $0x1;
	s14 =	sor.u32 $0x1C05, s14;
	s9 =	smul.u32 $0x1380, s5  }
.Ltmp0:
0xd: {  	s13 =	ssub.s32 s10, s30;
	s31 =	sshrl.u32 s11, $0x2;
	(pc) =	sbr.rel .LBB2_1-.Ltmp0, $4  }
0xe: {  	s5 =	sadd.s32 $0x1C200, s7;
	s15 =	sadd.s32 s31, s3;
	s11 =	smax.u32 s13, $0x1  }
0xf: {  	s13 =	simm.s32 $0x2800;
	s8 =	sadd.s32 s8, s7;
	s12 =	sadd.s32 s9, s7  }
0x10: {  	s15 =	sshrl.u32 s15, $0x3;
	s7 =	sadd.s32 $0x44200, s8;
	s8 =	sadd.s32 $0x10600, s8  }
0x11: {  	s9 =	sadd.s32 $0x75200, s12;
	s10 =	sadd.s32 $0x4E200, s12;
	s12 =	simm.s32 $0x5  }
.LBB2_7:
0x12: {  	_ =	swait.ge [sflag:s25], $0x3E80  }
0x13: {  	[sflag:s25] =	ssyncset.done $0x0  }
0x14: {  	s26 =	sadd.s32 $0x1, s26;
	[sflag:s25] =	ssyncadd.s32 $0xFFFFC180  }
0x15: {  	p0 =	sne.s32 s26, s11;
	[bflag:$0x0] =	sbarrier.arrive $0xFFFF  }
0x16: {  	[hbm:s10], [sflag:s14] =	dma.local [spmem:s15], $0x1380  }
.Ltmp1:
0x17: {  	_ =	swait.ge [sflag:s12], $0x1380;
	(pc) =	sbr.rel @!p0 .LBB2_8-.Ltmp1, $3  }
0x18: {  	[sflag:s12] =	ssyncset.done $0x0  }
0x19: {  	[sflag:s12] =	ssyncadd.s32 $0xFFFFEC80  }
0x1a: {  	[bflag:$0x0] =	sbarrier.arrive $0xFFFF;
	_ =	sdelay $0x1  }
.LBB2_1:
0x1b: {  	[tilespmem:s4], [sflag:$0x5] =	stream.linear.gather [hbm4b:s7+s4], $0x2800, $0x38;
	[tilespmem:$0x17040] =	vst v63  }
0x1c: {  	_ =	swait.ge [sflag:s12], $0x2800  }
0x1d: {  	[sflag:s12] =	ssyncset.done $0x0  }
0x1e: {  	[sflag:s12] =	ssyncadd.s32 $0xFFFFD800  }
0x1f: {  	[tilespmem:s13], [sflag:$0x5] =	stream.linear.gather [hbm4b:s8+s4], $0x2800, $0x38;
	[tilespmem:$0x17040] =	vst v63  }
0x20: {  	_ =	swait.ge [sflag:s12], $0x2800  }
0x21: {  	[sflag:s12] =	ssyncset.done $0x0  }
0x22: {  	[sflag:s12] =	ssyncadd.s32 $0xFFFFD800  }
0x23: {  	[spmem:s15], [sflag:s14] =	dma.local [hbm:s6], $0x1380  }
0x24: {  	_ =	swait.ge [sflag:s12], $0x1380  }
0x25: {  	[sflag:s12] =	ssyncset.done $0x0  }
0x26: {  	[sflag:s12] =	ssyncadd.s32 $0xFFFFEC80  }
0x27: {  	[bflag:$0x0] =	sbarrier.arrive $0xFFFF  }
0x28: {  	[tilespmem:s17], [sflag:$0x1] =	stream.indirect.gather [hbm4b:s5+s16], $0x80, s4, s16, $0xb8;
	[tilespmem:$0x17040] =	vst v63  }
0x29: {  	_ =	swait.ge [sflag:s18], $0x3E80  }
0x2a: {  	[sflag:s18] =	ssyncset.done $0x0  }
0x2b: {  	[sflag:s18] =	ssyncadd.s32 $0xFFFFC180  }
0x2c: {  	[spmem:s3] =	stream.indirect.scatter.add.f32 [tilespmem:s17], [sflag:$0x3], $0x80, s13, s16, $0xb8;
	[tilespmem:$0x17040] =	vst v63  }
0x2d: {  	_ = 	snop  }
0x2e: {  	[tilespmem:s20], [sflag:$0x2] =	stream.indirect.gather [hbm4b:s5+s16], $0x80, s19, s16, $0xb8;
	[tilespmem:$0x17040] =	vst v63  }
0x2f: {  	_ =	swait.ge [sflag:s21], $0x3E80  }
0x30: {  	[sflag:s21] =	ssyncset.done $0x0  }
0x31: {  	[sflag:s21] =	ssyncadd.s32 $0xFFFFC180  }
0x32: {  	[spmem:s3] =	stream.indirect.scatter.add.f32 [tilespmem:s20], [sflag:$0x4], $0x80, s22, s16, $0xb8;
	[tilespmem:$0x17040] =	vst v63  }
0x33: {  	_ =	swait.ge [sflag:s23], $0x3E80  }
0x34: {  	[sflag:s23] =	ssyncset.done $0x0  }
0x35: {  	s28 =	simm.s32 $0xFFFF6800;
	[sflag:s23] =	ssyncadd.s32 $0xFFFFC180  }
0x36: {  	[tilespmem:s17], [sflag:$0x1] =	stream.indirect.gather [hbm4b:s5+s16], $0x80, s24, s16, $0xb8;
	[tilespmem:$0x17040] =	vst v63  }
.LBB2_2:
0x37: {  	_ =	swait.ge [sflag:s18], $0x3E80  }
0x38: {  	s29 =	sshra.s32 s28, $0x2;
	[sflag:s18] =	ssyncset.done $0x0  }
0x39: {  	s30 =	sadd.s32 $0x4F00, s29;
	[sflag:s18] =	ssyncadd.s32 $0xFFFFC180  }
0x3a: {  	[spmem:s3] =	stream.indirect.scatter.add.f32 [tilespmem:s17], [sflag:$0x3], $0x80, s30, s16, $0xb8;
	[tilespmem:$0x17040] =	vst v63  }
0x3b: {  	_ =	swait.ge [sflag:s25], $0x3E80  }
0x3c: {  	[sflag:s25] =	ssyncset.done $0x0  }
0x3d: {  	s31 =	sadd.s32 $0x2780, s29;
	[sflag:s25] =	ssyncadd.s32 $0xFFFFC180  }
0x3e: {  	[tilespmem:s20], [sflag:$0x2] =	stream.indirect.gather [hbm4b:s5+s16], $0x80, s31, s16, $0xb8;
	[tilespmem:$0x17040] =	vst v63  }
0x3f: {  	_ =	swait.ge [sflag:s21], $0x3E80  }
0x40: {  	p0 =	seq.s32 s28, $0x0;
	[sflag:s21] =	ssyncset.done $0x0  }
.Ltmp2:
0x41: {  	s31 =	sadd.s32 $0x4F80, s29;
	[sflag:s21] =	ssyncadd.s32 $0xFFFFC180;
	(pc) =	sbr.rel @p0 .LBB2_4-.Ltmp2, $4  }
0x42: {  	[spmem:s3] =	stream.indirect.scatter.add.f32 [tilespmem:s20], [sflag:$0x4], $0x80, s31, s16, $0xb8;
	[tilespmem:$0x17040] =	vst v63  }
0x43: {  	_ =	swait.ge [sflag:s23], $0x3E80  }
0x44: {  	[sflag:s23] =	ssyncset.done $0x0  }
0x45: {  	[sflag:s23] =	ssyncadd.s32 $0xFFFFC180  }
.Ltmp3:
0x46: {  	(pc) =	sbr.rel .LBB2_2-.Ltmp3, $3  }
0x47: {  	_ =	sdelay $0x1  }
0x48: {  	s29 =	sadd.s32 $0x2800, s29;
	s28 =	sadd.s32 $0x400, s28  }
0x49: {  	[tilespmem:s17], [sflag:$0x1] =	stream.indirect.gather [hbm4b:s5+s16], $0x80, s29, s16, $0xb8;
	[tilespmem:$0x17040] =	vst v63  }
.LBB2_4:
0x4a: {  	_ =	swait.ge [sflag:s25], $0x3E80  }
0x4b: {  	[sflag:s25] =	ssyncset.done $0x0  }
0x4c: {  	[sflag:s25] =	ssyncadd.s32 $0xFFFFC180  }
0x4d: {  	[bflag:$0x0] =	sbarrier.arrive $0xFFFF  }
0x4e: {  	[hbm:s9], [sflag:s14] =	dma.local [spmem:s15], $0x1380  }
0x4f: {  	_ =	swait.ge [sflag:s12], $0x1380  }
0x50: {  	[sflag:s12] =	ssyncset.done $0x0  }
0x51: {  	[sflag:s12] =	ssyncadd.s32 $0xFFFFEC80  }
0x52: {  	[bflag:$0x0] =	sbarrier.arrive $0xFFFF  }
0x53: {  	[spmem:s15], [sflag:s14] =	dma.local [hbm:s6], $0x1380  }
0x54: {  	_ =	swait.ge [sflag:s12], $0x1380  }
0x55: {  	[sflag:s12] =	ssyncset.done $0x0  }
0x56: {  	[sflag:s12] =	ssyncadd.s32 $0xFFFFEC80  }
0x57: {  	[bflag:$0x0] =	sbarrier.arrive $0xFFFF  }
0x58: {  	[tilespmem:s17], [sflag:$0x1] =	stream.indirect.gather [hbm4b:s2+s16], $0x80, s4, s16, $0xb8;
	[tilespmem:$0x17040] =	vst v63  }
0x59: {  	_ =	swait.ge [sflag:s18], $0x3E80  }
0x5a: {  	[sflag:s18] =	ssyncset.done $0x0  }
0x5b: {  	[sflag:s18] =	ssyncadd.s32 $0xFFFFC180  }
0x5c: {  	[spmem:s3] =	stream.indirect.scatter.add.f32 [tilespmem:s17], [sflag:$0x3], $0x80, s13, s16, $0xb8;
	[tilespmem:$0x17040] =	vst v63  }
0x5d: {  	_ = 	snop  }
0x5e: {  	[tilespmem:s20], [sflag:$0x2] =	stream.indirect.gather [hbm4b:s2+s16], $0x80, s19, s16, $0xb8;
	[tilespmem:$0x17040] =	vst v63  }
0x5f: {  	_ =	swait.ge [sflag:s21], $0x3E80  }
0x60: {  	[sflag:s21] =	ssyncset.done $0x0  }
0x61: {  	[sflag:s21] =	ssyncadd.s32 $0xFFFFC180  }
0x62: {  	[spmem:s3] =	stream.indirect.scatter.add.f32 [tilespmem:s20], [sflag:$0x4], $0x80, s22, s16, $0xb8;
	[tilespmem:$0x17040] =	vst v63  }
0x63: {  	_ =	swait.ge [sflag:s23], $0x3E80  }
0x64: {  	[sflag:s23] =	ssyncset.done $0x0  }
0x65: {  	s28 =	simm.s32 $0xFFFF6800;
	[sflag:s23] =	ssyncadd.s32 $0xFFFFC180  }
0x66: {  	[tilespmem:s17], [sflag:$0x1] =	stream.indirect.gather [hbm4b:s2+s16], $0x80, s24, s16, $0xb8;
	[tilespmem:$0x17040] =	vst v63  }
.LBB2_5:
0x67: {  	_ =	swait.ge [sflag:s18], $0x3E80  }
0x68: {  	s29 =	sshra.s32 s28, $0x2;
	[sflag:s18] =	ssyncset.done $0x0  }
0x69: {  	s30 =	sadd.s32 $0x4F00, s29;
	[sflag:s18] =	ssyncadd.s32 $0xFFFFC180  }
0x6a: {  	[spmem:s3] =	stream.indirect.scatter.add.f32 [tilespmem:s17], [sflag:$0x3], $0x80, s30, s16, $0xb8;
	[tilespmem:$0x17040] =	vst v63  }
0x6b: {  	_ =	swait.ge [sflag:s25], $0x3E80  }
0x6c: {  	[sflag:s25] =	ssyncset.done $0x0  }
0x6d: {  	s31 =	sadd.s32 $0x2780, s29;
	[sflag:s25] =	ssyncadd.s32 $0xFFFFC180  }
0x6e: {  	[tilespmem:s20], [sflag:$0x2] =	stream.indirect.gather [hbm4b:s2+s16], $0x80, s31, s16, $0xb8;
	[tilespmem:$0x17040] =	vst v63  }
0x6f: {  	_ =	swait.ge [sflag:s21], $0x3E80  }
0x70: {  	p0 =	seq.s32 s28, $0x0;
	[sflag:s21] =	ssyncset.done $0x0  }
.Ltmp4:
0x71: {  	s31 =	sadd.s32 $0x4F80, s29;
	[sflag:s21] =	ssyncadd.s32 $0xFFFFC180;
	(pc) =	sbr.rel @p0 .LBB2_7-.Ltmp4, $4  }
0x72: {  	[spmem:s3] =	stream.indirect.scatter.add.f32 [tilespmem:s20], [sflag:$0x4], $0x80, s31, s16, $0xb8;
	[tilespmem:$0x17040] =	vst v63  }
0x73: {  	_ =	swait.ge [sflag:s23], $0x3E80  }
0x74: {  	[sflag:s23] =	ssyncset.done $0x0  }
0x75: {  	[sflag:s23] =	ssyncadd.s32 $0xFFFFC180  }
.Ltmp5:
0x76: {  	(pc) =	sbr.rel .LBB2_5-.Ltmp5, $3  }
0x77: {  	_ =	sdelay $0x1  }
0x78: {  	s29 =	sadd.s32 $0x2800, s29;
	s28 =	sadd.s32 $0x400, s28  }
0x79: {  	[tilespmem:s17], [sflag:$0x1] =	stream.indirect.gather [hbm4b:s2+s16], $0x80, s29, s16, $0xb8;
	[tilespmem:$0x17040] =	vst v63  }
.LBB2_8:
0x7a: {  	_ =	sfence.sel $0x180000  }
0x7b: {  	[bflag:$0x0] =	sbarrier.arrive $0xFFFF  }
0x7c: {  	p0 =	sne.s32 s0, $0x0;
	_ =	strace $0x9000004D  }
0x7d: {  	s0 =	sadd.s32 @!p0 $0x100000, s1;
	[bflag:$0x2] =	sbarrier.arrive $0xFFFF  }
0x7e: {  	[sflag:s0] =	ssyncadd.tile.s32 @!p0 $0x1;
	_ =	shalt  }
.Lfunc_end2:
_tile_overlayer_lowered:
.L_overlay_start_2:
0x7f: {  	(tag) =	ssettag $0x2  }
0x80: {  	s0 =	rddreg [dreg:$0x0];
	s2 =	stileid.u32  }
0x81: {  	s1 =	rddreg [dreg:$0x1];
	p0 =	sne.s32 s2, $0x0  }
0x82: {  	s3 =	rddreg [dreg:$0x2];
	[bflag:$0x3] =	sbarrier.arrive $0xFFFF;
	s2 =	simm.s32 @!p0 $0x1C05  }
0x83: {  	[timem:s3], [sflag:s2] =	dma.local @!p0 [hbm:s0], s1  }
0x84: {  	s0 =	simm.s32 @!p0 $0x5  }
0x85: {  	_ =	swait.ge @!p0 [sflag:s0], s1  }
0x86: {  	s1 =	ssub.s32 @!p0 $0x0, s1;
	[sflag:s0] =	ssyncset.done @!p0 $0x0  }
0x87: {  	[sflag:s0] =	ssyncadd.s32 @!p0 s1  }
0x88: {  	[bflag:$0x3] =	sbarrier.arrive $0xFFFF  }
0x89: {  	_ =	shalt  }

</sc_bundles>
